<compile_context>
chip_gen: v7x
topology: tpu7x:2x2x1
jax: 0.10.2.dev20260603
libtpu: 0.0.44.dev20260713+nightly
codegen_flags: <defaults>
</compile_context>

<pallas_src>
import functools
import jax
import jax.numpy as jnp
from jax import lax
from jax.experimental import pallas as pl
from jax.experimental.pallas import tpu as pltpu, tpu_sc as plsc

_B = 16384
_F = 26
_V = 100000
_D = 64

_NW = 32
_BF = _B * _F
_PER_W = _BF // _NW
_CHUNK = 128
_NCH = _PER_W // _CHUNK
_SCH = 256
_CPS = _SCH // _CHUNK
_NSUP = _PER_W // _SCH
_NBUF = 4

_VB = 8192
_NVB = -(-_V // _VB)
_J = _F // 2
_BB = 2048


def _tc_body(in_ref, out_ref):
    x = in_ref[...].reshape(2 * _D, _VB)
    out_ref[0] = x.T


_tc_relayout = pl.pallas_call(
    _tc_body,
    grid=(_J, _NVB),
    in_specs=[pl.BlockSpec((2, _D, _VB), lambda j, v: (j, 0, v))],
    out_specs=pl.BlockSpec((1, _VB, 2 * _D), lambda j, v: (j, v, 0)),
    out_shape=jax.ShapeDtypeStruct((_J, _V, 2 * _D), jnp.float32),
)


def _tc_out_body(in_ref, out_ref):
    out_ref[0] = in_ref[0].T


_tc_out = pl.pallas_call(
    _tc_out_body,
    grid=(_J, _B // _BB),
    in_specs=[pl.BlockSpec((1, _BB, 2 * _D), lambda j, b: (j, b, 0))],
    out_specs=pl.BlockSpec((1, 2 * _D, _BB), lambda j, b: (j, 0, b)),
    out_shape=jax.ShapeDtypeStruct((_J, 2 * _D, _B), jnp.float32),
)


def _make_sc_gather():
    mesh = plsc.VectorSubcoreMesh(core_axis_name="c", subcore_axis_name="s")

    @functools.partial(
        pl.kernel,
        mesh=mesh,
        out_type=jax.ShapeDtypeStruct((_NW * _NSUP, _SCH, _D), jnp.float32),
        scratch_types=[
            pltpu.VMEM((_NCH, _CHUNK), jnp.int32),
            pltpu.VMEM((_NBUF, _SCH, _D), jnp.float32),
            [pltpu.SemaphoreType.DMA] * _NBUF,
            [pltpu.SemaphoreType.DMA] * _NBUF,
        ],
        compiler_params=pltpu.CompilerParams(use_tc_tiling_on_sc=False),
    )
    def k(idx_hbm, table_hbm, out_hbm, idx_v, rows_v, gsems, wsems):
        wid = lax.axis_index("s") * 2 + lax.axis_index("c")
        pltpu.sync_copy(idx_hbm.at[wid], idx_v)
        lane = lax.iota(jnp.int32, 16)
        obase = wid * _NSUP
        nbase = wid * _PER_W

        def fire(S, slot):
            for c in range(_CPS):
                r = S * _CPS + c
                for u in range(_CHUNK // 16):
                    col = u * 16
                    n = nbase + r * _CHUNK + col + lane
                    v = idx_v[r, pl.ds(col, 16)]
                    idx_v[r, pl.ds(col, 16)] = (
                        (n >> 15) * (2 * _V) + 2 * v + (n & 1))
                pltpu.async_copy(
                    table_hbm.at[idx_v.at[r]],
                    rows_v.at[slot, pl.ds(c * _CHUNK, _CHUNK)],
                    gsems[slot])

        def drain(slot, sem):
            pltpu.make_async_copy(out_hbm.at[0], rows_v.at[slot], sem).wait()

        fire(0, 0)
        fire(1, 1)

        def step(S, slot):
            drain(slot, gsems[slot])
            pltpu.async_copy(rows_v.at[slot], out_hbm.at[obase + S],
                             wsems[slot])
            nslot = (slot + 2) % _NBUF

            @pl.when(S >= 2)
            def _():
                drain(nslot, wsems[nslot])

            @pl.when(S + 2 < _NSUP)
            def _():
                fire(S + 2, nslot)

        def outer(t, carry):
            for b in range(_NBUF):
                step(t * _NBUF + b, b)
            return carry

        lax.fori_loop(0, _NSUP // _NBUF, outer, 0)
        s2 = (_NSUP - 2) % _NBUF
        s1 = (_NSUP - 1) % _NBUF
        drain(s2, wsems[s2])
        drain(s1, wsems[s1])

    return k


_sc_gather = _make_sc_gather()


@jax.jit
def kernel(indices, tables):
    idx3 = (indices.reshape(_B, _J, 2).transpose(1, 0, 2)
            .reshape(_NW, _NCH, _CHUNK))
    tab_dv = tables.transpose(0, 2, 1)
    t128 = _tc_relayout(tab_dv)
    table_flat = t128.reshape(2 * _J * _V, _D)
    out = _sc_gather(idx3, table_flat)
    out_fdb = _tc_out(out.reshape(_J, _B, 2 * _D))
    return (out_fdb.reshape(_J, 2, _D, _B)
            .transpose(3, 0, 1, 2).reshape(_B, _F, _D))

# --- scband reference (transcript-rebuilt; emitter-appended) ---
"""Pipeline reference for scband-dual-embedding-group-28355374088887 (READ-ONLY COPY).

The authoritative reference and input builder live on the scoring server;
editing this copy changes nothing except your own understanding.
"""

import jax, jax.numpy as jnp
import numpy as np

B = 16384
F = 26
V = 100000
D = 64


def setup_inputs(seed: int = 0) -> dict:
    key = jax.random.key(seed)
    k1, k2 = jax.random.split(key)
    # forward arg per input_specs (int indices; int32 used so it execs cleanly
    # on default CPU jax without x64 enabled; values in [0, V))
    indices = jax.random.randint(k1, (B, F), 0, V, dtype=jnp.int32)
    # learned parameters: one embedding table per sparse feature, all with the
    # same cardinality here, stacked into a single [F, V, D] array. The
    # DualEmbeddingGroup places large tables on CPU and small ones on GPU and
    # then restores the original feature order, so the math is exactly a
    # per-feature embedding lookup concatenated in the original order.
    tables = jax.random.uniform(k2, (F, V, D), minval=-0.05, maxval=0.05, dtype=jnp.float32)
    return {"indices": indices, "tables": tables}


def reference(indices, tables):
    # DualEmbeddingGroup.call: cast indices, split columns across cpu/gpu
    # embedding groups, look up each table, concat, and re-gather into the
    # original feature order. Mathematically: out[b, f, :] = tables[f][indices[b, f]].
    idx = indices.astype(jnp.int32)
    feat = jnp.arange(tables.shape[0], dtype=jnp.int32)[None, :]  # [1, F]
    out = tables[feat, idx]  # [B, F, D]
    return out

if __name__ == "__main__":
    import jax
    _d = setup_inputs()
    print(jax.jit(kernel)(*tuple(_d.values())))

</pallas_src>

<mosaic_0001>
#map = affine_map<(d0, d1) -> (0, 0, 0)>
#map1 = affine_map<(d0, d1) -> (0, 0)>
module attributes {stable_mosaic.version = 14 : i64} {
  func.func @k(%arg0: i32, %arg1: i32, %arg2: memref<32x104x128xi32, #tpu.memory_space<hbm>>, %arg3: memref<2600000x64xf32, #tpu.memory_space<hbm>>, %arg4: memref<1664x256x64xf32, #tpu.memory_space<hbm>>, %arg5: memref<104x128xi32, #tpu.memory_space<vmem>>, %arg6: memref<4x256x64xf32, #tpu.memory_space<vmem>>, %arg7: memref<!tpu.dma_semaphore, #tpu.memory_space<semaphore_mem>>, %arg8: memref<!tpu.dma_semaphore, #tpu.memory_space<semaphore_mem>>, %arg9: memref<!tpu.dma_semaphore, #tpu.memory_space<semaphore_mem>>, %arg10: memref<!tpu.dma_semaphore, #tpu.memory_space<semaphore_mem>>, %arg11: memref<!tpu.dma_semaphore, #tpu.memory_space<semaphore_mem>>, %arg12: memref<!tpu.dma_semaphore, #tpu.memory_space<semaphore_mem>>, %arg13: memref<!tpu.dma_semaphore, #tpu.memory_space<semaphore_mem>>, %arg14: memref<!tpu.dma_semaphore, #tpu.memory_space<semaphore_mem>>) attributes {dimension_semantics = [#tpu.dimension_semantics<core_parallel>, #tpu.dimension_semantics<subcore_parallel>], iteration_bounds = array<i64: 2, 16>, scalar_prefetch = 0 : i64, scratch_operands = 10 : i64, tpu.core_type = #tpu.core_type<sc_vector_subcore>, window_params = [{transform_indices = #map}, {transform_indices = #map1}, {transform_indices = #map}]} {
    %mul3A = arith.constant 2 : i32
    %mul3A_0 = arith.muli %arg1, %mul3A : i32
    %add3A = arith.addi %mul3A_0, %arg0 : i32
    "tpu.region"() ({
      %run_scoped3A = tpu.sem_alloc : memref<!tpu.dma_semaphore, #tpu.memory_space<semaphore_mem>>
      %dma_start3A_1080 = arith.constant 0 : i32
      %dma_start3A_1081 = arith.constant 0 : i32
      %dma_start3A_1082 = tpu.memref_slice %arg2[%add3A, %dma_start3A_1080, %dma_start3A_1081] : memref<32x104x128xi32, #tpu.memory_space<hbm>> -> memref<1x104x128xi32, #tpu.memory_space<hbm>>
      %dma_start3A_1083 = tpu.memref_squeeze %dma_start3A_1082 : memref<1x104x128xi32, #tpu.memory_space<hbm>> -> memref<104x128xi32, #tpu.memory_space<hbm>>
      %dma_start3A_1084 = arith.constant 0 : i32
      %dma_start3A_1085 = arith.constant 0 : i32
      %dma_start3A_1086 = tpu.memref_slice %arg2[%add3A, %dma_start3A_1084, %dma_start3A_1085] : memref<32x104x128xi32, #tpu.memory_space<hbm>> -> memref<1x104x128xi32, #tpu.memory_space<hbm>>
      %dma_start3A_1087 = tpu.memref_squeeze %dma_start3A_1086 : memref<1x104x128xi32, #tpu.memory_space<hbm>> -> memref<104x128xi32, #tpu.memory_space<hbm>>
      tpu.enqueue_dma source(%dma_start3A_1087 : memref<104x128xi32, #tpu.memory_space<hbm>>) target(%arg5 : memref<104x128xi32, #tpu.memory_space<vmem>>) target_semaphore(%run_scoped3A : memref<!tpu.dma_semaphore, #tpu.memory_space<semaphore_mem>>)
      %dma_wait3A_1088 = arith.constant 0 : i32
      %dma_wait3A_1089 = arith.constant 0 : i32
      %dma_wait3A_1090 = tpu.memref_slice %arg2[%add3A, %dma_wait3A_1088, %dma_wait3A_1089] : memref<32x104x128xi32, #tpu.memory_space<hbm>> -> memref<1x104x128xi32, #tpu.memory_space<hbm>>
      %dma_wait3A_1091 = tpu.memref_squeeze %dma_wait3A_1090 : memref<1x104x128xi32, #tpu.memory_space<hbm>> -> memref<104x128xi32, #tpu.memory_space<hbm>>
      %dma_wait3A_1092 = arith.constant 0 : i32
      %dma_wait3A_1093 = arith.constant 0 : i32
      %dma_wait3A_1094 = tpu.memref_slice %arg2[%add3A, %dma_wait3A_1092, %dma_wait3A_1093] : memref<32x104x128xi32, #tpu.memory_space<hbm>> -> memref<1x104x128xi32, #tpu.memory_space<hbm>>
      %dma_wait3A_1095 = tpu.memref_squeeze %dma_wait3A_1094 : memref<1x104x128xi32, #tpu.memory_space<hbm>> -> memref<104x128xi32, #tpu.memory_space<hbm>>
      tpu.wait_dma2 semaphore(%run_scoped3A : memref<!tpu.dma_semaphore, #tpu.memory_space<semaphore_mem>>) src(%dma_wait3A_1095 : memref<104x128xi32, #tpu.memory_space<hbm>>) dst(%arg5 : memref<104x128xi32, #tpu.memory_space<vmem>>)
      tpu.yield
    }) : () -> ()
    %iota3A = tpu.iota {dimensions = array<i32: 0>} : vector<16xi32>
    %mul3A_1 = arith.constant 52 : i32
    %mul3A_2 = arith.muli %add3A, %mul3A_1 : i32
    %mul3A_3 = arith.constant 13312 : i32
    %mul3A_4 = arith.muli %add3A, %mul3A_3 : i32
    %add3A_5 = arith.constant 0 : i32
    %add3A_6 = arith.addi %mul3A_4, %add3A_5 : i32
    %add3A_7 = arith.constant 0 : i32
    %add3A_8 = arith.addi %add3A_6, %add3A_7 : i32
    %add3A_9 = vector.broadcast %add3A_8 : i32 to vector<16xi32>
    %add3A_10 = arith.addi %add3A_9, %iota3A : vector<16xi32>
    %get3A = arith.constant 0 : i32
    %get3A_11 = arith.index_cast %get3A : i32 to index
    %get3A_12 = arith.constant 0 : index
    %get3A_13 = tpu.vector_load %arg5[%get3A_11, %get3A_12] {strides = array<i32>} : memref<104x128xi32, #tpu.memory_space<vmem>>, vector<1x16xi32>,
    %get3A_14 = vector.shape_cast %get3A_13 : vector<1x16xi32> to vector<16xi32>
    %shift_right_arithmetic3A = arith.constant 15 : i32
    %shift_right_arithmetic3A_15 = vector.broadcast %shift_right_arithmetic3A : i32 to vector<16xi32>
    %shift_right_arithmetic3A_16 = arith.shrsi %add3A_10, %shift_right_arithmetic3A_15 : vector<16xi32>
    %mul3A_17 = arith.constant 200000 : i32
    %mul3A_18 = vector.broadcast %mul3A_17 : i32 to vector<16xi32>
    %mul3A_19 = arith.muli %shift_right_arithmetic3A_16, %mul3A_18 : vector<16xi32>
    %mul3A_20 = arith.constant 2 : i32
    %mul3A_21 = vector.broadcast %mul3A_20 : i32 to vector<16xi32>
    %mul3A_22 = arith.muli %mul3A_21, %get3A_14 : vector<16xi32>
    %add3A_23 = arith.addi %mul3A_19, %mul3A_22 : vector<16xi32>
    %and3A = arith.constant 1 : i32
    %and3A_24 = vector.broadcast %and3A : i32 to vector<16xi32>
    %and3A_25 = arith.andi %add3A_10, %and3A_24 : vector<16xi32>
    %add3A_26 = arith.addi %add3A_23, %and3A_25 : vector<16xi32>
    %swap3A = arith.constant 0 : i32
    %swap3A_27 = arith.index_cast %swap3A : i32 to index
    %swap3A_28 = arith.constant 0 : index
    %swap3A_29 = tpu.vector_load %arg5[%swap3A_27, %swap3A_28] {strides = array<i32>} : memref<104x128xi32, #tpu.memory_space<vmem>>, vector<1x16xi32>,
    %swap3A_30 = vector.shape_cast %swap3A_29 : vector<1x16xi32> to vector<16xi32>
    %swap3A_31 = vector.shape_cast %add3A_26 : vector<16xi32> to vector<1x16xi32>
    tpu.vector_store %arg5[%swap3A_27, %swap3A_28], %swap3A_31 {strides = array<i32>} : memref<104x128xi32, #tpu.memory_space<vmem>>, vector<1x16xi32>,
    %add3A_32 = arith.constant 0 : i32
    %add3A_33 = arith.addi %mul3A_4, %add3A_32 : i32
    %add3A_34 = arith.constant 16 : i32
    %add3A_35 = arith.addi %add3A_33, %add3A_34 : i32
    %add3A_36 = vector.broadcast %add3A_35 : i32 to vector<16xi32>
    %add3A_37 = arith.addi %add3A_36, %iota3A : vector<16xi32>
    %get3A_38 = arith.constant 0 : i32
    %get3A_39 = arith.index_cast %get3A_38 : i32 to index
    %get3A_40 = arith.constant 16 : index
    %get3A_41 = tpu.vector_load %arg5[%get3A_39, %get3A_40] {strides = array<i32>} : memref<104x128xi32, #tpu.memory_space<vmem>>, vector<1x16xi32>,
    %get3A_42 = vector.shape_cast %get3A_41 : vector<1x16xi32> to vector<16xi32>
    %shift_right_arithmetic3A_43 = arith.constant 15 : i32
    %shift_right_arithmetic3A_44 = vector.broadcast %shift_right_arithmetic3A_43 : i32 to vector<16xi32>
    %shift_right_arithmetic3A_45 = arith.shrsi %add3A_37, %shift_right_arithmetic3A_44 : vector<16xi32>
    %mul3A_46 = arith.constant 200000 : i32
    %mul3A_47 = vector.broadcast %mul3A_46 : i32 to vector<16xi32>
    %mul3A_48 = arith.muli %shift_right_arithmetic3A_45, %mul3A_47 : vector<16xi32>
    %mul3A_49 = arith.constant 2 : i32
    %mul3A_50 = vector.broadcast %mul3A_49 : i32 to vector<16xi32>
    %mul3A_51 = arith.muli %mul3A_50, %get3A_42 : vector<16xi32>
    %add3A_52 = arith.addi %mul3A_48, %mul3A_51 : vector<16xi32>
    %and3A_53 = arith.constant 1 : i32
    %and3A_54 = vector.broadcast %and3A_53 : i32 to vector<16xi32>
    %and3A_55 = arith.andi %add3A_37, %and3A_54 : vector<16xi32>
    %add3A_56 = arith.addi %add3A_52, %and3A_55 : vector<16xi32>
    %swap3A_57 = arith.constant 0 : i32
    %swap3A_58 = arith.index_cast %swap3A_57 : i32 to index
    %swap3A_59 = arith.constant 16 : index
    %swap3A_60 = tpu.vector_load %arg5[%swap3A_58, %swap3A_59] {strides = array<i32>} : memref<104x128xi32, #tpu.memory_space<vmem>>, vector<1x16xi32>,
    %swap3A_61 = vector.shape_cast %swap3A_60 : vector<1x16xi32> to vector<16xi32>
    %swap3A_62 = vector.shape_cast %add3A_56 : vector<16xi32> to vector<1x16xi32>
    tpu.vector_store %arg5[%swap3A_58, %swap3A_59], %swap3A_62 {strides = array<i32>} : memref<104x128xi32, #tpu.memory_space<vmem>>, vector<1x16xi32>,
    %add3A_63 = arith.constant 0 : i32
    %add3A_64 = arith.addi %mul3A_4, %add3A_63 : i32
    %add3A_65 = arith.constant 32 : i32
    %add3A_66 = arith.addi %add3A_64, %add3A_65 : i32
    %add3A_67 = vector.broadcast %add3A_66 : i32 to vector<16xi32>
    %add3A_68 = arith.addi %add3A_67, %iota3A : vector<16xi32>
    %get3A_69 = arith.constant 0 : i32
    %get3A_70 = arith.index_cast %get3A_69 : i32 to index
    %get3A_71 = arith.constant 32 : index
    %get3A_72 = tpu.vector_load %arg5[%get3A_70, %get3A_71] {strides = array<i32>} : memref<104x128xi32, #tpu.memory_space<vmem>>, vector<1x16xi32>,
    %get3A_73 = vector.shape_cast %get3A_72 : vector<1x16xi32> to vector<16xi32>
    %shift_right_arithmetic3A_74 = arith.constant 15 : i32
    %shift_right_arithmetic3A_75 = vector.broadcast %shift_right_arithmetic3A_74 : i32 to vector<16xi32>
    %shift_right_arithmetic3A_76 = arith.shrsi %add3A_68, %shift_right_arithmetic3A_75 : vector<16xi32>
    %mul3A_77 = arith.constant 200000 : i32
    %mul3A_78 = vector.broadcast %mul3A_77 : i32 to vector<16xi32>
    %mul3A_79 = arith.muli %shift_right_arithmetic3A_76, %mul3A_78 : vector<16xi32>
    %mul3A_80 = arith.constant 2 : i32
    %mul3A_81 = vector.broadcast %mul3A_80 : i32 to vector<16xi32>
    %mul3A_82 = arith.muli %mul3A_81, %get3A_73 : vector<16xi32>
    %add3A_83 = arith.addi %mul3A_79, %mul3A_82 : vector<16xi32>
    %and3A_84 = arith.constant 1 : i32
    %and3A_85 = vector.broadcast %and3A_84 : i32 to vector<16xi32>
    %and3A_86 = arith.andi %add3A_68, %and3A_85 : vector<16xi32>
    %add3A_87 = arith.addi %add3A_83, %and3A_86 : vector<16xi32>
    %swap3A_88 = arith.constant 0 : i32
    %swap3A_89 = arith.index_cast %swap3A_88 : i32 to index
    %swap3A_90 = arith.constant 32 : index
    %swap3A_91 = tpu.vector_load %arg5[%swap3A_89, %swap3A_90] {strides = array<i32>} : memref<104x128xi32, #tpu.memory_space<vmem>>, vector<1x16xi32>,
    %swap3A_92 = vector.shape_cast %swap3A_91 : vector<1x16xi32> to vector<16xi32>
    %swap3A_93 = vector.shape_cast %add3A_87 : vector<16xi32> to vector<1x16xi32>
    tpu.vector_store %arg5[%swap3A_89, %swap3A_90], %swap3A_93 {strides = array<i32>} : memref<104x128xi32, #tpu.memory_space<vmem>>, vector<1x16xi32>,
    %add3A_94 = arith.constant 0 : i32
    %add3A_95 = arith.addi %mul3A_4, %add3A_94 : i32
    %add3A_96 = arith.constant 48 : i32
    %add3A_97 = arith.addi %add3A_95, %add3A_96 : i32
    %add3A_98 = vector.broadcast %add3A_97 : i32 to vector<16xi32>
    %add3A_99 = arith.addi %add3A_98, %iota3A : vector<16xi32>
    %get3A_100 = arith.constant 0 : i32
    %get3A_101 = arith.index_cast %get3A_100 : i32 to index
    %get3A_102 = arith.constant 48 : index
    %get3A_103 = tpu.vector_load %arg5[%get3A_101, %get3A_102] {strides = array<i32>} : memref<104x128xi32, #tpu.memory_space<vmem>>, vector<1x16xi32>,
    %get3A_104 = vector.shape_cast %get3A_103 : vector<1x16xi32> to vector<16xi32>
    %shift_right_arithmetic3A_105 = arith.constant 15 : i32
    %shift_right_arithmetic3A_106 = vector.broadcast %shift_right_arithmetic3A_105 : i32 to vector<16xi32>
    %shift_right_arithmetic3A_107 = arith.shrsi %add3A_99, %shift_right_arithmetic3A_106 : vector<16xi32>
    %mul3A_108 = arith.constant 200000 : i32
    %mul3A_109 = vector.broadcast %mul3A_108 : i32 to vector<16xi32>
    %mul3A_110 = arith.muli %shift_right_arithmetic3A_107, %mul3A_109 : vector<16xi32>
    %mul3A_111 = arith.constant 2 : i32
    %mul3A_112 = vector.broadcast %mul3A_111 : i32 to vector<16xi32>
    %mul3A_113 = arith.muli %mul3A_112, %get3A_104 : vector<16xi32>
    %add3A_114 = arith.addi %mul3A_110, %mul3A_113 : vector<16xi32>
    %and3A_115 = arith.constant 1 : i32
    %and3A_116 = vector.broadcast %and3A_115 : i32 to vector<16xi32>
    %and3A_117 = arith.andi %add3A_99, %and3A_116 : vector<16xi32>
    %add3A_118 = arith.addi %add3A_114, %and3A_117 : vector<16xi32>
    %swap3A_119 = arith.constant 0 : i32
    %swap3A_120 = arith.index_cast %swap3A_119 : i32 to index
    %swap3A_121 = arith.constant 48 : index
    %swap3A_122 = tpu.vector_load %arg5[%swap3A_120, %swap3A_121] {strides = array<i32>} : memref<104x128xi32, #tpu.memory_space<vmem>>, vector<1x16xi32>,
    %swap3A_123 = vector.shape_cast %swap3A_122 : vector<1x16xi32> to vector<16xi32>
    %swap3A_124 = vector.shape_cast %add3A_118 : vector<16xi32> to vector<1x16xi32>
    tpu.vector_store %arg5[%swap3A_120, %swap3A_121], %swap3A_124 {strides = array<i32>} : memref<104x128xi32, #tpu.memory_space<vmem>>, vector<1x16xi32>,
    %add3A_125 = arith.constant 0 : i32
    %add3A_126 = arith.addi %mul3A_4, %add3A_125 : i32
    %add3A_127 = arith.constant 64 : i32
    %add3A_128 = arith.addi %add3A_126, %add3A_127 : i32
    %add3A_129 = vector.broadcast %add3A_128 : i32 to vector<16xi32>
    %add3A_130 = arith.addi %add3A_129, %iota3A : vector<16xi32>
    %get3A_131 = arith.constant 0 : i32
    %get3A_132 = arith.index_cast %get3A_131 : i32 to index
    %get3A_133 = arith.constant 64 : index
    %get3A_134 = tpu.vector_load %arg5[%get3A_132, %get3A_133] {strides = array<i32>} : memref<104x128xi32, #tpu.memory_space<vmem>>, vector<1x16xi32>,
    %get3A_135 = vector.shape_cast %get3A_134 : vector<1x16xi32> to vector<16xi32>
    %shift_right_arithmetic3A_136 = arith.constant 15 : i32
    %shift_right_arithmetic3A_137 = vector.broadcast %shift_right_arithmetic3A_136 : i32 to vector<16xi32>
    %shift_right_arithmetic3A_138 = arith.shrsi %add3A_130, %shift_right_arithmetic3A_137 : vector<16xi32>
    %mul3A_139 = arith.constant 200000 : i32
    %mul3A_140 = vector.broadcast %mul3A_139 : i32 to vector<16xi32>
    %mul3A_141 = arith.muli %shift_right_arithmetic3A_138, %mul3A_140 : vector<16xi32>
    %mul3A_142 = arith.constant 2 : i32
    %mul3A_143 = vector.broadcast %mul3A_142 : i32 to vector<16xi32>
    %mul3A_144 = arith.muli %mul3A_143, %get3A_135 : vector<16xi32>
    %add3A_145 = arith.addi %mul3A_141, %mul3A_144 : vector<16xi32>
    %and3A_146 = arith.constant 1 : i32
    %and3A_147 = vector.broadcast %and3A_146 : i32 to vector<16xi32>
    %and3A_148 = arith.andi %add3A_130, %and3A_147 : vector<16xi32>
    %add3A_149 = arith.addi %add3A_145, %and3A_148 : vector<16xi32>
    %swap3A_150 = arith.constant 0 : i32
    %swap3A_151 = arith.index_cast %swap3A_150 : i32 to index
    %swap3A_152 = arith.constant 64 : index
    %swap3A_153 = tpu.vector_load %arg5[%swap3A_151, %swap3A_152] {strides = array<i32>} : memref<104x128xi32, #tpu.memory_space<vmem>>, vector<1x16xi32>,
    %swap3A_154 = vector.shape_cast %swap3A_153 : vector<1x16xi32> to vector<16xi32>
    %swap3A_155 = vector.shape_cast %add3A_149 : vector<16xi32> to vector<1x16xi32>
    tpu.vector_store %arg5[%swap3A_151, %swap3A_152], %swap3A_155 {strides = array<i32>} : memref<104x128xi32, #tpu.memory_space<vmem>>, vector<1x16xi32>,
    %add3A_156 = arith.constant 0 : i32
    %add3A_157 = arith.addi %mul3A_4, %add3A_156 : i32
    %add3A_158 = arith.constant 80 : i32
    %add3A_159 = arith.addi %add3A_157, %add3A_158 : i32
    %add3A_160 = vector.broadcast %add3A_159 : i32 to vector<16xi32>
    %add3A_161 = arith.addi %add3A_160, %iota3A : vector<16xi32>
    %get3A_162 = arith.constant 0 : i32
    %get3A_163 = arith.index_cast %get3A_162 : i32 to index
    %get3A_164 = arith.constant 80 : index
    %get3A_165 = tpu.vector_load %arg5[%get3A_163, %get3A_164] {strides = array<i32>} : memref<104x128xi32, #tpu.memory_space<vmem>>, vector<1x16xi32>,
    %get3A_166 = vector.shape_cast %get3A_165 : vector<1x16xi32> to vector<16xi32>
    %shift_right_arithmetic3A_167 = arith.constant 15 : i32
    %shift_right_arithmetic3A_168 = vector.broadcast %shift_right_arithmetic3A_167 : i32 to vector<16xi32>
    %shift_right_arithmetic3A_169 = arith.shrsi %add3A_161, %shift_right_arithmetic3A_168 : vector<16xi32>
    %mul3A_170 = arith.constant 200000 : i32
    %mul3A_171 = vector.broadcast %mul3A_170 : i32 to vector<16xi32>
    %mul3A_172 = arith.muli %shift_right_arithmetic3A_169, %mul3A_171 : vector<16xi32>
    %mul3A_173 = arith.constant 2 : i32
    %mul3A_174 = vector.broadcast %mul3A_173 : i32 to vector<16xi32>
    %mul3A_175 = arith.muli %mul3A_174, %get3A_166 : vector<16xi32>
    %add3A_176 = arith.addi %mul3A_172, %mul3A_175 : vector<16xi32>
    %and3A_177 = arith.constant 1 : i32
    %and3A_178 = vector.broadcast %and3A_177 : i32 to vector<16xi32>
    %and3A_179 = arith.andi %add3A_161, %and3A_178 : vector<16xi32>
    %add3A_180 = arith.addi %add3A_176, %and3A_179 : vector<16xi32>
    %swap3A_181 = arith.constant 0 : i32
    %swap3A_182 = arith.index_cast %swap3A_181 : i32 to index
    %swap3A_183 = arith.constant 80 : index
    %swap3A_184 = tpu.vector_load %arg5[%swap3A_182, %swap3A_183] {strides = array<i32>} : memref<104x128xi32, #tpu.memory_space<vmem>>, vector<1x16xi32>,
    %swap3A_185 = vector.shape_cast %swap3A_184 : vector<1x16xi32> to vector<16xi32>
    %swap3A_186 = vector.shape_cast %add3A_180 : vector<16xi32> to vector<1x16xi32>
    tpu.vector_store %arg5[%swap3A_182, %swap3A_183], %swap3A_186 {strides = array<i32>} : memref<104x128xi32, #tpu.memory_space<vmem>>, vector<1x16xi32>,
    %add3A_187 = arith.constant 0 : i32
    %add3A_188 = arith.addi %mul3A_4, %add3A_187 : i32
    %add3A_189 = arith.constant 96 : i32
    %add3A_190 = arith.addi %add3A_188, %add3A_189 : i32
    %add3A_191 = vector.broadcast %add3A_190 : i32 to vector<16xi32>
    %add3A_192 = arith.addi %add3A_191, %iota3A : vector<16xi32>
    %get3A_193 = arith.constant 0 : i32
    %get3A_194 = arith.index_cast %get3A_193 : i32 to index
    %get3A_195 = arith.constant 96 : index
    %get3A_196 = tpu.vector_load %arg5[%get3A_194, %get3A_195] {strides = array<i32>} : memref<104x128xi32, #tpu.memory_space<vmem>>, vector<1x16xi32>,
    %get3A_197 = vector.shape_cast %get3A_196 : vector<1x16xi32> to vector<16xi32>
    %shift_right_arithmetic3A_198 = arith.constant 15 : i32
    %shift_right_arithmetic3A_199 = vector.broadcast %shift_right_arithmetic3A_198 : i32 to vector<16xi32>
    %shift_right_arithmetic3A_200 = arith.shrsi %add3A_192, %shift_right_arithmetic3A_199 : vector<16xi32>
    %mul3A_201 = arith.constant 200000 : i32
    %mul3A_202 = vector.broadcast %mul3A_201 : i32 to vector<16xi32>
    %mul3A_203 = arith.muli %shift_right_arithmetic3A_200, %mul3A_202 : vector<16xi32>
    %mul3A_204 = arith.constant 2 : i32
    %mul3A_205 = vector.broadcast %mul3A_204 : i32 to vector<16xi32>
    %mul3A_206 = arith.muli %mul3A_205, %get3A_197 : vector<16xi32>
    %add3A_207 = arith.addi %mul3A_203, %mul3A_206 : vector<16xi32>
    %and3A_208 = arith.constant 1 : i32
    %and3A_209 = vector.broadcast %and3A_208 : i32 to vector<16xi32>
    %and3A_210 = arith.andi %add3A_192, %and3A_209 : vector<16xi32>
    %add3A_211 = arith.addi %add3A_207, %and3A_210 : vector<16xi32>
    %swap3A_212 = arith.constant 0 : i32
    %swap3A_213 = arith.index_cast %swap3A_212 : i32 to index
    %swap3A_214 = arith.constant 96 : index
    %swap3A_215 = tpu.vector_load %arg5[%swap3A_213, %swap3A_214] {strides = array<i32>} : memref<104x128xi32, #tpu.memory_space<vmem>>, vector<1x16xi32>,
    %swap3A_216 = vector.shape_cast %swap3A_215 : vector<1x16xi32> to vector<16xi32>
    %swap3A_217 = vector.shape_cast %add3A_211 : vector<16xi32> to vector<1x16xi32>
    tpu.vector_store %arg5[%swap3A_213, %swap3A_214], %swap3A_217 {strides = array<i32>} : memref<104x128xi32, #tpu.memory_space<vmem>>, vector<1x16xi32>,
    %add3A_218 = arith.constant 0 : i32
    %add3A_219 = arith.addi %mul3A_4, %add3A_218 : i32
    %add3A_220 = arith.constant 112 : i32
    %add3A_221 = arith.addi %add3A_219, %add3A_220 : i32
    %add3A_222 = vector.broadcast %add3A_221 : i32 to vector<16xi32>
    %add3A_223 = arith.addi %add3A_222, %iota3A : vector<16xi32>
    %get3A_224 = arith.constant 0 : i32
    %get3A_225 = arith.index_cast %get3A_224 : i32 to index
    %get3A_226 = arith.constant 112 : index
    %get3A_227 = tpu.vector_load %arg5[%get3A_225, %get3A_226] {strides = array<i32>} : memref<104x128xi32, #tpu.memory_space<vmem>>, vector<1x16xi32>,
    %get3A_228 = vector.shape_cast %get3A_227 : vector<1x16xi32> to vector<16xi32>
    %shift_right_arithmetic3A_229 = arith.constant 15 : i32
    %shift_right_arithmetic3A_230 = vector.broadcast %shift_right_arithmetic3A_229 : i32 to vector<16xi32>
    %shift_right_arithmetic3A_231 = arith.shrsi %add3A_223, %shift_right_arithmetic3A_230 : vector<16xi32>
    %mul3A_232 = arith.constant 200000 : i32
    %mul3A_233 = vector.broadcast %mul3A_232 : i32 to vector<16xi32>
    %mul3A_234 = arith.muli %shift_right_arithmetic3A_231, %mul3A_233 : vector<16xi32>
    %mul3A_235 = arith.constant 2 : i32
    %mul3A_236 = vector.broadcast %mul3A_235 : i32 to vector<16xi32>
    %mul3A_237 = arith.muli %mul3A_236, %get3A_228 : vector<16xi32>
    %add3A_238 = arith.addi %mul3A_234, %mul3A_237 : vector<16xi32>
    %and3A_239 = arith.constant 1 : i32
    %and3A_240 = vector.broadcast %and3A_239 : i32 to vector<16xi32>
    %and3A_241 = arith.andi %add3A_223, %and3A_240 : vector<16xi32>
    %add3A_242 = arith.addi %add3A_238, %and3A_241 : vector<16xi32>
    %swap3A_243 = arith.constant 0 : i32
    %swap3A_244 = arith.index_cast %swap3A_243 : i32 to index
    %swap3A_245 = arith.constant 112 : index
    %swap3A_246 = tpu.vector_load %arg5[%swap3A_244, %swap3A_245] {strides = array<i32>} : memref<104x128xi32, #tpu.memory_space<vmem>>, vector<1x16xi32>,
    %swap3A_247 = vector.shape_cast %swap3A_246 : vector<1x16xi32> to vector<16xi32>
    %swap3A_248 = vector.shape_cast %add3A_242 : vector<16xi32> to vector<1x16xi32>
    tpu.vector_store %arg5[%swap3A_244, %swap3A_245], %swap3A_248 {strides = array<i32>} : memref<104x128xi32, #tpu.memory_space<vmem>>, vector<1x16xi32>,
    %dma_start3A = arith.constant 0 : i32
    %dma_start3A_249 = arith.constant 0 : i32
    %dma_start3A_250 = arith.constant 0 : i32
    %dma_start3A_251 = arith.constant 0 : i32
    %dma_start3A_252 = tpu.memref_slice %arg6[%dma_start3A_249, %dma_start3A_250, %dma_start3A_251] : memref<4x256x64xf32, #tpu.memory_space<vmem>> -> memref<1x128x64xf32, #tpu.memory_space<vmem>>
    %dma_start3A_253 = tpu.memref_squeeze %dma_start3A_252 : memref<1x128x64xf32, #tpu.memory_space<vmem>> -> memref<128x64xf32, #tpu.memory_space<vmem>>
    %dma_start3A_254 = arith.constant 0 : i32
    %dma_start3A_255 = tpu.memref_slice %arg5[%dma_start3A, %dma_start3A_254] : memref<104x128xi32, #tpu.memory_space<vmem>> -> memref<1x128xi32, #tpu.memory_space<vmem>>
    %dma_start3A_256 = tpu.memref_squeeze %dma_start3A_255 : memref<1x128xi32, #tpu.memory_space<vmem>> -> memref<128xi32, #tpu.memory_space<vmem>>
    %dma_start3A_257 = arith.constant 0 : i32
    %dma_start3A_258 = arith.constant 0 : i32
    %dma_start3A_259 = tpu.memref_slice %arg3[%dma_start3A_257, %dma_start3A_258] : memref<2600000x64xf32, #tpu.memory_space<hbm>> -> memref<2600000x64xf32, #tpu.memory_space<hbm>>
    tpu.enqueue_indirect_dma source(%dma_start3A_259 : memref<2600000x64xf32, #tpu.memory_space<hbm>>) target(%dma_start3A_253 : memref<128x64xf32, #tpu.memory_space<vmem>>) offsets(%dma_start3A_256 : memref<128xi32, #tpu.memory_space<vmem>>) semaphore(%arg7 : memref<!tpu.dma_semaphore, #tpu.memory_space<semaphore_mem>>)
    %add3A_260 = arith.constant 128 : i32
    %add3A_261 = arith.addi %mul3A_4, %add3A_260 : i32
    %add3A_262 = arith.constant 0 : i32
    %add3A_263 = arith.addi %add3A_261, %add3A_262 : i32
    %add3A_264 = vector.broadcast %add3A_263 : i32 to vector<16xi32>
    %add3A_265 = arith.addi %add3A_264, %iota3A : vector<16xi32>
    %get3A_266 = arith.constant 1 : i32
    %get3A_267 = arith.index_cast %get3A_266 : i32 to index
    %get3A_268 = arith.constant 0 : index
    %get3A_269 = tpu.vector_load %arg5[%get3A_267, %get3A_268] {strides = array<i32>} : memref<104x128xi32, #tpu.memory_space<vmem>>, vector<1x16xi32>,
    %get3A_270 = vector.shape_cast %get3A_269 : vector<1x16xi32> to vector<16xi32>
    %shift_right_arithmetic3A_271 = arith.constant 15 : i32
    %shift_right_arithmetic3A_272 = vector.broadcast %shift_right_arithmetic3A_271 : i32 to vector<16xi32>
    %shift_right_arithmetic3A_273 = arith.shrsi %add3A_265, %shift_right_arithmetic3A_272 : vector<16xi32>
    %mul3A_274 = arith.constant 200000 : i32
    %mul3A_275 = vector.broadcast %mul3A_274 : i32 to vector<16xi32>
    %mul3A_276 = arith.muli %shift_right_arithmetic3A_273, %mul3A_275 : vector<16xi32>
    %mul3A_277 = arith.constant 2 : i32
    %mul3A_278 = vector.broadcast %mul3A_277 : i32 to vector<16xi32>
    %mul3A_279 = arith.muli %mul3A_278, %get3A_270 : vector<16xi32>
    %add3A_280 = arith.addi %mul3A_276, %mul3A_279 : vector<16xi32>
    %and3A_281 = arith.constant 1 : i32
    %and3A_282 = vector.broadcast %and3A_281 : i32 to vector<16xi32>
    %and3A_283 = arith.andi %add3A_265, %and3A_282 : vector<16xi32>
    %add3A_284 = arith.addi %add3A_280, %and3A_283 : vector<16xi32>
    %swap3A_285 = arith.constant 1 : i32
    %swap3A_286 = arith.index_cast %swap3A_285 : i32 to index
    %swap3A_287 = arith.constant 0 : index
    %swap3A_288 = tpu.vector_load %arg5[%swap3A_286, %swap3A_287] {strides = array<i32>} : memref<104x128xi32, #tpu.memory_space<vmem>>, vector<1x16xi32>,
    %swap3A_289 = vector.shape_cast %swap3A_288 : vector<1x16xi32> to vector<16xi32>
    %swap3A_290 = vector.shape_cast %add3A_284 : vector<16xi32> to vector<1x16xi32>
    tpu.vector_store %arg5[%swap3A_286, %swap3A_287], %swap3A_290 {strides = array<i32>} : memref<104x128xi32, #tpu.memory_space<vmem>>, vector<1x16xi32>,
    %add3A_291 = arith.constant 128 : i32
    %add3A_292 = arith.addi %mul3A_4, %add3A_291 : i32
    %add3A_293 = arith.constant 16 : i32
    %add3A_294 = arith.addi %add3A_292, %add3A_293 : i32
    %add3A_295 = vector.broadcast %add3A_294 : i32 to vector<16xi32>
    %add3A_296 = arith.addi %add3A_295, %iota3A : vector<16xi32>
    %get3A_297 = arith.constant 1 : i32
    %get3A_298 = arith.index_cast %get3A_297 : i32 to index
    %get3A_299 = arith.constant 16 : index
    %get3A_300 = tpu.vector_load %arg5[%get3A_298, %get3A_299] {strides = array<i32>} : memref<104x128xi32, #tpu.memory_space<vmem>>, vector<1x16xi32>,
    %get3A_301 = vector.shape_cast %get3A_300 : vector<1x16xi32> to vector<16xi32>
    %shift_right_arithmetic3A_302 = arith.constant 15 : i32
    %shift_right_arithmetic3A_303 = vector.broadcast %shift_right_arithmetic3A_302 : i32 to vector<16xi32>
    %shift_right_arithmetic3A_304 = arith.shrsi %add3A_296, %shift_right_arithmetic3A_303 : vector<16xi32>
    %mul3A_305 = arith.constant 200000 : i32
    %mul3A_306 = vector.broadcast %mul3A_305 : i32 to vector<16xi32>
    %mul3A_307 = arith.muli %shift_right_arithmetic3A_304, %mul3A_306 : vector<16xi32>
    %mul3A_308 = arith.constant 2 : i32
    %mul3A_309 = vector.broadcast %mul3A_308 : i32 to vector<16xi32>
    %mul3A_310 = arith.muli %mul3A_309, %get3A_301 : vector<16xi32>
    %add3A_311 = arith.addi %mul3A_307, %mul3A_310 : vector<16xi32>
    %and3A_312 = arith.constant 1 : i32
    %and3A_313 = vector.broadcast %and3A_312 : i32 to vector<16xi32>
    %and3A_314 = arith.andi %add3A_296, %and3A_313 : vector<16xi32>
    %add3A_315 = arith.addi %add3A_311, %and3A_314 : vector<16xi32>
    %swap3A_316 = arith.constant 1 : i32
    %swap3A_317 = arith.index_cast %swap3A_316 : i32 to index
    %swap3A_318 = arith.constant 16 : index
    %swap3A_319 = tpu.vector_load %arg5[%swap3A_317, %swap3A_318] {strides = array<i32>} : memref<104x128xi32, #tpu.memory_space<vmem>>, vector<1x16xi32>,
    %swap3A_320 = vector.shape_cast %swap3A_319 : vector<1x16xi32> to vector<16xi32>
    %swap3A_321 = vector.shape_cast %add3A_315 : vector<16xi32> to vector<1x16xi32>
    tpu.vector_store %arg5[%swap3A_317, %swap3A_318], %swap3A_321 {strides = array<i32>} : memref<104x128xi32, #tpu.memory_space<vmem>>, vector<1x16xi32>,
    %add3A_322 = arith.constant 128 : i32
    %add3A_323 = arith.addi %mul3A_4, %add3A_322 : i32
    %add3A_324 = arith.constant 32 : i32
    %add3A_325 = arith.addi %add3A_323, %add3A_324 : i32
    %add3A_326 = vector.broadcast %add3A_325 : i32 to vector<16xi32>
    %add3A_327 = arith.addi %add3A_326, %iota3A : vector<16xi32>
    %get3A_328 = arith.constant 1 : i32
    %get3A_329 = arith.index_cast %get3A_328 : i32 to index
    %get3A_330 = arith.constant 32 : index
    %get3A_331 = tpu.vector_load %arg5[%get3A_329, %get3A_330] {strides = array<i32>} : memref<104x128xi32, #tpu.memory_space<vmem>>, vector<1x16xi32>,
    %get3A_332 = vector.shape_cast %get3A_331 : vector<1x16xi32> to vector<16xi32>
    %shift_right_arithmetic3A_333 = arith.constant 15 : i32
    %shift_right_arithmetic3A_334 = vector.broadcast %shift_right_arithmetic3A_333 : i32 to vector<16xi32>
    %shift_right_arithmetic3A_335 = arith.shrsi %add3A_327, %shift_right_arithmetic3A_334 : vector<16xi32>
    %mul3A_336 = arith.constant 200000 : i32
    %mul3A_337 = vector.broadcast %mul3A_336 : i32 to vector<16xi32>
    %mul3A_338 = arith.muli %shift_right_arithmetic3A_335, %mul3A_337 : vector<16xi32>
    %mul3A_339 = arith.constant 2 : i32
    %mul3A_340 = vector.broadcast %mul3A_339 : i32 to vector<16xi32>
    %mul3A_341 = arith.muli %mul3A_340, %get3A_332 : vector<16xi32>
    %add3A_342 = arith.addi %mul3A_338, %mul3A_341 : vector<16xi32>
    %and3A_343 = arith.constant 1 : i32
    %and3A_344 = vector.broadcast %and3A_343 : i32 to vector<16xi32>
    %and3A_345 = arith.andi %add3A_327, %and3A_344 : vector<16xi32>
    %add3A_346 = arith.addi %add3A_342, %and3A_345 : vector<16xi32>
    %swap3A_347 = arith.constant 1 : i32
    %swap3A_348 = arith.index_cast %swap3A_347 : i32 to index
    %swap3A_349 = arith.constant 32 : index
    %swap3A_350 = tpu.vector_load %arg5[%swap3A_348, %swap3A_349] {strides = array<i32>} : memref<104x128xi32, #tpu.memory_space<vmem>>, vector<1x16xi32>,
    %swap3A_351 = vector.shape_cast %swap3A_350 : vector<1x16xi32> to vector<16xi32>
    %swap3A_352 = vector.shape_cast %add3A_346 : vector<16xi32> to vector<1x16xi32>
    tpu.vector_store %arg5[%swap3A_348, %swap3A_349], %swap3A_352 {strides = array<i32>} : memref<104x128xi32, #tpu.memory_space<vmem>>, vector<1x16xi32>,
    %add3A_353 = arith.constant 128 : i32
    %add3A_354 = arith.addi %mul3A_4, %add3A_353 : i32
    %add3A_355 = arith.constant 48 : i32
    %add3A_356 = arith.addi %add3A_354, %add3A_355 : i32
    %add3A_357 = vector.broadcast %add3A_356 : i32 to vector<16xi32>
    %add3A_358 = arith.addi %add3A_357, %iota3A : vector<16xi32>
    %get3A_359 = arith.constant 1 : i32
    %get3A_360 = arith.index_cast %get3A_359 : i32 to index
    %get3A_361 = arith.constant 48 : index
    %get3A_362 = tpu.vector_load %arg5[%get3A_360, %get3A_361] {strides = array<i32>} : memref<104x128xi32, #tpu.memory_space<vmem>>, vector<1x16xi32>,
    %get3A_363 = vector.shape_cast %get3A_362 : vector<1x16xi32> to vector<16xi32>
    %shift_right_arithmetic3A_364 = arith.constant 15 : i32
    %shift_right_arithmetic3A_365 = vector.broadcast %shift_right_arithmetic3A_364 : i32 to vector<16xi32>
    %shift_right_arithmetic3A_366 = arith.shrsi %add3A_358, %shift_right_arithmetic3A_365 : vector<16xi32>
    %mul3A_367 = arith.constant 200000 : i32
    %mul3A_368 = vector.broadcast %mul3A_367 : i32 to vector<16xi32>
    %mul3A_369 = arith.muli %shift_right_arithmetic3A_366, %mul3A_368 : vector<16xi32>
    %mul3A_370 = arith.constant 2 : i32
    %mul3A_371 = vector.broadcast %mul3A_370 : i32 to vector<16xi32>
    %mul3A_372 = arith.muli %mul3A_371, %get3A_363 : vector<16xi32>
    %add3A_373 = arith.addi %mul3A_369, %mul3A_372 : vector<16xi32>
    %and3A_374 = arith.constant 1 : i32
    %and3A_375 = vector.broadcast %and3A_374 : i32 to vector<16xi32>
    %and3A_376 = arith.andi %add3A_358, %and3A_375 : vector<16xi32>
    %add3A_377 = arith.addi %add3A_373, %and3A_376 : vector<16xi32>
    %swap3A_378 = arith.constant 1 : i32
    %swap3A_379 = arith.index_cast %swap3A_378 : i32 to index
    %swap3A_380 = arith.constant 48 : index
    %swap3A_381 = tpu.vector_load %arg5[%swap3A_379, %swap3A_380] {strides = array<i32>} : memref<104x128xi32, #tpu.memory_space<vmem>>, vector<1x16xi32>,
    %swap3A_382 = vector.shape_cast %swap3A_381 : vector<1x16xi32> to vector<16xi32>
    %swap3A_383 = vector.shape_cast %add3A_377 : vector<16xi32> to vector<1x16xi32>
    tpu.vector_store %arg5[%swap3A_379, %swap3A_380], %swap3A_383 {strides = array<i32>} : memref<104x128xi32, #tpu.memory_space<vmem>>, vector<1x16xi32>,
    %add3A_384 = arith.constant 128 : i32
    %add3A_385 = arith.addi %mul3A_4, %add3A_384 : i32
    %add3A_386 = arith.constant 64 : i32
    %add3A_387 = arith.addi %add3A_385, %add3A_386 : i32
    %add3A_388 = vector.broadcast %add3A_387 : i32 to vector<16xi32>
    %add3A_389 = arith.addi %add3A_388, %iota3A : vector<16xi32>
    %get3A_390 = arith.constant 1 : i32
    %get3A_391 = arith.index_cast %get3A_390 : i32 to index
    %get3A_392 = arith.constant 64 : index
    %get3A_393 = tpu.vector_load %arg5[%get3A_391, %get3A_392] {strides = array<i32>} : memref<104x128xi32, #tpu.memory_space<vmem>>, vector<1x16xi32>,
    %get3A_394 = vector.shape_cast %get3A_393 : vector<1x16xi32> to vector<16xi32>
    %shift_right_arithmetic3A_395 = arith.constant 15 : i32
    %shift_right_arithmetic3A_396 = vector.broadcast %shift_right_arithmetic3A_395 : i32 to vector<16xi32>
    %shift_right_arithmetic3A_397 = arith.shrsi %add3A_389, %shift_right_arithmetic3A_396 : vector<16xi32>
    %mul3A_398 = arith.constant 200000 : i32
    %mul3A_399 = vector.broadcast %mul3A_398 : i32 to vector<16xi32>
    %mul3A_400 = arith.muli %shift_right_arithmetic3A_397, %mul3A_399 : vector<16xi32>
    %mul3A_401 = arith.constant 2 : i32
    %mul3A_402 = vector.broadcast %mul3A_401 : i32 to vector<16xi32>
    %mul3A_403 = arith.muli %mul3A_402, %get3A_394 : vector<16xi32>
    %add3A_404 = arith.addi %mul3A_400, %mul3A_403 : vector<16xi32>
    %and3A_405 = arith.constant 1 : i32
    %and3A_406 = vector.broadcast %and3A_405 : i32 to vector<16xi32>
    %and3A_407 = arith.andi %add3A_389, %and3A_406 : vector<16xi32>
    %add3A_408 = arith.addi %add3A_404, %and3A_407 : vector<16xi32>
    %swap3A_409 = arith.constant 1 : i32
    %swap3A_410 = arith.index_cast %swap3A_409 : i32 to index
    %swap3A_411 = arith.constant 64 : index
    %swap3A_412 = tpu.vector_load %arg5[%swap3A_410, %swap3A_411] {strides = array<i32>} : memref<104x128xi32, #tpu.memory_space<vmem>>, vector<1x16xi32>,
    %swap3A_413 = vector.shape_cast %swap3A_412 : vector<1x16xi32> to vector<16xi32>
    %swap3A_414 = vector.shape_cast %add3A_408 : vector<16xi32> to vector<1x16xi32>
    tpu.vector_store %arg5[%swap3A_410, %swap3A_411], %swap3A_414 {strides = array<i32>} : memref<104x128xi32, #tpu.memory_space<vmem>>, vector<1x16xi32>,
    %add3A_415 = arith.constant 128 : i32
    %add3A_416 = arith.addi %mul3A_4, %add3A_415 : i32
    %add3A_417 = arith.constant 80 : i32
    %add3A_418 = arith.addi %add3A_416, %add3A_417 : i32
    %add3A_419 = vector.broadcast %add3A_418 : i32 to vector<16xi32>
    %add3A_420 = arith.addi %add3A_419, %iota3A : vector<16xi32>
    %get3A_421 = arith.constant 1 : i32
    %get3A_422 = arith.index_cast %get3A_421 : i32 to index
    %get3A_423 = arith.constant 80 : index
    %get3A_424 = tpu.vector_load %arg5[%get3A_422, %get3A_423] {strides = array<i32>} : memref<104x128xi32, #tpu.memory_space<vmem>>, vector<1x16xi32>,
    %get3A_425 = vector.shape_cast %get3A_424 : vector<1x16xi32> to vector<16xi32>
    %shift_right_arithmetic3A_426 = arith.constant 15 : i32
    %shift_right_arithmetic3A_427 = vector.broadcast %shift_right_arithmetic3A_426 : i32 to vector<16xi32>
    %shift_right_arithmetic3A_428 = arith.shrsi %add3A_420, %shift_right_arithmetic3A_427 : vector<16xi32>
    %mul3A_429 = arith.constant 200000 : i32
    %mul3A_430 = vector.broadcast %mul3A_429 : i32 to vector<16xi32>
    %mul3A_431 = arith.muli %shift_right_arithmetic3A_428, %mul3A_430 : vector<16xi32>
    %mul3A_432 = arith.constant 2 : i32
    %mul3A_433 = vector.broadcast %mul3A_432 : i32 to vector<16xi32>
    %mul3A_434 = arith.muli %mul3A_433, %get3A_425 : vector<16xi32>
    %add3A_435 = arith.addi %mul3A_431, %mul3A_434 : vector<16xi32>
    %and3A_436 = arith.constant 1 : i32
    %and3A_437 = vector.broadcast %and3A_436 : i32 to vector<16xi32>
    %and3A_438 = arith.andi %add3A_420, %and3A_437 : vector<16xi32>
    %add3A_439 = arith.addi %add3A_435, %and3A_438 : vector<16xi32>
    %swap3A_440 = arith.constant 1 : i32
    %swap3A_441 = arith.index_cast %swap3A_440 : i32 to index
    %swap3A_442 = arith.constant 80 : index
    %swap3A_443 = tpu.vector_load %arg5[%swap3A_441, %swap3A_442] {strides = array<i32>} : memref<104x128xi32, #tpu.memory_space<vmem>>, vector<1x16xi32>,
    %swap3A_444 = vector.shape_cast %swap3A_443 : vector<1x16xi32> to vector<16xi32>
    %swap3A_445 = vector.shape_cast %add3A_439 : vector<16xi32> to vector<1x16xi32>
    tpu.vector_store %arg5[%swap3A_441, %swap3A_442], %swap3A_445 {strides = array<i32>} : memref<104x128xi32, #tpu.memory_space<vmem>>, vector<1x16xi32>,
    %add3A_446 = arith.constant 128 : i32
    %add3A_447 = arith.addi %mul3A_4, %add3A_446 : i32
    %add3A_448 = arith.constant 96 : i32
    %add3A_449 = arith.addi %add3A_447, %add3A_448 : i32
    %add3A_450 = vector.broadcast %add3A_449 : i32 to vector<16xi32>
    %add3A_451 = arith.addi %add3A_450, %iota3A : vector<16xi32>
    %get3A_452 = arith.constant 1 : i32
    %get3A_453 = arith.index_cast %get3A_452 : i32 to index
    %get3A_454 = arith.constant 96 : index
    %get3A_455 = tpu.vector_load %arg5[%get3A_453, %get3A_454] {strides = array<i32>} : memref<104x128xi32, #tpu.memory_space<vmem>>, vector<1x16xi32>,
    %get3A_456 = vector.shape_cast %get3A_455 : vector<1x16xi32> to vector<16xi32>
    %shift_right_arithmetic3A_457 = arith.constant 15 : i32
    %shift_right_arithmetic3A_458 = vector.broadcast %shift_right_arithmetic3A_457 : i32 to vector<16xi32>
    %shift_right_arithmetic3A_459 = arith.shrsi %add3A_451, %shift_right_arithmetic3A_458 : vector<16xi32>
    %mul3A_460 = arith.constant 200000 : i32
    %mul3A_461 = vector.broadcast %mul3A_460 : i32 to vector<16xi32>
    %mul3A_462 = arith.muli %shift_right_arithmetic3A_459, %mul3A_461 : vector<16xi32>
    %mul3A_463 = arith.constant 2 : i32
    %mul3A_464 = vector.broadcast %mul3A_463 : i32 to vector<16xi32>
    %mul3A_465 = arith.muli %mul3A_464, %get3A_456 : vector<16xi32>
    %add3A_466 = arith.addi %mul3A_462, %mul3A_465 : vector<16xi32>
    %and3A_467 = arith.constant 1 : i32
    %and3A_468 = vector.broadcast %and3A_467 : i32 to vector<16xi32>
    %and3A_469 = arith.andi %add3A_451, %and3A_468 : vector<16xi32>
    %add3A_470 = arith.addi %add3A_466, %and3A_469 : vector<16xi32>
    %swap3A_471 = arith.constant 1 : i32
    %swap3A_472 = arith.index_cast %swap3A_471 : i32 to index
    %swap3A_473 = arith.constant 96 : index
    %swap3A_474 = tpu.vector_load %arg5[%swap3A_472, %swap3A_473] {strides = array<i32>} : memref<104x128xi32, #tpu.memory_space<vmem>>, vector<1x16xi32>,
    %swap3A_475 = vector.shape_cast %swap3A_474 : vector<1x16xi32> to vector<16xi32>
    %swap3A_476 = vector.shape_cast %add3A_470 : vector<16xi32> to vector<1x16xi32>
    tpu.vector_store %arg5[%swap3A_472, %swap3A_473], %swap3A_476 {strides = array<i32>} : memref<104x128xi32, #tpu.memory_space<vmem>>, vector<1x16xi32>,
    %add3A_477 = arith.constant 128 : i32
    %add3A_478 = arith.addi %mul3A_4, %add3A_477 : i32
    %add3A_479 = arith.constant 112 : i32
    %add3A_480 = arith.addi %add3A_478, %add3A_479 : i32
    %add3A_481 = vector.broadcast %add3A_480 : i32 to vector<16xi32>
    %add3A_482 = arith.addi %add3A_481, %iota3A : vector<16xi32>
    %get3A_483 = arith.constant 1 : i32
    %get3A_484 = arith.index_cast %get3A_483 : i32 to index
    %get3A_485 = arith.constant 112 : index
    %get3A_486 = tpu.vector_load %arg5[%get3A_484, %get3A_485] {strides = array<i32>} : memref<104x128xi32, #tpu.memory_space<vmem>>, vector<1x16xi32>,
    %get3A_487 = vector.shape_cast %get3A_486 : vector<1x16xi32> to vector<16xi32>
    %shift_right_arithmetic3A_488 = arith.constant 15 : i32
    %shift_right_arithmetic3A_489 = vector.broadcast %shift_right_arithmetic3A_488 : i32 to vector<16xi32>
    %shift_right_arithmetic3A_490 = arith.shrsi %add3A_482, %shift_right_arithmetic3A_489 : vector<16xi32>
    %mul3A_491 = arith.constant 200000 : i32
    %mul3A_492 = vector.broadcast %mul3A_491 : i32 to vector<16xi32>
    %mul3A_493 = arith.muli %shift_right_arithmetic3A_490, %mul3A_492 : vector<16xi32>
    %mul3A_494 = arith.constant 2 : i32
    %mul3A_495 = vector.broadcast %mul3A_494 : i32 to vector<16xi32>
    %mul3A_496 = arith.muli %mul3A_495, %get3A_487 : vector<16xi32>
    %add3A_497 = arith.addi %mul3A_493, %mul3A_496 : vector<16xi32>
    %and3A_498 = arith.constant 1 : i32
    %and3A_499 = vector.broadcast %and3A_498 : i32 to vector<16xi32>
    %and3A_500 = arith.andi %add3A_482, %and3A_499 : vector<16xi32>
    %add3A_501 = arith.addi %add3A_497, %and3A_500 : vector<16xi32>
    %swap3A_502 = arith.constant 1 : i32
    %swap3A_503 = arith.index_cast %swap3A_502 : i32 to index
    %swap3A_504 = arith.constant 112 : index
    %swap3A_505 = tpu.vector_load %arg5[%swap3A_503, %swap3A_504] {strides = array<i32>} : memref<104x128xi32, #tpu.memory_space<vmem>>, vector<1x16xi32>,
    %swap3A_506 = vector.shape_cast %swap3A_505 : vector<1x16xi32> to vector<16xi32>
    %swap3A_507 = vector.shape_cast %add3A_501 : vector<16xi32> to vector<1x16xi32>
    tpu.vector_store %arg5[%swap3A_503, %swap3A_504], %swap3A_507 {strides = array<i32>} : memref<104x128xi32, #tpu.memory_space<vmem>>, vector<1x16xi32>,
    %dma_start3A_508 = arith.constant 1 : i32
    %dma_start3A_509 = arith.constant 0 : i32
    %dma_start3A_510 = arith.constant 128 : i32
    %dma_start3A_511 = arith.constant 0 : i32
    %dma_start3A_512 = tpu.memref_slice %arg6[%dma_start3A_509, %dma_start3A_510, %dma_start3A_511] : memref<4x256x64xf32, #tpu.memory_space<vmem>> -> memref<1x128x64xf32, #tpu.memory_space<vmem>>
    %dma_start3A_513 = tpu.memref_squeeze %dma_start3A_512 : memref<1x128x64xf32, #tpu.memory_space<vmem>> -> memref<128x64xf32, #tpu.memory_space<vmem>>
    %dma_start3A_514 = arith.constant 0 : i32
    %dma_start3A_515 = tpu.memref_slice %arg5[%dma_start3A_508, %dma_start3A_514] : memref<104x128xi32, #tpu.memory_space<vmem>> -> memref<1x128xi32, #tpu.memory_space<vmem>>
    %dma_start3A_516 = tpu.memref_squeeze %dma_start3A_515 : memref<1x128xi32, #tpu.memory_space<vmem>> -> memref<128xi32, #tpu.memory_space<vmem>>
    %dma_start3A_517 = arith.constant 0 : i32
    %dma_start3A_518 = arith.constant 0 : i32
    %dma_start3A_519 = tpu.memref_slice %arg3[%dma_start3A_517, %dma_start3A_518] : memref<2600000x64xf32, #tpu.memory_space<hbm>> -> memref<2600000x64xf32, #tpu.memory_space<hbm>>
    tpu.enqueue_indirect_dma source(%dma_start3A_519 : memref<2600000x64xf32, #tpu.memory_space<hbm>>) target(%dma_start3A_513 : memref<128x64xf32, #tpu.memory_space<vmem>>) offsets(%dma_start3A_516 : memref<128xi32, #tpu.memory_space<vmem>>) semaphore(%arg7 : memref<!tpu.dma_semaphore, #tpu.memory_space<semaphore_mem>>)
    %add3A_520 = arith.constant 256 : i32
    %add3A_521 = arith.addi %mul3A_4, %add3A_520 : i32
    %add3A_522 = arith.constant 0 : i32
    %add3A_523 = arith.addi %add3A_521, %add3A_522 : i32
    %add3A_524 = vector.broadcast %add3A_523 : i32 to vector<16xi32>
    %add3A_525 = arith.addi %add3A_524, %iota3A : vector<16xi32>
    %get3A_526 = arith.constant 2 : i32
    %get3A_527 = arith.index_cast %get3A_526 : i32 to index
    %get3A_528 = arith.constant 0 : index
    %get3A_529 = tpu.vector_load %arg5[%get3A_527, %get3A_528] {strides = array<i32>} : memref<104x128xi32, #tpu.memory_space<vmem>>, vector<1x16xi32>,
    %get3A_530 = vector.shape_cast %get3A_529 : vector<1x16xi32> to vector<16xi32>
    %shift_right_arithmetic3A_531 = arith.constant 15 : i32
    %shift_right_arithmetic3A_532 = vector.broadcast %shift_right_arithmetic3A_531 : i32 to vector<16xi32>
    %shift_right_arithmetic3A_533 = arith.shrsi %add3A_525, %shift_right_arithmetic3A_532 : vector<16xi32>
    %mul3A_534 = arith.constant 200000 : i32
    %mul3A_535 = vector.broadcast %mul3A_534 : i32 to vector<16xi32>
    %mul3A_536 = arith.muli %shift_right_arithmetic3A_533, %mul3A_535 : vector<16xi32>
    %mul3A_537 = arith.constant 2 : i32
    %mul3A_538 = vector.broadcast %mul3A_537 : i32 to vector<16xi32>
    %mul3A_539 = arith.muli %mul3A_538, %get3A_530 : vector<16xi32>
    %add3A_540 = arith.addi %mul3A_536, %mul3A_539 : vector<16xi32>
    %and3A_541 = arith.constant 1 : i32
    %and3A_542 = vector.broadcast %and3A_541 : i32 to vector<16xi32>
    %and3A_543 = arith.andi %add3A_525, %and3A_542 : vector<16xi32>
    %add3A_544 = arith.addi %add3A_540, %and3A_543 : vector<16xi32>
    %swap3A_545 = arith.constant 2 : i32
    %swap3A_546 = arith.index_cast %swap3A_545 : i32 to index
    %swap3A_547 = arith.constant 0 : index
    %swap3A_548 = tpu.vector_load %arg5[%swap3A_546, %swap3A_547] {strides = array<i32>} : memref<104x128xi32, #tpu.memory_space<vmem>>, vector<1x16xi32>,
    %swap3A_549 = vector.shape_cast %swap3A_548 : vector<1x16xi32> to vector<16xi32>
    %swap3A_550 = vector.shape_cast %add3A_544 : vector<16xi32> to vector<1x16xi32>
    tpu.vector_store %arg5[%swap3A_546, %swap3A_547], %swap3A_550 {strides = array<i32>} : memref<104x128xi32, #tpu.memory_space<vmem>>, vector<1x16xi32>,
    %add3A_551 = arith.constant 256 : i32
    %add3A_552 = arith.addi %mul3A_4, %add3A_551 : i32
    %add3A_553 = arith.constant 16 : i32
    %add3A_554 = arith.addi %add3A_552, %add3A_553 : i32
    %add3A_555 = vector.broadcast %add3A_554 : i32 to vector<16xi32>
    %add3A_556 = arith.addi %add3A_555, %iota3A : vector<16xi32>
    %get3A_557 = arith.constant 2 : i32
    %get3A_558 = arith.index_cast %get3A_557 : i32 to index
    %get3A_559 = arith.constant 16 : index
    %get3A_560 = tpu.vector_load %arg5[%get3A_558, %get3A_559] {strides = array<i32>} : memref<104x128xi32, #tpu.memory_space<vmem>>, vector<1x16xi32>,
    %get3A_561 = vector.shape_cast %get3A_560 : vector<1x16xi32> to vector<16xi32>
    %shift_right_arithmetic3A_562 = arith.constant 15 : i32
    %shift_right_arithmetic3A_563 = vector.broadcast %shift_right_arithmetic3A_562 : i32 to vector<16xi32>
    %shift_right_arithmetic3A_564 = arith.shrsi %add3A_556, %shift_right_arithmetic3A_563 : vector<16xi32>
    %mul3A_565 = arith.constant 200000 : i32
    %mul3A_566 = vector.broadcast %mul3A_565 : i32 to vector<16xi32>
    %mul3A_567 = arith.muli %shift_right_arithmetic3A_564, %mul3A_566 : vector<16xi32>
    %mul3A_568 = arith.constant 2 : i32
    %mul3A_569 = vector.broadcast %mul3A_568 : i32 to vector<16xi32>
    %mul3A_570 = arith.muli %mul3A_569, %get3A_561 : vector<16xi32>
    %add3A_571 = arith.addi %mul3A_567, %mul3A_570 : vector<16xi32>
    %and3A_572 = arith.constant 1 : i32
    %and3A_573 = vector.broadcast %and3A_572 : i32 to vector<16xi32>
    %and3A_574 = arith.andi %add3A_556, %and3A_573 : vector<16xi32>
    %add3A_575 = arith.addi %add3A_571, %and3A_574 : vector<16xi32>
    %swap3A_576 = arith.constant 2 : i32
    %swap3A_577 = arith.index_cast %swap3A_576 : i32 to index
    %swap3A_578 = arith.constant 16 : index
    %swap3A_579 = tpu.vector_load %arg5[%swap3A_577, %swap3A_578] {strides = array<i32>} : memref<104x128xi32, #tpu.memory_space<vmem>>, vector<1x16xi32>,
    %swap3A_580 = vector.shape_cast %swap3A_579 : vector<1x16xi32> to vector<16xi32>
    %swap3A_581 = vector.shape_cast %add3A_575 : vector<16xi32> to vector<1x16xi32>
    tpu.vector_store %arg5[%swap3A_577, %swap3A_578], %swap3A_581 {strides = array<i32>} : memref<104x128xi32, #tpu.memory_space<vmem>>, vector<1x16xi32>,
    %add3A_582 = arith.constant 256 : i32
    %add3A_583 = arith.addi %mul3A_4, %add3A_582 : i32
    %add3A_584 = arith.constant 32 : i32
    %add3A_585 = arith.addi %add3A_583, %add3A_584 : i32
    %add3A_586 = vector.broadcast %add3A_585 : i32 to vector<16xi32>
    %add3A_587 = arith.addi %add3A_586, %iota3A : vector<16xi32>
    %get3A_588 = arith.constant 2 : i32
    %get3A_589 = arith.index_cast %get3A_588 : i32 to index
    %get3A_590 = arith.constant 32 : index
    %get3A_591 = tpu.vector_load %arg5[%get3A_589, %get3A_590] {strides = array<i32>} : memref<104x128xi32, #tpu.memory_space<vmem>>, vector<1x16xi32>,
    %get3A_592 = vector.shape_cast %get3A_591 : vector<1x16xi32> to vector<16xi32>
    %shift_right_arithmetic3A_593 = arith.constant 15 : i32
    %shift_right_arithmetic3A_594 = vector.broadcast %shift_right_arithmetic3A_593 : i32 to vector<16xi32>
    %shift_right_arithmetic3A_595 = arith.shrsi %add3A_587, %shift_right_arithmetic3A_594 : vector<16xi32>
    %mul3A_596 = arith.constant 200000 : i32
    %mul3A_597 = vector.broadcast %mul3A_596 : i32 to vector<16xi32>
    %mul3A_598 = arith.muli %shift_right_arithmetic3A_595, %mul3A_597 : vector<16xi32>
    %mul3A_599 = arith.constant 2 : i32
    %mul3A_600 = vector.broadcast %mul3A_599 : i32 to vector<16xi32>
    %mul3A_601 = arith.muli %mul3A_600, %get3A_592 : vector<16xi32>
    %add3A_602 = arith.addi %mul3A_598, %mul3A_601 : vector<16xi32>
    %and3A_603 = arith.constant 1 : i32
    %and3A_604 = vector.broadcast %and3A_603 : i32 to vector<16xi32>
    %and3A_605 = arith.andi %add3A_587, %and3A_604 : vector<16xi32>
    %add3A_606 = arith.addi %add3A_602, %and3A_605 : vector<16xi32>
    %swap3A_607 = arith.constant 2 : i32
    %swap3A_608 = arith.index_cast %swap3A_607 : i32 to index
    %swap3A_609 = arith.constant 32 : index
    %swap3A_610 = tpu.vector_load %arg5[%swap3A_608, %swap3A_609] {strides = array<i32>} : memref<104x128xi32, #tpu.memory_space<vmem>>, vector<1x16xi32>,
    %swap3A_611 = vector.shape_cast %swap3A_610 : vector<1x16xi32> to vector<16xi32>
    %swap3A_612 = vector.shape_cast %add3A_606 : vector<16xi32> to vector<1x16xi32>
    tpu.vector_store %arg5[%swap3A_608, %swap3A_609], %swap3A_612 {strides = array<i32>} : memref<104x128xi32, #tpu.memory_space<vmem>>, vector<1x16xi32>,
    %add3A_613 = arith.constant 256 : i32
    %add3A_614 = arith.addi %mul3A_4, %add3A_613 : i32
    %add3A_615 = arith.constant 48 : i32
    %add3A_616 = arith.addi %add3A_614, %add3A_615 : i32
    %add3A_617 = vector.broadcast %add3A_616 : i32 to vector<16xi32>
    %add3A_618 = arith.addi %add3A_617, %iota3A : vector<16xi32>
    %get3A_619 = arith.constant 2 : i32
    %get3A_620 = arith.index_cast %get3A_619 : i32 to index
    %get3A_621 = arith.constant 48 : index
    %get3A_622 = tpu.vector_load %arg5[%get3A_620, %get3A_621] {strides = array<i32>} : memref<104x128xi32, #tpu.memory_space<vmem>>, vector<1x16xi32>,
    %get3A_623 = vector.shape_cast %get3A_622 : vector<1x16xi32> to vector<16xi32>
    %shift_right_arithmetic3A_624 = arith.constant 15 : i32
    %shift_right_arithmetic3A_625 = vector.broadcast %shift_right_arithmetic3A_624 : i32 to vector<16xi32>
    %shift_right_arithmetic3A_626 = arith.shrsi %add3A_618, %shift_right_arithmetic3A_625 : vector<16xi32>
    %mul3A_627 = arith.constant 200000 : i32
    %mul3A_628 = vector.broadcast %mul3A_627 : i32 to vector<16xi32>
    %mul3A_629 = arith.muli %shift_right_arithmetic3A_626, %mul3A_628 : vector<16xi32>
    %mul3A_630 = arith.constant 2 : i32
    %mul3A_631 = vector.broadcast %mul3A_630 : i32 to vector<16xi32>
    %mul3A_632 = arith.muli %mul3A_631, %get3A_623 : vector<16xi32>
    %add3A_633 = arith.addi %mul3A_629, %mul3A_632 : vector<16xi32>
    %and3A_634 = arith.constant 1 : i32
    %and3A_635 = vector.broadcast %and3A_634 : i32 to vector<16xi32>
    %and3A_636 = arith.andi %add3A_618, %and3A_635 : vector<16xi32>
    %add3A_637 = arith.addi %add3A_633, %and3A_636 : vector<16xi32>
    %swap3A_638 = arith.constant 2 : i32
    %swap3A_639 = arith.index_cast %swap3A_638 : i32 to index
    %swap3A_640 = arith.constant 48 : index
    %swap3A_641 = tpu.vector_load %arg5[%swap3A_639, %swap3A_640] {strides = array<i32>} : memref<104x128xi32, #tpu.memory_space<vmem>>, vector<1x16xi32>,
    %swap3A_642 = vector.shape_cast %swap3A_641 : vector<1x16xi32> to vector<16xi32>
    %swap3A_643 = vector.shape_cast %add3A_637 : vector<16xi32> to vector<1x16xi32>
    tpu.vector_store %arg5[%swap3A_639, %swap3A_640], %swap3A_643 {strides = array<i32>} : memref<104x128xi32, #tpu.memory_space<vmem>>, vector<1x16xi32>,
    %add3A_644 = arith.constant 256 : i32
    %add3A_645 = arith.addi %mul3A_4, %add3A_644 : i32
    %add3A_646 = arith.constant 64 : i32
    %add3A_647 = arith.addi %add3A_645, %add3A_646 : i32
    %add3A_648 = vector.broadcast %add3A_647 : i32 to vector<16xi32>
    %add3A_649 = arith.addi %add3A_648, %iota3A : vector<16xi32>
    %get3A_650 = arith.constant 2 : i32
    %get3A_651 = arith.index_cast %get3A_650 : i32 to index
    %get3A_652 = arith.constant 64 : index
    %get3A_653 = tpu.vector_load %arg5[%get3A_651, %get3A_652] {strides = array<i32>} : memref<104x128xi32, #tpu.memory_space<vmem>>, vector<1x16xi32>,
    %get3A_654 = vector.shape_cast %get3A_653 : vector<1x16xi32> to vector<16xi32>
    %shift_right_arithmetic3A_655 = arith.constant 15 : i32
    %shift_right_arithmetic3A_656 = vector.broadcast %shift_right_arithmetic3A_655 : i32 to vector<16xi32>
    %shift_right_arithmetic3A_657 = arith.shrsi %add3A_649, %shift_right_arithmetic3A_656 : vector<16xi32>
    %mul3A_658 = arith.constant 200000 : i32
    %mul3A_659 = vector.broadcast %mul3A_658 : i32 to vector<16xi32>
    %mul3A_660 = arith.muli %shift_right_arithmetic3A_657, %mul3A_659 : vector<16xi32>
    %mul3A_661 = arith.constant 2 : i32
    %mul3A_662 = vector.broadcast %mul3A_661 : i32 to vector<16xi32>
    %mul3A_663 = arith.muli %mul3A_662, %get3A_654 : vector<16xi32>
    %add3A_664 = arith.addi %mul3A_660, %mul3A_663 : vector<16xi32>
    %and3A_665 = arith.constant 1 : i32
    %and3A_666 = vector.broadcast %and3A_665 : i32 to vector<16xi32>
    %and3A_667 = arith.andi %add3A_649, %and3A_666 : vector<16xi32>
    %add3A_668 = arith.addi %add3A_664, %and3A_667 : vector<16xi32>
    %swap3A_669 = arith.constant 2 : i32
    %swap3A_670 = arith.index_cast %swap3A_669 : i32 to index
    %swap3A_671 = arith.constant 64 : index
    %swap3A_672 = tpu.vector_load %arg5[%swap3A_670, %swap3A_671] {strides = array<i32>} : memref<104x128xi32, #tpu.memory_space<vmem>>, vector<1x16xi32>,
    %swap3A_673 = vector.shape_cast %swap3A_672 : vector<1x16xi32> to vector<16xi32>
    %swap3A_674 = vector.shape_cast %add3A_668 : vector<16xi32> to vector<1x16xi32>
    tpu.vector_store %arg5[%swap3A_670, %swap3A_671], %swap3A_674 {strides = array<i32>} : memref<104x128xi32, #tpu.memory_space<vmem>>, vector<1x16xi32>,
    %add3A_675 = arith.constant 256 : i32
    %add3A_676 = arith.addi %mul3A_4, %add3A_675 : i32
    %add3A_677 = arith.constant 80 : i32
    %add3A_678 = arith.addi %add3A_676, %add3A_677 : i32
    %add3A_679 = vector.broadcast %add3A_678 : i32 to vector<16xi32>
    %add3A_680 = arith.addi %add3A_679, %iota3A : vector<16xi32>
    %get3A_681 = arith.constant 2 : i32
    %get3A_682 = arith.index_cast %get3A_681 : i32 to index
    %get3A_683 = arith.constant 80 : index
    %get3A_684 = tpu.vector_load %arg5[%get3A_682, %get3A_683] {strides = array<i32>} : memref<104x128xi32, #tpu.memory_space<vmem>>, vector<1x16xi32>,
    %get3A_685 = vector.shape_cast %get3A_684 : vector<1x16xi32> to vector<16xi32>
    %shift_right_arithmetic3A_686 = arith.constant 15 : i32
    %shift_right_arithmetic3A_687 = vector.broadcast %shift_right_arithmetic3A_686 : i32 to vector<16xi32>
    %shift_right_arithmetic3A_688 = arith.shrsi %add3A_680, %shift_right_arithmetic3A_687 : vector<16xi32>
    %mul3A_689 = arith.constant 200000 : i32
    %mul3A_690 = vector.broadcast %mul3A_689 : i32 to vector<16xi32>
    %mul3A_691 = arith.muli %shift_right_arithmetic3A_688, %mul3A_690 : vector<16xi32>
    %mul3A_692 = arith.constant 2 : i32
    %mul3A_693 = vector.broadcast %mul3A_692 : i32 to vector<16xi32>
    %mul3A_694 = arith.muli %mul3A_693, %get3A_685 : vector<16xi32>
    %add3A_695 = arith.addi %mul3A_691, %mul3A_694 : vector<16xi32>
    %and3A_696 = arith.constant 1 : i32
    %and3A_697 = vector.broadcast %and3A_696 : i32 to vector<16xi32>
    %and3A_698 = arith.andi %add3A_680, %and3A_697 : vector<16xi32>
    %add3A_699 = arith.addi %add3A_695, %and3A_698 : vector<16xi32>
    %swap3A_700 = arith.constant 2 : i32
    %swap3A_701 = arith.index_cast %swap3A_700 : i32 to index
    %swap3A_702 = arith.constant 80 : index
    %swap3A_703 = tpu.vector_load %arg5[%swap3A_701, %swap3A_702] {strides = array<i32>} : memref<104x128xi32, #tpu.memory_space<vmem>>, vector<1x16xi32>,
    %swap3A_704 = vector.shape_cast %swap3A_703 : vector<1x16xi32> to vector<16xi32>
    %swap3A_705 = vector.shape_cast %add3A_699 : vector<16xi32> to vector<1x16xi32>
    tpu.vector_store %arg5[%swap3A_701, %swap3A_702], %swap3A_705 {strides = array<i32>} : memref<104x128xi32, #tpu.memory_space<vmem>>, vector<1x16xi32>,
    %add3A_706 = arith.constant 256 : i32
    %add3A_707 = arith.addi %mul3A_4, %add3A_706 : i32
    %add3A_708 = arith.constant 96 : i32
    %add3A_709 = arith.addi %add3A_707, %add3A_708 : i32
    %add3A_710 = vector.broadcast %add3A_709 : i32 to vector<16xi32>
    %add3A_711 = arith.addi %add3A_710, %iota3A : vector<16xi32>
    %get3A_712 = arith.constant 2 : i32
    %get3A_713 = arith.index_cast %get3A_712 : i32 to index
    %get3A_714 = arith.constant 96 : index
    %get3A_715 = tpu.vector_load %arg5[%get3A_713, %get3A_714] {strides = array<i32>} : memref<104x128xi32, #tpu.memory_space<vmem>>, vector<1x16xi32>,
    %get3A_716 = vector.shape_cast %get3A_715 : vector<1x16xi32> to vector<16xi32>
    %shift_right_arithmetic3A_717 = arith.constant 15 : i32
    %shift_right_arithmetic3A_718 = vector.broadcast %shift_right_arithmetic3A_717 : i32 to vector<16xi32>
    %shift_right_arithmetic3A_719 = arith.shrsi %add3A_711, %shift_right_arithmetic3A_718 : vector<16xi32>
    %mul3A_720 = arith.constant 200000 : i32
    %mul3A_721 = vector.broadcast %mul3A_720 : i32 to vector<16xi32>
    %mul3A_722 = arith.muli %shift_right_arithmetic3A_719, %mul3A_721 : vector<16xi32>
    %mul3A_723 = arith.constant 2 : i32
    %mul3A_724 = vector.broadcast %mul3A_723 : i32 to vector<16xi32>
    %mul3A_725 = arith.muli %mul3A_724, %get3A_716 : vector<16xi32>
    %add3A_726 = arith.addi %mul3A_722, %mul3A_725 : vector<16xi32>
    %and3A_727 = arith.constant 1 : i32
    %and3A_728 = vector.broadcast %and3A_727 : i32 to vector<16xi32>
    %and3A_729 = arith.andi %add3A_711, %and3A_728 : vector<16xi32>
    %add3A_730 = arith.addi %add3A_726, %and3A_729 : vector<16xi32>
    %swap3A_731 = arith.constant 2 : i32
    %swap3A_732 = arith.index_cast %swap3A_731 : i32 to index
    %swap3A_733 = arith.constant 96 : index
    %swap3A_734 = tpu.vector_load %arg5[%swap3A_732, %swap3A_733] {strides = array<i32>} : memref<104x128xi32, #tpu.memory_space<vmem>>, vector<1x16xi32>,
    %swap3A_735 = vector.shape_cast %swap3A_734 : vector<1x16xi32> to vector<16xi32>
    %swap3A_736 = vector.shape_cast %add3A_730 : vector<16xi32> to vector<1x16xi32>
    tpu.vector_store %arg5[%swap3A_732, %swap3A_733], %swap3A_736 {strides = array<i32>} : memref<104x128xi32, #tpu.memory_space<vmem>>, vector<1x16xi32>,
    %add3A_737 = arith.constant 256 : i32
    %add3A_738 = arith.addi %mul3A_4, %add3A_737 : i32
    %add3A_739 = arith.constant 112 : i32
    %add3A_740 = arith.addi %add3A_738, %add3A_739 : i32
    %add3A_741 = vector.broadcast %add3A_740 : i32 to vector<16xi32>
    %add3A_742 = arith.addi %add3A_741, %iota3A : vector<16xi32>
    %get3A_743 = arith.constant 2 : i32
    %get3A_744 = arith.index_cast %get3A_743 : i32 to index
    %get3A_745 = arith.constant 112 : index
    %get3A_746 = tpu.vector_load %arg5[%get3A_744, %get3A_745] {strides = array<i32>} : memref<104x128xi32, #tpu.memory_space<vmem>>, vector<1x16xi32>,
    %get3A_747 = vector.shape_cast %get3A_746 : vector<1x16xi32> to vector<16xi32>
    %shift_right_arithmetic3A_748 = arith.constant 15 : i32
    %shift_right_arithmetic3A_749 = vector.broadcast %shift_right_arithmetic3A_748 : i32 to vector<16xi32>
    %shift_right_arithmetic3A_750 = arith.shrsi %add3A_742, %shift_right_arithmetic3A_749 : vector<16xi32>
    %mul3A_751 = arith.constant 200000 : i32
    %mul3A_752 = vector.broadcast %mul3A_751 : i32 to vector<16xi32>
    %mul3A_753 = arith.muli %shift_right_arithmetic3A_750, %mul3A_752 : vector<16xi32>
    %mul3A_754 = arith.constant 2 : i32
    %mul3A_755 = vector.broadcast %mul3A_754 : i32 to vector<16xi32>
    %mul3A_756 = arith.muli %mul3A_755, %get3A_747 : vector<16xi32>
    %add3A_757 = arith.addi %mul3A_753, %mul3A_756 : vector<16xi32>
    %and3A_758 = arith.constant 1 : i32
    %and3A_759 = vector.broadcast %and3A_758 : i32 to vector<16xi32>
    %and3A_760 = arith.andi %add3A_742, %and3A_759 : vector<16xi32>
    %add3A_761 = arith.addi %add3A_757, %and3A_760 : vector<16xi32>
    %swap3A_762 = arith.constant 2 : i32
    %swap3A_763 = arith.index_cast %swap3A_762 : i32 to index
    %swap3A_764 = arith.constant 112 : index
    %swap3A_765 = tpu.vector_load %arg5[%swap3A_763, %swap3A_764] {strides = array<i32>} : memref<104x128xi32, #tpu.memory_space<vmem>>, vector<1x16xi32>,
    %swap3A_766 = vector.shape_cast %swap3A_765 : vector<1x16xi32> to vector<16xi32>
    %swap3A_767 = vector.shape_cast %add3A_761 : vector<16xi32> to vector<1x16xi32>
    tpu.vector_store %arg5[%swap3A_763, %swap3A_764], %swap3A_767 {strides = array<i32>} : memref<104x128xi32, #tpu.memory_space<vmem>>, vector<1x16xi32>,
    %dma_start3A_768 = arith.constant 2 : i32
    %dma_start3A_769 = arith.constant 1 : i32
    %dma_start3A_770 = arith.constant 0 : i32
    %dma_start3A_771 = arith.constant 0 : i32
    %dma_start3A_772 = tpu.memref_slice %arg6[%dma_start3A_769, %dma_start3A_770, %dma_start3A_771] : memref<4x256x64xf32, #tpu.memory_space<vmem>> -> memref<1x128x64xf32, #tpu.memory_space<vmem>>
    %dma_start3A_773 = tpu.memref_squeeze %dma_start3A_772 : memref<1x128x64xf32, #tpu.memory_space<vmem>> -> memref<128x64xf32, #tpu.memory_space<vmem>>
    %dma_start3A_774 = arith.constant 0 : i32
    %dma_start3A_775 = tpu.memref_slice %arg5[%dma_start3A_768, %dma_start3A_774] : memref<104x128xi32, #tpu.memory_space<vmem>> -> memref<1x128xi32, #tpu.memory_space<vmem>>
    %dma_start3A_776 = tpu.memref_squeeze %dma_start3A_775 : memref<1x128xi32, #tpu.memory_space<vmem>> -> memref<128xi32, #tpu.memory_space<vmem>>
    %dma_start3A_777 = arith.constant 0 : i32
    %dma_start3A_778 = arith.constant 0 : i32
    %dma_start3A_779 = tpu.memref_slice %arg3[%dma_start3A_777, %dma_start3A_778] : memref<2600000x64xf32, #tpu.memory_space<hbm>> -> memref<2600000x64xf32, #tpu.memory_space<hbm>>
    tpu.enqueue_indirect_dma source(%dma_start3A_779 : memref<2600000x64xf32, #tpu.memory_space<hbm>>) target(%dma_start3A_773 : memref<128x64xf32, #tpu.memory_space<vmem>>) offsets(%dma_start3A_776 : memref<128xi32, #tpu.memory_space<vmem>>) semaphore(%arg8 : memref<!tpu.dma_semaphore, #tpu.memory_space<semaphore_mem>>)
    %add3A_780 = arith.constant 384 : i32
    %add3A_781 = arith.addi %mul3A_4, %add3A_780 : i32
    %add3A_782 = arith.constant 0 : i32
    %add3A_783 = arith.addi %add3A_781, %add3A_782 : i32
    %add3A_784 = vector.broadcast %add3A_783 : i32 to vector<16xi32>
    %add3A_785 = arith.addi %add3A_784, %iota3A : vector<16xi32>
    %get3A_786 = arith.constant 3 : i32
    %get3A_787 = arith.index_cast %get3A_786 : i32 to index
    %get3A_788 = arith.constant 0 : index
    %get3A_789 = tpu.vector_load %arg5[%get3A_787, %get3A_788] {strides = array<i32>} : memref<104x128xi32, #tpu.memory_space<vmem>>, vector<1x16xi32>,
    %get3A_790 = vector.shape_cast %get3A_789 : vector<1x16xi32> to vector<16xi32>
    %shift_right_arithmetic3A_791 = arith.constant 15 : i32
    %shift_right_arithmetic3A_792 = vector.broadcast %shift_right_arithmetic3A_791 : i32 to vector<16xi32>
    %shift_right_arithmetic3A_793 = arith.shrsi %add3A_785, %shift_right_arithmetic3A_792 : vector<16xi32>
    %mul3A_794 = arith.constant 200000 : i32
    %mul3A_795 = vector.broadcast %mul3A_794 : i32 to vector<16xi32>
    %mul3A_796 = arith.muli %shift_right_arithmetic3A_793, %mul3A_795 : vector<16xi32>
    %mul3A_797 = arith.constant 2 : i32
    %mul3A_798 = vector.broadcast %mul3A_797 : i32 to vector<16xi32>
    %mul3A_799 = arith.muli %mul3A_798, %get3A_790 : vector<16xi32>
    %add3A_800 = arith.addi %mul3A_796, %mul3A_799 : vector<16xi32>
    %and3A_801 = arith.constant 1 : i32
    %and3A_802 = vector.broadcast %and3A_801 : i32 to vector<16xi32>
    %and3A_803 = arith.andi %add3A_785, %and3A_802 : vector<16xi32>
    %add3A_804 = arith.addi %add3A_800, %and3A_803 : vector<16xi32>
    %swap3A_805 = arith.constant 3 : i32
    %swap3A_806 = arith.index_cast %swap3A_805 : i32 to index
    %swap3A_807 = arith.constant 0 : index
    %swap3A_808 = tpu.vector_load %arg5[%swap3A_806, %swap3A_807] {strides = array<i32>} : memref<104x128xi32, #tpu.memory_space<vmem>>, vector<1x16xi32>,
    %swap3A_809 = vector.shape_cast %swap3A_808 : vector<1x16xi32> to vector<16xi32>
    %swap3A_810 = vector.shape_cast %add3A_804 : vector<16xi32> to vector<1x16xi32>
    tpu.vector_store %arg5[%swap3A_806, %swap3A_807], %swap3A_810 {strides = array<i32>} : memref<104x128xi32, #tpu.memory_space<vmem>>, vector<1x16xi32>,
    %add3A_811 = arith.constant 384 : i32
    %add3A_812 = arith.addi %mul3A_4, %add3A_811 : i32
    %add3A_813 = arith.constant 16 : i32
    %add3A_814 = arith.addi %add3A_812, %add3A_813 : i32
    %add3A_815 = vector.broadcast %add3A_814 : i32 to vector<16xi32>
    %add3A_816 = arith.addi %add3A_815, %iota3A : vector<16xi32>
    %get3A_817 = arith.constant 3 : i32
    %get3A_818 = arith.index_cast %get3A_817 : i32 to index
    %get3A_819 = arith.constant 16 : index
    %get3A_820 = tpu.vector_load %arg5[%get3A_818, %get3A_819] {strides = array<i32>} : memref<104x128xi32, #tpu.memory_space<vmem>>, vector<1x16xi32>,
    %get3A_821 = vector.shape_cast %get3A_820 : vector<1x16xi32> to vector<16xi32>
    %shift_right_arithmetic3A_822 = arith.constant 15 : i32
    %shift_right_arithmetic3A_823 = vector.broadcast %shift_right_arithmetic3A_822 : i32 to vector<16xi32>
    %shift_right_arithmetic3A_824 = arith.shrsi %add3A_816, %shift_right_arithmetic3A_823 : vector<16xi32>
    %mul3A_825 = arith.constant 200000 : i32
    %mul3A_826 = vector.broadcast %mul3A_825 : i32 to vector<16xi32>
    %mul3A_827 = arith.muli %shift_right_arithmetic3A_824, %mul3A_826 : vector<16xi32>
    %mul3A_828 = arith.constant 2 : i32
    %mul3A_829 = vector.broadcast %mul3A_828 : i32 to vector<16xi32>
    %mul3A_830 = arith.muli %mul3A_829, %get3A_821 : vector<16xi32>
    %add3A_831 = arith.addi %mul3A_827, %mul3A_830 : vector<16xi32>
    %and3A_832 = arith.constant 1 : i32
    %and3A_833 = vector.broadcast %and3A_832 : i32 to vector<16xi32>
    %and3A_834 = arith.andi %add3A_816, %and3A_833 : vector<16xi32>
    %add3A_835 = arith.addi %add3A_831, %and3A_834 : vector<16xi32>
    %swap3A_836 = arith.constant 3 : i32
    %swap3A_837 = arith.index_cast %swap3A_836 : i32 to index
    %swap3A_838 = arith.constant 16 : index
    %swap3A_839 = tpu.vector_load %arg5[%swap3A_837, %swap3A_838] {strides = array<i32>} : memref<104x128xi32, #tpu.memory_space<vmem>>, vector<1x16xi32>,
    %swap3A_840 = vector.shape_cast %swap3A_839 : vector<1x16xi32> to vector<16xi32>
    %swap3A_841 = vector.shape_cast %add3A_835 : vector<16xi32> to vector<1x16xi32>
    tpu.vector_store %arg5[%swap3A_837, %swap3A_838], %swap3A_841 {strides = array<i32>} : memref<104x128xi32, #tpu.memory_space<vmem>>, vector<1x16xi32>,
    %add3A_842 = arith.constant 384 : i32
    %add3A_843 = arith.addi %mul3A_4, %add3A_842 : i32
    %add3A_844 = arith.constant 32 : i32
    %add3A_845 = arith.addi %add3A_843, %add3A_844 : i32
    %add3A_846 = vector.broadcast %add3A_845 : i32 to vector<16xi32>
    %add3A_847 = arith.addi %add3A_846, %iota3A : vector<16xi32>
    %get3A_848 = arith.constant 3 : i32
    %get3A_849 = arith.index_cast %get3A_848 : i32 to index
    %get3A_850 = arith.constant 32 : index
    %get3A_851 = tpu.vector_load %arg5[%get3A_849, %get3A_850] {strides = array<i32>} : memref<104x128xi32, #tpu.memory_space<vmem>>, vector<1x16xi32>,
    %get3A_852 = vector.shape_cast %get3A_851 : vector<1x16xi32> to vector<16xi32>
    %shift_right_arithmetic3A_853 = arith.constant 15 : i32
    %shift_right_arithmetic3A_854 = vector.broadcast %shift_right_arithmetic3A_853 : i32 to vector<16xi32>
    %shift_right_arithmetic3A_855 = arith.shrsi %add3A_847, %shift_right_arithmetic3A_854 : vector<16xi32>
    %mul3A_856 = arith.constant 200000 : i32
    %mul3A_857 = vector.broadcast %mul3A_856 : i32 to vector<16xi32>
    %mul3A_858 = arith.muli %shift_right_arithmetic3A_855, %mul3A_857 : vector<16xi32>
    %mul3A_859 = arith.constant 2 : i32
    %mul3A_860 = vector.broadcast %mul3A_859 : i32 to vector<16xi32>
    %mul3A_861 = arith.muli %mul3A_860, %get3A_852 : vector<16xi32>
    %add3A_862 = arith.addi %mul3A_858, %mul3A_861 : vector<16xi32>
    %and3A_863 = arith.constant 1 : i32
    %and3A_864 = vector.broadcast %and3A_863 : i32 to vector<16xi32>
    %and3A_865 = arith.andi %add3A_847, %and3A_864 : vector<16xi32>
    %add3A_866 = arith.addi %add3A_862, %and3A_865 : vector<16xi32>
    %swap3A_867 = arith.constant 3 : i32
    %swap3A_868 = arith.index_cast %swap3A_867 : i32 to index
    %swap3A_869 = arith.constant 32 : index
    %swap3A_870 = tpu.vector_load %arg5[%swap3A_868, %swap3A_869] {strides = array<i32>} : memref<104x128xi32, #tpu.memory_space<vmem>>, vector<1x16xi32>,
    %swap3A_871 = vector.shape_cast %swap3A_870 : vector<1x16xi32> to vector<16xi32>
    %swap3A_872 = vector.shape_cast %add3A_866 : vector<16xi32> to vector<1x16xi32>
    tpu.vector_store %arg5[%swap3A_868, %swap3A_869], %swap3A_872 {strides = array<i32>} : memref<104x128xi32, #tpu.memory_space<vmem>>, vector<1x16xi32>,
    %add3A_873 = arith.constant 384 : i32
    %add3A_874 = arith.addi %mul3A_4, %add3A_873 : i32
    %add3A_875 = arith.constant 48 : i32
    %add3A_876 = arith.addi %add3A_874, %add3A_875 : i32
    %add3A_877 = vector.broadcast %add3A_876 : i32 to vector<16xi32>
    %add3A_878 = arith.addi %add3A_877, %iota3A : vector<16xi32>
    %get3A_879 = arith.constant 3 : i32
    %get3A_880 = arith.index_cast %get3A_879 : i32 to index
    %get3A_881 = arith.constant 48 : index
    %get3A_882 = tpu.vector_load %arg5[%get3A_880, %get3A_881] {strides = array<i32>} : memref<104x128xi32, #tpu.memory_space<vmem>>, vector<1x16xi32>,
    %get3A_883 = vector.shape_cast %get3A_882 : vector<1x16xi32> to vector<16xi32>
    %shift_right_arithmetic3A_884 = arith.constant 15 : i32
    %shift_right_arithmetic3A_885 = vector.broadcast %shift_right_arithmetic3A_884 : i32 to vector<16xi32>
    %shift_right_arithmetic3A_886 = arith.shrsi %add3A_878, %shift_right_arithmetic3A_885 : vector<16xi32>
    %mul3A_887 = arith.constant 200000 : i32
    %mul3A_888 = vector.broadcast %mul3A_887 : i32 to vector<16xi32>
    %mul3A_889 = arith.muli %shift_right_arithmetic3A_886, %mul3A_888 : vector<16xi32>
    %mul3A_890 = arith.constant 2 : i32
    %mul3A_891 = vector.broadcast %mul3A_890 : i32 to vector<16xi32>
    %mul3A_892 = arith.muli %mul3A_891, %get3A_883 : vector<16xi32>
    %add3A_893 = arith.addi %mul3A_889, %mul3A_892 : vector<16xi32>
    %and3A_894 = arith.constant 1 : i32
    %and3A_895 = vector.broadcast %and3A_894 : i32 to vector<16xi32>
    %and3A_896 = arith.andi %add3A_878, %and3A_895 : vector<16xi32>
    %add3A_897 = arith.addi %add3A_893, %and3A_896 : vector<16xi32>
    %swap3A_898 = arith.constant 3 : i32
    %swap3A_899 = arith.index_cast %swap3A_898 : i32 to index
    %swap3A_900 = arith.constant 48 : index
    %swap3A_901 = tpu.vector_load %arg5[%swap3A_899, %swap3A_900] {strides = array<i32>} : memref<104x128xi32, #tpu.memory_space<vmem>>, vector<1x16xi32>,
    %swap3A_902 = vector.shape_cast %swap3A_901 : vector<1x16xi32> to vector<16xi32>
    %swap3A_903 = vector.shape_cast %add3A_897 : vector<16xi32> to vector<1x16xi32>
    tpu.vector_store %arg5[%swap3A_899, %swap3A_900], %swap3A_903 {strides = array<i32>} : memref<104x128xi32, #tpu.memory_space<vmem>>, vector<1x16xi32>,
    %add3A_904 = arith.constant 384 : i32
    %add3A_905 = arith.addi %mul3A_4, %add3A_904 : i32
    %add3A_906 = arith.constant 64 : i32
    %add3A_907 = arith.addi %add3A_905, %add3A_906 : i32
    %add3A_908 = vector.broadcast %add3A_907 : i32 to vector<16xi32>
    %add3A_909 = arith.addi %add3A_908, %iota3A : vector<16xi32>
    %get3A_910 = arith.constant 3 : i32
    %get3A_911 = arith.index_cast %get3A_910 : i32 to index
    %get3A_912 = arith.constant 64 : index
    %get3A_913 = tpu.vector_load %arg5[%get3A_911, %get3A_912] {strides = array<i32>} : memref<104x128xi32, #tpu.memory_space<vmem>>, vector<1x16xi32>,
    %get3A_914 = vector.shape_cast %get3A_913 : vector<1x16xi32> to vector<16xi32>
    %shift_right_arithmetic3A_915 = arith.constant 15 : i32
    %shift_right_arithmetic3A_916 = vector.broadcast %shift_right_arithmetic3A_915 : i32 to vector<16xi32>
    %shift_right_arithmetic3A_917 = arith.shrsi %add3A_909, %shift_right_arithmetic3A_916 : vector<16xi32>
    %mul3A_918 = arith.constant 200000 : i32
    %mul3A_919 = vector.broadcast %mul3A_918 : i32 to vector<16xi32>
    %mul3A_920 = arith.muli %shift_right_arithmetic3A_917, %mul3A_919 : vector<16xi32>
    %mul3A_921 = arith.constant 2 : i32
    %mul3A_922 = vector.broadcast %mul3A_921 : i32 to vector<16xi32>
    %mul3A_923 = arith.muli %mul3A_922, %get3A_914 : vector<16xi32>
    %add3A_924 = arith.addi %mul3A_920, %mul3A_923 : vector<16xi32>
    %and3A_925 = arith.constant 1 : i32
    %and3A_926 = vector.broadcast %and3A_925 : i32 to vector<16xi32>
    %and3A_927 = arith.andi %add3A_909, %and3A_926 : vector<16xi32>
    %add3A_928 = arith.addi %add3A_924, %and3A_927 : vector<16xi32>
    %swap3A_929 = arith.constant 3 : i32
    %swap3A_930 = arith.index_cast %swap3A_929 : i32 to index
    %swap3A_931 = arith.constant 64 : index
    %swap3A_932 = tpu.vector_load %arg5[%swap3A_930, %swap3A_931] {strides = array<i32>} : memref<104x128xi32, #tpu.memory_space<vmem>>, vector<1x16xi32>,
    %swap3A_933 = vector.shape_cast %swap3A_932 : vector<1x16xi32> to vector<16xi32>
    %swap3A_934 = vector.shape_cast %add3A_928 : vector<16xi32> to vector<1x16xi32>
    tpu.vector_store %arg5[%swap3A_930, %swap3A_931], %swap3A_934 {strides = array<i32>} : memref<104x128xi32, #tpu.memory_space<vmem>>, vector<1x16xi32>,
    %add3A_935 = arith.constant 384 : i32
    %add3A_936 = arith.addi %mul3A_4, %add3A_935 : i32
    %add3A_937 = arith.constant 80 : i32
    %add3A_938 = arith.addi %add3A_936, %add3A_937 : i32
    %add3A_939 = vector.broadcast %add3A_938 : i32 to vector<16xi32>
    %add3A_940 = arith.addi %add3A_939, %iota3A : vector<16xi32>
    %get3A_941 = arith.constant 3 : i32
    %get3A_942 = arith.index_cast %get3A_941 : i32 to index
    %get3A_943 = arith.constant 80 : index
    %get3A_944 = tpu.vector_load %arg5[%get3A_942, %get3A_943] {strides = array<i32>} : memref<104x128xi32, #tpu.memory_space<vmem>>, vector<1x16xi32>,
    %get3A_945 = vector.shape_cast %get3A_944 : vector<1x16xi32> to vector<16xi32>
    %shift_right_arithmetic3A_946 = arith.constant 15 : i32
    %shift_right_arithmetic3A_947 = vector.broadcast %shift_right_arithmetic3A_946 : i32 to vector<16xi32>
    %shift_right_arithmetic3A_948 = arith.shrsi %add3A_940, %shift_right_arithmetic3A_947 : vector<16xi32>
    %mul3A_949 = arith.constant 200000 : i32
    %mul3A_950 = vector.broadcast %mul3A_949 : i32 to vector<16xi32>
    %mul3A_951 = arith.muli %shift_right_arithmetic3A_948, %mul3A_950 : vector<16xi32>
    %mul3A_952 = arith.constant 2 : i32
    %mul3A_953 = vector.broadcast %mul3A_952 : i32 to vector<16xi32>
    %mul3A_954 = arith.muli %mul3A_953, %get3A_945 : vector<16xi32>
    %add3A_955 = arith.addi %mul3A_951, %mul3A_954 : vector<16xi32>
    %and3A_956 = arith.constant 1 : i32
    %and3A_957 = vector.broadcast %and3A_956 : i32 to vector<16xi32>
    %and3A_958 = arith.andi %add3A_940, %and3A_957 : vector<16xi32>
    %add3A_959 = arith.addi %add3A_955, %and3A_958 : vector<16xi32>
    %swap3A_960 = arith.constant 3 : i32
    %swap3A_961 = arith.index_cast %swap3A_960 : i32 to index
    %swap3A_962 = arith.constant 80 : index
    %swap3A_963 = tpu.vector_load %arg5[%swap3A_961, %swap3A_962] {strides = array<i32>} : memref<104x128xi32, #tpu.memory_space<vmem>>, vector<1x16xi32>,
    %swap3A_964 = vector.shape_cast %swap3A_963 : vector<1x16xi32> to vector<16xi32>
    %swap3A_965 = vector.shape_cast %add3A_959 : vector<16xi32> to vector<1x16xi32>
    tpu.vector_store %arg5[%swap3A_961, %swap3A_962], %swap3A_965 {strides = array<i32>} : memref<104x128xi32, #tpu.memory_space<vmem>>, vector<1x16xi32>,
    %add3A_966 = arith.constant 384 : i32
    %add3A_967 = arith.addi %mul3A_4, %add3A_966 : i32
    %add3A_968 = arith.constant 96 : i32
    %add3A_969 = arith.addi %add3A_967, %add3A_968 : i32
    %add3A_970 = vector.broadcast %add3A_969 : i32 to vector<16xi32>
    %add3A_971 = arith.addi %add3A_970, %iota3A : vector<16xi32>
    %get3A_972 = arith.constant 3 : i32
    %get3A_973 = arith.index_cast %get3A_972 : i32 to index
    %get3A_974 = arith.constant 96 : index
    %get3A_975 = tpu.vector_load %arg5[%get3A_973, %get3A_974] {strides = array<i32>} : memref<104x128xi32, #tpu.memory_space<vmem>>, vector<1x16xi32>,
    %get3A_976 = vector.shape_cast %get3A_975 : vector<1x16xi32> to vector<16xi32>
    %shift_right_arithmetic3A_977 = arith.constant 15 : i32
    %shift_right_arithmetic3A_978 = vector.broadcast %shift_right_arithmetic3A_977 : i32 to vector<16xi32>
    %shift_right_arithmetic3A_979 = arith.shrsi %add3A_971, %shift_right_arithmetic3A_978 : vector<16xi32>
    %mul3A_980 = arith.constant 200000 : i32
    %mul3A_981 = vector.broadcast %mul3A_980 : i32 to vector<16xi32>
    %mul3A_982 = arith.muli %shift_right_arithmetic3A_979, %mul3A_981 : vector<16xi32>
    %mul3A_983 = arith.constant 2 : i32
    %mul3A_984 = vector.broadcast %mul3A_983 : i32 to vector<16xi32>
    %mul3A_985 = arith.muli %mul3A_984, %get3A_976 : vector<16xi32>
    %add3A_986 = arith.addi %mul3A_982, %mul3A_985 : vector<16xi32>
    %and3A_987 = arith.constant 1 : i32
    %and3A_988 = vector.broadcast %and3A_987 : i32 to vector<16xi32>
    %and3A_989 = arith.andi %add3A_971, %and3A_988 : vector<16xi32>
    %add3A_990 = arith.addi %add3A_986, %and3A_989 : vector<16xi32>
    %swap3A_991 = arith.constant 3 : i32
    %swap3A_992 = arith.index_cast %swap3A_991 : i32 to index
    %swap3A_993 = arith.constant 96 : index
    %swap3A_994 = tpu.vector_load %arg5[%swap3A_992, %swap3A_993] {strides = array<i32>} : memref<104x128xi32, #tpu.memory_space<vmem>>, vector<1x16xi32>,
    %swap3A_995 = vector.shape_cast %swap3A_994 : vector<1x16xi32> to vector<16xi32>
    %swap3A_996 = vector.shape_cast %add3A_990 : vector<16xi32> to vector<1x16xi32>
    tpu.vector_store %arg5[%swap3A_992, %swap3A_993], %swap3A_996 {strides = array<i32>} : memref<104x128xi32, #tpu.memory_space<vmem>>, vector<1x16xi32>,
    %add3A_997 = arith.constant 384 : i32
    %add3A_998 = arith.addi %mul3A_4, %add3A_997 : i32
    %add3A_999 = arith.constant 112 : i32
    %add3A_1000 = arith.addi %add3A_998, %add3A_999 : i32
    %add3A_1001 = vector.broadcast %add3A_1000 : i32 to vector<16xi32>
    %add3A_1002 = arith.addi %add3A_1001, %iota3A : vector<16xi32>
    %get3A_1003 = arith.constant 3 : i32
    %get3A_1004 = arith.index_cast %get3A_1003 : i32 to index
    %get3A_1005 = arith.constant 112 : index
    %get3A_1006 = tpu.vector_load %arg5[%get3A_1004, %get3A_1005] {strides = array<i32>} : memref<104x128xi32, #tpu.memory_space<vmem>>, vector<1x16xi32>,
    %get3A_1007 = vector.shape_cast %get3A_1006 : vector<1x16xi32> to vector<16xi32>
    %shift_right_arithmetic3A_1008 = arith.constant 15 : i32
    %shift_right_arithmetic3A_1009 = vector.broadcast %shift_right_arithmetic3A_1008 : i32 to vector<16xi32>
    %shift_right_arithmetic3A_1010 = arith.shrsi %add3A_1002, %shift_right_arithmetic3A_1009 : vector<16xi32>
    %mul3A_1011 = arith.constant 200000 : i32
    %mul3A_1012 = vector.broadcast %mul3A_1011 : i32 to vector<16xi32>
    %mul3A_1013 = arith.muli %shift_right_arithmetic3A_1010, %mul3A_1012 : vector<16xi32>
    %mul3A_1014 = arith.constant 2 : i32
    %mul3A_1015 = vector.broadcast %mul3A_1014 : i32 to vector<16xi32>
    %mul3A_1016 = arith.muli %mul3A_1015, %get3A_1007 : vector<16xi32>
    %add3A_1017 = arith.addi %mul3A_1013, %mul3A_1016 : vector<16xi32>
    %and3A_1018 = arith.constant 1 : i32
    %and3A_1019 = vector.broadcast %and3A_1018 : i32 to vector<16xi32>
    %and3A_1020 = arith.andi %add3A_1002, %and3A_1019 : vector<16xi32>
    %add3A_1021 = arith.addi %add3A_1017, %and3A_1020 : vector<16xi32>
    %swap3A_1022 = arith.constant 3 : i32
    %swap3A_1023 = arith.index_cast %swap3A_1022 : i32 to index
    %swap3A_1024 = arith.constant 112 : index
    %swap3A_1025 = tpu.vector_load %arg5[%swap3A_1023, %swap3A_1024] {strides = array<i32>} : memref<104x128xi32, #tpu.memory_space<vmem>>, vector<1x16xi32>,
    %swap3A_1026 = vector.shape_cast %swap3A_1025 : vector<1x16xi32> to vector<16xi32>
    %swap3A_1027 = vector.shape_cast %add3A_1021 : vector<16xi32> to vector<1x16xi32>
    tpu.vector_store %arg5[%swap3A_1023, %swap3A_1024], %swap3A_1027 {strides = array<i32>} : memref<104x128xi32, #tpu.memory_space<vmem>>, vector<1x16xi32>,
    %dma_start3A_1028 = arith.constant 3 : i32
    %dma_start3A_1029 = arith.constant 1 : i32
    %dma_start3A_1030 = arith.constant 128 : i32
    %dma_start3A_1031 = arith.constant 0 : i32
    %dma_start3A_1032 = tpu.memref_slice %arg6[%dma_start3A_1029, %dma_start3A_1030, %dma_start3A_1031] : memref<4x256x64xf32, #tpu.memory_space<vmem>> -> memref<1x128x64xf32, #tpu.memory_space<vmem>>
    %dma_start3A_1033 = tpu.memref_squeeze %dma_start3A_1032 : memref<1x128x64xf32, #tpu.memory_space<vmem>> -> memref<128x64xf32, #tpu.memory_space<vmem>>
    %dma_start3A_1034 = arith.constant 0 : i32
    %dma_start3A_1035 = tpu.memref_slice %arg5[%dma_start3A_1028, %dma_start3A_1034] : memref<104x128xi32, #tpu.memory_space<vmem>> -> memref<1x128xi32, #tpu.memory_space<vmem>>
    %dma_start3A_1036 = tpu.memref_squeeze %dma_start3A_1035 : memref<1x128xi32, #tpu.memory_space<vmem>> -> memref<128xi32, #tpu.memory_space<vmem>>
    %dma_start3A_1037 = arith.constant 0 : i32
    %dma_start3A_1038 = arith.constant 0 : i32
    %dma_start3A_1039 = tpu.memref_slice %arg3[%dma_start3A_1037, %dma_start3A_1038] : memref<2600000x64xf32, #tpu.memory_space<hbm>> -> memref<2600000x64xf32, #tpu.memory_space<hbm>>
    tpu.enqueue_indirect_dma source(%dma_start3A_1039 : memref<2600000x64xf32, #tpu.memory_space<hbm>>) target(%dma_start3A_1033 : memref<128x64xf32, #tpu.memory_space<vmem>>) offsets(%dma_start3A_1036 : memref<128xi32, #tpu.memory_space<vmem>>) semaphore(%arg8 : memref<!tpu.dma_semaphore, #tpu.memory_space<semaphore_mem>>)
    %scan3A = arith.constant 0 : i32
    %scan3A_1040 = arith.constant 0 : i32
    %scan3A_1041 = arith.constant 13 : i32
    %scan3A_1042 = arith.addi %scan3A_1040, %scan3A_1041 : i32
    %scan3A_1043 = arith.constant 1 : i32
    scf.for %scan3A_1080 = %scan3A_1040 to %scan3A_1042 step %scan3A_1043  : i32 {
      %mul3A_1081 = arith.constant 4 : i32
      %mul3A_1082 = arith.muli %scan3A_1080, %mul3A_1081 : i32
      %add3A_1083 = arith.constant 0 : i32
      %add3A_1084 = arith.addi %mul3A_1082, %add3A_1083 : i32
      %dma_wait3A_1085 = arith.constant 0 : i32
      %dma_wait3A_1086 = arith.constant 0 : i32
      %dma_wait3A_1087 = arith.constant 0 : i32
      %dma_wait3A_1088 = arith.constant 0 : i32
      %dma_wait3A_1089 = tpu.memref_slice %arg6[%dma_wait3A_1086, %dma_wait3A_1087, %dma_wait3A_1088] : memref<4x256x64xf32, #tpu.memory_space<vmem>> -> memref<1x256x64xf32, #tpu.memory_space<vmem>>
      %dma_wait3A_1090 = tpu.memref_squeeze %dma_wait3A_1089 : memref<1x256x64xf32, #tpu.memory_space<vmem>> -> memref<256x64xf32, #tpu.memory_space<vmem>>
      %dma_wait3A_1091 = arith.constant 0 : i32
      %dma_wait3A_1092 = arith.constant 0 : i32
      %dma_wait3A_1093 = tpu.memref_slice %arg4[%dma_wait3A_1085, %dma_wait3A_1091, %dma_wait3A_1092] : memref<1664x256x64xf32, #tpu.memory_space<hbm>> -> memref<1x256x64xf32, #tpu.memory_space<hbm>>
      %dma_wait3A_1094 = tpu.memref_squeeze %dma_wait3A_1093 : memref<1x256x64xf32, #tpu.memory_space<hbm>> -> memref<256x64xf32, #tpu.memory_space<hbm>>
      %dma_wait3A_1095 = arith.constant 0 : i32
      %dma_wait3A_1096 = arith.constant 0 : i32
      %dma_wait3A_1097 = tpu.memref_slice %arg6[%dma_wait3A_1086, %dma_wait3A_1095, %dma_wait3A_1096] : memref<4x256x64xf32, #tpu.memory_space<vmem>> -> memref<1x256x64xf32, #tpu.memory_space<vmem>>
      %dma_wait3A_1098 = tpu.memref_squeeze %dma_wait3A_1097 : memref<1x256x64xf32, #tpu.memory_space<vmem>> -> memref<256x64xf32, #tpu.memory_space<vmem>>
      %dma_wait3A_1099 = arith.constant 0 : i32
      %dma_wait3A_1100 = arith.constant 0 : i32
      %dma_wait3A_1101 = tpu.memref_slice %arg4[%dma_wait3A_1085, %dma_wait3A_1099, %dma_wait3A_1100] : memref<1664x256x64xf32, #tpu.memory_space<hbm>> -> memref<1x256x64xf32, #tpu.memory_space<hbm>>
      %dma_wait3A_1102 = tpu.memref_squeeze %dma_wait3A_1101 : memref<1x256x64xf32, #tpu.memory_space<hbm>> -> memref<256x64xf32, #tpu.memory_space<hbm>>
      tpu.wait_dma2 semaphore(%arg7 : memref<!tpu.dma_semaphore, #tpu.memory_space<semaphore_mem>>) src(%dma_wait3A_1102 : memref<256x64xf32, #tpu.memory_space<hbm>>) dst(%dma_wait3A_1098 : memref<256x64xf32, #tpu.memory_space<vmem>>)
      %add3A_1103 = arith.addi %mul3A_2, %add3A_1084 : i32
      %dma_start3A_1104 = arith.constant 0 : i32
      %dma_start3A_1105 = arith.constant 0 : i32
      %dma_start3A_1106 = arith.constant 0 : i32
      %dma_start3A_1107 = tpu.memref_slice %arg6[%dma_start3A_1104, %dma_start3A_1105, %dma_start3A_1106] : memref<4x256x64xf32, #tpu.memory_space<vmem>> -> memref<1x256x64xf32, #tpu.memory_space<vmem>>
      %dma_start3A_1108 = tpu.memref_squeeze %dma_start3A_1107 : memref<1x256x64xf32, #tpu.memory_space<vmem>> -> memref<256x64xf32, #tpu.memory_space<vmem>>
      %dma_start3A_1109 = arith.constant 0 : i32
      %dma_start3A_1110 = arith.constant 0 : i32
      %dma_start3A_1111 = tpu.memref_slice %arg4[%add3A_1103, %dma_start3A_1109, %dma_start3A_1110] : memref<1664x256x64xf32, #tpu.memory_space<hbm>> -> memref<1x256x64xf32, #tpu.memory_space<hbm>>
      %dma_start3A_1112 = tpu.memref_squeeze %dma_start3A_1111 : memref<1x256x64xf32, #tpu.memory_space<hbm>> -> memref<256x64xf32, #tpu.memory_space<hbm>>
      %dma_start3A_1113 = arith.constant 0 : i32
      %dma_start3A_1114 = arith.constant 0 : i32
      %dma_start3A_1115 = tpu.memref_slice %arg4[%add3A_1103, %dma_start3A_1113, %dma_start3A_1114] : memref<1664x256x64xf32, #tpu.memory_space<hbm>> -> memref<1x256x64xf32, #tpu.memory_space<hbm>>
      %dma_start3A_1116 = tpu.memref_squeeze %dma_start3A_1115 : memref<1x256x64xf32, #tpu.memory_space<hbm>> -> memref<256x64xf32, #tpu.memory_space<hbm>>
      %dma_start3A_1117 = arith.constant 0 : i32
      %dma_start3A_1118 = arith.constant 0 : i32
      %dma_start3A_1119 = tpu.memref_slice %arg6[%dma_start3A_1104, %dma_start3A_1117, %dma_start3A_1118] : memref<4x256x64xf32, #tpu.memory_space<vmem>> -> memref<1x256x64xf32, #tpu.memory_space<vmem>>
      %dma_start3A_1120 = tpu.memref_squeeze %dma_start3A_1119 : memref<1x256x64xf32, #tpu.memory_space<vmem>> -> memref<256x64xf32, #tpu.memory_space<vmem>>
      tpu.enqueue_dma source(%dma_start3A_1120 : memref<256x64xf32, #tpu.memory_space<vmem>>) target(%dma_start3A_1116 : memref<256x64xf32, #tpu.memory_space<hbm>>) target_semaphore(%arg11 : memref<!tpu.dma_semaphore, #tpu.memory_space<semaphore_mem>>)
      %ge3A = arith.constant 2 : i32
      %ge3A_1121 = arith.cmpi sge, %add3A_1084, %ge3A : i32
      %convert_element_type3A = arith.extui %ge3A_1121 : i1 to i32
      %cond3A = arith.constant 0 : i32
      %cond3A_1122 = arith.cmpi ne, %convert_element_type3A, %cond3A : i32
      scf.if %cond3A_1122 {
        %dma_wait3A_1285 = arith.constant 0 : i32
        %dma_wait3A_1286 = arith.constant 2 : i32
        %dma_wait3A_1287 = arith.constant 0 : i32
        %dma_wait3A_1288 = arith.constant 0 : i32
        %dma_wait3A_1289 = tpu.memref_slice %arg6[%dma_wait3A_1286, %dma_wait3A_1287, %dma_wait3A_1288] : memref<4x256x64xf32, #tpu.memory_space<vmem>> -> memref<1x256x64xf32, #tpu.memory_space<vmem>>
        %dma_wait3A_1290 = tpu.memref_squeeze %dma_wait3A_1289 : memref<1x256x64xf32, #tpu.memory_space<vmem>> -> memref<256x64xf32, #tpu.memory_space<vmem>>
        %dma_wait3A_1291 = arith.constant 0 : i32
        %dma_wait3A_1292 = arith.constant 0 : i32
        %dma_wait3A_1293 = tpu.memref_slice %arg4[%dma_wait3A_1285, %dma_wait3A_1291, %dma_wait3A_1292] : memref<1664x256x64xf32, #tpu.memory_space<hbm>> -> memref<1x256x64xf32, #tpu.memory_space<hbm>>
        %dma_wait3A_1294 = tpu.memref_squeeze %dma_wait3A_1293 : memref<1x256x64xf32, #tpu.memory_space<hbm>> -> memref<256x64xf32, #tpu.memory_space<hbm>>
        %dma_wait3A_1295 = arith.constant 0 : i32
        %dma_wait3A_1296 = arith.constant 0 : i32
        %dma_wait3A_1297 = tpu.memref_slice %arg6[%dma_wait3A_1286, %dma_wait3A_1295, %dma_wait3A_1296] : memref<4x256x64xf32, #tpu.memory_space<vmem>> -> memref<1x256x64xf32, #tpu.memory_space<vmem>>
        %dma_wait3A_1298 = tpu.memref_squeeze %dma_wait3A_1297 : memref<1x256x64xf32, #tpu.memory_space<vmem>> -> memref<256x64xf32, #tpu.memory_space<vmem>>
        %dma_wait3A_1299 = arith.constant 0 : i32
        %dma_wait3A_1300 = arith.constant 0 : i32
        %dma_wait3A_1301 = tpu.memref_slice %arg4[%dma_wait3A_1285, %dma_wait3A_1299, %dma_wait3A_1300] : memref<1664x256x64xf32, #tpu.memory_space<hbm>> -> memref<1x256x64xf32, #tpu.memory_space<hbm>>
        %dma_wait3A_1302 = tpu.memref_squeeze %dma_wait3A_1301 : memref<1x256x64xf32, #tpu.memory_space<hbm>> -> memref<256x64xf32, #tpu.memory_space<hbm>>
        tpu.wait_dma2 semaphore(%arg13 : memref<!tpu.dma_semaphore, #tpu.memory_space<semaphore_mem>>) src(%dma_wait3A_1302 : memref<256x64xf32, #tpu.memory_space<hbm>>) dst(%dma_wait3A_1298 : memref<256x64xf32, #tpu.memory_space<vmem>>)
      } else {
      }
      %add3A_1123 = arith.constant 2 : i32
      %add3A_1124 = arith.addi %add3A_1084, %add3A_1123 : i32
      %lt3A = arith.constant 52 : i32
      %lt3A_1125 = arith.cmpi slt, %add3A_1124, %lt3A : i32
      %convert_element_type3A_1126 = arith.extui %lt3A_1125 : i1 to i32
      %cond3A_1127 = arith.constant 0 : i32
      %cond3A_1128 = arith.cmpi ne, %convert_element_type3A_1126, %cond3A_1127 : i32
      scf.if %cond3A_1128 {
        %add3A_1285 = arith.constant 2 : i32
        %add3A_1286 = arith.addi %add3A_1084, %add3A_1285 : i32
        %mul3A_1287 = arith.constant 2 : i32
        %mul3A_1288 = arith.muli %add3A_1286, %mul3A_1287 : i32
        %add3A_1289 = arith.constant 0 : i32
        %add3A_1290 = arith.addi %mul3A_1288, %add3A_1289 : i32
        %mul3A_1291 = arith.constant 128 : i32
        %mul3A_1292 = arith.muli %add3A_1290, %mul3A_1291 : i32
        %add3A_1293 = arith.addi %mul3A_4, %mul3A_1292 : i32
        %add3A_1294 = arith.constant 0 : i32
        %add3A_1295 = arith.addi %add3A_1293, %add3A_1294 : i32
        %add3A_1296 = vector.broadcast %add3A_1295 : i32 to vector<16xi32>
        %add3A_1297 = arith.addi %add3A_1296, %iota3A : vector<16xi32>
        %get3A_1298 = arith.index_cast %add3A_1290 : i32 to index
        %get3A_1299 = arith.constant 0 : index
        %get3A_1300 = tpu.vector_load %arg5[%get3A_1298, %get3A_1299] {strides = array<i32>} : memref<104x128xi32, #tpu.memory_space<vmem>>, vector<1x16xi32>,
        %get3A_1301 = vector.shape_cast %get3A_1300 : vector<1x16xi32> to vector<16xi32>
        %shift_right_arithmetic3A_1302 = arith.constant 15 : i32
        %shift_right_arithmetic3A_1303 = vector.broadcast %shift_right_arithmetic3A_1302 : i32 to vector<16xi32>
        %shift_right_arithmetic3A_1304 = arith.shrsi %add3A_1297, %shift_right_arithmetic3A_1303 : vector<16xi32>
        %mul3A_1305 = arith.constant 200000 : i32
        %mul3A_1306 = vector.broadcast %mul3A_1305 : i32 to vector<16xi32>
        %mul3A_1307 = arith.muli %shift_right_arithmetic3A_1304, %mul3A_1306 : vector<16xi32>
        %mul3A_1308 = arith.constant 2 : i32
        %mul3A_1309 = vector.broadcast %mul3A_1308 : i32 to vector<16xi32>
        %mul3A_1310 = arith.muli %mul3A_1309, %get3A_1301 : vector<16xi32>
        %add3A_1311 = arith.addi %mul3A_1307, %mul3A_1310 : vector<16xi32>
        %and3A_1312 = arith.constant 1 : i32
        %and3A_1313 = vector.broadcast %and3A_1312 : i32 to vector<16xi32>
        %and3A_1314 = arith.andi %add3A_1297, %and3A_1313 : vector<16xi32>
        %add3A_1315 = arith.addi %add3A_1311, %and3A_1314 : vector<16xi32>
        %swap3A_1316 = arith.index_cast %add3A_1290 : i32 to index
        %swap3A_1317 = arith.constant 0 : index
        %swap3A_1318 = tpu.vector_load %arg5[%swap3A_1316, %swap3A_1317] {strides = array<i32>} : memref<104x128xi32, #tpu.memory_space<vmem>>, vector<1x16xi32>,
        %swap3A_1319 = vector.shape_cast %swap3A_1318 : vector<1x16xi32> to vector<16xi32>
        %swap3A_1320 = vector.shape_cast %add3A_1315 : vector<16xi32> to vector<1x16xi32>
        tpu.vector_store %arg5[%swap3A_1316, %swap3A_1317], %swap3A_1320 {strides = array<i32>} : memref<104x128xi32, #tpu.memory_space<vmem>>, vector<1x16xi32>,
        %mul3A_1321 = arith.constant 128 : i32
        %mul3A_1322 = arith.muli %add3A_1290, %mul3A_1321 : i32
        %add3A_1323 = arith.addi %mul3A_4, %mul3A_1322 : i32
        %add3A_1324 = arith.constant 16 : i32
        %add3A_1325 = arith.addi %add3A_1323, %add3A_1324 : i32
        %add3A_1326 = vector.broadcast %add3A_1325 : i32 to vector<16xi32>
        %add3A_1327 = arith.addi %add3A_1326, %iota3A : vector<16xi32>
        %get3A_1328 = arith.index_cast %add3A_1290 : i32 to index
        %get3A_1329 = arith.constant 16 : index
        %get3A_1330 = tpu.vector_load %arg5[%get3A_1328, %get3A_1329] {strides = array<i32>} : memref<104x128xi32, #tpu.memory_space<vmem>>, vector<1x16xi32>,
        %get3A_1331 = vector.shape_cast %get3A_1330 : vector<1x16xi32> to vector<16xi32>
        %shift_right_arithmetic3A_1332 = arith.constant 15 : i32
        %shift_right_arithmetic3A_1333 = vector.broadcast %shift_right_arithmetic3A_1332 : i32 to vector<16xi32>
        %shift_right_arithmetic3A_1334 = arith.shrsi %add3A_1327, %shift_right_arithmetic3A_1333 : vector<16xi32>
        %mul3A_1335 = arith.constant 200000 : i32
        %mul3A_1336 = vector.broadcast %mul3A_1335 : i32 to vector<16xi32>
        %mul3A_1337 = arith.muli %shift_right_arithmetic3A_1334, %mul3A_1336 : vector<16xi32>
        %mul3A_1338 = arith.constant 2 : i32
        %mul3A_1339 = vector.broadcast %mul3A_1338 : i32 to vector<16xi32>
        %mul3A_1340 = arith.muli %mul3A_1339, %get3A_1331 : vector<16xi32>
        %add3A_1341 = arith.addi %mul3A_1337, %mul3A_1340 : vector<16xi32>
        %and3A_1342 = arith.constant 1 : i32
        %and3A_1343 = vector.broadcast %and3A_1342 : i32 to vector<16xi32>
        %and3A_1344 = arith.andi %add3A_1327, %and3A_1343 : vector<16xi32>
        %add3A_1345 = arith.addi %add3A_1341, %and3A_1344 : vector<16xi32>
        %swap3A_1346 = arith.index_cast %add3A_1290 : i32 to index
        %swap3A_1347 = arith.constant 16 : index
        %swap3A_1348 = tpu.vector_load %arg5[%swap3A_1346, %swap3A_1347] {strides = array<i32>} : memref<104x128xi32, #tpu.memory_space<vmem>>, vector<1x16xi32>,
        %swap3A_1349 = vector.shape_cast %swap3A_1348 : vector<1x16xi32> to vector<16xi32>
        %swap3A_1350 = vector.shape_cast %add3A_1345 : vector<16xi32> to vector<1x16xi32>
        tpu.vector_store %arg5[%swap3A_1346, %swap3A_1347], %swap3A_1350 {strides = array<i32>} : memref<104x128xi32, #tpu.memory_space<vmem>>, vector<1x16xi32>,
        %mul3A_1351 = arith.constant 128 : i32
        %mul3A_1352 = arith.muli %add3A_1290, %mul3A_1351 : i32
        %add3A_1353 = arith.addi %mul3A_4, %mul3A_1352 : i32
        %add3A_1354 = arith.constant 32 : i32
        %add3A_1355 = arith.addi %add3A_1353, %add3A_1354 : i32
        %add3A_1356 = vector.broadcast %add3A_1355 : i32 to vector<16xi32>
        %add3A_1357 = arith.addi %add3A_1356, %iota3A : vector<16xi32>
        %get3A_1358 = arith.index_cast %add3A_1290 : i32 to index
        %get3A_1359 = arith.constant 32 : index
        %get3A_1360 = tpu.vector_load %arg5[%get3A_1358, %get3A_1359] {strides = array<i32>} : memref<104x128xi32, #tpu.memory_space<vmem>>, vector<1x16xi32>,
        %get3A_1361 = vector.shape_cast %get3A_1360 : vector<1x16xi32> to vector<16xi32>
        %shift_right_arithmetic3A_1362 = arith.constant 15 : i32
        %shift_right_arithmetic3A_1363 = vector.broadcast %shift_right_arithmetic3A_1362 : i32 to vector<16xi32>
        %shift_right_arithmetic3A_1364 = arith.shrsi %add3A_1357, %shift_right_arithmetic3A_1363 : vector<16xi32>
        %mul3A_1365 = arith.constant 200000 : i32
        %mul3A_1366 = vector.broadcast %mul3A_1365 : i32 to vector<16xi32>
        %mul3A_1367 = arith.muli %shift_right_arithmetic3A_1364, %mul3A_1366 : vector<16xi32>
        %mul3A_1368 = arith.constant 2 : i32
        %mul3A_1369 = vector.broadcast %mul3A_1368 : i32 to vector<16xi32>
        %mul3A_1370 = arith.muli %mul3A_1369, %get3A_1361 : vector<16xi32>
        %add3A_1371 = arith.addi %mul3A_1367, %mul3A_1370 : vector<16xi32>
        %and3A_1372 = arith.constant 1 : i32
        %and3A_1373 = vector.broadcast %and3A_1372 : i32 to vector<16xi32>
        %and3A_1374 = arith.andi %add3A_1357, %and3A_1373 : vector<16xi32>
        %add3A_1375 = arith.addi %add3A_1371, %and3A_1374 : vector<16xi32>
        %swap3A_1376 = arith.index_cast %add3A_1290 : i32 to index
        %swap3A_1377 = arith.constant 32 : index
        %swap3A_1378 = tpu.vector_load %arg5[%swap3A_1376, %swap3A_1377] {strides = array<i32>} : memref<104x128xi32, #tpu.memory_space<vmem>>, vector<1x16xi32>,
        %swap3A_1379 = vector.shape_cast %swap3A_1378 : vector<1x16xi32> to vector<16xi32>
        %swap3A_1380 = vector.shape_cast %add3A_1375 : vector<16xi32> to vector<1x16xi32>
        tpu.vector_store %arg5[%swap3A_1376, %swap3A_1377], %swap3A_1380 {strides = array<i32>} : memref<104x128xi32, #tpu.memory_space<vmem>>, vector<1x16xi32>,
        %mul3A_1381 = arith.constant 128 : i32
        %mul3A_1382 = arith.muli %add3A_1290, %mul3A_1381 : i32
        %add3A_1383 = arith.addi %mul3A_4, %mul3A_1382 : i32
        %add3A_1384 = arith.constant 48 : i32
        %add3A_1385 = arith.addi %add3A_1383, %add3A_1384 : i32
        %add3A_1386 = vector.broadcast %add3A_1385 : i32 to vector<16xi32>
        %add3A_1387 = arith.addi %add3A_1386, %iota3A : vector<16xi32>
        %get3A_1388 = arith.index_cast %add3A_1290 : i32 to index
        %get3A_1389 = arith.constant 48 : index
        %get3A_1390 = tpu.vector_load %arg5[%get3A_1388, %get3A_1389] {strides = array<i32>} : memref<104x128xi32, #tpu.memory_space<vmem>>, vector<1x16xi32>,
        %get3A_1391 = vector.shape_cast %get3A_1390 : vector<1x16xi32> to vector<16xi32>
        %shift_right_arithmetic3A_1392 = arith.constant 15 : i32
        %shift_right_arithmetic3A_1393 = vector.broadcast %shift_right_arithmetic3A_1392 : i32 to vector<16xi32>
        %shift_right_arithmetic3A_1394 = arith.shrsi %add3A_1387, %shift_right_arithmetic3A_1393 : vector<16xi32>
        %mul3A_1395 = arith.constant 200000 : i32
        %mul3A_1396 = vector.broadcast %mul3A_1395 : i32 to vector<16xi32>
        %mul3A_1397 = arith.muli %shift_right_arithmetic3A_1394, %mul3A_1396 : vector<16xi32>
        %mul3A_1398 = arith.constant 2 : i32
        %mul3A_1399 = vector.broadcast %mul3A_1398 : i32 to vector<16xi32>
        %mul3A_1400 = arith.muli %mul3A_1399, %get3A_1391 : vector<16xi32>
        %add3A_1401 = arith.addi %mul3A_1397, %mul3A_1400 : vector<16xi32>
        %and3A_1402 = arith.constant 1 : i32
        %and3A_1403 = vector.broadcast %and3A_1402 : i32 to vector<16xi32>
        %and3A_1404 = arith.andi %add3A_1387, %and3A_1403 : vector<16xi32>
        %add3A_1405 = arith.addi %add3A_1401, %and3A_1404 : vector<16xi32>
        %swap3A_1406 = arith.index_cast %add3A_1290 : i32 to index
        %swap3A_1407 = arith.constant 48 : index
        %swap3A_1408 = tpu.vector_load %arg5[%swap3A_1406, %swap3A_1407] {strides = array<i32>} : memref<104x128xi32, #tpu.memory_space<vmem>>, vector<1x16xi32>,
        %swap3A_1409 = vector.shape_cast %swap3A_1408 : vector<1x16xi32> to vector<16xi32>
        %swap3A_1410 = vector.shape_cast %add3A_1405 : vector<16xi32> to vector<1x16xi32>
        tpu.vector_store %arg5[%swap3A_1406, %swap3A_1407], %swap3A_1410 {strides = array<i32>} : memref<104x128xi32, #tpu.memory_space<vmem>>, vector<1x16xi32>,
        %mul3A_1411 = arith.constant 128 : i32
        %mul3A_1412 = arith.muli %add3A_1290, %mul3A_1411 : i32
        %add3A_1413 = arith.addi %mul3A_4, %mul3A_1412 : i32
        %add3A_1414 = arith.constant 64 : i32
        %add3A_1415 = arith.addi %add3A_1413, %add3A_1414 : i32
        %add3A_1416 = vector.broadcast %add3A_1415 : i32 to vector<16xi32>
        %add3A_1417 = arith.addi %add3A_1416, %iota3A : vector<16xi32>
        %get3A_1418 = arith.index_cast %add3A_1290 : i32 to index
        %get3A_1419 = arith.constant 64 : index
        %get3A_1420 = tpu.vector_load %arg5[%get3A_1418, %get3A_1419] {strides = array<i32>} : memref<104x128xi32, #tpu.memory_space<vmem>>, vector<1x16xi32>,
        %get3A_1421 = vector.shape_cast %get3A_1420 : vector<1x16xi32> to vector<16xi32>
        %shift_right_arithmetic3A_1422 = arith.constant 15 : i32
        %shift_right_arithmetic3A_1423 = vector.broadcast %shift_right_arithmetic3A_1422 : i32 to vector<16xi32>
        %shift_right_arithmetic3A_1424 = arith.shrsi %add3A_1417, %shift_right_arithmetic3A_1423 : vector<16xi32>
        %mul3A_1425 = arith.constant 200000 : i32
        %mul3A_1426 = vector.broadcast %mul3A_1425 : i32 to vector<16xi32>
        %mul3A_1427 = arith.muli %shift_right_arithmetic3A_1424, %mul3A_1426 : vector<16xi32>
        %mul3A_1428 = arith.constant 2 : i32
        %mul3A_1429 = vector.broadcast %mul3A_1428 : i32 to vector<16xi32>
        %mul3A_1430 = arith.muli %mul3A_1429, %get3A_1421 : vector<16xi32>
        %add3A_1431 = arith.addi %mul3A_1427, %mul3A_1430 : vector<16xi32>
        %and3A_1432 = arith.constant 1 : i32
        %and3A_1433 = vector.broadcast %and3A_1432 : i32 to vector<16xi32>
        %and3A_1434 = arith.andi %add3A_1417, %and3A_1433 : vector<16xi32>
        %add3A_1435 = arith.addi %add3A_1431, %and3A_1434 : vector<16xi32>
        %swap3A_1436 = arith.index_cast %add3A_1290 : i32 to index
        %swap3A_1437 = arith.constant 64 : index
        %swap3A_1438 = tpu.vector_load %arg5[%swap3A_1436, %swap3A_1437] {strides = array<i32>} : memref<104x128xi32, #tpu.memory_space<vmem>>, vector<1x16xi32>,
        %swap3A_1439 = vector.shape_cast %swap3A_1438 : vector<1x16xi32> to vector<16xi32>
        %swap3A_1440 = vector.shape_cast %add3A_1435 : vector<16xi32> to vector<1x16xi32>
        tpu.vector_store %arg5[%swap3A_1436, %swap3A_1437], %swap3A_1440 {strides = array<i32>} : memref<104x128xi32, #tpu.memory_space<vmem>>, vector<1x16xi32>,
        %mul3A_1441 = arith.constant 128 : i32
        %mul3A_1442 = arith.muli %add3A_1290, %mul3A_1441 : i32
        %add3A_1443 = arith.addi %mul3A_4, %mul3A_1442 : i32
        %add3A_1444 = arith.constant 80 : i32
        %add3A_1445 = arith.addi %add3A_1443, %add3A_1444 : i32
        %add3A_1446 = vector.broadcast %add3A_1445 : i32 to vector<16xi32>
        %add3A_1447 = arith.addi %add3A_1446, %iota3A : vector<16xi32>
        %get3A_1448 = arith.index_cast %add3A_1290 : i32 to index
        %get3A_1449 = arith.constant 80 : index
        %get3A_1450 = tpu.vector_load %arg5[%get3A_1448, %get3A_1449] {strides = array<i32>} : memref<104x128xi32, #tpu.memory_space<vmem>>, vector<1x16xi32>,
        %get3A_1451 = vector.shape_cast %get3A_1450 : vector<1x16xi32> to vector<16xi32>
        %shift_right_arithmetic3A_1452 = arith.constant 15 : i32
        %shift_right_arithmetic3A_1453 = vector.broadcast %shift_right_arithmetic3A_1452 : i32 to vector<16xi32>
        %shift_right_arithmetic3A_1454 = arith.shrsi %add3A_1447, %shift_right_arithmetic3A_1453 : vector<16xi32>
        %mul3A_1455 = arith.constant 200000 : i32
        %mul3A_1456 = vector.broadcast %mul3A_1455 : i32 to vector<16xi32>
        %mul3A_1457 = arith.muli %shift_right_arithmetic3A_1454, %mul3A_1456 : vector<16xi32>
        %mul3A_1458 = arith.constant 2 : i32
        %mul3A_1459 = vector.broadcast %mul3A_1458 : i32 to vector<16xi32>
        %mul3A_1460 = arith.muli %mul3A_1459, %get3A_1451 : vector<16xi32>
        %add3A_1461 = arith.addi %mul3A_1457, %mul3A_1460 : vector<16xi32>
        %and3A_1462 = arith.constant 1 : i32
        %and3A_1463 = vector.broadcast %and3A_1462 : i32 to vector<16xi32>
        %and3A_1464 = arith.andi %add3A_1447, %and3A_1463 : vector<16xi32>
        %add3A_1465 = arith.addi %add3A_1461, %and3A_1464 : vector<16xi32>
        %swap3A_1466 = arith.index_cast %add3A_1290 : i32 to index
        %swap3A_1467 = arith.constant 80 : index
        %swap3A_1468 = tpu.vector_load %arg5[%swap3A_1466, %swap3A_1467] {strides = array<i32>} : memref<104x128xi32, #tpu.memory_space<vmem>>, vector<1x16xi32>,
        %swap3A_1469 = vector.shape_cast %swap3A_1468 : vector<1x16xi32> to vector<16xi32>
        %swap3A_1470 = vector.shape_cast %add3A_1465 : vector<16xi32> to vector<1x16xi32>
        tpu.vector_store %arg5[%swap3A_1466, %swap3A_1467], %swap3A_1470 {strides = array<i32>} : memref<104x128xi32, #tpu.memory_space<vmem>>, vector<1x16xi32>,
        %mul3A_1471 = arith.constant 128 : i32
        %mul3A_1472 = arith.muli %add3A_1290, %mul3A_1471 : i32
        %add3A_1473 = arith.addi %mul3A_4, %mul3A_1472 : i32
        %add3A_1474 = arith.constant 96 : i32
        %add3A_1475 = arith.addi %add3A_1473, %add3A_1474 : i32
        %add3A_1476 = vector.broadcast %add3A_1475 : i32 to vector<16xi32>
        %add3A_1477 = arith.addi %add3A_1476, %iota3A : vector<16xi32>
        %get3A_1478 = arith.index_cast %add3A_1290 : i32 to index
        %get3A_1479 = arith.constant 96 : index
        %get3A_1480 = tpu.vector_load %arg5[%get3A_1478, %get3A_1479] {strides = array<i32>} : memref<104x128xi32, #tpu.memory_space<vmem>>, vector<1x16xi32>,
        %get3A_1481 = vector.shape_cast %get3A_1480 : vector<1x16xi32> to vector<16xi32>
        %shift_right_arithmetic3A_1482 = arith.constant 15 : i32
        %shift_right_arithmetic3A_1483 = vector.broadcast %shift_right_arithmetic3A_1482 : i32 to vector<16xi32>
        %shift_right_arithmetic3A_1484 = arith.shrsi %add3A_1477, %shift_right_arithmetic3A_1483 : vector<16xi32>
        %mul3A_1485 = arith.constant 200000 : i32
        %mul3A_1486 = vector.broadcast %mul3A_1485 : i32 to vector<16xi32>
        %mul3A_1487 = arith.muli %shift_right_arithmetic3A_1484, %mul3A_1486 : vector<16xi32>
        %mul3A_1488 = arith.constant 2 : i32
        %mul3A_1489 = vector.broadcast %mul3A_1488 : i32 to vector<16xi32>
        %mul3A_1490 = arith.muli %mul3A_1489, %get3A_1481 : vector<16xi32>
        %add3A_1491 = arith.addi %mul3A_1487, %mul3A_1490 : vector<16xi32>
        %and3A_1492 = arith.constant 1 : i32
        %and3A_1493 = vector.broadcast %and3A_1492 : i32 to vector<16xi32>
        %and3A_1494 = arith.andi %add3A_1477, %and3A_1493 : vector<16xi32>
        %add3A_1495 = arith.addi %add3A_1491, %and3A_1494 : vector<16xi32>
        %swap3A_1496 = arith.index_cast %add3A_1290 : i32 to index
        %swap3A_1497 = arith.constant 96 : index
        %swap3A_1498 = tpu.vector_load %arg5[%swap3A_1496, %swap3A_1497] {strides = array<i32>} : memref<104x128xi32, #tpu.memory_space<vmem>>, vector<1x16xi32>,
        %swap3A_1499 = vector.shape_cast %swap3A_1498 : vector<1x16xi32> to vector<16xi32>
        %swap3A_1500 = vector.shape_cast %add3A_1495 : vector<16xi32> to vector<1x16xi32>
        tpu.vector_store %arg5[%swap3A_1496, %swap3A_1497], %swap3A_1500 {strides = array<i32>} : memref<104x128xi32, #tpu.memory_space<vmem>>, vector<1x16xi32>,
        %mul3A_1501 = arith.constant 128 : i32
        %mul3A_1502 = arith.muli %add3A_1290, %mul3A_1501 : i32
        %add3A_1503 = arith.addi %mul3A_4, %mul3A_1502 : i32
        %add3A_1504 = arith.constant 112 : i32
        %add3A_1505 = arith.addi %add3A_1503, %add3A_1504 : i32
        %add3A_1506 = vector.broadcast %add3A_1505 : i32 to vector<16xi32>
        %add3A_1507 = arith.addi %add3A_1506, %iota3A : vector<16xi32>
        %get3A_1508 = arith.index_cast %add3A_1290 : i32 to index
        %get3A_1509 = arith.constant 112 : index
        %get3A_1510 = tpu.vector_load %arg5[%get3A_1508, %get3A_1509] {strides = array<i32>} : memref<104x128xi32, #tpu.memory_space<vmem>>, vector<1x16xi32>,
        %get3A_1511 = vector.shape_cast %get3A_1510 : vector<1x16xi32> to vector<16xi32>
        %shift_right_arithmetic3A_1512 = arith.constant 15 : i32
        %shift_right_arithmetic3A_1513 = vector.broadcast %shift_right_arithmetic3A_1512 : i32 to vector<16xi32>
        %shift_right_arithmetic3A_1514 = arith.shrsi %add3A_1507, %shift_right_arithmetic3A_1513 : vector<16xi32>
        %mul3A_1515 = arith.constant 200000 : i32
        %mul3A_1516 = vector.broadcast %mul3A_1515 : i32 to vector<16xi32>
        %mul3A_1517 = arith.muli %shift_right_arithmetic3A_1514, %mul3A_1516 : vector<16xi32>
        %mul3A_1518 = arith.constant 2 : i32
        %mul3A_1519 = vector.broadcast %mul3A_1518 : i32 to vector<16xi32>
        %mul3A_1520 = arith.muli %mul3A_1519, %get3A_1511 : vector<16xi32>
        %add3A_1521 = arith.addi %mul3A_1517, %mul3A_1520 : vector<16xi32>
        %and3A_1522 = arith.constant 1 : i32
        %and3A_1523 = vector.broadcast %and3A_1522 : i32 to vector<16xi32>
        %and3A_1524 = arith.andi %add3A_1507, %and3A_1523 : vector<16xi32>
        %add3A_1525 = arith.addi %add3A_1521, %and3A_1524 : vector<16xi32>
        %swap3A_1526 = arith.index_cast %add3A_1290 : i32 to index
        %swap3A_1527 = arith.constant 112 : index
        %swap3A_1528 = tpu.vector_load %arg5[%swap3A_1526, %swap3A_1527] {strides = array<i32>} : memref<104x128xi32, #tpu.memory_space<vmem>>, vector<1x16xi32>,
        %swap3A_1529 = vector.shape_cast %swap3A_1528 : vector<1x16xi32> to vector<16xi32>
        %swap3A_1530 = vector.shape_cast %add3A_1525 : vector<16xi32> to vector<1x16xi32>
        tpu.vector_store %arg5[%swap3A_1526, %swap3A_1527], %swap3A_1530 {strides = array<i32>} : memref<104x128xi32, #tpu.memory_space<vmem>>, vector<1x16xi32>,
        %dma_start3A_1531 = arith.constant 2 : i32
        %dma_start3A_1532 = arith.constant 0 : i32
        %dma_start3A_1533 = arith.constant 0 : i32
        %dma_start3A_1534 = tpu.memref_slice %arg6[%dma_start3A_1531, %dma_start3A_1532, %dma_start3A_1533] : memref<4x256x64xf32, #tpu.memory_space<vmem>> -> memref<1x128x64xf32, #tpu.memory_space<vmem>>
        %dma_start3A_1535 = tpu.memref_squeeze %dma_start3A_1534 : memref<1x128x64xf32, #tpu.memory_space<vmem>> -> memref<128x64xf32, #tpu.memory_space<vmem>>
        %dma_start3A_1536 = arith.constant 0 : i32
        %dma_start3A_1537 = tpu.memref_slice %arg5[%add3A_1290, %dma_start3A_1536] : memref<104x128xi32, #tpu.memory_space<vmem>> -> memref<1x128xi32, #tpu.memory_space<vmem>>
        %dma_start3A_1538 = tpu.memref_squeeze %dma_start3A_1537 : memref<1x128xi32, #tpu.memory_space<vmem>> -> memref<128xi32, #tpu.memory_space<vmem>>
        %dma_start3A_1539 = arith.constant 0 : i32
        %dma_start3A_1540 = arith.constant 0 : i32
        %dma_start3A_1541 = tpu.memref_slice %arg3[%dma_start3A_1539, %dma_start3A_1540] : memref<2600000x64xf32, #tpu.memory_space<hbm>> -> memref<2600000x64xf32, #tpu.memory_space<hbm>>
        tpu.enqueue_indirect_dma source(%dma_start3A_1541 : memref<2600000x64xf32, #tpu.memory_space<hbm>>) target(%dma_start3A_1535 : memref<128x64xf32, #tpu.memory_space<vmem>>) offsets(%dma_start3A_1538 : memref<128xi32, #tpu.memory_space<vmem>>) semaphore(%arg9 : memref<!tpu.dma_semaphore, #tpu.memory_space<semaphore_mem>>)
        %mul3A_1542 = arith.constant 2 : i32
        %mul3A_1543 = arith.muli %add3A_1286, %mul3A_1542 : i32
        %add3A_1544 = arith.constant 1 : i32
        %add3A_1545 = arith.addi %mul3A_1543, %add3A_1544 : i32
        %mul3A_1546 = arith.constant 128 : i32
        %mul3A_1547 = arith.muli %add3A_1545, %mul3A_1546 : i32
        %add3A_1548 = arith.addi %mul3A_4, %mul3A_1547 : i32
        %add3A_1549 = arith.constant 0 : i32
        %add3A_1550 = arith.addi %add3A_1548, %add3A_1549 : i32
        %add3A_1551 = vector.broadcast %add3A_1550 : i32 to vector<16xi32>
        %add3A_1552 = arith.addi %add3A_1551, %iota3A : vector<16xi32>
        %get3A_1553 = arith.index_cast %add3A_1545 : i32 to index
        %get3A_1554 = arith.constant 0 : index
        %get3A_1555 = tpu.vector_load %arg5[%get3A_1553, %get3A_1554] {strides = array<i32>} : memref<104x128xi32, #tpu.memory_space<vmem>>, vector<1x16xi32>,
        %get3A_1556 = vector.shape_cast %get3A_1555 : vector<1x16xi32> to vector<16xi32>
        %shift_right_arithmetic3A_1557 = arith.constant 15 : i32
        %shift_right_arithmetic3A_1558 = vector.broadcast %shift_right_arithmetic3A_1557 : i32 to vector<16xi32>
        %shift_right_arithmetic3A_1559 = arith.shrsi %add3A_1552, %shift_right_arithmetic3A_1558 : vector<16xi32>
        %mul3A_1560 = arith.constant 200000 : i32
        %mul3A_1561 = vector.broadcast %mul3A_1560 : i32 to vector<16xi32>
        %mul3A_1562 = arith.muli %shift_right_arithmetic3A_1559, %mul3A_1561 : vector<16xi32>
        %mul3A_1563 = arith.constant 2 : i32
        %mul3A_1564 = vector.broadcast %mul3A_1563 : i32 to vector<16xi32>
        %mul3A_1565 = arith.muli %mul3A_1564, %get3A_1556 : vector<16xi32>
        %add3A_1566 = arith.addi %mul3A_1562, %mul3A_1565 : vector<16xi32>
        %and3A_1567 = arith.constant 1 : i32
        %and3A_1568 = vector.broadcast %and3A_1567 : i32 to vector<16xi32>
        %and3A_1569 = arith.andi %add3A_1552, %and3A_1568 : vector<16xi32>
        %add3A_1570 = arith.addi %add3A_1566, %and3A_1569 : vector<16xi32>
        %swap3A_1571 = arith.index_cast %add3A_1545 : i32 to index
        %swap3A_1572 = arith.constant 0 : index
        %swap3A_1573 = tpu.vector_load %arg5[%swap3A_1571, %swap3A_1572] {strides = array<i32>} : memref<104x128xi32, #tpu.memory_space<vmem>>, vector<1x16xi32>,
        %swap3A_1574 = vector.shape_cast %swap3A_1573 : vector<1x16xi32> to vector<16xi32>
        %swap3A_1575 = vector.shape_cast %add3A_1570 : vector<16xi32> to vector<1x16xi32>
        tpu.vector_store %arg5[%swap3A_1571, %swap3A_1572], %swap3A_1575 {strides = array<i32>} : memref<104x128xi32, #tpu.memory_space<vmem>>, vector<1x16xi32>,
        %mul3A_1576 = arith.constant 128 : i32
        %mul3A_1577 = arith.muli %add3A_1545, %mul3A_1576 : i32
        %add3A_1578 = arith.addi %mul3A_4, %mul3A_1577 : i32
        %add3A_1579 = arith.constant 16 : i32
        %add3A_1580 = arith.addi %add3A_1578, %add3A_1579 : i32
        %add3A_1581 = vector.broadcast %add3A_1580 : i32 to vector<16xi32>
        %add3A_1582 = arith.addi %add3A_1581, %iota3A : vector<16xi32>
        %get3A_1583 = arith.index_cast %add3A_1545 : i32 to index
        %get3A_1584 = arith.constant 16 : index
        %get3A_1585 = tpu.vector_load %arg5[%get3A_1583, %get3A_1584] {strides = array<i32>} : memref<104x128xi32, #tpu.memory_space<vmem>>, vector<1x16xi32>,
        %get3A_1586 = vector.shape_cast %get3A_1585 : vector<1x16xi32> to vector<16xi32>
        %shift_right_arithmetic3A_1587 = arith.constant 15 : i32
        %shift_right_arithmetic3A_1588 = vector.broadcast %shift_right_arithmetic3A_1587 : i32 to vector<16xi32>
        %shift_right_arithmetic3A_1589 = arith.shrsi %add3A_1582, %shift_right_arithmetic3A_1588 : vector<16xi32>
        %mul3A_1590 = arith.constant 200000 : i32
        %mul3A_1591 = vector.broadcast %mul3A_1590 : i32 to vector<16xi32>
        %mul3A_1592 = arith.muli %shift_right_arithmetic3A_1589, %mul3A_1591 : vector<16xi32>
        %mul3A_1593 = arith.constant 2 : i32
        %mul3A_1594 = vector.broadcast %mul3A_1593 : i32 to vector<16xi32>
        %mul3A_1595 = arith.muli %mul3A_1594, %get3A_1586 : vector<16xi32>
        %add3A_1596 = arith.addi %mul3A_1592, %mul3A_1595 : vector<16xi32>
        %and3A_1597 = arith.constant 1 : i32
        %and3A_1598 = vector.broadcast %and3A_1597 : i32 to vector<16xi32>
        %and3A_1599 = arith.andi %add3A_1582, %and3A_1598 : vector<16xi32>
        %add3A_1600 = arith.addi %add3A_1596, %and3A_1599 : vector<16xi32>
        %swap3A_1601 = arith.index_cast %add3A_1545 : i32 to index
        %swap3A_1602 = arith.constant 16 : index
        %swap3A_1603 = tpu.vector_load %arg5[%swap3A_1601, %swap3A_1602] {strides = array<i32>} : memref<104x128xi32, #tpu.memory_space<vmem>>, vector<1x16xi32>,
        %swap3A_1604 = vector.shape_cast %swap3A_1603 : vector<1x16xi32> to vector<16xi32>
        %swap3A_1605 = vector.shape_cast %add3A_1600 : vector<16xi32> to vector<1x16xi32>
        tpu.vector_store %arg5[%swap3A_1601, %swap3A_1602], %swap3A_1605 {strides = array<i32>} : memref<104x128xi32, #tpu.memory_space<vmem>>, vector<1x16xi32>,
        %mul3A_1606 = arith.constant 128 : i32
        %mul3A_1607 = arith.muli %add3A_1545, %mul3A_1606 : i32
        %add3A_1608 = arith.addi %mul3A_4, %mul3A_1607 : i32
        %add3A_1609 = arith.constant 32 : i32
        %add3A_1610 = arith.addi %add3A_1608, %add3A_1609 : i32
        %add3A_1611 = vector.broadcast %add3A_1610 : i32 to vector<16xi32>
        %add3A_1612 = arith.addi %add3A_1611, %iota3A : vector<16xi32>
        %get3A_1613 = arith.index_cast %add3A_1545 : i32 to index
        %get3A_1614 = arith.constant 32 : index
        %get3A_1615 = tpu.vector_load %arg5[%get3A_1613, %get3A_1614] {strides = array<i32>} : memref<104x128xi32, #tpu.memory_space<vmem>>, vector<1x16xi32>,
        %get3A_1616 = vector.shape_cast %get3A_1615 : vector<1x16xi32> to vector<16xi32>
        %shift_right_arithmetic3A_1617 = arith.constant 15 : i32
        %shift_right_arithmetic3A_1618 = vector.broadcast %shift_right_arithmetic3A_1617 : i32 to vector<16xi32>
        %shift_right_arithmetic3A_1619 = arith.shrsi %add3A_1612, %shift_right_arithmetic3A_1618 : vector<16xi32>
        %mul3A_1620 = arith.constant 200000 : i32
        %mul3A_1621 = vector.broadcast %mul3A_1620 : i32 to vector<16xi32>
        %mul3A_1622 = arith.muli %shift_right_arithmetic3A_1619, %mul3A_1621 : vector<16xi32>
        %mul3A_1623 = arith.constant 2 : i32
        %mul3A_1624 = vector.broadcast %mul3A_1623 : i32 to vector<16xi32>
        %mul3A_1625 = arith.muli %mul3A_1624, %get3A_1616 : vector<16xi32>
        %add3A_1626 = arith.addi %mul3A_1622, %mul3A_1625 : vector<16xi32>
        %and3A_1627 = arith.constant 1 : i32
        %and3A_1628 = vector.broadcast %and3A_1627 : i32 to vector<16xi32>
        %and3A_1629 = arith.andi %add3A_1612, %and3A_1628 : vector<16xi32>
        %add3A_1630 = arith.addi %add3A_1626, %and3A_1629 : vector<16xi32>
        %swap3A_1631 = arith.index_cast %add3A_1545 : i32 to index
        %swap3A_1632 = arith.constant 32 : index
        %swap3A_1633 = tpu.vector_load %arg5[%swap3A_1631, %swap3A_1632] {strides = array<i32>} : memref<104x128xi32, #tpu.memory_space<vmem>>, vector<1x16xi32>,
        %swap3A_1634 = vector.shape_cast %swap3A_1633 : vector<1x16xi32> to vector<16xi32>
        %swap3A_1635 = vector.shape_cast %add3A_1630 : vector<16xi32> to vector<1x16xi32>
        tpu.vector_store %arg5[%swap3A_1631, %swap3A_1632], %swap3A_1635 {strides = array<i32>} : memref<104x128xi32, #tpu.memory_space<vmem>>, vector<1x16xi32>,
        %mul3A_1636 = arith.constant 128 : i32
        %mul3A_1637 = arith.muli %add3A_1545, %mul3A_1636 : i32
        %add3A_1638 = arith.addi %mul3A_4, %mul3A_1637 : i32
        %add3A_1639 = arith.constant 48 : i32
        %add3A_1640 = arith.addi %add3A_1638, %add3A_1639 : i32
        %add3A_1641 = vector.broadcast %add3A_1640 : i32 to vector<16xi32>
        %add3A_1642 = arith.addi %add3A_1641, %iota3A : vector<16xi32>
        %get3A_1643 = arith.index_cast %add3A_1545 : i32 to index
        %get3A_1644 = arith.constant 48 : index
        %get3A_1645 = tpu.vector_load %arg5[%get3A_1643, %get3A_1644] {strides = array<i32>} : memref<104x128xi32, #tpu.memory_space<vmem>>, vector<1x16xi32>,
        %get3A_1646 = vector.shape_cast %get3A_1645 : vector<1x16xi32> to vector<16xi32>
        %shift_right_arithmetic3A_1647 = arith.constant 15 : i32
        %shift_right_arithmetic3A_1648 = vector.broadcast %shift_right_arithmetic3A_1647 : i32 to vector<16xi32>
        %shift_right_arithmetic3A_1649 = arith.shrsi %add3A_1642, %shift_right_arithmetic3A_1648 : vector<16xi32>
        %mul3A_1650 = arith.constant 200000 : i32
        %mul3A_1651 = vector.broadcast %mul3A_1650 : i32 to vector<16xi32>
        %mul3A_1652 = arith.muli %shift_right_arithmetic3A_1649, %mul3A_1651 : vector<16xi32>
        %mul3A_1653 = arith.constant 2 : i32
        %mul3A_1654 = vector.broadcast %mul3A_1653 : i32 to vector<16xi32>
        %mul3A_1655 = arith.muli %mul3A_1654, %get3A_1646 : vector<16xi32>
        %add3A_1656 = arith.addi %mul3A_1652, %mul3A_1655 : vector<16xi32>
        %and3A_1657 = arith.constant 1 : i32
        %and3A_1658 = vector.broadcast %and3A_1657 : i32 to vector<16xi32>
        %and3A_1659 = arith.andi %add3A_1642, %and3A_1658 : vector<16xi32>
        %add3A_1660 = arith.addi %add3A_1656, %and3A_1659 : vector<16xi32>
        %swap3A_1661 = arith.index_cast %add3A_1545 : i32 to index
        %swap3A_1662 = arith.constant 48 : index
        %swap3A_1663 = tpu.vector_load %arg5[%swap3A_1661, %swap3A_1662] {strides = array<i32>} : memref<104x128xi32, #tpu.memory_space<vmem>>, vector<1x16xi32>,
        %swap3A_1664 = vector.shape_cast %swap3A_1663 : vector<1x16xi32> to vector<16xi32>
        %swap3A_1665 = vector.shape_cast %add3A_1660 : vector<16xi32> to vector<1x16xi32>
        tpu.vector_store %arg5[%swap3A_1661, %swap3A_1662], %swap3A_1665 {strides = array<i32>} : memref<104x128xi32, #tpu.memory_space<vmem>>, vector<1x16xi32>,
        %mul3A_1666 = arith.constant 128 : i32
        %mul3A_1667 = arith.muli %add3A_1545, %mul3A_1666 : i32
        %add3A_1668 = arith.addi %mul3A_4, %mul3A_1667 : i32
        %add3A_1669 = arith.constant 64 : i32
        %add3A_1670 = arith.addi %add3A_1668, %add3A_1669 : i32
        %add3A_1671 = vector.broadcast %add3A_1670 : i32 to vector<16xi32>
        %add3A_1672 = arith.addi %add3A_1671, %iota3A : vector<16xi32>
        %get3A_1673 = arith.index_cast %add3A_1545 : i32 to index
        %get3A_1674 = arith.constant 64 : index
        %get3A_1675 = tpu.vector_load %arg5[%get3A_1673, %get3A_1674] {strides = array<i32>} : memref<104x128xi32, #tpu.memory_space<vmem>>, vector<1x16xi32>,
        %get3A_1676 = vector.shape_cast %get3A_1675 : vector<1x16xi32> to vector<16xi32>
        %shift_right_arithmetic3A_1677 = arith.constant 15 : i32
        %shift_right_arithmetic3A_1678 = vector.broadcast %shift_right_arithmetic3A_1677 : i32 to vector<16xi32>
        %shift_right_arithmetic3A_1679 = arith.shrsi %add3A_1672, %shift_right_arithmetic3A_1678 : vector<16xi32>
        %mul3A_1680 = arith.constant 200000 : i32
        %mul3A_1681 = vector.broadcast %mul3A_1680 : i32 to vector<16xi32>
        %mul3A_1682 = arith.muli %shift_right_arithmetic3A_1679, %mul3A_1681 : vector<16xi32>
        %mul3A_1683 = arith.constant 2 : i32
        %mul3A_1684 = vector.broadcast %mul3A_1683 : i32 to vector<16xi32>
        %mul3A_1685 = arith.muli %mul3A_1684, %get3A_1676 : vector<16xi32>
        %add3A_1686 = arith.addi %mul3A_1682, %mul3A_1685 : vector<16xi32>
        %and3A_1687 = arith.constant 1 : i32
        %and3A_1688 = vector.broadcast %and3A_1687 : i32 to vector<16xi32>
        %and3A_1689 = arith.andi %add3A_1672, %and3A_1688 : vector<16xi32>
        %add3A_1690 = arith.addi %add3A_1686, %and3A_1689 : vector<16xi32>
        %swap3A_1691 = arith.index_cast %add3A_1545 : i32 to index
        %swap3A_1692 = arith.constant 64 : index
        %swap3A_1693 = tpu.vector_load %arg5[%swap3A_1691, %swap3A_1692] {strides = array<i32>} : memref<104x128xi32, #tpu.memory_space<vmem>>, vector<1x16xi32>,
        %swap3A_1694 = vector.shape_cast %swap3A_1693 : vector<1x16xi32> to vector<16xi32>
        %swap3A_1695 = vector.shape_cast %add3A_1690 : vector<16xi32> to vector<1x16xi32>
        tpu.vector_store %arg5[%swap3A_1691, %swap3A_1692], %swap3A_1695 {strides = array<i32>} : memref<104x128xi32, #tpu.memory_space<vmem>>, vector<1x16xi32>,
        %mul3A_1696 = arith.constant 128 : i32
        %mul3A_1697 = arith.muli %add3A_1545, %mul3A_1696 : i32
        %add3A_1698 = arith.addi %mul3A_4, %mul3A_1697 : i32
        %add3A_1699 = arith.constant 80 : i32
        %add3A_1700 = arith.addi %add3A_1698, %add3A_1699 : i32
        %add3A_1701 = vector.broadcast %add3A_1700 : i32 to vector<16xi32>
        %add3A_1702 = arith.addi %add3A_1701, %iota3A : vector<16xi32>
        %get3A_1703 = arith.index_cast %add3A_1545 : i32 to index
        %get3A_1704 = arith.constant 80 : index
        %get3A_1705 = tpu.vector_load %arg5[%get3A_1703, %get3A_1704] {strides = array<i32>} : memref<104x128xi32, #tpu.memory_space<vmem>>, vector<1x16xi32>,
        %get3A_1706 = vector.shape_cast %get3A_1705 : vector<1x16xi32> to vector<16xi32>
        %shift_right_arithmetic3A_1707 = arith.constant 15 : i32
        %shift_right_arithmetic3A_1708 = vector.broadcast %shift_right_arithmetic3A_1707 : i32 to vector<16xi32>
        %shift_right_arithmetic3A_1709 = arith.shrsi %add3A_1702, %shift_right_arithmetic3A_1708 : vector<16xi32>
        %mul3A_1710 = arith.constant 200000 : i32
        %mul3A_1711 = vector.broadcast %mul3A_1710 : i32 to vector<16xi32>
        %mul3A_1712 = arith.muli %shift_right_arithmetic3A_1709, %mul3A_1711 : vector<16xi32>
        %mul3A_1713 = arith.constant 2 : i32
        %mul3A_1714 = vector.broadcast %mul3A_1713 : i32 to vector<16xi32>
        %mul3A_1715 = arith.muli %mul3A_1714, %get3A_1706 : vector<16xi32>
        %add3A_1716 = arith.addi %mul3A_1712, %mul3A_1715 : vector<16xi32>
        %and3A_1717 = arith.constant 1 : i32
        %and3A_1718 = vector.broadcast %and3A_1717 : i32 to vector<16xi32>
        %and3A_1719 = arith.andi %add3A_1702, %and3A_1718 : vector<16xi32>
        %add3A_1720 = arith.addi %add3A_1716, %and3A_1719 : vector<16xi32>
        %swap3A_1721 = arith.index_cast %add3A_1545 : i32 to index
        %swap3A_1722 = arith.constant 80 : index
        %swap3A_1723 = tpu.vector_load %arg5[%swap3A_1721, %swap3A_1722] {strides = array<i32>} : memref<104x128xi32, #tpu.memory_space<vmem>>, vector<1x16xi32>,
        %swap3A_1724 = vector.shape_cast %swap3A_1723 : vector<1x16xi32> to vector<16xi32>
        %swap3A_1725 = vector.shape_cast %add3A_1720 : vector<16xi32> to vector<1x16xi32>
        tpu.vector_store %arg5[%swap3A_1721, %swap3A_1722], %swap3A_1725 {strides = array<i32>} : memref<104x128xi32, #tpu.memory_space<vmem>>, vector<1x16xi32>,
        %mul3A_1726 = arith.constant 128 : i32
        %mul3A_1727 = arith.muli %add3A_1545, %mul3A_1726 : i32
        %add3A_1728 = arith.addi %mul3A_4, %mul3A_1727 : i32
        %add3A_1729 = arith.constant 96 : i32
        %add3A_1730 = arith.addi %add3A_1728, %add3A_1729 : i32
        %add3A_1731 = vector.broadcast %add3A_1730 : i32 to vector<16xi32>
        %add3A_1732 = arith.addi %add3A_1731, %iota3A : vector<16xi32>
        %get3A_1733 = arith.index_cast %add3A_1545 : i32 to index
        %get3A_1734 = arith.constant 96 : index
        %get3A_1735 = tpu.vector_load %arg5[%get3A_1733, %get3A_1734] {strides = array<i32>} : memref<104x128xi32, #tpu.memory_space<vmem>>, vector<1x16xi32>,
        %get3A_1736 = vector.shape_cast %get3A_1735 : vector<1x16xi32> to vector<16xi32>
        %shift_right_arithmetic3A_1737 = arith.constant 15 : i32
        %shift_right_arithmetic3A_1738 = vector.broadcast %shift_right_arithmetic3A_1737 : i32 to vector<16xi32>
        %shift_right_arithmetic3A_1739 = arith.shrsi %add3A_1732, %shift_right_arithmetic3A_1738 : vector<16xi32>
        %mul3A_1740 = arith.constant 200000 : i32
        %mul3A_1741 = vector.broadcast %mul3A_1740 : i32 to vector<16xi32>
        %mul3A_1742 = arith.muli %shift_right_arithmetic3A_1739, %mul3A_1741 : vector<16xi32>
        %mul3A_1743 = arith.constant 2 : i32
        %mul3A_1744 = vector.broadcast %mul3A_1743 : i32 to vector<16xi32>
        %mul3A_1745 = arith.muli %mul3A_1744, %get3A_1736 : vector<16xi32>
        %add3A_1746 = arith.addi %mul3A_1742, %mul3A_1745 : vector<16xi32>
        %and3A_1747 = arith.constant 1 : i32
        %and3A_1748 = vector.broadcast %and3A_1747 : i32 to vector<16xi32>
        %and3A_1749 = arith.andi %add3A_1732, %and3A_1748 : vector<16xi32>
        %add3A_1750 = arith.addi %add3A_1746, %and3A_1749 : vector<16xi32>
        %swap3A_1751 = arith.index_cast %add3A_1545 : i32 to index
        %swap3A_1752 = arith.constant 96 : index
        %swap3A_1753 = tpu.vector_load %arg5[%swap3A_1751, %swap3A_1752] {strides = array<i32>} : memref<104x128xi32, #tpu.memory_space<vmem>>, vector<1x16xi32>,
        %swap3A_1754 = vector.shape_cast %swap3A_1753 : vector<1x16xi32> to vector<16xi32>
        %swap3A_1755 = vector.shape_cast %add3A_1750 : vector<16xi32> to vector<1x16xi32>
        tpu.vector_store %arg5[%swap3A_1751, %swap3A_1752], %swap3A_1755 {strides = array<i32>} : memref<104x128xi32, #tpu.memory_space<vmem>>, vector<1x16xi32>,
        %mul3A_1756 = arith.constant 128 : i32
        %mul3A_1757 = arith.muli %add3A_1545, %mul3A_1756 : i32
        %add3A_1758 = arith.addi %mul3A_4, %mul3A_1757 : i32
        %add3A_1759 = arith.constant 112 : i32
        %add3A_1760 = arith.addi %add3A_1758, %add3A_1759 : i32
        %add3A_1761 = vector.broadcast %add3A_1760 : i32 to vector<16xi32>
        %add3A_1762 = arith.addi %add3A_1761, %iota3A : vector<16xi32>
        %get3A_1763 = arith.index_cast %add3A_1545 : i32 to index
        %get3A_1764 = arith.constant 112 : index
        %get3A_1765 = tpu.vector_load %arg5[%get3A_1763, %get3A_1764] {strides = array<i32>} : memref<104x128xi32, #tpu.memory_space<vmem>>, vector<1x16xi32>,
        %get3A_1766 = vector.shape_cast %get3A_1765 : vector<1x16xi32> to vector<16xi32>
        %shift_right_arithmetic3A_1767 = arith.constant 15 : i32
        %shift_right_arithmetic3A_1768 = vector.broadcast %shift_right_arithmetic3A_1767 : i32 to vector<16xi32>
        %shift_right_arithmetic3A_1769 = arith.shrsi %add3A_1762, %shift_right_arithmetic3A_1768 : vector<16xi32>
        %mul3A_1770 = arith.constant 200000 : i32
        %mul3A_1771 = vector.broadcast %mul3A_1770 : i32 to vector<16xi32>
        %mul3A_1772 = arith.muli %shift_right_arithmetic3A_1769, %mul3A_1771 : vector<16xi32>
        %mul3A_1773 = arith.constant 2 : i32
        %mul3A_1774 = vector.broadcast %mul3A_1773 : i32 to vector<16xi32>
        %mul3A_1775 = arith.muli %mul3A_1774, %get3A_1766 : vector<16xi32>
        %add3A_1776 = arith.addi %mul3A_1772, %mul3A_1775 : vector<16xi32>
        %and3A_1777 = arith.constant 1 : i32
        %and3A_1778 = vector.broadcast %and3A_1777 : i32 to vector<16xi32>
        %and3A_1779 = arith.andi %add3A_1762, %and3A_1778 : vector<16xi32>
        %add3A_1780 = arith.addi %add3A_1776, %and3A_1779 : vector<16xi32>
        %swap3A_1781 = arith.index_cast %add3A_1545 : i32 to index
        %swap3A_1782 = arith.constant 112 : index
        %swap3A_1783 = tpu.vector_load %arg5[%swap3A_1781, %swap3A_1782] {strides = array<i32>} : memref<104x128xi32, #tpu.memory_space<vmem>>, vector<1x16xi32>,
        %swap3A_1784 = vector.shape_cast %swap3A_1783 : vector<1x16xi32> to vector<16xi32>
        %swap3A_1785 = vector.shape_cast %add3A_1780 : vector<16xi32> to vector<1x16xi32>
        tpu.vector_store %arg5[%swap3A_1781, %swap3A_1782], %swap3A_1785 {strides = array<i32>} : memref<104x128xi32, #tpu.memory_space<vmem>>, vector<1x16xi32>,
        %dma_start3A_1786 = arith.constant 2 : i32
        %dma_start3A_1787 = arith.constant 128 : i32
        %dma_start3A_1788 = arith.constant 0 : i32
        %dma_start3A_1789 = tpu.memref_slice %arg6[%dma_start3A_1786, %dma_start3A_1787, %dma_start3A_1788] : memref<4x256x64xf32, #tpu.memory_space<vmem>> -> memref<1x128x64xf32, #tpu.memory_space<vmem>>
        %dma_start3A_1790 = tpu.memref_squeeze %dma_start3A_1789 : memref<1x128x64xf32, #tpu.memory_space<vmem>> -> memref<128x64xf32, #tpu.memory_space<vmem>>
        %dma_start3A_1791 = arith.constant 0 : i32
        %dma_start3A_1792 = tpu.memref_slice %arg5[%add3A_1545, %dma_start3A_1791] : memref<104x128xi32, #tpu.memory_space<vmem>> -> memref<1x128xi32, #tpu.memory_space<vmem>>
        %dma_start3A_1793 = tpu.memref_squeeze %dma_start3A_1792 : memref<1x128xi32, #tpu.memory_space<vmem>> -> memref<128xi32, #tpu.memory_space<vmem>>
        %dma_start3A_1794 = arith.constant 0 : i32
        %dma_start3A_1795 = arith.constant 0 : i32
        %dma_start3A_1796 = tpu.memref_slice %arg3[%dma_start3A_1794, %dma_start3A_1795] : memref<2600000x64xf32, #tpu.memory_space<hbm>> -> memref<2600000x64xf32, #tpu.memory_space<hbm>>
        tpu.enqueue_indirect_dma source(%dma_start3A_1796 : memref<2600000x64xf32, #tpu.memory_space<hbm>>) target(%dma_start3A_1790 : memref<128x64xf32, #tpu.memory_space<vmem>>) offsets(%dma_start3A_1793 : memref<128xi32, #tpu.memory_space<vmem>>) semaphore(%arg9 : memref<!tpu.dma_semaphore, #tpu.memory_space<semaphore_mem>>)
      } else {
      }
      %mul3A_1129 = arith.constant 4 : i32
      %mul3A_1130 = arith.muli %scan3A_1080, %mul3A_1129 : i32
      %add3A_1131 = arith.constant 1 : i32
      %add3A_1132 = arith.addi %mul3A_1130, %add3A_1131 : i32
      %dma_wait3A_1133 = arith.constant 0 : i32
      %dma_wait3A_1134 = arith.constant 1 : i32
      %dma_wait3A_1135 = arith.constant 0 : i32
      %dma_wait3A_1136 = arith.constant 0 : i32
      %dma_wait3A_1137 = tpu.memref_slice %arg6[%dma_wait3A_1134, %dma_wait3A_1135, %dma_wait3A_1136] : memref<4x256x64xf32, #tpu.memory_space<vmem>> -> memref<1x256x64xf32, #tpu.memory_space<vmem>>
      %dma_wait3A_1138 = tpu.memref_squeeze %dma_wait3A_1137 : memref<1x256x64xf32, #tpu.memory_space<vmem>> -> memref<256x64xf32, #tpu.memory_space<vmem>>
      %dma_wait3A_1139 = arith.constant 0 : i32
      %dma_wait3A_1140 = arith.constant 0 : i32
      %dma_wait3A_1141 = tpu.memref_slice %arg4[%dma_wait3A_1133, %dma_wait3A_1139, %dma_wait3A_1140] : memref<1664x256x64xf32, #tpu.memory_space<hbm>> -> memref<1x256x64xf32, #tpu.memory_space<hbm>>
      %dma_wait3A_1142 = tpu.memref_squeeze %dma_wait3A_1141 : memref<1x256x64xf32, #tpu.memory_space<hbm>> -> memref<256x64xf32, #tpu.memory_space<hbm>>
      %dma_wait3A_1143 = arith.constant 0 : i32
      %dma_wait3A_1144 = arith.constant 0 : i32
      %dma_wait3A_1145 = tpu.memref_slice %arg6[%dma_wait3A_1134, %dma_wait3A_1143, %dma_wait3A_1144] : memref<4x256x64xf32, #tpu.memory_space<vmem>> -> memref<1x256x64xf32, #tpu.memory_space<vmem>>
      %dma_wait3A_1146 = tpu.memref_squeeze %dma_wait3A_1145 : memref<1x256x64xf32, #tpu.memory_space<vmem>> -> memref<256x64xf32, #tpu.memory_space<vmem>>
      %dma_wait3A_1147 = arith.constant 0 : i32
      %dma_wait3A_1148 = arith.constant 0 : i32
      %dma_wait3A_1149 = tpu.memref_slice %arg4[%dma_wait3A_1133, %dma_wait3A_1147, %dma_wait3A_1148] : memref<1664x256x64xf32, #tpu.memory_space<hbm>> -> memref<1x256x64xf32, #tpu.memory_space<hbm>>
      %dma_wait3A_1150 = tpu.memref_squeeze %dma_wait3A_1149 : memref<1x256x64xf32, #tpu.memory_space<hbm>> -> memref<256x64xf32, #tpu.memory_space<hbm>>
      tpu.wait_dma2 semaphore(%arg8 : memref<!tpu.dma_semaphore, #tpu.memory_space<semaphore_mem>>) src(%dma_wait3A_1150 : memref<256x64xf32, #tpu.memory_space<hbm>>) dst(%dma_wait3A_1146 : memref<256x64xf32, #tpu.memory_space<vmem>>)
      %add3A_1151 = arith.addi %mul3A_2, %add3A_1132 : i32
      %dma_start3A_1152 = arith.constant 1 : i32
      %dma_start3A_1153 = arith.constant 0 : i32
      %dma_start3A_1154 = arith.constant 0 : i32
      %dma_start3A_1155 = tpu.memref_slice %arg6[%dma_start3A_1152, %dma_start3A_1153, %dma_start3A_1154] : memref<4x256x64xf32, #tpu.memory_space<vmem>> -> memref<1x256x64xf32, #tpu.memory_space<vmem>>
      %dma_start3A_1156 = tpu.memref_squeeze %dma_start3A_1155 : memref<1x256x64xf32, #tpu.memory_space<vmem>> -> memref<256x64xf32, #tpu.memory_space<vmem>>
      %dma_start3A_1157 = arith.constant 0 : i32
      %dma_start3A_1158 = arith.constant 0 : i32
      %dma_start3A_1159 = tpu.memref_slice %arg4[%add3A_1151, %dma_start3A_1157, %dma_start3A_1158] : memref<1664x256x64xf32, #tpu.memory_space<hbm>> -> memref<1x256x64xf32, #tpu.memory_space<hbm>>
      %dma_start3A_1160 = tpu.memref_squeeze %dma_start3A_1159 : memref<1x256x64xf32, #tpu.memory_space<hbm>> -> memref<256x64xf32, #tpu.memory_space<hbm>>
      %dma_start3A_1161 = arith.constant 0 : i32
      %dma_start3A_1162 = arith.constant 0 : i32
      %dma_start3A_1163 = tpu.memref_slice %arg4[%add3A_1151, %dma_start3A_1161, %dma_start3A_1162] : memref<1664x256x64xf32, #tpu.memory_space<hbm>> -> memref<1x256x64xf32, #tpu.memory_space<hbm>>
      %dma_start3A_1164 = tpu.memref_squeeze %dma_start3A_1163 : memref<1x256x64xf32, #tpu.memory_space<hbm>> -> memref<256x64xf32, #tpu.memory_space<hbm>>
      %dma_start3A_1165 = arith.constant 0 : i32
      %dma_start3A_1166 = arith.constant 0 : i32
      %dma_start3A_1167 = tpu.memref_slice %arg6[%dma_start3A_1152, %dma_start3A_1165, %dma_start3A_1166] : memref<4x256x64xf32, #tpu.memory_space<vmem>> -> memref<1x256x64xf32, #tpu.memory_space<vmem>>
      %dma_start3A_1168 = tpu.memref_squeeze %dma_start3A_1167 : memref<1x256x64xf32, #tpu.memory_space<vmem>> -> memref<256x64xf32, #tpu.memory_space<vmem>>
      tpu.enqueue_dma source(%dma_start3A_1168 : memref<256x64xf32, #tpu.memory_space<vmem>>) target(%dma_start3A_1164 : memref<256x64xf32, #tpu.memory_space<hbm>>) target_semaphore(%arg12 : memref<!tpu.dma_semaphore, #tpu.memory_space<semaphore_mem>>)
      %ge3A_1169 = arith.constant 2 : i32
      %ge3A_1170 = arith.cmpi sge, %add3A_1132, %ge3A_1169 : i32
      %convert_element_type3A_1171 = arith.extui %ge3A_1170 : i1 to i32
      %cond3A_1172 = arith.constant 0 : i32
      %cond3A_1173 = arith.cmpi ne, %convert_element_type3A_1171, %cond3A_1172 : i32
      scf.if %cond3A_1173 {
        %dma_wait3A_1285 = arith.constant 0 : i32
        %dma_wait3A_1286 = arith.constant 3 : i32
        %dma_wait3A_1287 = arith.constant 0 : i32
        %dma_wait3A_1288 = arith.constant 0 : i32
        %dma_wait3A_1289 = tpu.memref_slice %arg6[%dma_wait3A_1286, %dma_wait3A_1287, %dma_wait3A_1288] : memref<4x256x64xf32, #tpu.memory_space<vmem>> -> memref<1x256x64xf32, #tpu.memory_space<vmem>>
        %dma_wait3A_1290 = tpu.memref_squeeze %dma_wait3A_1289 : memref<1x256x64xf32, #tpu.memory_space<vmem>> -> memref<256x64xf32, #tpu.memory_space<vmem>>
        %dma_wait3A_1291 = arith.constant 0 : i32
        %dma_wait3A_1292 = arith.constant 0 : i32
        %dma_wait3A_1293 = tpu.memref_slice %arg4[%dma_wait3A_1285, %dma_wait3A_1291, %dma_wait3A_1292] : memref<1664x256x64xf32, #tpu.memory_space<hbm>> -> memref<1x256x64xf32, #tpu.memory_space<hbm>>
        %dma_wait3A_1294 = tpu.memref_squeeze %dma_wait3A_1293 : memref<1x256x64xf32, #tpu.memory_space<hbm>> -> memref<256x64xf32, #tpu.memory_space<hbm>>
        %dma_wait3A_1295 = arith.constant 0 : i32
        %dma_wait3A_1296 = arith.constant 0 : i32
        %dma_wait3A_1297 = tpu.memref_slice %arg6[%dma_wait3A_1286, %dma_wait3A_1295, %dma_wait3A_1296] : memref<4x256x64xf32, #tpu.memory_space<vmem>> -> memref<1x256x64xf32, #tpu.memory_space<vmem>>
        %dma_wait3A_1298 = tpu.memref_squeeze %dma_wait3A_1297 : memref<1x256x64xf32, #tpu.memory_space<vmem>> -> memref<256x64xf32, #tpu.memory_space<vmem>>
        %dma_wait3A_1299 = arith.constant 0 : i32
        %dma_wait3A_1300 = arith.constant 0 : i32
        %dma_wait3A_1301 = tpu.memref_slice %arg4[%dma_wait3A_1285, %dma_wait3A_1299, %dma_wait3A_1300] : memref<1664x256x64xf32, #tpu.memory_space<hbm>> -> memref<1x256x64xf32, #tpu.memory_space<hbm>>
        %dma_wait3A_1302 = tpu.memref_squeeze %dma_wait3A_1301 : memref<1x256x64xf32, #tpu.memory_space<hbm>> -> memref<256x64xf32, #tpu.memory_space<hbm>>
        tpu.wait_dma2 semaphore(%arg14 : memref<!tpu.dma_semaphore, #tpu.memory_space<semaphore_mem>>) src(%dma_wait3A_1302 : memref<256x64xf32, #tpu.memory_space<hbm>>) dst(%dma_wait3A_1298 : memref<256x64xf32, #tpu.memory_space<vmem>>)
      } else {
      }
      %add3A_1174 = arith.constant 2 : i32
      %add3A_1175 = arith.addi %add3A_1132, %add3A_1174 : i32
      %lt3A_1176 = arith.constant 52 : i32
      %lt3A_1177 = arith.cmpi slt, %add3A_1175, %lt3A_1176 : i32
      %convert_element_type3A_1178 = arith.extui %lt3A_1177 : i1 to i32
      %cond3A_1179 = arith.constant 0 : i32
      %cond3A_1180 = arith.cmpi ne, %convert_element_type3A_1178, %cond3A_1179 : i32
      scf.if %cond3A_1180 {
        %add3A_1285 = arith.constant 2 : i32
        %add3A_1286 = arith.addi %add3A_1132, %add3A_1285 : i32
        %mul3A_1287 = arith.constant 2 : i32
        %mul3A_1288 = arith.muli %add3A_1286, %mul3A_1287 : i32
        %add3A_1289 = arith.constant 0 : i32
        %add3A_1290 = arith.addi %mul3A_1288, %add3A_1289 : i32
        %mul3A_1291 = arith.constant 128 : i32
        %mul3A_1292 = arith.muli %add3A_1290, %mul3A_1291 : i32
        %add3A_1293 = arith.addi %mul3A_4, %mul3A_1292 : i32
        %add3A_1294 = arith.constant 0 : i32
        %add3A_1295 = arith.addi %add3A_1293, %add3A_1294 : i32
        %add3A_1296 = vector.broadcast %add3A_1295 : i32 to vector<16xi32>
        %add3A_1297 = arith.addi %add3A_1296, %iota3A : vector<16xi32>
        %get3A_1298 = arith.index_cast %add3A_1290 : i32 to index
        %get3A_1299 = arith.constant 0 : index
        %get3A_1300 = tpu.vector_load %arg5[%get3A_1298, %get3A_1299] {strides = array<i32>} : memref<104x128xi32, #tpu.memory_space<vmem>>, vector<1x16xi32>,
        %get3A_1301 = vector.shape_cast %get3A_1300 : vector<1x16xi32> to vector<16xi32>
        %shift_right_arithmetic3A_1302 = arith.constant 15 : i32
        %shift_right_arithmetic3A_1303 = vector.broadcast %shift_right_arithmetic3A_1302 : i32 to vector<16xi32>
        %shift_right_arithmetic3A_1304 = arith.shrsi %add3A_1297, %shift_right_arithmetic3A_1303 : vector<16xi32>
        %mul3A_1305 = arith.constant 200000 : i32
        %mul3A_1306 = vector.broadcast %mul3A_1305 : i32 to vector<16xi32>
        %mul3A_1307 = arith.muli %shift_right_arithmetic3A_1304, %mul3A_1306 : vector<16xi32>
        %mul3A_1308 = arith.constant 2 : i32
        %mul3A_1309 = vector.broadcast %mul3A_1308 : i32 to vector<16xi32>
        %mul3A_1310 = arith.muli %mul3A_1309, %get3A_1301 : vector<16xi32>
        %add3A_1311 = arith.addi %mul3A_1307, %mul3A_1310 : vector<16xi32>
        %and3A_1312 = arith.constant 1 : i32
        %and3A_1313 = vector.broadcast %and3A_1312 : i32 to vector<16xi32>
        %and3A_1314 = arith.andi %add3A_1297, %and3A_1313 : vector<16xi32>
        %add3A_1315 = arith.addi %add3A_1311, %and3A_1314 : vector<16xi32>
        %swap3A_1316 = arith.index_cast %add3A_1290 : i32 to index
        %swap3A_1317 = arith.constant 0 : index
        %swap3A_1318 = tpu.vector_load %arg5[%swap3A_1316, %swap3A_1317] {strides = array<i32>} : memref<104x128xi32, #tpu.memory_space<vmem>>, vector<1x16xi32>,
        %swap3A_1319 = vector.shape_cast %swap3A_1318 : vector<1x16xi32> to vector<16xi32>
        %swap3A_1320 = vector.shape_cast %add3A_1315 : vector<16xi32> to vector<1x16xi32>
        tpu.vector_store %arg5[%swap3A_1316, %swap3A_1317], %swap3A_1320 {strides = array<i32>} : memref<104x128xi32, #tpu.memory_space<vmem>>, vector<1x16xi32>,
        %mul3A_1321 = arith.constant 128 : i32
        %mul3A_1322 = arith.muli %add3A_1290, %mul3A_1321 : i32
        %add3A_1323 = arith.addi %mul3A_4, %mul3A_1322 : i32
        %add3A_1324 = arith.constant 16 : i32
        %add3A_1325 = arith.addi %add3A_1323, %add3A_1324 : i32
        %add3A_1326 = vector.broadcast %add3A_1325 : i32 to vector<16xi32>
        %add3A_1327 = arith.addi %add3A_1326, %iota3A : vector<16xi32>
        %get3A_1328 = arith.index_cast %add3A_1290 : i32 to index
        %get3A_1329 = arith.constant 16 : index
        %get3A_1330 = tpu.vector_load %arg5[%get3A_1328, %get3A_1329] {strides = array<i32>} : memref<104x128xi32, #tpu.memory_space<vmem>>, vector<1x16xi32>,
        %get3A_1331 = vector.shape_cast %get3A_1330 : vector<1x16xi32> to vector<16xi32>
        %shift_right_arithmetic3A_1332 = arith.constant 15 : i32
        %shift_right_arithmetic3A_1333 = vector.broadcast %shift_right_arithmetic3A_1332 : i32 to vector<16xi32>
        %shift_right_arithmetic3A_1334 = arith.shrsi %add3A_1327, %shift_right_arithmetic3A_1333 : vector<16xi32>
        %mul3A_1335 = arith.constant 200000 : i32
        %mul3A_1336 = vector.broadcast %mul3A_1335 : i32 to vector<16xi32>
        %mul3A_1337 = arith.muli %shift_right_arithmetic3A_1334, %mul3A_1336 : vector<16xi32>
        %mul3A_1338 = arith.constant 2 : i32
        %mul3A_1339 = vector.broadcast %mul3A_1338 : i32 to vector<16xi32>
        %mul3A_1340 = arith.muli %mul3A_1339, %get3A_1331 : vector<16xi32>
        %add3A_1341 = arith.addi %mul3A_1337, %mul3A_1340 : vector<16xi32>
        %and3A_1342 = arith.constant 1 : i32
        %and3A_1343 = vector.broadcast %and3A_1342 : i32 to vector<16xi32>
        %and3A_1344 = arith.andi %add3A_1327, %and3A_1343 : vector<16xi32>
        %add3A_1345 = arith.addi %add3A_1341, %and3A_1344 : vector<16xi32>
        %swap3A_1346 = arith.index_cast %add3A_1290 : i32 to index
        %swap3A_1347 = arith.constant 16 : index
        %swap3A_1348 = tpu.vector_load %arg5[%swap3A_1346, %swap3A_1347] {strides = array<i32>} : memref<104x128xi32, #tpu.memory_space<vmem>>, vector<1x16xi32>,
        %swap3A_1349 = vector.shape_cast %swap3A_1348 : vector<1x16xi32> to vector<16xi32>
        %swap3A_1350 = vector.shape_cast %add3A_1345 : vector<16xi32> to vector<1x16xi32>
        tpu.vector_store %arg5[%swap3A_1346, %swap3A_1347], %swap3A_1350 {strides = array<i32>} : memref<104x128xi32, #tpu.memory_space<vmem>>, vector<1x16xi32>,
        %mul3A_1351 = arith.constant 128 : i32
        %mul3A_1352 = arith.muli %add3A_1290, %mul3A_1351 : i32
        %add3A_1353 = arith.addi %mul3A_4, %mul3A_1352 : i32
        %add3A_1354 = arith.constant 32 : i32
        %add3A_1355 = arith.addi %add3A_1353, %add3A_1354 : i32
        %add3A_1356 = vector.broadcast %add3A_1355 : i32 to vector<16xi32>
        %add3A_1357 = arith.addi %add3A_1356, %iota3A : vector<16xi32>
        %get3A_1358 = arith.index_cast %add3A_1290 : i32 to index
        %get3A_1359 = arith.constant 32 : index
        %get3A_1360 = tpu.vector_load %arg5[%get3A_1358, %get3A_1359] {strides = array<i32>} : memref<104x128xi32, #tpu.memory_space<vmem>>, vector<1x16xi32>,
        %get3A_1361 = vector.shape_cast %get3A_1360 : vector<1x16xi32> to vector<16xi32>
        %shift_right_arithmetic3A_1362 = arith.constant 15 : i32
        %shift_right_arithmetic3A_1363 = vector.broadcast %shift_right_arithmetic3A_1362 : i32 to vector<16xi32>
        %shift_right_arithmetic3A_1364 = arith.shrsi %add3A_1357, %shift_right_arithmetic3A_1363 : vector<16xi32>
        %mul3A_1365 = arith.constant 200000 : i32
        %mul3A_1366 = vector.broadcast %mul3A_1365 : i32 to vector<16xi32>
        %mul3A_1367 = arith.muli %shift_right_arithmetic3A_1364, %mul3A_1366 : vector<16xi32>
        %mul3A_1368 = arith.constant 2 : i32
        %mul3A_1369 = vector.broadcast %mul3A_1368 : i32 to vector<16xi32>
        %mul3A_1370 = arith.muli %mul3A_1369, %get3A_1361 : vector<16xi32>
        %add3A_1371 = arith.addi %mul3A_1367, %mul3A_1370 : vector<16xi32>
        %and3A_1372 = arith.constant 1 : i32
        %and3A_1373 = vector.broadcast %and3A_1372 : i32 to vector<16xi32>
        %and3A_1374 = arith.andi %add3A_1357, %and3A_1373 : vector<16xi32>
        %add3A_1375 = arith.addi %add3A_1371, %and3A_1374 : vector<16xi32>
        %swap3A_1376 = arith.index_cast %add3A_1290 : i32 to index
        %swap3A_1377 = arith.constant 32 : index
        %swap3A_1378 = tpu.vector_load %arg5[%swap3A_1376, %swap3A_1377] {strides = array<i32>} : memref<104x128xi32, #tpu.memory_space<vmem>>, vector<1x16xi32>,
        %swap3A_1379 = vector.shape_cast %swap3A_1378 : vector<1x16xi32> to vector<16xi32>
        %swap3A_1380 = vector.shape_cast %add3A_1375 : vector<16xi32> to vector<1x16xi32>
        tpu.vector_store %arg5[%swap3A_1376, %swap3A_1377], %swap3A_1380 {strides = array<i32>} : memref<104x128xi32, #tpu.memory_space<vmem>>, vector<1x16xi32>,
        %mul3A_1381 = arith.constant 128 : i32
        %mul3A_1382 = arith.muli %add3A_1290, %mul3A_1381 : i32
        %add3A_1383 = arith.addi %mul3A_4, %mul3A_1382 : i32
        %add3A_1384 = arith.constant 48 : i32
        %add3A_1385 = arith.addi %add3A_1383, %add3A_1384 : i32
        %add3A_1386 = vector.broadcast %add3A_1385 : i32 to vector<16xi32>
        %add3A_1387 = arith.addi %add3A_1386, %iota3A : vector<16xi32>
        %get3A_1388 = arith.index_cast %add3A_1290 : i32 to index
        %get3A_1389 = arith.constant 48 : index
        %get3A_1390 = tpu.vector_load %arg5[%get3A_1388, %get3A_1389] {strides = array<i32>} : memref<104x128xi32, #tpu.memory_space<vmem>>, vector<1x16xi32>,
        %get3A_1391 = vector.shape_cast %get3A_1390 : vector<1x16xi32> to vector<16xi32>
        %shift_right_arithmetic3A_1392 = arith.constant 15 : i32
        %shift_right_arithmetic3A_1393 = vector.broadcast %shift_right_arithmetic3A_1392 : i32 to vector<16xi32>
        %shift_right_arithmetic3A_1394 = arith.shrsi %add3A_1387, %shift_right_arithmetic3A_1393 : vector<16xi32>
        %mul3A_1395 = arith.constant 200000 : i32
        %mul3A_1396 = vector.broadcast %mul3A_1395 : i32 to vector<16xi32>
        %mul3A_1397 = arith.muli %shift_right_arithmetic3A_1394, %mul3A_1396 : vector<16xi32>
        %mul3A_1398 = arith.constant 2 : i32
        %mul3A_1399 = vector.broadcast %mul3A_1398 : i32 to vector<16xi32>
        %mul3A_1400 = arith.muli %mul3A_1399, %get3A_1391 : vector<16xi32>
        %add3A_1401 = arith.addi %mul3A_1397, %mul3A_1400 : vector<16xi32>
        %and3A_1402 = arith.constant 1 : i32
        %and3A_1403 = vector.broadcast %and3A_1402 : i32 to vector<16xi32>
        %and3A_1404 = arith.andi %add3A_1387, %and3A_1403 : vector<16xi32>
        %add3A_1405 = arith.addi %add3A_1401, %and3A_1404 : vector<16xi32>
        %swap3A_1406 = arith.index_cast %add3A_1290 : i32 to index
        %swap3A_1407 = arith.constant 48 : index
        %swap3A_1408 = tpu.vector_load %arg5[%swap3A_1406, %swap3A_1407] {strides = array<i32>} : memref<104x128xi32, #tpu.memory_space<vmem>>, vector<1x16xi32>,
        %swap3A_1409 = vector.shape_cast %swap3A_1408 : vector<1x16xi32> to vector<16xi32>
        %swap3A_1410 = vector.shape_cast %add3A_1405 : vector<16xi32> to vector<1x16xi32>
        tpu.vector_store %arg5[%swap3A_1406, %swap3A_1407], %swap3A_1410 {strides = array<i32>} : memref<104x128xi32, #tpu.memory_space<vmem>>, vector<1x16xi32>,
        %mul3A_1411 = arith.constant 128 : i32
        %mul3A_1412 = arith.muli %add3A_1290, %mul3A_1411 : i32
        %add3A_1413 = arith.addi %mul3A_4, %mul3A_1412 : i32
        %add3A_1414 = arith.constant 64 : i32
        %add3A_1415 = arith.addi %add3A_1413, %add3A_1414 : i32
        %add3A_1416 = vector.broadcast %add3A_1415 : i32 to vector<16xi32>
        %add3A_1417 = arith.addi %add3A_1416, %iota3A : vector<16xi32>
        %get3A_1418 = arith.index_cast %add3A_1290 : i32 to index
        %get3A_1419 = arith.constant 64 : index
        %get3A_1420 = tpu.vector_load %arg5[%get3A_1418, %get3A_1419] {strides = array<i32>} : memref<104x128xi32, #tpu.memory_space<vmem>>, vector<1x16xi32>,
        %get3A_1421 = vector.shape_cast %get3A_1420 : vector<1x16xi32> to vector<16xi32>
        %shift_right_arithmetic3A_1422 = arith.constant 15 : i32
        %shift_right_arithmetic3A_1423 = vector.broadcast %shift_right_arithmetic3A_1422 : i32 to vector<16xi32>
        %shift_right_arithmetic3A_1424 = arith.shrsi %add3A_1417, %shift_right_arithmetic3A_1423 : vector<16xi32>
        %mul3A_1425 = arith.constant 200000 : i32
        %mul3A_1426 = vector.broadcast %mul3A_1425 : i32 to vector<16xi32>
        %mul3A_1427 = arith.muli %shift_right_arithmetic3A_1424, %mul3A_1426 : vector<16xi32>
        %mul3A_1428 = arith.constant 2 : i32
        %mul3A_1429 = vector.broadcast %mul3A_1428 : i32 to vector<16xi32>
        %mul3A_1430 = arith.muli %mul3A_1429, %get3A_1421 : vector<16xi32>
        %add3A_1431 = arith.addi %mul3A_1427, %mul3A_1430 : vector<16xi32>
        %and3A_1432 = arith.constant 1 : i32
        %and3A_1433 = vector.broadcast %and3A_1432 : i32 to vector<16xi32>
        %and3A_1434 = arith.andi %add3A_1417, %and3A_1433 : vector<16xi32>
        %add3A_1435 = arith.addi %add3A_1431, %and3A_1434 : vector<16xi32>
        %swap3A_1436 = arith.index_cast %add3A_1290 : i32 to index
        %swap3A_1437 = arith.constant 64 : index
        %swap3A_1438 = tpu.vector_load %arg5[%swap3A_1436, %swap3A_1437] {strides = array<i32>} : memref<104x128xi32, #tpu.memory_space<vmem>>, vector<1x16xi32>,
        %swap3A_1439 = vector.shape_cast %swap3A_1438 : vector<1x16xi32> to vector<16xi32>
        %swap3A_1440 = vector.shape_cast %add3A_1435 : vector<16xi32> to vector<1x16xi32>
        tpu.vector_store %arg5[%swap3A_1436, %swap3A_1437], %swap3A_1440 {strides = array<i32>} : memref<104x128xi32, #tpu.memory_space<vmem>>, vector<1x16xi32>,
        %mul3A_1441 = arith.constant 128 : i32
        %mul3A_1442 = arith.muli %add3A_1290, %mul3A_1441 : i32
        %add3A_1443 = arith.addi %mul3A_4, %mul3A_1442 : i32
        %add3A_1444 = arith.constant 80 : i32
        %add3A_1445 = arith.addi %add3A_1443, %add3A_1444 : i32
        %add3A_1446 = vector.broadcast %add3A_1445 : i32 to vector<16xi32>
        %add3A_1447 = arith.addi %add3A_1446, %iota3A : vector<16xi32>
        %get3A_1448 = arith.index_cast %add3A_1290 : i32 to index
        %get3A_1449 = arith.constant 80 : index
        %get3A_1450 = tpu.vector_load %arg5[%get3A_1448, %get3A_1449] {strides = array<i32>} : memref<104x128xi32, #tpu.memory_space<vmem>>, vector<1x16xi32>,
        %get3A_1451 = vector.shape_cast %get3A_1450 : vector<1x16xi32> to vector<16xi32>
        %shift_right_arithmetic3A_1452 = arith.constant 15 : i32
        %shift_right_arithmetic3A_1453 = vector.broadcast %shift_right_arithmetic3A_1452 : i32 to vector<16xi32>
        %shift_right_arithmetic3A_1454 = arith.shrsi %add3A_1447, %shift_right_arithmetic3A_1453 : vector<16xi32>
        %mul3A_1455 = arith.constant 200000 : i32
        %mul3A_1456 = vector.broadcast %mul3A_1455 : i32 to vector<16xi32>
        %mul3A_1457 = arith.muli %shift_right_arithmetic3A_1454, %mul3A_1456 : vector<16xi32>
        %mul3A_1458 = arith.constant 2 : i32
        %mul3A_1459 = vector.broadcast %mul3A_1458 : i32 to vector<16xi32>
        %mul3A_1460 = arith.muli %mul3A_1459, %get3A_1451 : vector<16xi32>
        %add3A_1461 = arith.addi %mul3A_1457, %mul3A_1460 : vector<16xi32>
        %and3A_1462 = arith.constant 1 : i32
        %and3A_1463 = vector.broadcast %and3A_1462 : i32 to vector<16xi32>
        %and3A_1464 = arith.andi %add3A_1447, %and3A_1463 : vector<16xi32>
        %add3A_1465 = arith.addi %add3A_1461, %and3A_1464 : vector<16xi32>
        %swap3A_1466 = arith.index_cast %add3A_1290 : i32 to index
        %swap3A_1467 = arith.constant 80 : index
        %swap3A_1468 = tpu.vector_load %arg5[%swap3A_1466, %swap3A_1467] {strides = array<i32>} : memref<104x128xi32, #tpu.memory_space<vmem>>, vector<1x16xi32>,
        %swap3A_1469 = vector.shape_cast %swap3A_1468 : vector<1x16xi32> to vector<16xi32>
        %swap3A_1470 = vector.shape_cast %add3A_1465 : vector<16xi32> to vector<1x16xi32>
        tpu.vector_store %arg5[%swap3A_1466, %swap3A_1467], %swap3A_1470 {strides = array<i32>} : memref<104x128xi32, #tpu.memory_space<vmem>>, vector<1x16xi32>,
        %mul3A_1471 = arith.constant 128 : i32
        %mul3A_1472 = arith.muli %add3A_1290, %mul3A_1471 : i32
        %add3A_1473 = arith.addi %mul3A_4, %mul3A_1472 : i32
        %add3A_1474 = arith.constant 96 : i32
        %add3A_1475 = arith.addi %add3A_1473, %add3A_1474 : i32
        %add3A_1476 = vector.broadcast %add3A_1475 : i32 to vector<16xi32>
        %add3A_1477 = arith.addi %add3A_1476, %iota3A : vector<16xi32>
        %get3A_1478 = arith.index_cast %add3A_1290 : i32 to index
        %get3A_1479 = arith.constant 96 : index
        %get3A_1480 = tpu.vector_load %arg5[%get3A_1478, %get3A_1479] {strides = array<i32>} : memref<104x128xi32, #tpu.memory_space<vmem>>, vector<1x16xi32>,
        %get3A_1481 = vector.shape_cast %get3A_1480 : vector<1x16xi32> to vector<16xi32>
        %shift_right_arithmetic3A_1482 = arith.constant 15 : i32
        %shift_right_arithmetic3A_1483 = vector.broadcast %shift_right_arithmetic3A_1482 : i32 to vector<16xi32>
        %shift_right_arithmetic3A_1484 = arith.shrsi %add3A_1477, %shift_right_arithmetic3A_1483 : vector<16xi32>
        %mul3A_1485 = arith.constant 200000 : i32
        %mul3A_1486 = vector.broadcast %mul3A_1485 : i32 to vector<16xi32>
        %mul3A_1487 = arith.muli %shift_right_arithmetic3A_1484, %mul3A_1486 : vector<16xi32>
        %mul3A_1488 = arith.constant 2 : i32
        %mul3A_1489 = vector.broadcast %mul3A_1488 : i32 to vector<16xi32>
        %mul3A_1490 = arith.muli %mul3A_1489, %get3A_1481 : vector<16xi32>
        %add3A_1491 = arith.addi %mul3A_1487, %mul3A_1490 : vector<16xi32>
        %and3A_1492 = arith.constant 1 : i32
        %and3A_1493 = vector.broadcast %and3A_1492 : i32 to vector<16xi32>
        %and3A_1494 = arith.andi %add3A_1477, %and3A_1493 : vector<16xi32>
        %add3A_1495 = arith.addi %add3A_1491, %and3A_1494 : vector<16xi32>
        %swap3A_1496 = arith.index_cast %add3A_1290 : i32 to index
        %swap3A_1497 = arith.constant 96 : index
        %swap3A_1498 = tpu.vector_load %arg5[%swap3A_1496, %swap3A_1497] {strides = array<i32>} : memref<104x128xi32, #tpu.memory_space<vmem>>, vector<1x16xi32>,
        %swap3A_1499 = vector.shape_cast %swap3A_1498 : vector<1x16xi32> to vector<16xi32>
        %swap3A_1500 = vector.shape_cast %add3A_1495 : vector<16xi32> to vector<1x16xi32>
        tpu.vector_store %arg5[%swap3A_1496, %swap3A_1497], %swap3A_1500 {strides = array<i32>} : memref<104x128xi32, #tpu.memory_space<vmem>>, vector<1x16xi32>,
        %mul3A_1501 = arith.constant 128 : i32
        %mul3A_1502 = arith.muli %add3A_1290, %mul3A_1501 : i32
        %add3A_1503 = arith.addi %mul3A_4, %mul3A_1502 : i32
        %add3A_1504 = arith.constant 112 : i32
        %add3A_1505 = arith.addi %add3A_1503, %add3A_1504 : i32
        %add3A_1506 = vector.broadcast %add3A_1505 : i32 to vector<16xi32>
        %add3A_1507 = arith.addi %add3A_1506, %iota3A : vector<16xi32>
        %get3A_1508 = arith.index_cast %add3A_1290 : i32 to index
        %get3A_1509 = arith.constant 112 : index
        %get3A_1510 = tpu.vector_load %arg5[%get3A_1508, %get3A_1509] {strides = array<i32>} : memref<104x128xi32, #tpu.memory_space<vmem>>, vector<1x16xi32>,
        %get3A_1511 = vector.shape_cast %get3A_1510 : vector<1x16xi32> to vector<16xi32>
        %shift_right_arithmetic3A_1512 = arith.constant 15 : i32
        %shift_right_arithmetic3A_1513 = vector.broadcast %shift_right_arithmetic3A_1512 : i32 to vector<16xi32>
        %shift_right_arithmetic3A_1514 = arith.shrsi %add3A_1507, %shift_right_arithmetic3A_1513 : vector<16xi32>
        %mul3A_1515 = arith.constant 200000 : i32
        %mul3A_1516 = vector.broadcast %mul3A_1515 : i32 to vector<16xi32>
        %mul3A_1517 = arith.muli %shift_right_arithmetic3A_1514, %mul3A_1516 : vector<16xi32>
        %mul3A_1518 = arith.constant 2 : i32
        %mul3A_1519 = vector.broadcast %mul3A_1518 : i32 to vector<16xi32>
        %mul3A_1520 = arith.muli %mul3A_1519, %get3A_1511 : vector<16xi32>
        %add3A_1521 = arith.addi %mul3A_1517, %mul3A_1520 : vector<16xi32>
        %and3A_1522 = arith.constant 1 : i32
        %and3A_1523 = vector.broadcast %and3A_1522 : i32 to vector<16xi32>
        %and3A_1524 = arith.andi %add3A_1507, %and3A_1523 : vector<16xi32>
        %add3A_1525 = arith.addi %add3A_1521, %and3A_1524 : vector<16xi32>
        %swap3A_1526 = arith.index_cast %add3A_1290 : i32 to index
        %swap3A_1527 = arith.constant 112 : index
        %swap3A_1528 = tpu.vector_load %arg5[%swap3A_1526, %swap3A_1527] {strides = array<i32>} : memref<104x128xi32, #tpu.memory_space<vmem>>, vector<1x16xi32>,
        %swap3A_1529 = vector.shape_cast %swap3A_1528 : vector<1x16xi32> to vector<16xi32>
        %swap3A_1530 = vector.shape_cast %add3A_1525 : vector<16xi32> to vector<1x16xi32>
        tpu.vector_store %arg5[%swap3A_1526, %swap3A_1527], %swap3A_1530 {strides = array<i32>} : memref<104x128xi32, #tpu.memory_space<vmem>>, vector<1x16xi32>,
        %dma_start3A_1531 = arith.constant 3 : i32
        %dma_start3A_1532 = arith.constant 0 : i32
        %dma_start3A_1533 = arith.constant 0 : i32
        %dma_start3A_1534 = tpu.memref_slice %arg6[%dma_start3A_1531, %dma_start3A_1532, %dma_start3A_1533] : memref<4x256x64xf32, #tpu.memory_space<vmem>> -> memref<1x128x64xf32, #tpu.memory_space<vmem>>
        %dma_start3A_1535 = tpu.memref_squeeze %dma_start3A_1534 : memref<1x128x64xf32, #tpu.memory_space<vmem>> -> memref<128x64xf32, #tpu.memory_space<vmem>>
        %dma_start3A_1536 = arith.constant 0 : i32
        %dma_start3A_1537 = tpu.memref_slice %arg5[%add3A_1290, %dma_start3A_1536] : memref<104x128xi32, #tpu.memory_space<vmem>> -> memref<1x128xi32, #tpu.memory_space<vmem>>
        %dma_start3A_1538 = tpu.memref_squeeze %dma_start3A_1537 : memref<1x128xi32, #tpu.memory_space<vmem>> -> memref<128xi32, #tpu.memory_space<vmem>>
        %dma_start3A_1539 = arith.constant 0 : i32
        %dma_start3A_1540 = arith.constant 0 : i32
        %dma_start3A_1541 = tpu.memref_slice %arg3[%dma_start3A_1539, %dma_start3A_1540] : memref<2600000x64xf32, #tpu.memory_space<hbm>> -> memref<2600000x64xf32, #tpu.memory_space<hbm>>
        tpu.enqueue_indirect_dma source(%dma_start3A_1541 : memref<2600000x64xf32, #tpu.memory_space<hbm>>) target(%dma_start3A_1535 : memref<128x64xf32, #tpu.memory_space<vmem>>) offsets(%dma_start3A_1538 : memref<128xi32, #tpu.memory_space<vmem>>) semaphore(%arg10 : memref<!tpu.dma_semaphore, #tpu.memory_space<semaphore_mem>>)
        %mul3A_1542 = arith.constant 2 : i32
        %mul3A_1543 = arith.muli %add3A_1286, %mul3A_1542 : i32
        %add3A_1544 = arith.constant 1 : i32
        %add3A_1545 = arith.addi %mul3A_1543, %add3A_1544 : i32
        %mul3A_1546 = arith.constant 128 : i32
        %mul3A_1547 = arith.muli %add3A_1545, %mul3A_1546 : i32
        %add3A_1548 = arith.addi %mul3A_4, %mul3A_1547 : i32
        %add3A_1549 = arith.constant 0 : i32
        %add3A_1550 = arith.addi %add3A_1548, %add3A_1549 : i32
        %add3A_1551 = vector.broadcast %add3A_1550 : i32 to vector<16xi32>
        %add3A_1552 = arith.addi %add3A_1551, %iota3A : vector<16xi32>
        %get3A_1553 = arith.index_cast %add3A_1545 : i32 to index
        %get3A_1554 = arith.constant 0 : index
        %get3A_1555 = tpu.vector_load %arg5[%get3A_1553, %get3A_1554] {strides = array<i32>} : memref<104x128xi32, #tpu.memory_space<vmem>>, vector<1x16xi32>,
        %get3A_1556 = vector.shape_cast %get3A_1555 : vector<1x16xi32> to vector<16xi32>
        %shift_right_arithmetic3A_1557 = arith.constant 15 : i32
        %shift_right_arithmetic3A_1558 = vector.broadcast %shift_right_arithmetic3A_1557 : i32 to vector<16xi32>
        %shift_right_arithmetic3A_1559 = arith.shrsi %add3A_1552, %shift_right_arithmetic3A_1558 : vector<16xi32>
        %mul3A_1560 = arith.constant 200000 : i32
        %mul3A_1561 = vector.broadcast %mul3A_1560 : i32 to vector<16xi32>
        %mul3A_1562 = arith.muli %shift_right_arithmetic3A_1559, %mul3A_1561 : vector<16xi32>
        %mul3A_1563 = arith.constant 2 : i32
        %mul3A_1564 = vector.broadcast %mul3A_1563 : i32 to vector<16xi32>
        %mul3A_1565 = arith.muli %mul3A_1564, %get3A_1556 : vector<16xi32>
        %add3A_1566 = arith.addi %mul3A_1562, %mul3A_1565 : vector<16xi32>
        %and3A_1567 = arith.constant 1 : i32
        %and3A_1568 = vector.broadcast %and3A_1567 : i32 to vector<16xi32>
        %and3A_1569 = arith.andi %add3A_1552, %and3A_1568 : vector<16xi32>
        %add3A_1570 = arith.addi %add3A_1566, %and3A_1569 : vector<16xi32>
        %swap3A_1571 = arith.index_cast %add3A_1545 : i32 to index
        %swap3A_1572 = arith.constant 0 : index
        %swap3A_1573 = tpu.vector_load %arg5[%swap3A_1571, %swap3A_1572] {strides = array<i32>} : memref<104x128xi32, #tpu.memory_space<vmem>>, vector<1x16xi32>,
        %swap3A_1574 = vector.shape_cast %swap3A_1573 : vector<1x16xi32> to vector<16xi32>
        %swap3A_1575 = vector.shape_cast %add3A_1570 : vector<16xi32> to vector<1x16xi32>
        tpu.vector_store %arg5[%swap3A_1571, %swap3A_1572], %swap3A_1575 {strides = array<i32>} : memref<104x128xi32, #tpu.memory_space<vmem>>, vector<1x16xi32>,
        %mul3A_1576 = arith.constant 128 : i32
        %mul3A_1577 = arith.muli %add3A_1545, %mul3A_1576 : i32
        %add3A_1578 = arith.addi %mul3A_4, %mul3A_1577 : i32
        %add3A_1579 = arith.constant 16 : i32
        %add3A_1580 = arith.addi %add3A_1578, %add3A_1579 : i32
        %add3A_1581 = vector.broadcast %add3A_1580 : i32 to vector<16xi32>
        %add3A_1582 = arith.addi %add3A_1581, %iota3A : vector<16xi32>
        %get3A_1583 = arith.index_cast %add3A_1545 : i32 to index
        %get3A_1584 = arith.constant 16 : index
        %get3A_1585 = tpu.vector_load %arg5[%get3A_1583, %get3A_1584] {strides = array<i32>} : memref<104x128xi32, #tpu.memory_space<vmem>>, vector<1x16xi32>,
        %get3A_1586 = vector.shape_cast %get3A_1585 : vector<1x16xi32> to vector<16xi32>
        %shift_right_arithmetic3A_1587 = arith.constant 15 : i32
        %shift_right_arithmetic3A_1588 = vector.broadcast %shift_right_arithmetic3A_1587 : i32 to vector<16xi32>
        %shift_right_arithmetic3A_1589 = arith.shrsi %add3A_1582, %shift_right_arithmetic3A_1588 : vector<16xi32>
        %mul3A_1590 = arith.constant 200000 : i32
        %mul3A_1591 = vector.broadcast %mul3A_1590 : i32 to vector<16xi32>
        %mul3A_1592 = arith.muli %shift_right_arithmetic3A_1589, %mul3A_1591 : vector<16xi32>
        %mul3A_1593 = arith.constant 2 : i32
        %mul3A_1594 = vector.broadcast %mul3A_1593 : i32 to vector<16xi32>
        %mul3A_1595 = arith.muli %mul3A_1594, %get3A_1586 : vector<16xi32>
        %add3A_1596 = arith.addi %mul3A_1592, %mul3A_1595 : vector<16xi32>
        %and3A_1597 = arith.constant 1 : i32
        %and3A_1598 = vector.broadcast %and3A_1597 : i32 to vector<16xi32>
        %and3A_1599 = arith.andi %add3A_1582, %and3A_1598 : vector<16xi32>
        %add3A_1600 = arith.addi %add3A_1596, %and3A_1599 : vector<16xi32>
        %swap3A_1601 = arith.index_cast %add3A_1545 : i32 to index
        %swap3A_1602 = arith.constant 16 : index
        %swap3A_1603 = tpu.vector_load %arg5[%swap3A_1601, %swap3A_1602] {strides = array<i32>} : memref<104x128xi32, #tpu.memory_space<vmem>>, vector<1x16xi32>,
        %swap3A_1604 = vector.shape_cast %swap3A_1603 : vector<1x16xi32> to vector<16xi32>
        %swap3A_1605 = vector.shape_cast %add3A_1600 : vector<16xi32> to vector<1x16xi32>
        tpu.vector_store %arg5[%swap3A_1601, %swap3A_1602], %swap3A_1605 {strides = array<i32>} : memref<104x128xi32, #tpu.memory_space<vmem>>, vector<1x16xi32>,
        %mul3A_1606 = arith.constant 128 : i32
        %mul3A_1607 = arith.muli %add3A_1545, %mul3A_1606 : i32
        %add3A_1608 = arith.addi %mul3A_4, %mul3A_1607 : i32
        %add3A_1609 = arith.constant 32 : i32
        %add3A_1610 = arith.addi %add3A_1608, %add3A_1609 : i32
        %add3A_1611 = vector.broadcast %add3A_1610 : i32 to vector<16xi32>
        %add3A_1612 = arith.addi %add3A_1611, %iota3A : vector<16xi32>
        %get3A_1613 = arith.index_cast %add3A_1545 : i32 to index
        %get3A_1614 = arith.constant 32 : index
        %get3A_1615 = tpu.vector_load %arg5[%get3A_1613, %get3A_1614] {strides = array<i32>} : memref<104x128xi32, #tpu.memory_space<vmem>>, vector<1x16xi32>,
        %get3A_1616 = vector.shape_cast %get3A_1615 : vector<1x16xi32> to vector<16xi32>
        %shift_right_arithmetic3A_1617 = arith.constant 15 : i32
        %shift_right_arithmetic3A_1618 = vector.broadcast %shift_right_arithmetic3A_1617 : i32 to vector<16xi32>
        %shift_right_arithmetic3A_1619 = arith.shrsi %add3A_1612, %shift_right_arithmetic3A_1618 : vector<16xi32>
        %mul3A_1620 = arith.constant 200000 : i32
        %mul3A_1621 = vector.broadcast %mul3A_1620 : i32 to vector<16xi32>
        %mul3A_1622 = arith.muli %shift_right_arithmetic3A_1619, %mul3A_1621 : vector<16xi32>
        %mul3A_1623 = arith.constant 2 : i32
        %mul3A_1624 = vector.broadcast %mul3A_1623 : i32 to vector<16xi32>
        %mul3A_1625 = arith.muli %mul3A_1624, %get3A_1616 : vector<16xi32>
        %add3A_1626 = arith.addi %mul3A_1622, %mul3A_1625 : vector<16xi32>
        %and3A_1627 = arith.constant 1 : i32
        %and3A_1628 = vector.broadcast %and3A_1627 : i32 to vector<16xi32>
        %and3A_1629 = arith.andi %add3A_1612, %and3A_1628 : vector<16xi32>
        %add3A_1630 = arith.addi %add3A_1626, %and3A_1629 : vector<16xi32>
        %swap3A_1631 = arith.index_cast %add3A_1545 : i32 to index
        %swap3A_1632 = arith.constant 32 : index
        %swap3A_1633 = tpu.vector_load %arg5[%swap3A_1631, %swap3A_1632] {strides = array<i32>} : memref<104x128xi32, #tpu.memory_space<vmem>>, vector<1x16xi32>,
        %swap3A_1634 = vector.shape_cast %swap3A_1633 : vector<1x16xi32> to vector<16xi32>
        %swap3A_1635 = vector.shape_cast %add3A_1630 : vector<16xi32> to vector<1x16xi32>
        tpu.vector_store %arg5[%swap3A_1631, %swap3A_1632], %swap3A_1635 {strides = array<i32>} : memref<104x128xi32, #tpu.memory_space<vmem>>, vector<1x16xi32>,
        %mul3A_1636 = arith.constant 128 : i32
        %mul3A_1637 = arith.muli %add3A_1545, %mul3A_1636 : i32
        %add3A_1638 = arith.addi %mul3A_4, %mul3A_1637 : i32
        %add3A_1639 = arith.constant 48 : i32
        %add3A_1640 = arith.addi %add3A_1638, %add3A_1639 : i32
        %add3A_1641 = vector.broadcast %add3A_1640 : i32 to vector<16xi32>
        %add3A_1642 = arith.addi %add3A_1641, %iota3A : vector<16xi32>
        %get3A_1643 = arith.index_cast %add3A_1545 : i32 to index
        %get3A_1644 = arith.constant 48 : index
        %get3A_1645 = tpu.vector_load %arg5[%get3A_1643, %get3A_1644] {strides = array<i32>} : memref<104x128xi32, #tpu.memory_space<vmem>>, vector<1x16xi32>,
        %get3A_1646 = vector.shape_cast %get3A_1645 : vector<1x16xi32> to vector<16xi32>
        %shift_right_arithmetic3A_1647 = arith.constant 15 : i32
        %shift_right_arithmetic3A_1648 = vector.broadcast %shift_right_arithmetic3A_1647 : i32 to vector<16xi32>
        %shift_right_arithmetic3A_1649 = arith.shrsi %add3A_1642, %shift_right_arithmetic3A_1648 : vector<16xi32>
        %mul3A_1650 = arith.constant 200000 : i32
        %mul3A_1651 = vector.broadcast %mul3A_1650 : i32 to vector<16xi32>
        %mul3A_1652 = arith.muli %shift_right_arithmetic3A_1649, %mul3A_1651 : vector<16xi32>
        %mul3A_1653 = arith.constant 2 : i32
        %mul3A_1654 = vector.broadcast %mul3A_1653 : i32 to vector<16xi32>
        %mul3A_1655 = arith.muli %mul3A_1654, %get3A_1646 : vector<16xi32>
        %add3A_1656 = arith.addi %mul3A_1652, %mul3A_1655 : vector<16xi32>
        %and3A_1657 = arith.constant 1 : i32
        %and3A_1658 = vector.broadcast %and3A_1657 : i32 to vector<16xi32>
        %and3A_1659 = arith.andi %add3A_1642, %and3A_1658 : vector<16xi32>
        %add3A_1660 = arith.addi %add3A_1656, %and3A_1659 : vector<16xi32>
        %swap3A_1661 = arith.index_cast %add3A_1545 : i32 to index
        %swap3A_1662 = arith.constant 48 : index
        %swap3A_1663 = tpu.vector_load %arg5[%swap3A_1661, %swap3A_1662] {strides = array<i32>} : memref<104x128xi32, #tpu.memory_space<vmem>>, vector<1x16xi32>,
        %swap3A_1664 = vector.shape_cast %swap3A_1663 : vector<1x16xi32> to vector<16xi32>
        %swap3A_1665 = vector.shape_cast %add3A_1660 : vector<16xi32> to vector<1x16xi32>
        tpu.vector_store %arg5[%swap3A_1661, %swap3A_1662], %swap3A_1665 {strides = array<i32>} : memref<104x128xi32, #tpu.memory_space<vmem>>, vector<1x16xi32>,
        %mul3A_1666 = arith.constant 128 : i32
        %mul3A_1667 = arith.muli %add3A_1545, %mul3A_1666 : i32
        %add3A_1668 = arith.addi %mul3A_4, %mul3A_1667 : i32
        %add3A_1669 = arith.constant 64 : i32
        %add3A_1670 = arith.addi %add3A_1668, %add3A_1669 : i32
        %add3A_1671 = vector.broadcast %add3A_1670 : i32 to vector<16xi32>
        %add3A_1672 = arith.addi %add3A_1671, %iota3A : vector<16xi32>
        %get3A_1673 = arith.index_cast %add3A_1545 : i32 to index
        %get3A_1674 = arith.constant 64 : index
        %get3A_1675 = tpu.vector_load %arg5[%get3A_1673, %get3A_1674] {strides = array<i32>} : memref<104x128xi32, #tpu.memory_space<vmem>>, vector<1x16xi32>,
        %get3A_1676 = vector.shape_cast %get3A_1675 : vector<1x16xi32> to vector<16xi32>
        %shift_right_arithmetic3A_1677 = arith.constant 15 : i32
        %shift_right_arithmetic3A_1678 = vector.broadcast %shift_right_arithmetic3A_1677 : i32 to vector<16xi32>
        %shift_right_arithmetic3A_1679 = arith.shrsi %add3A_1672, %shift_right_arithmetic3A_1678 : vector<16xi32>
        %mul3A_1680 = arith.constant 200000 : i32
        %mul3A_1681 = vector.broadcast %mul3A_1680 : i32 to vector<16xi32>
        %mul3A_1682 = arith.muli %shift_right_arithmetic3A_1679, %mul3A_1681 : vector<16xi32>
        %mul3A_1683 = arith.constant 2 : i32
        %mul3A_1684 = vector.broadcast %mul3A_1683 : i32 to vector<16xi32>
        %mul3A_1685 = arith.muli %mul3A_1684, %get3A_1676 : vector<16xi32>
        %add3A_1686 = arith.addi %mul3A_1682, %mul3A_1685 : vector<16xi32>
        %and3A_1687 = arith.constant 1 : i32
        %and3A_1688 = vector.broadcast %and3A_1687 : i32 to vector<16xi32>
        %and3A_1689 = arith.andi %add3A_1672, %and3A_1688 : vector<16xi32>
        %add3A_1690 = arith.addi %add3A_1686, %and3A_1689 : vector<16xi32>
        %swap3A_1691 = arith.index_cast %add3A_1545 : i32 to index
        %swap3A_1692 = arith.constant 64 : index
        %swap3A_1693 = tpu.vector_load %arg5[%swap3A_1691, %swap3A_1692] {strides = array<i32>} : memref<104x128xi32, #tpu.memory_space<vmem>>, vector<1x16xi32>,
        %swap3A_1694 = vector.shape_cast %swap3A_1693 : vector<1x16xi32> to vector<16xi32>
        %swap3A_1695 = vector.shape_cast %add3A_1690 : vector<16xi32> to vector<1x16xi32>
        tpu.vector_store %arg5[%swap3A_1691, %swap3A_1692], %swap3A_1695 {strides = array<i32>} : memref<104x128xi32, #tpu.memory_space<vmem>>, vector<1x16xi32>,
        %mul3A_1696 = arith.constant 128 : i32
        %mul3A_1697 = arith.muli %add3A_1545, %mul3A_1696 : i32
        %add3A_1698 = arith.addi %mul3A_4, %mul3A_1697 : i32
        %add3A_1699 = arith.constant 80 : i32
        %add3A_1700 = arith.addi %add3A_1698, %add3A_1699 : i32
        %add3A_1701 = vector.broadcast %add3A_1700 : i32 to vector<16xi32>
        %add3A_1702 = arith.addi %add3A_1701, %iota3A : vector<16xi32>
        %get3A_1703 = arith.index_cast %add3A_1545 : i32 to index
        %get3A_1704 = arith.constant 80 : index
        %get3A_1705 = tpu.vector_load %arg5[%get3A_1703, %get3A_1704] {strides = array<i32>} : memref<104x128xi32, #tpu.memory_space<vmem>>, vector<1x16xi32>,
        %get3A_1706 = vector.shape_cast %get3A_1705 : vector<1x16xi32> to vector<16xi32>
        %shift_right_arithmetic3A_1707 = arith.constant 15 : i32
        %shift_right_arithmetic3A_1708 = vector.broadcast %shift_right_arithmetic3A_1707 : i32 to vector<16xi32>
        %shift_right_arithmetic3A_1709 = arith.shrsi %add3A_1702, %shift_right_arithmetic3A_1708 : vector<16xi32>
        %mul3A_1710 = arith.constant 200000 : i32
        %mul3A_1711 = vector.broadcast %mul3A_1710 : i32 to vector<16xi32>
        %mul3A_1712 = arith.muli %shift_right_arithmetic3A_1709, %mul3A_1711 : vector<16xi32>
        %mul3A_1713 = arith.constant 2 : i32
        %mul3A_1714 = vector.broadcast %mul3A_1713 : i32 to vector<16xi32>
        %mul3A_1715 = arith.muli %mul3A_1714, %get3A_1706 : vector<16xi32>
        %add3A_1716 = arith.addi %mul3A_1712, %mul3A_1715 : vector<16xi32>
        %and3A_1717 = arith.constant 1 : i32
        %and3A_1718 = vector.broadcast %and3A_1717 : i32 to vector<16xi32>
        %and3A_1719 = arith.andi %add3A_1702, %and3A_1718 : vector<16xi32>
        %add3A_1720 = arith.addi %add3A_1716, %and3A_1719 : vector<16xi32>
        %swap3A_1721 = arith.index_cast %add3A_1545 : i32 to index
        %swap3A_1722 = arith.constant 80 : index
        %swap3A_1723 = tpu.vector_load %arg5[%swap3A_1721, %swap3A_1722] {strides = array<i32>} : memref<104x128xi32, #tpu.memory_space<vmem>>, vector<1x16xi32>,
        %swap3A_1724 = vector.shape_cast %swap3A_1723 : vector<1x16xi32> to vector<16xi32>
        %swap3A_1725 = vector.shape_cast %add3A_1720 : vector<16xi32> to vector<1x16xi32>
        tpu.vector_store %arg5[%swap3A_1721, %swap3A_1722], %swap3A_1725 {strides = array<i32>} : memref<104x128xi32, #tpu.memory_space<vmem>>, vector<1x16xi32>,
        %mul3A_1726 = arith.constant 128 : i32
        %mul3A_1727 = arith.muli %add3A_1545, %mul3A_1726 : i32
        %add3A_1728 = arith.addi %mul3A_4, %mul3A_1727 : i32
        %add3A_1729 = arith.constant 96 : i32
        %add3A_1730 = arith.addi %add3A_1728, %add3A_1729 : i32
        %add3A_1731 = vector.broadcast %add3A_1730 : i32 to vector<16xi32>
        %add3A_1732 = arith.addi %add3A_1731, %iota3A : vector<16xi32>
        %get3A_1733 = arith.index_cast %add3A_1545 : i32 to index
        %get3A_1734 = arith.constant 96 : index
        %get3A_1735 = tpu.vector_load %arg5[%get3A_1733, %get3A_1734] {strides = array<i32>} : memref<104x128xi32, #tpu.memory_space<vmem>>, vector<1x16xi32>,
        %get3A_1736 = vector.shape_cast %get3A_1735 : vector<1x16xi32> to vector<16xi32>
        %shift_right_arithmetic3A_1737 = arith.constant 15 : i32
        %shift_right_arithmetic3A_1738 = vector.broadcast %shift_right_arithmetic3A_1737 : i32 to vector<16xi32>
        %shift_right_arithmetic3A_1739 = arith.shrsi %add3A_1732, %shift_right_arithmetic3A_1738 : vector<16xi32>
        %mul3A_1740 = arith.constant 200000 : i32
        %mul3A_1741 = vector.broadcast %mul3A_1740 : i32 to vector<16xi32>
        %mul3A_1742 = arith.muli %shift_right_arithmetic3A_1739, %mul3A_1741 : vector<16xi32>
        %mul3A_1743 = arith.constant 2 : i32
        %mul3A_1744 = vector.broadcast %mul3A_1743 : i32 to vector<16xi32>
        %mul3A_1745 = arith.muli %mul3A_1744, %get3A_1736 : vector<16xi32>
        %add3A_1746 = arith.addi %mul3A_1742, %mul3A_1745 : vector<16xi32>
        %and3A_1747 = arith.constant 1 : i32
        %and3A_1748 = vector.broadcast %and3A_1747 : i32 to vector<16xi32>
        %and3A_1749 = arith.andi %add3A_1732, %and3A_1748 : vector<16xi32>
        %add3A_1750 = arith.addi %add3A_1746, %and3A_1749 : vector<16xi32>
        %swap3A_1751 = arith.index_cast %add3A_1545 : i32 to index
        %swap3A_1752 = arith.constant 96 : index
        %swap3A_1753 = tpu.vector_load %arg5[%swap3A_1751, %swap3A_1752] {strides = array<i32>} : memref<104x128xi32, #tpu.memory_space<vmem>>, vector<1x16xi32>,
        %swap3A_1754 = vector.shape_cast %swap3A_1753 : vector<1x16xi32> to vector<16xi32>
        %swap3A_1755 = vector.shape_cast %add3A_1750 : vector<16xi32> to vector<1x16xi32>
        tpu.vector_store %arg5[%swap3A_1751, %swap3A_1752], %swap3A_1755 {strides = array<i32>} : memref<104x128xi32, #tpu.memory_space<vmem>>, vector<1x16xi32>,
        %mul3A_1756 = arith.constant 128 : i32
        %mul3A_1757 = arith.muli %add3A_1545, %mul3A_1756 : i32
        %add3A_1758 = arith.addi %mul3A_4, %mul3A_1757 : i32
        %add3A_1759 = arith.constant 112 : i32
        %add3A_1760 = arith.addi %add3A_1758, %add3A_1759 : i32
        %add3A_1761 = vector.broadcast %add3A_1760 : i32 to vector<16xi32>
        %add3A_1762 = arith.addi %add3A_1761, %iota3A : vector<16xi32>
        %get3A_1763 = arith.index_cast %add3A_1545 : i32 to index
        %get3A_1764 = arith.constant 112 : index
        %get3A_1765 = tpu.vector_load %arg5[%get3A_1763, %get3A_1764] {strides = array<i32>} : memref<104x128xi32, #tpu.memory_space<vmem>>, vector<1x16xi32>,
        %get3A_1766 = vector.shape_cast %get3A_1765 : vector<1x16xi32> to vector<16xi32>
        %shift_right_arithmetic3A_1767 = arith.constant 15 : i32
        %shift_right_arithmetic3A_1768 = vector.broadcast %shift_right_arithmetic3A_1767 : i32 to vector<16xi32>
        %shift_right_arithmetic3A_1769 = arith.shrsi %add3A_1762, %shift_right_arithmetic3A_1768 : vector<16xi32>
        %mul3A_1770 = arith.constant 200000 : i32
        %mul3A_1771 = vector.broadcast %mul3A_1770 : i32 to vector<16xi32>
        %mul3A_1772 = arith.muli %shift_right_arithmetic3A_1769, %mul3A_1771 : vector<16xi32>
        %mul3A_1773 = arith.constant 2 : i32
        %mul3A_1774 = vector.broadcast %mul3A_1773 : i32 to vector<16xi32>
        %mul3A_1775 = arith.muli %mul3A_1774, %get3A_1766 : vector<16xi32>
        %add3A_1776 = arith.addi %mul3A_1772, %mul3A_1775 : vector<16xi32>
        %and3A_1777 = arith.constant 1 : i32
        %and3A_1778 = vector.broadcast %and3A_1777 : i32 to vector<16xi32>
        %and3A_1779 = arith.andi %add3A_1762, %and3A_1778 : vector<16xi32>
        %add3A_1780 = arith.addi %add3A_1776, %and3A_1779 : vector<16xi32>
        %swap3A_1781 = arith.index_cast %add3A_1545 : i32 to index
        %swap3A_1782 = arith.constant 112 : index
        %swap3A_1783 = tpu.vector_load %arg5[%swap3A_1781, %swap3A_1782] {strides = array<i32>} : memref<104x128xi32, #tpu.memory_space<vmem>>, vector<1x16xi32>,
        %swap3A_1784 = vector.shape_cast %swap3A_1783 : vector<1x16xi32> to vector<16xi32>
        %swap3A_1785 = vector.shape_cast %add3A_1780 : vector<16xi32> to vector<1x16xi32>
        tpu.vector_store %arg5[%swap3A_1781, %swap3A_1782], %swap3A_1785 {strides = array<i32>} : memref<104x128xi32, #tpu.memory_space<vmem>>, vector<1x16xi32>,
        %dma_start3A_1786 = arith.constant 3 : i32
        %dma_start3A_1787 = arith.constant 128 : i32
        %dma_start3A_1788 = arith.constant 0 : i32
        %dma_start3A_1789 = tpu.memref_slice %arg6[%dma_start3A_1786, %dma_start3A_1787, %dma_start3A_1788] : memref<4x256x64xf32, #tpu.memory_space<vmem>> -> memref<1x128x64xf32, #tpu.memory_space<vmem>>
        %dma_start3A_1790 = tpu.memref_squeeze %dma_start3A_1789 : memref<1x128x64xf32, #tpu.memory_space<vmem>> -> memref<128x64xf32, #tpu.memory_space<vmem>>
        %dma_start3A_1791 = arith.constant 0 : i32
        %dma_start3A_1792 = tpu.memref_slice %arg5[%add3A_1545, %dma_start3A_1791] : memref<104x128xi32, #tpu.memory_space<vmem>> -> memref<1x128xi32, #tpu.memory_space<vmem>>
        %dma_start3A_1793 = tpu.memref_squeeze %dma_start3A_1792 : memref<1x128xi32, #tpu.memory_space<vmem>> -> memref<128xi32, #tpu.memory_space<vmem>>
        %dma_start3A_1794 = arith.constant 0 : i32
        %dma_start3A_1795 = arith.constant 0 : i32
        %dma_start3A_1796 = tpu.memref_slice %arg3[%dma_start3A_1794, %dma_start3A_1795] : memref<2600000x64xf32, #tpu.memory_space<hbm>> -> memref<2600000x64xf32, #tpu.memory_space<hbm>>
        tpu.enqueue_indirect_dma source(%dma_start3A_1796 : memref<2600000x64xf32, #tpu.memory_space<hbm>>) target(%dma_start3A_1790 : memref<128x64xf32, #tpu.memory_space<vmem>>) offsets(%dma_start3A_1793 : memref<128xi32, #tpu.memory_space<vmem>>) semaphore(%arg10 : memref<!tpu.dma_semaphore, #tpu.memory_space<semaphore_mem>>)
      } else {
      }
      %mul3A_1181 = arith.constant 4 : i32
      %mul3A_1182 = arith.muli %scan3A_1080, %mul3A_1181 : i32
      %add3A_1183 = arith.constant 2 : i32
      %add3A_1184 = arith.addi %mul3A_1182, %add3A_1183 : i32
      %dma_wait3A_1185 = arith.constant 0 : i32
      %dma_wait3A_1186 = arith.constant 2 : i32
      %dma_wait3A_1187 = arith.constant 0 : i32
      %dma_wait3A_1188 = arith.constant 0 : i32
      %dma_wait3A_1189 = tpu.memref_slice %arg6[%dma_wait3A_1186, %dma_wait3A_1187, %dma_wait3A_1188] : memref<4x256x64xf32, #tpu.memory_space<vmem>> -> memref<1x256x64xf32, #tpu.memory_space<vmem>>
      %dma_wait3A_1190 = tpu.memref_squeeze %dma_wait3A_1189 : memref<1x256x64xf32, #tpu.memory_space<vmem>> -> memref<256x64xf32, #tpu.memory_space<vmem>>
      %dma_wait3A_1191 = arith.constant 0 : i32
      %dma_wait3A_1192 = arith.constant 0 : i32
      %dma_wait3A_1193 = tpu.memref_slice %arg4[%dma_wait3A_1185, %dma_wait3A_1191, %dma_wait3A_1192] : memref<1664x256x64xf32, #tpu.memory_space<hbm>> -> memref<1x256x64xf32, #tpu.memory_space<hbm>>
      %dma_wait3A_1194 = tpu.memref_squeeze %dma_wait3A_1193 : memref<1x256x64xf32, #tpu.memory_space<hbm>> -> memref<256x64xf32, #tpu.memory_space<hbm>>
      %dma_wait3A_1195 = arith.constant 0 : i32
      %dma_wait3A_1196 = arith.constant 0 : i32
      %dma_wait3A_1197 = tpu.memref_slice %arg6[%dma_wait3A_1186, %dma_wait3A_1195, %dma_wait3A_1196] : memref<4x256x64xf32, #tpu.memory_space<vmem>> -> memref<1x256x64xf32, #tpu.memory_space<vmem>>
      %dma_wait3A_1198 = tpu.memref_squeeze %dma_wait3A_1197 : memref<1x256x64xf32, #tpu.memory_space<vmem>> -> memref<256x64xf32, #tpu.memory_space<vmem>>
      %dma_wait3A_1199 = arith.constant 0 : i32
      %dma_wait3A_1200 = arith.constant 0 : i32
      %dma_wait3A_1201 = tpu.memref_slice %arg4[%dma_wait3A_1185, %dma_wait3A_1199, %dma_wait3A_1200] : memref<1664x256x64xf32, #tpu.memory_space<hbm>> -> memref<1x256x64xf32, #tpu.memory_space<hbm>>
      %dma_wait3A_1202 = tpu.memref_squeeze %dma_wait3A_1201 : memref<1x256x64xf32, #tpu.memory_space<hbm>> -> memref<256x64xf32, #tpu.memory_space<hbm>>
      tpu.wait_dma2 semaphore(%arg9 : memref<!tpu.dma_semaphore, #tpu.memory_space<semaphore_mem>>) src(%dma_wait3A_1202 : memref<256x64xf32, #tpu.memory_space<hbm>>) dst(%dma_wait3A_1198 : memref<256x64xf32, #tpu.memory_space<vmem>>)
      %add3A_1203 = arith.addi %mul3A_2, %add3A_1184 : i32
      %dma_start3A_1204 = arith.constant 2 : i32
      %dma_start3A_1205 = arith.constant 0 : i32
      %dma_start3A_1206 = arith.constant 0 : i32
      %dma_start3A_1207 = tpu.memref_slice %arg6[%dma_start3A_1204, %dma_start3A_1205, %dma_start3A_1206] : memref<4x256x64xf32, #tpu.memory_space<vmem>> -> memref<1x256x64xf32, #tpu.memory_space<vmem>>
      %dma_start3A_1208 = tpu.memref_squeeze %dma_start3A_1207 : memref<1x256x64xf32, #tpu.memory_space<vmem>> -> memref<256x64xf32, #tpu.memory_space<vmem>>
      %dma_start3A_1209 = arith.constant 0 : i32
      %dma_start3A_1210 = arith.constant 0 : i32
      %dma_start3A_1211 = tpu.memref_slice %arg4[%add3A_1203, %dma_start3A_1209, %dma_start3A_1210] : memref<1664x256x64xf32, #tpu.memory_space<hbm>> -> memref<1x256x64xf32, #tpu.memory_space<hbm>>
      %dma_start3A_1212 = tpu.memref_squeeze %dma_start3A_1211 : memref<1x256x64xf32, #tpu.memory_space<hbm>> -> memref<256x64xf32, #tpu.memory_space<hbm>>
      %dma_start3A_1213 = arith.constant 0 : i32
      %dma_start3A_1214 = arith.constant 0 : i32
      %dma_start3A_1215 = tpu.memref_slice %arg4[%add3A_1203, %dma_start3A_1213, %dma_start3A_1214] : memref<1664x256x64xf32, #tpu.memory_space<hbm>> -> memref<1x256x64xf32, #tpu.memory_space<hbm>>
      %dma_start3A_1216 = tpu.memref_squeeze %dma_start3A_1215 : memref<1x256x64xf32, #tpu.memory_space<hbm>> -> memref<256x64xf32, #tpu.memory_space<hbm>>
      %dma_start3A_1217 = arith.constant 0 : i32
      %dma_start3A_1218 = arith.constant 0 : i32
      %dma_start3A_1219 = tpu.memref_slice %arg6[%dma_start3A_1204, %dma_start3A_1217, %dma_start3A_1218] : memref<4x256x64xf32, #tpu.memory_space<vmem>> -> memref<1x256x64xf32, #tpu.memory_space<vmem>>
      %dma_start3A_1220 = tpu.memref_squeeze %dma_start3A_1219 : memref<1x256x64xf32, #tpu.memory_space<vmem>> -> memref<256x64xf32, #tpu.memory_space<vmem>>
      tpu.enqueue_dma source(%dma_start3A_1220 : memref<256x64xf32, #tpu.memory_space<vmem>>) target(%dma_start3A_1216 : memref<256x64xf32, #tpu.memory_space<hbm>>) target_semaphore(%arg13 : memref<!tpu.dma_semaphore, #tpu.memory_space<semaphore_mem>>)
      %ge3A_1221 = arith.constant 2 : i32
      %ge3A_1222 = arith.cmpi sge, %add3A_1184, %ge3A_1221 : i32
      %convert_element_type3A_1223 = arith.extui %ge3A_1222 : i1 to i32
      %cond3A_1224 = arith.constant 0 : i32
      %cond3A_1225 = arith.cmpi ne, %convert_element_type3A_1223, %cond3A_1224 : i32
      scf.if %cond3A_1225 {
        %dma_wait3A_1285 = arith.constant 0 : i32
        %dma_wait3A_1286 = arith.constant 0 : i32
        %dma_wait3A_1287 = arith.constant 0 : i32
        %dma_wait3A_1288 = arith.constant 0 : i32
        %dma_wait3A_1289 = tpu.memref_slice %arg6[%dma_wait3A_1286, %dma_wait3A_1287, %dma_wait3A_1288] : memref<4x256x64xf32, #tpu.memory_space<vmem>> -> memref<1x256x64xf32, #tpu.memory_space<vmem>>
        %dma_wait3A_1290 = tpu.memref_squeeze %dma_wait3A_1289 : memref<1x256x64xf32, #tpu.memory_space<vmem>> -> memref<256x64xf32, #tpu.memory_space<vmem>>
        %dma_wait3A_1291 = arith.constant 0 : i32
        %dma_wait3A_1292 = arith.constant 0 : i32
        %dma_wait3A_1293 = tpu.memref_slice %arg4[%dma_wait3A_1285, %dma_wait3A_1291, %dma_wait3A_1292] : memref<1664x256x64xf32, #tpu.memory_space<hbm>> -> memref<1x256x64xf32, #tpu.memory_space<hbm>>
        %dma_wait3A_1294 = tpu.memref_squeeze %dma_wait3A_1293 : memref<1x256x64xf32, #tpu.memory_space<hbm>> -> memref<256x64xf32, #tpu.memory_space<hbm>>
        %dma_wait3A_1295 = arith.constant 0 : i32
        %dma_wait3A_1296 = arith.constant 0 : i32
        %dma_wait3A_1297 = tpu.memref_slice %arg6[%dma_wait3A_1286, %dma_wait3A_1295, %dma_wait3A_1296] : memref<4x256x64xf32, #tpu.memory_space<vmem>> -> memref<1x256x64xf32, #tpu.memory_space<vmem>>
        %dma_wait3A_1298 = tpu.memref_squeeze %dma_wait3A_1297 : memref<1x256x64xf32, #tpu.memory_space<vmem>> -> memref<256x64xf32, #tpu.memory_space<vmem>>
        %dma_wait3A_1299 = arith.constant 0 : i32
        %dma_wait3A_1300 = arith.constant 0 : i32
        %dma_wait3A_1301 = tpu.memref_slice %arg4[%dma_wait3A_1285, %dma_wait3A_1299, %dma_wait3A_1300] : memref<1664x256x64xf32, #tpu.memory_space<hbm>> -> memref<1x256x64xf32, #tpu.memory_space<hbm>>
        %dma_wait3A_1302 = tpu.memref_squeeze %dma_wait3A_1301 : memref<1x256x64xf32, #tpu.memory_space<hbm>> -> memref<256x64xf32, #tpu.memory_space<hbm>>
        tpu.wait_dma2 semaphore(%arg11 : memref<!tpu.dma_semaphore, #tpu.memory_space<semaphore_mem>>) src(%dma_wait3A_1302 : memref<256x64xf32, #tpu.memory_space<hbm>>) dst(%dma_wait3A_1298 : memref<256x64xf32, #tpu.memory_space<vmem>>)
      } else {
      }
      %add3A_1226 = arith.constant 2 : i32
      %add3A_1227 = arith.addi %add3A_1184, %add3A_1226 : i32
      %lt3A_1228 = arith.constant 52 : i32
      %lt3A_1229 = arith.cmpi slt, %add3A_1227, %lt3A_1228 : i32
      %convert_element_type3A_1230 = arith.extui %lt3A_1229 : i1 to i32
      %cond3A_1231 = arith.constant 0 : i32
      %cond3A_1232 = arith.cmpi ne, %convert_element_type3A_1230, %cond3A_1231 : i32
      scf.if %cond3A_1232 {
        %add3A_1285 = arith.constant 2 : i32
        %add3A_1286 = arith.addi %add3A_1184, %add3A_1285 : i32
        %mul3A_1287 = arith.constant 2 : i32
        %mul3A_1288 = arith.muli %add3A_1286, %mul3A_1287 : i32
        %add3A_1289 = arith.constant 0 : i32
        %add3A_1290 = arith.addi %mul3A_1288, %add3A_1289 : i32
        %mul3A_1291 = arith.constant 128 : i32
        %mul3A_1292 = arith.muli %add3A_1290, %mul3A_1291 : i32
        %add3A_1293 = arith.addi %mul3A_4, %mul3A_1292 : i32
        %add3A_1294 = arith.constant 0 : i32
        %add3A_1295 = arith.addi %add3A_1293, %add3A_1294 : i32
        %add3A_1296 = vector.broadcast %add3A_1295 : i32 to vector<16xi32>
        %add3A_1297 = arith.addi %add3A_1296, %iota3A : vector<16xi32>
        %get3A_1298 = arith.index_cast %add3A_1290 : i32 to index
        %get3A_1299 = arith.constant 0 : index
        %get3A_1300 = tpu.vector_load %arg5[%get3A_1298, %get3A_1299] {strides = array<i32>} : memref<104x128xi32, #tpu.memory_space<vmem>>, vector<1x16xi32>,
        %get3A_1301 = vector.shape_cast %get3A_1300 : vector<1x16xi32> to vector<16xi32>
        %shift_right_arithmetic3A_1302 = arith.constant 15 : i32
        %shift_right_arithmetic3A_1303 = vector.broadcast %shift_right_arithmetic3A_1302 : i32 to vector<16xi32>
        %shift_right_arithmetic3A_1304 = arith.shrsi %add3A_1297, %shift_right_arithmetic3A_1303 : vector<16xi32>
        %mul3A_1305 = arith.constant 200000 : i32
        %mul3A_1306 = vector.broadcast %mul3A_1305 : i32 to vector<16xi32>
        %mul3A_1307 = arith.muli %shift_right_arithmetic3A_1304, %mul3A_1306 : vector<16xi32>
        %mul3A_1308 = arith.constant 2 : i32
        %mul3A_1309 = vector.broadcast %mul3A_1308 : i32 to vector<16xi32>
        %mul3A_1310 = arith.muli %mul3A_1309, %get3A_1301 : vector<16xi32>
        %add3A_1311 = arith.addi %mul3A_1307, %mul3A_1310 : vector<16xi32>
        %and3A_1312 = arith.constant 1 : i32
        %and3A_1313 = vector.broadcast %and3A_1312 : i32 to vector<16xi32>
        %and3A_1314 = arith.andi %add3A_1297, %and3A_1313 : vector<16xi32>
        %add3A_1315 = arith.addi %add3A_1311, %and3A_1314 : vector<16xi32>
        %swap3A_1316 = arith.index_cast %add3A_1290 : i32 to index
        %swap3A_1317 = arith.constant 0 : index
        %swap3A_1318 = tpu.vector_load %arg5[%swap3A_1316, %swap3A_1317] {strides = array<i32>} : memref<104x128xi32, #tpu.memory_space<vmem>>, vector<1x16xi32>,
        %swap3A_1319 = vector.shape_cast %swap3A_1318 : vector<1x16xi32> to vector<16xi32>
        %swap3A_1320 = vector.shape_cast %add3A_1315 : vector<16xi32> to vector<1x16xi32>
        tpu.vector_store %arg5[%swap3A_1316, %swap3A_1317], %swap3A_1320 {strides = array<i32>} : memref<104x128xi32, #tpu.memory_space<vmem>>, vector<1x16xi32>,
        %mul3A_1321 = arith.constant 128 : i32
        %mul3A_1322 = arith.muli %add3A_1290, %mul3A_1321 : i32
        %add3A_1323 = arith.addi %mul3A_4, %mul3A_1322 : i32
        %add3A_1324 = arith.constant 16 : i32
        %add3A_1325 = arith.addi %add3A_1323, %add3A_1324 : i32
        %add3A_1326 = vector.broadcast %add3A_1325 : i32 to vector<16xi32>
        %add3A_1327 = arith.addi %add3A_1326, %iota3A : vector<16xi32>
        %get3A_1328 = arith.index_cast %add3A_1290 : i32 to index
        %get3A_1329 = arith.constant 16 : index
        %get3A_1330 = tpu.vector_load %arg5[%get3A_1328, %get3A_1329] {strides = array<i32>} : memref<104x128xi32, #tpu.memory_space<vmem>>, vector<1x16xi32>,
        %get3A_1331 = vector.shape_cast %get3A_1330 : vector<1x16xi32> to vector<16xi32>
        %shift_right_arithmetic3A_1332 = arith.constant 15 : i32
        %shift_right_arithmetic3A_1333 = vector.broadcast %shift_right_arithmetic3A_1332 : i32 to vector<16xi32>
        %shift_right_arithmetic3A_1334 = arith.shrsi %add3A_1327, %shift_right_arithmetic3A_1333 : vector<16xi32>
        %mul3A_1335 = arith.constant 200000 : i32
        %mul3A_1336 = vector.broadcast %mul3A_1335 : i32 to vector<16xi32>
        %mul3A_1337 = arith.muli %shift_right_arithmetic3A_1334, %mul3A_1336 : vector<16xi32>
        %mul3A_1338 = arith.constant 2 : i32
        %mul3A_1339 = vector.broadcast %mul3A_1338 : i32 to vector<16xi32>
        %mul3A_1340 = arith.muli %mul3A_1339, %get3A_1331 : vector<16xi32>
        %add3A_1341 = arith.addi %mul3A_1337, %mul3A_1340 : vector<16xi32>
        %and3A_1342 = arith.constant 1 : i32
        %and3A_1343 = vector.broadcast %and3A_1342 : i32 to vector<16xi32>
        %and3A_1344 = arith.andi %add3A_1327, %and3A_1343 : vector<16xi32>
        %add3A_1345 = arith.addi %add3A_1341, %and3A_1344 : vector<16xi32>
        %swap3A_1346 = arith.index_cast %add3A_1290 : i32 to index
        %swap3A_1347 = arith.constant 16 : index
        %swap3A_1348 = tpu.vector_load %arg5[%swap3A_1346, %swap3A_1347] {strides = array<i32>} : memref<104x128xi32, #tpu.memory_space<vmem>>, vector<1x16xi32>,
        %swap3A_1349 = vector.shape_cast %swap3A_1348 : vector<1x16xi32> to vector<16xi32>
        %swap3A_1350 = vector.shape_cast %add3A_1345 : vector<16xi32> to vector<1x16xi32>
        tpu.vector_store %arg5[%swap3A_1346, %swap3A_1347], %swap3A_1350 {strides = array<i32>} : memref<104x128xi32, #tpu.memory_space<vmem>>, vector<1x16xi32>,
        %mul3A_1351 = arith.constant 128 : i32
        %mul3A_1352 = arith.muli %add3A_1290, %mul3A_1351 : i32
        %add3A_1353 = arith.addi %mul3A_4, %mul3A_1352 : i32
        %add3A_1354 = arith.constant 32 : i32
        %add3A_1355 = arith.addi %add3A_1353, %add3A_1354 : i32
        %add3A_1356 = vector.broadcast %add3A_1355 : i32 to vector<16xi32>
        %add3A_1357 = arith.addi %add3A_1356, %iota3A : vector<16xi32>
        %get3A_1358 = arith.index_cast %add3A_1290 : i32 to index
        %get3A_1359 = arith.constant 32 : index
        %get3A_1360 = tpu.vector_load %arg5[%get3A_1358, %get3A_1359] {strides = array<i32>} : memref<104x128xi32, #tpu.memory_space<vmem>>, vector<1x16xi32>,
        %get3A_1361 = vector.shape_cast %get3A_1360 : vector<1x16xi32> to vector<16xi32>
        %shift_right_arithmetic3A_1362 = arith.constant 15 : i32
        %shift_right_arithmetic3A_1363 = vector.broadcast %shift_right_arithmetic3A_1362 : i32 to vector<16xi32>
        %shift_right_arithmetic3A_1364 = arith.shrsi %add3A_1357, %shift_right_arithmetic3A_1363 : vector<16xi32>
        %mul3A_1365 = arith.constant 200000 : i32
        %mul3A_1366 = vector.broadcast %mul3A_1365 : i32 to vector<16xi32>
        %mul3A_1367 = arith.muli %shift_right_arithmetic3A_1364, %mul3A_1366 : vector<16xi32>
        %mul3A_1368 = arith.constant 2 : i32
        %mul3A_1369 = vector.broadcast %mul3A_1368 : i32 to vector<16xi32>
        %mul3A_1370 = arith.muli %mul3A_1369, %get3A_1361 : vector<16xi32>
        %add3A_1371 = arith.addi %mul3A_1367, %mul3A_1370 : vector<16xi32>
        %and3A_1372 = arith.constant 1 : i32
        %and3A_1373 = vector.broadcast %and3A_1372 : i32 to vector<16xi32>
        %and3A_1374 = arith.andi %add3A_1357, %and3A_1373 : vector<16xi32>
        %add3A_1375 = arith.addi %add3A_1371, %and3A_1374 : vector<16xi32>
        %swap3A_1376 = arith.index_cast %add3A_1290 : i32 to index
        %swap3A_1377 = arith.constant 32 : index
        %swap3A_1378 = tpu.vector_load %arg5[%swap3A_1376, %swap3A_1377] {strides = array<i32>} : memref<104x128xi32, #tpu.memory_space<vmem>>, vector<1x16xi32>,
        %swap3A_1379 = vector.shape_cast %swap3A_1378 : vector<1x16xi32> to vector<16xi32>
        %swap3A_1380 = vector.shape_cast %add3A_1375 : vector<16xi32> to vector<1x16xi32>
        tpu.vector_store %arg5[%swap3A_1376, %swap3A_1377], %swap3A_1380 {strides = array<i32>} : memref<104x128xi32, #tpu.memory_space<vmem>>, vector<1x16xi32>,
        %mul3A_1381 = arith.constant 128 : i32
        %mul3A_1382 = arith.muli %add3A_1290, %mul3A_1381 : i32
        %add3A_1383 = arith.addi %mul3A_4, %mul3A_1382 : i32
        %add3A_1384 = arith.constant 48 : i32
        %add3A_1385 = arith.addi %add3A_1383, %add3A_1384 : i32
        %add3A_1386 = vector.broadcast %add3A_1385 : i32 to vector<16xi32>
        %add3A_1387 = arith.addi %add3A_1386, %iota3A : vector<16xi32>
        %get3A_1388 = arith.index_cast %add3A_1290 : i32 to index
        %get3A_1389 = arith.constant 48 : index
        %get3A_1390 = tpu.vector_load %arg5[%get3A_1388, %get3A_1389] {strides = array<i32>} : memref<104x128xi32, #tpu.memory_space<vmem>>, vector<1x16xi32>,
        %get3A_1391 = vector.shape_cast %get3A_1390 : vector<1x16xi32> to vector<16xi32>
        %shift_right_arithmetic3A_1392 = arith.constant 15 : i32
        %shift_right_arithmetic3A_1393 = vector.broadcast %shift_right_arithmetic3A_1392 : i32 to vector<16xi32>
        %shift_right_arithmetic3A_1394 = arith.shrsi %add3A_1387, %shift_right_arithmetic3A_1393 : vector<16xi32>
        %mul3A_1395 = arith.constant 200000 : i32
        %mul3A_1396 = vector.broadcast %mul3A_1395 : i32 to vector<16xi32>
        %mul3A_1397 = arith.muli %shift_right_arithmetic3A_1394, %mul3A_1396 : vector<16xi32>
        %mul3A_1398 = arith.constant 2 : i32
        %mul3A_1399 = vector.broadcast %mul3A_1398 : i32 to vector<16xi32>
        %mul3A_1400 = arith.muli %mul3A_1399, %get3A_1391 : vector<16xi32>
        %add3A_1401 = arith.addi %mul3A_1397, %mul3A_1400 : vector<16xi32>
        %and3A_1402 = arith.constant 1 : i32
        %and3A_1403 = vector.broadcast %and3A_1402 : i32 to vector<16xi32>
        %and3A_1404 = arith.andi %add3A_1387, %and3A_1403 : vector<16xi32>
        %add3A_1405 = arith.addi %add3A_1401, %and3A_1404 : vector<16xi32>
        %swap3A_1406 = arith.index_cast %add3A_1290 : i32 to index
        %swap3A_1407 = arith.constant 48 : index
        %swap3A_1408 = tpu.vector_load %arg5[%swap3A_1406, %swap3A_1407] {strides = array<i32>} : memref<104x128xi32, #tpu.memory_space<vmem>>, vector<1x16xi32>,
        %swap3A_1409 = vector.shape_cast %swap3A_1408 : vector<1x16xi32> to vector<16xi32>
        %swap3A_1410 = vector.shape_cast %add3A_1405 : vector<16xi32> to vector<1x16xi32>
        tpu.vector_store %arg5[%swap3A_1406, %swap3A_1407], %swap3A_1410 {strides = array<i32>} : memref<104x128xi32, #tpu.memory_space<vmem>>, vector<1x16xi32>,
        %mul3A_1411 = arith.constant 128 : i32
        %mul3A_1412 = arith.muli %add3A_1290, %mul3A_1411 : i32
        %add3A_1413 = arith.addi %mul3A_4, %mul3A_1412 : i32
        %add3A_1414 = arith.constant 64 : i32
        %add3A_1415 = arith.addi %add3A_1413, %add3A_1414 : i32
        %add3A_1416 = vector.broadcast %add3A_1415 : i32 to vector<16xi32>
        %add3A_1417 = arith.addi %add3A_1416, %iota3A : vector<16xi32>
        %get3A_1418 = arith.index_cast %add3A_1290 : i32 to index
        %get3A_1419 = arith.constant 64 : index
        %get3A_1420 = tpu.vector_load %arg5[%get3A_1418, %get3A_1419] {strides = array<i32>} : memref<104x128xi32, #tpu.memory_space<vmem>>, vector<1x16xi32>,
        %get3A_1421 = vector.shape_cast %get3A_1420 : vector<1x16xi32> to vector<16xi32>
        %shift_right_arithmetic3A_1422 = arith.constant 15 : i32
        %shift_right_arithmetic3A_1423 = vector.broadcast %shift_right_arithmetic3A_1422 : i32 to vector<16xi32>
        %shift_right_arithmetic3A_1424 = arith.shrsi %add3A_1417, %shift_right_arithmetic3A_1423 : vector<16xi32>
        %mul3A_1425 = arith.constant 200000 : i32
        %mul3A_1426 = vector.broadcast %mul3A_1425 : i32 to vector<16xi32>
        %mul3A_1427 = arith.muli %shift_right_arithmetic3A_1424, %mul3A_1426 : vector<16xi32>
        %mul3A_1428 = arith.constant 2 : i32
        %mul3A_1429 = vector.broadcast %mul3A_1428 : i32 to vector<16xi32>
        %mul3A_1430 = arith.muli %mul3A_1429, %get3A_1421 : vector<16xi32>
        %add3A_1431 = arith.addi %mul3A_1427, %mul3A_1430 : vector<16xi32>
        %and3A_1432 = arith.constant 1 : i32
        %and3A_1433 = vector.broadcast %and3A_1432 : i32 to vector<16xi32>
        %and3A_1434 = arith.andi %add3A_1417, %and3A_1433 : vector<16xi32>
        %add3A_1435 = arith.addi %add3A_1431, %and3A_1434 : vector<16xi32>
        %swap3A_1436 = arith.index_cast %add3A_1290 : i32 to index
        %swap3A_1437 = arith.constant 64 : index
        %swap3A_1438 = tpu.vector_load %arg5[%swap3A_1436, %swap3A_1437] {strides = array<i32>} : memref<104x128xi32, #tpu.memory_space<vmem>>, vector<1x16xi32>,
        %swap3A_1439 = vector.shape_cast %swap3A_1438 : vector<1x16xi32> to vector<16xi32>
        %swap3A_1440 = vector.shape_cast %add3A_1435 : vector<16xi32> to vector<1x16xi32>
        tpu.vector_store %arg5[%swap3A_1436, %swap3A_1437], %swap3A_1440 {strides = array<i32>} : memref<104x128xi32, #tpu.memory_space<vmem>>, vector<1x16xi32>,
        %mul3A_1441 = arith.constant 128 : i32
        %mul3A_1442 = arith.muli %add3A_1290, %mul3A_1441 : i32
        %add3A_1443 = arith.addi %mul3A_4, %mul3A_1442 : i32
        %add3A_1444 = arith.constant 80 : i32
        %add3A_1445 = arith.addi %add3A_1443, %add3A_1444 : i32
        %add3A_1446 = vector.broadcast %add3A_1445 : i32 to vector<16xi32>
        %add3A_1447 = arith.addi %add3A_1446, %iota3A : vector<16xi32>
        %get3A_1448 = arith.index_cast %add3A_1290 : i32 to index
        %get3A_1449 = arith.constant 80 : index
        %get3A_1450 = tpu.vector_load %arg5[%get3A_1448, %get3A_1449] {strides = array<i32>} : memref<104x128xi32, #tpu.memory_space<vmem>>, vector<1x16xi32>,
        %get3A_1451 = vector.shape_cast %get3A_1450 : vector<1x16xi32> to vector<16xi32>
        %shift_right_arithmetic3A_1452 = arith.constant 15 : i32
        %shift_right_arithmetic3A_1453 = vector.broadcast %shift_right_arithmetic3A_1452 : i32 to vector<16xi32>
        %shift_right_arithmetic3A_1454 = arith.shrsi %add3A_1447, %shift_right_arithmetic3A_1453 : vector<16xi32>
        %mul3A_1455 = arith.constant 200000 : i32
        %mul3A_1456 = vector.broadcast %mul3A_1455 : i32 to vector<16xi32>
        %mul3A_1457 = arith.muli %shift_right_arithmetic3A_1454, %mul3A_1456 : vector<16xi32>
        %mul3A_1458 = arith.constant 2 : i32
        %mul3A_1459 = vector.broadcast %mul3A_1458 : i32 to vector<16xi32>
        %mul3A_1460 = arith.muli %mul3A_1459, %get3A_1451 : vector<16xi32>
        %add3A_1461 = arith.addi %mul3A_1457, %mul3A_1460 : vector<16xi32>
        %and3A_1462 = arith.constant 1 : i32
        %and3A_1463 = vector.broadcast %and3A_1462 : i32 to vector<16xi32>
        %and3A_1464 = arith.andi %add3A_1447, %and3A_1463 : vector<16xi32>
        %add3A_1465 = arith.addi %add3A_1461, %and3A_1464 : vector<16xi32>
        %swap3A_1466 = arith.index_cast %add3A_1290 : i32 to index
        %swap3A_1467 = arith.constant 80 : index
        %swap3A_1468 = tpu.vector_load %arg5[%swap3A_1466, %swap3A_1467] {strides = array<i32>} : memref<104x128xi32, #tpu.memory_space<vmem>>, vector<1x16xi32>,
        %swap3A_1469 = vector.shape_cast %swap3A_1468 : vector<1x16xi32> to vector<16xi32>
        %swap3A_1470 = vector.shape_cast %add3A_1465 : vector<16xi32> to vector<1x16xi32>
        tpu.vector_store %arg5[%swap3A_1466, %swap3A_1467], %swap3A_1470 {strides = array<i32>} : memref<104x128xi32, #tpu.memory_space<vmem>>, vector<1x16xi32>,
        %mul3A_1471 = arith.constant 128 : i32
        %mul3A_1472 = arith.muli %add3A_1290, %mul3A_1471 : i32
        %add3A_1473 = arith.addi %mul3A_4, %mul3A_1472 : i32
        %add3A_1474 = arith.constant 96 : i32
        %add3A_1475 = arith.addi %add3A_1473, %add3A_1474 : i32
        %add3A_1476 = vector.broadcast %add3A_1475 : i32 to vector<16xi32>
        %add3A_1477 = arith.addi %add3A_1476, %iota3A : vector<16xi32>
        %get3A_1478 = arith.index_cast %add3A_1290 : i32 to index
        %get3A_1479 = arith.constant 96 : index
        %get3A_1480 = tpu.vector_load %arg5[%get3A_1478, %get3A_1479] {strides = array<i32>} : memref<104x128xi32, #tpu.memory_space<vmem>>, vector<1x16xi32>,
        %get3A_1481 = vector.shape_cast %get3A_1480 : vector<1x16xi32> to vector<16xi32>
        %shift_right_arithmetic3A_1482 = arith.constant 15 : i32
        %shift_right_arithmetic3A_1483 = vector.broadcast %shift_right_arithmetic3A_1482 : i32 to vector<16xi32>
        %shift_right_arithmetic3A_1484 = arith.shrsi %add3A_1477, %shift_right_arithmetic3A_1483 : vector<16xi32>
        %mul3A_1485 = arith.constant 200000 : i32
        %mul3A_1486 = vector.broadcast %mul3A_1485 : i32 to vector<16xi32>
        %mul3A_1487 = arith.muli %shift_right_arithmetic3A_1484, %mul3A_1486 : vector<16xi32>
        %mul3A_1488 = arith.constant 2 : i32
        %mul3A_1489 = vector.broadcast %mul3A_1488 : i32 to vector<16xi32>
        %mul3A_1490 = arith.muli %mul3A_1489, %get3A_1481 : vector<16xi32>
        %add3A_1491 = arith.addi %mul3A_1487, %mul3A_1490 : vector<16xi32>
        %and3A_1492 = arith.constant 1 : i32
        %and3A_1493 = vector.broadcast %and3A_1492 : i32 to vector<16xi32>
        %and3A_1494 = arith.andi %add3A_1477, %and3A_1493 : vector<16xi32>
        %add3A_1495 = arith.addi %add3A_1491, %and3A_1494 : vector<16xi32>
        %swap3A_1496 = arith.index_cast %add3A_1290 : i32 to index
        %swap3A_1497 = arith.constant 96 : index
        %swap3A_1498 = tpu.vector_load %arg5[%swap3A_1496, %swap3A_1497] {strides = array<i32>} : memref<104x128xi32, #tpu.memory_space<vmem>>, vector<1x16xi32>,
        %swap3A_1499 = vector.shape_cast %swap3A_1498 : vector<1x16xi32> to vector<16xi32>
        %swap3A_1500 = vector.shape_cast %add3A_1495 : vector<16xi32> to vector<1x16xi32>
        tpu.vector_store %arg5[%swap3A_1496, %swap3A_1497], %swap3A_1500 {strides = array<i32>} : memref<104x128xi32, #tpu.memory_space<vmem>>, vector<1x16xi32>,
        %mul3A_1501 = arith.constant 128 : i32
        %mul3A_1502 = arith.muli %add3A_1290, %mul3A_1501 : i32
        %add3A_1503 = arith.addi %mul3A_4, %mul3A_1502 : i32
        %add3A_1504 = arith.constant 112 : i32
        %add3A_1505 = arith.addi %add3A_1503, %add3A_1504 : i32
        %add3A_1506 = vector.broadcast %add3A_1505 : i32 to vector<16xi32>
        %add3A_1507 = arith.addi %add3A_1506, %iota3A : vector<16xi32>
        %get3A_1508 = arith.index_cast %add3A_1290 : i32 to index
        %get3A_1509 = arith.constant 112 : index
        %get3A_1510 = tpu.vector_load %arg5[%get3A_1508, %get3A_1509] {strides = array<i32>} : memref<104x128xi32, #tpu.memory_space<vmem>>, vector<1x16xi32>,
        %get3A_1511 = vector.shape_cast %get3A_1510 : vector<1x16xi32> to vector<16xi32>
        %shift_right_arithmetic3A_1512 = arith.constant 15 : i32
        %shift_right_arithmetic3A_1513 = vector.broadcast %shift_right_arithmetic3A_1512 : i32 to vector<16xi32>
        %shift_right_arithmetic3A_1514 = arith.shrsi %add3A_1507, %shift_right_arithmetic3A_1513 : vector<16xi32>
        %mul3A_1515 = arith.constant 200000 : i32
        %mul3A_1516 = vector.broadcast %mul3A_1515 : i32 to vector<16xi32>
        %mul3A_1517 = arith.muli %shift_right_arithmetic3A_1514, %mul3A_1516 : vector<16xi32>
        %mul3A_1518 = arith.constant 2 : i32
        %mul3A_1519 = vector.broadcast %mul3A_1518 : i32 to vector<16xi32>
        %mul3A_1520 = arith.muli %mul3A_1519, %get3A_1511 : vector<16xi32>
        %add3A_1521 = arith.addi %mul3A_1517, %mul3A_1520 : vector<16xi32>
        %and3A_1522 = arith.constant 1 : i32
        %and3A_1523 = vector.broadcast %and3A_1522 : i32 to vector<16xi32>
        %and3A_1524 = arith.andi %add3A_1507, %and3A_1523 : vector<16xi32>
        %add3A_1525 = arith.addi %add3A_1521, %and3A_1524 : vector<16xi32>
        %swap3A_1526 = arith.index_cast %add3A_1290 : i32 to index
        %swap3A_1527 = arith.constant 112 : index
        %swap3A_1528 = tpu.vector_load %arg5[%swap3A_1526, %swap3A_1527] {strides = array<i32>} : memref<104x128xi32, #tpu.memory_space<vmem>>, vector<1x16xi32>,
        %swap3A_1529 = vector.shape_cast %swap3A_1528 : vector<1x16xi32> to vector<16xi32>
        %swap3A_1530 = vector.shape_cast %add3A_1525 : vector<16xi32> to vector<1x16xi32>
        tpu.vector_store %arg5[%swap3A_1526, %swap3A_1527], %swap3A_1530 {strides = array<i32>} : memref<104x128xi32, #tpu.memory_space<vmem>>, vector<1x16xi32>,
        %dma_start3A_1531 = arith.constant 0 : i32
        %dma_start3A_1532 = arith.constant 0 : i32
        %dma_start3A_1533 = arith.constant 0 : i32
        %dma_start3A_1534 = tpu.memref_slice %arg6[%dma_start3A_1531, %dma_start3A_1532, %dma_start3A_1533] : memref<4x256x64xf32, #tpu.memory_space<vmem>> -> memref<1x128x64xf32, #tpu.memory_space<vmem>>
        %dma_start3A_1535 = tpu.memref_squeeze %dma_start3A_1534 : memref<1x128x64xf32, #tpu.memory_space<vmem>> -> memref<128x64xf32, #tpu.memory_space<vmem>>
        %dma_start3A_1536 = arith.constant 0 : i32
        %dma_start3A_1537 = tpu.memref_slice %arg5[%add3A_1290, %dma_start3A_1536] : memref<104x128xi32, #tpu.memory_space<vmem>> -> memref<1x128xi32, #tpu.memory_space<vmem>>
        %dma_start3A_1538 = tpu.memref_squeeze %dma_start3A_1537 : memref<1x128xi32, #tpu.memory_space<vmem>> -> memref<128xi32, #tpu.memory_space<vmem>>
        %dma_start3A_1539 = arith.constant 0 : i32
        %dma_start3A_1540 = arith.constant 0 : i32
        %dma_start3A_1541 = tpu.memref_slice %arg3[%dma_start3A_1539, %dma_start3A_1540] : memref<2600000x64xf32, #tpu.memory_space<hbm>> -> memref<2600000x64xf32, #tpu.memory_space<hbm>>
        tpu.enqueue_indirect_dma source(%dma_start3A_1541 : memref<2600000x64xf32, #tpu.memory_space<hbm>>) target(%dma_start3A_1535 : memref<128x64xf32, #tpu.memory_space<vmem>>) offsets(%dma_start3A_1538 : memref<128xi32, #tpu.memory_space<vmem>>) semaphore(%arg7 : memref<!tpu.dma_semaphore, #tpu.memory_space<semaphore_mem>>)
        %mul3A_1542 = arith.constant 2 : i32
        %mul3A_1543 = arith.muli %add3A_1286, %mul3A_1542 : i32
        %add3A_1544 = arith.constant 1 : i32
        %add3A_1545 = arith.addi %mul3A_1543, %add3A_1544 : i32
        %mul3A_1546 = arith.constant 128 : i32
        %mul3A_1547 = arith.muli %add3A_1545, %mul3A_1546 : i32
        %add3A_1548 = arith.addi %mul3A_4, %mul3A_1547 : i32
        %add3A_1549 = arith.constant 0 : i32
        %add3A_1550 = arith.addi %add3A_1548, %add3A_1549 : i32
        %add3A_1551 = vector.broadcast %add3A_1550 : i32 to vector<16xi32>
        %add3A_1552 = arith.addi %add3A_1551, %iota3A : vector<16xi32>
        %get3A_1553 = arith.index_cast %add3A_1545 : i32 to index
        %get3A_1554 = arith.constant 0 : index
        %get3A_1555 = tpu.vector_load %arg5[%get3A_1553, %get3A_1554] {strides = array<i32>} : memref<104x128xi32, #tpu.memory_space<vmem>>, vector<1x16xi32>,
        %get3A_1556 = vector.shape_cast %get3A_1555 : vector<1x16xi32> to vector<16xi32>
        %shift_right_arithmetic3A_1557 = arith.constant 15 : i32
        %shift_right_arithmetic3A_1558 = vector.broadcast %shift_right_arithmetic3A_1557 : i32 to vector<16xi32>
        %shift_right_arithmetic3A_1559 = arith.shrsi %add3A_1552, %shift_right_arithmetic3A_1558 : vector<16xi32>
        %mul3A_1560 = arith.constant 200000 : i32
        %mul3A_1561 = vector.broadcast %mul3A_1560 : i32 to vector<16xi32>
        %mul3A_1562 = arith.muli %shift_right_arithmetic3A_1559, %mul3A_1561 : vector<16xi32>
        %mul3A_1563 = arith.constant 2 : i32
        %mul3A_1564 = vector.broadcast %mul3A_1563 : i32 to vector<16xi32>
        %mul3A_1565 = arith.muli %mul3A_1564, %get3A_1556 : vector<16xi32>
        %add3A_1566 = arith.addi %mul3A_1562, %mul3A_1565 : vector<16xi32>
        %and3A_1567 = arith.constant 1 : i32
        %and3A_1568 = vector.broadcast %and3A_1567 : i32 to vector<16xi32>
        %and3A_1569 = arith.andi %add3A_1552, %and3A_1568 : vector<16xi32>
        %add3A_1570 = arith.addi %add3A_1566, %and3A_1569 : vector<16xi32>
        %swap3A_1571 = arith.index_cast %add3A_1545 : i32 to index
        %swap3A_1572 = arith.constant 0 : index
        %swap3A_1573 = tpu.vector_load %arg5[%swap3A_1571, %swap3A_1572] {strides = array<i32>} : memref<104x128xi32, #tpu.memory_space<vmem>>, vector<1x16xi32>,
        %swap3A_1574 = vector.shape_cast %swap3A_1573 : vector<1x16xi32> to vector<16xi32>
        %swap3A_1575 = vector.shape_cast %add3A_1570 : vector<16xi32> to vector<1x16xi32>
        tpu.vector_store %arg5[%swap3A_1571, %swap3A_1572], %swap3A_1575 {strides = array<i32>} : memref<104x128xi32, #tpu.memory_space<vmem>>, vector<1x16xi32>,
        %mul3A_1576 = arith.constant 128 : i32
        %mul3A_1577 = arith.muli %add3A_1545, %mul3A_1576 : i32
        %add3A_1578 = arith.addi %mul3A_4, %mul3A_1577 : i32
        %add3A_1579 = arith.constant 16 : i32
        %add3A_1580 = arith.addi %add3A_1578, %add3A_1579 : i32
        %add3A_1581 = vector.broadcast %add3A_1580 : i32 to vector<16xi32>
        %add3A_1582 = arith.addi %add3A_1581, %iota3A : vector<16xi32>
        %get3A_1583 = arith.index_cast %add3A_1545 : i32 to index
        %get3A_1584 = arith.constant 16 : index
        %get3A_1585 = tpu.vector_load %arg5[%get3A_1583, %get3A_1584] {strides = array<i32>} : memref<104x128xi32, #tpu.memory_space<vmem>>, vector<1x16xi32>,
        %get3A_1586 = vector.shape_cast %get3A_1585 : vector<1x16xi32> to vector<16xi32>
        %shift_right_arithmetic3A_1587 = arith.constant 15 : i32
        %shift_right_arithmetic3A_1588 = vector.broadcast %shift_right_arithmetic3A_1587 : i32 to vector<16xi32>
        %shift_right_arithmetic3A_1589 = arith.shrsi %add3A_1582, %shift_right_arithmetic3A_1588 : vector<16xi32>
        %mul3A_1590 = arith.constant 200000 : i32
        %mul3A_1591 = vector.broadcast %mul3A_1590 : i32 to vector<16xi32>
        %mul3A_1592 = arith.muli %shift_right_arithmetic3A_1589, %mul3A_1591 : vector<16xi32>
        %mul3A_1593 = arith.constant 2 : i32
        %mul3A_1594 = vector.broadcast %mul3A_1593 : i32 to vector<16xi32>
        %mul3A_1595 = arith.muli %mul3A_1594, %get3A_1586 : vector<16xi32>
        %add3A_1596 = arith.addi %mul3A_1592, %mul3A_1595 : vector<16xi32>
        %and3A_1597 = arith.constant 1 : i32
        %and3A_1598 = vector.broadcast %and3A_1597 : i32 to vector<16xi32>
        %and3A_1599 = arith.andi %add3A_1582, %and3A_1598 : vector<16xi32>
        %add3A_1600 = arith.addi %add3A_1596, %and3A_1599 : vector<16xi32>
        %swap3A_1601 = arith.index_cast %add3A_1545 : i32 to index
        %swap3A_1602 = arith.constant 16 : index
        %swap3A_1603 = tpu.vector_load %arg5[%swap3A_1601, %swap3A_1602] {strides = array<i32>} : memref<104x128xi32, #tpu.memory_space<vmem>>, vector<1x16xi32>,
        %swap3A_1604 = vector.shape_cast %swap3A_1603 : vector<1x16xi32> to vector<16xi32>
        %swap3A_1605 = vector.shape_cast %add3A_1600 : vector<16xi32> to vector<1x16xi32>
        tpu.vector_store %arg5[%swap3A_1601, %swap3A_1602], %swap3A_1605 {strides = array<i32>} : memref<104x128xi32, #tpu.memory_space<vmem>>, vector<1x16xi32>,
        %mul3A_1606 = arith.constant 128 : i32
        %mul3A_1607 = arith.muli %add3A_1545, %mul3A_1606 : i32
        %add3A_1608 = arith.addi %mul3A_4, %mul3A_1607 : i32
        %add3A_1609 = arith.constant 32 : i32
        %add3A_1610 = arith.addi %add3A_1608, %add3A_1609 : i32
        %add3A_1611 = vector.broadcast %add3A_1610 : i32 to vector<16xi32>
        %add3A_1612 = arith.addi %add3A_1611, %iota3A : vector<16xi32>
        %get3A_1613 = arith.index_cast %add3A_1545 : i32 to index
        %get3A_1614 = arith.constant 32 : index
        %get3A_1615 = tpu.vector_load %arg5[%get3A_1613, %get3A_1614] {strides = array<i32>} : memref<104x128xi32, #tpu.memory_space<vmem>>, vector<1x16xi32>,
        %get3A_1616 = vector.shape_cast %get3A_1615 : vector<1x16xi32> to vector<16xi32>
        %shift_right_arithmetic3A_1617 = arith.constant 15 : i32
        %shift_right_arithmetic3A_1618 = vector.broadcast %shift_right_arithmetic3A_1617 : i32 to vector<16xi32>
        %shift_right_arithmetic3A_1619 = arith.shrsi %add3A_1612, %shift_right_arithmetic3A_1618 : vector<16xi32>
        %mul3A_1620 = arith.constant 200000 : i32
        %mul3A_1621 = vector.broadcast %mul3A_1620 : i32 to vector<16xi32>
        %mul3A_1622 = arith.muli %shift_right_arithmetic3A_1619, %mul3A_1621 : vector<16xi32>
        %mul3A_1623 = arith.constant 2 : i32
        %mul3A_1624 = vector.broadcast %mul3A_1623 : i32 to vector<16xi32>
        %mul3A_1625 = arith.muli %mul3A_1624, %get3A_1616 : vector<16xi32>
        %add3A_1626 = arith.addi %mul3A_1622, %mul3A_1625 : vector<16xi32>
        %and3A_1627 = arith.constant 1 : i32
        %and3A_1628 = vector.broadcast %and3A_1627 : i32 to vector<16xi32>
        %and3A_1629 = arith.andi %add3A_1612, %and3A_1628 : vector<16xi32>
        %add3A_1630 = arith.addi %add3A_1626, %and3A_1629 : vector<16xi32>
        %swap3A_1631 = arith.index_cast %add3A_1545 : i32 to index
        %swap3A_1632 = arith.constant 32 : index
        %swap3A_1633 = tpu.vector_load %arg5[%swap3A_1631, %swap3A_1632] {strides = array<i32>} : memref<104x128xi32, #tpu.memory_space<vmem>>, vector<1x16xi32>,
        %swap3A_1634 = vector.shape_cast %swap3A_1633 : vector<1x16xi32> to vector<16xi32>
        %swap3A_1635 = vector.shape_cast %add3A_1630 : vector<16xi32> to vector<1x16xi32>
        tpu.vector_store %arg5[%swap3A_1631, %swap3A_1632], %swap3A_1635 {strides = array<i32>} : memref<104x128xi32, #tpu.memory_space<vmem>>, vector<1x16xi32>,
        %mul3A_1636 = arith.constant 128 : i32
        %mul3A_1637 = arith.muli %add3A_1545, %mul3A_1636 : i32
        %add3A_1638 = arith.addi %mul3A_4, %mul3A_1637 : i32
        %add3A_1639 = arith.constant 48 : i32
        %add3A_1640 = arith.addi %add3A_1638, %add3A_1639 : i32
        %add3A_1641 = vector.broadcast %add3A_1640 : i32 to vector<16xi32>
        %add3A_1642 = arith.addi %add3A_1641, %iota3A : vector<16xi32>
        %get3A_1643 = arith.index_cast %add3A_1545 : i32 to index
        %get3A_1644 = arith.constant 48 : index
        %get3A_1645 = tpu.vector_load %arg5[%get3A_1643, %get3A_1644] {strides = array<i32>} : memref<104x128xi32, #tpu.memory_space<vmem>>, vector<1x16xi32>,
        %get3A_1646 = vector.shape_cast %get3A_1645 : vector<1x16xi32> to vector<16xi32>
        %shift_right_arithmetic3A_1647 = arith.constant 15 : i32
        %shift_right_arithmetic3A_1648 = vector.broadcast %shift_right_arithmetic3A_1647 : i32 to vector<16xi32>
        %shift_right_arithmetic3A_1649 = arith.shrsi %add3A_1642, %shift_right_arithmetic3A_1648 : vector<16xi32>
        %mul3A_1650 = arith.constant 200000 : i32
        %mul3A_1651 = vector.broadcast %mul3A_1650 : i32 to vector<16xi32>
        %mul3A_1652 = arith.muli %shift_right_arithmetic3A_1649, %mul3A_1651 : vector<16xi32>
        %mul3A_1653 = arith.constant 2 : i32
        %mul3A_1654 = vector.broadcast %mul3A_1653 : i32 to vector<16xi32>
        %mul3A_1655 = arith.muli %mul3A_1654, %get3A_1646 : vector<16xi32>
        %add3A_1656 = arith.addi %mul3A_1652, %mul3A_1655 : vector<16xi32>
        %and3A_1657 = arith.constant 1 : i32
        %and3A_1658 = vector.broadcast %and3A_1657 : i32 to vector<16xi32>
        %and3A_1659 = arith.andi %add3A_1642, %and3A_1658 : vector<16xi32>
        %add3A_1660 = arith.addi %add3A_1656, %and3A_1659 : vector<16xi32>
        %swap3A_1661 = arith.index_cast %add3A_1545 : i32 to index
        %swap3A_1662 = arith.constant 48 : index
        %swap3A_1663 = tpu.vector_load %arg5[%swap3A_1661, %swap3A_1662] {strides = array<i32>} : memref<104x128xi32, #tpu.memory_space<vmem>>, vector<1x16xi32>,
        %swap3A_1664 = vector.shape_cast %swap3A_1663 : vector<1x16xi32> to vector<16xi32>
        %swap3A_1665 = vector.shape_cast %add3A_1660 : vector<16xi32> to vector<1x16xi32>
        tpu.vector_store %arg5[%swap3A_1661, %swap3A_1662], %swap3A_1665 {strides = array<i32>} : memref<104x128xi32, #tpu.memory_space<vmem>>, vector<1x16xi32>,
        %mul3A_1666 = arith.constant 128 : i32
        %mul3A_1667 = arith.muli %add3A_1545, %mul3A_1666 : i32
        %add3A_1668 = arith.addi %mul3A_4, %mul3A_1667 : i32
        %add3A_1669 = arith.constant 64 : i32
        %add3A_1670 = arith.addi %add3A_1668, %add3A_1669 : i32
        %add3A_1671 = vector.broadcast %add3A_1670 : i32 to vector<16xi32>
        %add3A_1672 = arith.addi %add3A_1671, %iota3A : vector<16xi32>
        %get3A_1673 = arith.index_cast %add3A_1545 : i32 to index
        %get3A_1674 = arith.constant 64 : index
        %get3A_1675 = tpu.vector_load %arg5[%get3A_1673, %get3A_1674] {strides = array<i32>} : memref<104x128xi32, #tpu.memory_space<vmem>>, vector<1x16xi32>,
        %get3A_1676 = vector.shape_cast %get3A_1675 : vector<1x16xi32> to vector<16xi32>
        %shift_right_arithmetic3A_1677 = arith.constant 15 : i32
        %shift_right_arithmetic3A_1678 = vector.broadcast %shift_right_arithmetic3A_1677 : i32 to vector<16xi32>
        %shift_right_arithmetic3A_1679 = arith.shrsi %add3A_1672, %shift_right_arithmetic3A_1678 : vector<16xi32>
        %mul3A_1680 = arith.constant 200000 : i32
        %mul3A_1681 = vector.broadcast %mul3A_1680 : i32 to vector<16xi32>
        %mul3A_1682 = arith.muli %shift_right_arithmetic3A_1679, %mul3A_1681 : vector<16xi32>
        %mul3A_1683 = arith.constant 2 : i32
        %mul3A_1684 = vector.broadcast %mul3A_1683 : i32 to vector<16xi32>
        %mul3A_1685 = arith.muli %mul3A_1684, %get3A_1676 : vector<16xi32>
        %add3A_1686 = arith.addi %mul3A_1682, %mul3A_1685 : vector<16xi32>
        %and3A_1687 = arith.constant 1 : i32
        %and3A_1688 = vector.broadcast %and3A_1687 : i32 to vector<16xi32>
        %and3A_1689 = arith.andi %add3A_1672, %and3A_1688 : vector<16xi32>
        %add3A_1690 = arith.addi %add3A_1686, %and3A_1689 : vector<16xi32>
        %swap3A_1691 = arith.index_cast %add3A_1545 : i32 to index
        %swap3A_1692 = arith.constant 64 : index
        %swap3A_1693 = tpu.vector_load %arg5[%swap3A_1691, %swap3A_1692] {strides = array<i32>} : memref<104x128xi32, #tpu.memory_space<vmem>>, vector<1x16xi32>,
        %swap3A_1694 = vector.shape_cast %swap3A_1693 : vector<1x16xi32> to vector<16xi32>
        %swap3A_1695 = vector.shape_cast %add3A_1690 : vector<16xi32> to vector<1x16xi32>
        tpu.vector_store %arg5[%swap3A_1691, %swap3A_1692], %swap3A_1695 {strides = array<i32>} : memref<104x128xi32, #tpu.memory_space<vmem>>, vector<1x16xi32>,
        %mul3A_1696 = arith.constant 128 : i32
        %mul3A_1697 = arith.muli %add3A_1545, %mul3A_1696 : i32
        %add3A_1698 = arith.addi %mul3A_4, %mul3A_1697 : i32
        %add3A_1699 = arith.constant 80 : i32
        %add3A_1700 = arith.addi %add3A_1698, %add3A_1699 : i32
        %add3A_1701 = vector.broadcast %add3A_1700 : i32 to vector<16xi32>
        %add3A_1702 = arith.addi %add3A_1701, %iota3A : vector<16xi32>
        %get3A_1703 = arith.index_cast %add3A_1545 : i32 to index
        %get3A_1704 = arith.constant 80 : index
        %get3A_1705 = tpu.vector_load %arg5[%get3A_1703, %get3A_1704] {strides = array<i32>} : memref<104x128xi32, #tpu.memory_space<vmem>>, vector<1x16xi32>,
        %get3A_1706 = vector.shape_cast %get3A_1705 : vector<1x16xi32> to vector<16xi32>
        %shift_right_arithmetic3A_1707 = arith.constant 15 : i32
        %shift_right_arithmetic3A_1708 = vector.broadcast %shift_right_arithmetic3A_1707 : i32 to vector<16xi32>
        %shift_right_arithmetic3A_1709 = arith.shrsi %add3A_1702, %shift_right_arithmetic3A_1708 : vector<16xi32>
        %mul3A_1710 = arith.constant 200000 : i32
        %mul3A_1711 = vector.broadcast %mul3A_1710 : i32 to vector<16xi32>
        %mul3A_1712 = arith.muli %shift_right_arithmetic3A_1709, %mul3A_1711 : vector<16xi32>
        %mul3A_1713 = arith.constant 2 : i32
        %mul3A_1714 = vector.broadcast %mul3A_1713 : i32 to vector<16xi32>
        %mul3A_1715 = arith.muli %mul3A_1714, %get3A_1706 : vector<16xi32>
        %add3A_1716 = arith.addi %mul3A_1712, %mul3A_1715 : vector<16xi32>
        %and3A_1717 = arith.constant 1 : i32
        %and3A_1718 = vector.broadcast %and3A_1717 : i32 to vector<16xi32>
        %and3A_1719 = arith.andi %add3A_1702, %and3A_1718 : vector<16xi32>
        %add3A_1720 = arith.addi %add3A_1716, %and3A_1719 : vector<16xi32>
        %swap3A_1721 = arith.index_cast %add3A_1545 : i32 to index
        %swap3A_1722 = arith.constant 80 : index
        %swap3A_1723 = tpu.vector_load %arg5[%swap3A_1721, %swap3A_1722] {strides = array<i32>} : memref<104x128xi32, #tpu.memory_space<vmem>>, vector<1x16xi32>,
        %swap3A_1724 = vector.shape_cast %swap3A_1723 : vector<1x16xi32> to vector<16xi32>
        %swap3A_1725 = vector.shape_cast %add3A_1720 : vector<16xi32> to vector<1x16xi32>
        tpu.vector_store %arg5[%swap3A_1721, %swap3A_1722], %swap3A_1725 {strides = array<i32>} : memref<104x128xi32, #tpu.memory_space<vmem>>, vector<1x16xi32>,
        %mul3A_1726 = arith.constant 128 : i32
        %mul3A_1727 = arith.muli %add3A_1545, %mul3A_1726 : i32
        %add3A_1728 = arith.addi %mul3A_4, %mul3A_1727 : i32
        %add3A_1729 = arith.constant 96 : i32
        %add3A_1730 = arith.addi %add3A_1728, %add3A_1729 : i32
        %add3A_1731 = vector.broadcast %add3A_1730 : i32 to vector<16xi32>
        %add3A_1732 = arith.addi %add3A_1731, %iota3A : vector<16xi32>
        %get3A_1733 = arith.index_cast %add3A_1545 : i32 to index
        %get3A_1734 = arith.constant 96 : index
        %get3A_1735 = tpu.vector_load %arg5[%get3A_1733, %get3A_1734] {strides = array<i32>} : memref<104x128xi32, #tpu.memory_space<vmem>>, vector<1x16xi32>,
        %get3A_1736 = vector.shape_cast %get3A_1735 : vector<1x16xi32> to vector<16xi32>
        %shift_right_arithmetic3A_1737 = arith.constant 15 : i32
        %shift_right_arithmetic3A_1738 = vector.broadcast %shift_right_arithmetic3A_1737 : i32 to vector<16xi32>
        %shift_right_arithmetic3A_1739 = arith.shrsi %add3A_1732, %shift_right_arithmetic3A_1738 : vector<16xi32>
        %mul3A_1740 = arith.constant 200000 : i32
        %mul3A_1741 = vector.broadcast %mul3A_1740 : i32 to vector<16xi32>
        %mul3A_1742 = arith.muli %shift_right_arithmetic3A_1739, %mul3A_1741 : vector<16xi32>
        %mul3A_1743 = arith.constant 2 : i32
        %mul3A_1744 = vector.broadcast %mul3A_1743 : i32 to vector<16xi32>
        %mul3A_1745 = arith.muli %mul3A_1744, %get3A_1736 : vector<16xi32>
        %add3A_1746 = arith.addi %mul3A_1742, %mul3A_1745 : vector<16xi32>
        %and3A_1747 = arith.constant 1 : i32
        %and3A_1748 = vector.broadcast %and3A_1747 : i32 to vector<16xi32>
        %and3A_1749 = arith.andi %add3A_1732, %and3A_1748 : vector<16xi32>
        %add3A_1750 = arith.addi %add3A_1746, %and3A_1749 : vector<16xi32>
        %swap3A_1751 = arith.index_cast %add3A_1545 : i32 to index
        %swap3A_1752 = arith.constant 96 : index
        %swap3A_1753 = tpu.vector_load %arg5[%swap3A_1751, %swap3A_1752] {strides = array<i32>} : memref<104x128xi32, #tpu.memory_space<vmem>>, vector<1x16xi32>,
        %swap3A_1754 = vector.shape_cast %swap3A_1753 : vector<1x16xi32> to vector<16xi32>
        %swap3A_1755 = vector.shape_cast %add3A_1750 : vector<16xi32> to vector<1x16xi32>
        tpu.vector_store %arg5[%swap3A_1751, %swap3A_1752], %swap3A_1755 {strides = array<i32>} : memref<104x128xi32, #tpu.memory_space<vmem>>, vector<1x16xi32>,
        %mul3A_1756 = arith.constant 128 : i32
        %mul3A_1757 = arith.muli %add3A_1545, %mul3A_1756 : i32
        %add3A_1758 = arith.addi %mul3A_4, %mul3A_1757 : i32
        %add3A_1759 = arith.constant 112 : i32
        %add3A_1760 = arith.addi %add3A_1758, %add3A_1759 : i32
        %add3A_1761 = vector.broadcast %add3A_1760 : i32 to vector<16xi32>
        %add3A_1762 = arith.addi %add3A_1761, %iota3A : vector<16xi32>
        %get3A_1763 = arith.index_cast %add3A_1545 : i32 to index
        %get3A_1764 = arith.constant 112 : index
        %get3A_1765 = tpu.vector_load %arg5[%get3A_1763, %get3A_1764] {strides = array<i32>} : memref<104x128xi32, #tpu.memory_space<vmem>>, vector<1x16xi32>,
        %get3A_1766 = vector.shape_cast %get3A_1765 : vector<1x16xi32> to vector<16xi32>
        %shift_right_arithmetic3A_1767 = arith.constant 15 : i32
        %shift_right_arithmetic3A_1768 = vector.broadcast %shift_right_arithmetic3A_1767 : i32 to vector<16xi32>
        %shift_right_arithmetic3A_1769 = arith.shrsi %add3A_1762, %shift_right_arithmetic3A_1768 : vector<16xi32>
        %mul3A_1770 = arith.constant 200000 : i32
        %mul3A_1771 = vector.broadcast %mul3A_1770 : i32 to vector<16xi32>
        %mul3A_1772 = arith.muli %shift_right_arithmetic3A_1769, %mul3A_1771 : vector<16xi32>
        %mul3A_1773 = arith.constant 2 : i32
        %mul3A_1774 = vector.broadcast %mul3A_1773 : i32 to vector<16xi32>
        %mul3A_1775 = arith.muli %mul3A_1774, %get3A_1766 : vector<16xi32>
        %add3A_1776 = arith.addi %mul3A_1772, %mul3A_1775 : vector<16xi32>
        %and3A_1777 = arith.constant 1 : i32
        %and3A_1778 = vector.broadcast %and3A_1777 : i32 to vector<16xi32>
        %and3A_1779 = arith.andi %add3A_1762, %and3A_1778 : vector<16xi32>
        %add3A_1780 = arith.addi %add3A_1776, %and3A_1779 : vector<16xi32>
        %swap3A_1781 = arith.index_cast %add3A_1545 : i32 to index
        %swap3A_1782 = arith.constant 112 : index
        %swap3A_1783 = tpu.vector_load %arg5[%swap3A_1781, %swap3A_1782] {strides = array<i32>} : memref<104x128xi32, #tpu.memory_space<vmem>>, vector<1x16xi32>,
        %swap3A_1784 = vector.shape_cast %swap3A_1783 : vector<1x16xi32> to vector<16xi32>
        %swap3A_1785 = vector.shape_cast %add3A_1780 : vector<16xi32> to vector<1x16xi32>
        tpu.vector_store %arg5[%swap3A_1781, %swap3A_1782], %swap3A_1785 {strides = array<i32>} : memref<104x128xi32, #tpu.memory_space<vmem>>, vector<1x16xi32>,
        %dma_start3A_1786 = arith.constant 0 : i32
        %dma_start3A_1787 = arith.constant 128 : i32
        %dma_start3A_1788 = arith.constant 0 : i32
        %dma_start3A_1789 = tpu.memref_slice %arg6[%dma_start3A_1786, %dma_start3A_1787, %dma_start3A_1788] : memref<4x256x64xf32, #tpu.memory_space<vmem>> -> memref<1x128x64xf32, #tpu.memory_space<vmem>>
        %dma_start3A_1790 = tpu.memref_squeeze %dma_start3A_1789 : memref<1x128x64xf32, #tpu.memory_space<vmem>> -> memref<128x64xf32, #tpu.memory_space<vmem>>
        %dma_start3A_1791 = arith.constant 0 : i32
        %dma_start3A_1792 = tpu.memref_slice %arg5[%add3A_1545, %dma_start3A_1791] : memref<104x128xi32, #tpu.memory_space<vmem>> -> memref<1x128xi32, #tpu.memory_space<vmem>>
        %dma_start3A_1793 = tpu.memref_squeeze %dma_start3A_1792 : memref<1x128xi32, #tpu.memory_space<vmem>> -> memref<128xi32, #tpu.memory_space<vmem>>
        %dma_start3A_1794 = arith.constant 0 : i32
        %dma_start3A_1795 = arith.constant 0 : i32
        %dma_start3A_1796 = tpu.memref_slice %arg3[%dma_start3A_1794, %dma_start3A_1795] : memref<2600000x64xf32, #tpu.memory_space<hbm>> -> memref<2600000x64xf32, #tpu.memory_space<hbm>>
        tpu.enqueue_indirect_dma source(%dma_start3A_1796 : memref<2600000x64xf32, #tpu.memory_space<hbm>>) target(%dma_start3A_1790 : memref<128x64xf32, #tpu.memory_space<vmem>>) offsets(%dma_start3A_1793 : memref<128xi32, #tpu.memory_space<vmem>>) semaphore(%arg7 : memref<!tpu.dma_semaphore, #tpu.memory_space<semaphore_mem>>)
      } else {
      }
      %mul3A_1233 = arith.constant 4 : i32
      %mul3A_1234 = arith.muli %scan3A_1080, %mul3A_1233 : i32
      %add3A_1235 = arith.constant 3 : i32
      %add3A_1236 = arith.addi %mul3A_1234, %add3A_1235 : i32
      %dma_wait3A_1237 = arith.constant 0 : i32
      %dma_wait3A_1238 = arith.constant 3 : i32
      %dma_wait3A_1239 = arith.constant 0 : i32
      %dma_wait3A_1240 = arith.constant 0 : i32
      %dma_wait3A_1241 = tpu.memref_slice %arg6[%dma_wait3A_1238, %dma_wait3A_1239, %dma_wait3A_1240] : memref<4x256x64xf32, #tpu.memory_space<vmem>> -> memref<1x256x64xf32, #tpu.memory_space<vmem>>
      %dma_wait3A_1242 = tpu.memref_squeeze %dma_wait3A_1241 : memref<1x256x64xf32, #tpu.memory_space<vmem>> -> memref<256x64xf32, #tpu.memory_space<vmem>>
      %dma_wait3A_1243 = arith.constant 0 : i32
      %dma_wait3A_1244 = arith.constant 0 : i32
      %dma_wait3A_1245 = tpu.memref_slice %arg4[%dma_wait3A_1237, %dma_wait3A_1243, %dma_wait3A_1244] : memref<1664x256x64xf32, #tpu.memory_space<hbm>> -> memref<1x256x64xf32, #tpu.memory_space<hbm>>
      %dma_wait3A_1246 = tpu.memref_squeeze %dma_wait3A_1245 : memref<1x256x64xf32, #tpu.memory_space<hbm>> -> memref<256x64xf32, #tpu.memory_space<hbm>>
      %dma_wait3A_1247 = arith.constant 0 : i32
      %dma_wait3A_1248 = arith.constant 0 : i32
      %dma_wait3A_1249 = tpu.memref_slice %arg6[%dma_wait3A_1238, %dma_wait3A_1247, %dma_wait3A_1248] : memref<4x256x64xf32, #tpu.memory_space<vmem>> -> memref<1x256x64xf32, #tpu.memory_space<vmem>>
      %dma_wait3A_1250 = tpu.memref_squeeze %dma_wait3A_1249 : memref<1x256x64xf32, #tpu.memory_space<vmem>> -> memref<256x64xf32, #tpu.memory_space<vmem>>
      %dma_wait3A_1251 = arith.constant 0 : i32
      %dma_wait3A_1252 = arith.constant 0 : i32
      %dma_wait3A_1253 = tpu.memref_slice %arg4[%dma_wait3A_1237, %dma_wait3A_1251, %dma_wait3A_1252] : memref<1664x256x64xf32, #tpu.memory_space<hbm>> -> memref<1x256x64xf32, #tpu.memory_space<hbm>>
      %dma_wait3A_1254 = tpu.memref_squeeze %dma_wait3A_1253 : memref<1x256x64xf32, #tpu.memory_space<hbm>> -> memref<256x64xf32, #tpu.memory_space<hbm>>
      tpu.wait_dma2 semaphore(%arg10 : memref<!tpu.dma_semaphore, #tpu.memory_space<semaphore_mem>>) src(%dma_wait3A_1254 : memref<256x64xf32, #tpu.memory_space<hbm>>) dst(%dma_wait3A_1250 : memref<256x64xf32, #tpu.memory_space<vmem>>)
      %add3A_1255 = arith.addi %mul3A_2, %add3A_1236 : i32
      %dma_start3A_1256 = arith.constant 3 : i32
      %dma_start3A_1257 = arith.constant 0 : i32
      %dma_start3A_1258 = arith.constant 0 : i32
      %dma_start3A_1259 = tpu.memref_slice %arg6[%dma_start3A_1256, %dma_start3A_1257, %dma_start3A_1258] : memref<4x256x64xf32, #tpu.memory_space<vmem>> -> memref<1x256x64xf32, #tpu.memory_space<vmem>>
      %dma_start3A_1260 = tpu.memref_squeeze %dma_start3A_1259 : memref<1x256x64xf32, #tpu.memory_space<vmem>> -> memref<256x64xf32, #tpu.memory_space<vmem>>
      %dma_start3A_1261 = arith.constant 0 : i32
      %dma_start3A_1262 = arith.constant 0 : i32
      %dma_start3A_1263 = tpu.memref_slice %arg4[%add3A_1255, %dma_start3A_1261, %dma_start3A_1262] : memref<1664x256x64xf32, #tpu.memory_space<hbm>> -> memref<1x256x64xf32, #tpu.memory_space<hbm>>
      %dma_start3A_1264 = tpu.memref_squeeze %dma_start3A_1263 : memref<1x256x64xf32, #tpu.memory_space<hbm>> -> memref<256x64xf32, #tpu.memory_space<hbm>>
      %dma_start3A_1265 = arith.constant 0 : i32
      %dma_start3A_1266 = arith.constant 0 : i32
      %dma_start3A_1267 = tpu.memref_slice %arg4[%add3A_1255, %dma_start3A_1265, %dma_start3A_1266] : memref<1664x256x64xf32, #tpu.memory_space<hbm>> -> memref<1x256x64xf32, #tpu.memory_space<hbm>>
      %dma_start3A_1268 = tpu.memref_squeeze %dma_start3A_1267 : memref<1x256x64xf32, #tpu.memory_space<hbm>> -> memref<256x64xf32, #tpu.memory_space<hbm>>
      %dma_start3A_1269 = arith.constant 0 : i32
      %dma_start3A_1270 = arith.constant 0 : i32
      %dma_start3A_1271 = tpu.memref_slice %arg6[%dma_start3A_1256, %dma_start3A_1269, %dma_start3A_1270] : memref<4x256x64xf32, #tpu.memory_space<vmem>> -> memref<1x256x64xf32, #tpu.memory_space<vmem>>
      %dma_start3A_1272 = tpu.memref_squeeze %dma_start3A_1271 : memref<1x256x64xf32, #tpu.memory_space<vmem>> -> memref<256x64xf32, #tpu.memory_space<vmem>>
      tpu.enqueue_dma source(%dma_start3A_1272 : memref<256x64xf32, #tpu.memory_space<vmem>>) target(%dma_start3A_1268 : memref<256x64xf32, #tpu.memory_space<hbm>>) target_semaphore(%arg14 : memref<!tpu.dma_semaphore, #tpu.memory_space<semaphore_mem>>)
      %ge3A_1273 = arith.constant 2 : i32
      %ge3A_1274 = arith.cmpi sge, %add3A_1236, %ge3A_1273 : i32
      %convert_element_type3A_1275 = arith.extui %ge3A_1274 : i1 to i32
      %cond3A_1276 = arith.constant 0 : i32
      %cond3A_1277 = arith.cmpi ne, %convert_element_type3A_1275, %cond3A_1276 : i32
      scf.if %cond3A_1277 {
        %dma_wait3A_1285 = arith.constant 0 : i32
        %dma_wait3A_1286 = arith.constant 1 : i32
        %dma_wait3A_1287 = arith.constant 0 : i32
        %dma_wait3A_1288 = arith.constant 0 : i32
        %dma_wait3A_1289 = tpu.memref_slice %arg6[%dma_wait3A_1286, %dma_wait3A_1287, %dma_wait3A_1288] : memref<4x256x64xf32, #tpu.memory_space<vmem>> -> memref<1x256x64xf32, #tpu.memory_space<vmem>>
        %dma_wait3A_1290 = tpu.memref_squeeze %dma_wait3A_1289 : memref<1x256x64xf32, #tpu.memory_space<vmem>> -> memref<256x64xf32, #tpu.memory_space<vmem>>
        %dma_wait3A_1291 = arith.constant 0 : i32
        %dma_wait3A_1292 = arith.constant 0 : i32
        %dma_wait3A_1293 = tpu.memref_slice %arg4[%dma_wait3A_1285, %dma_wait3A_1291, %dma_wait3A_1292] : memref<1664x256x64xf32, #tpu.memory_space<hbm>> -> memref<1x256x64xf32, #tpu.memory_space<hbm>>
        %dma_wait3A_1294 = tpu.memref_squeeze %dma_wait3A_1293 : memref<1x256x64xf32, #tpu.memory_space<hbm>> -> memref<256x64xf32, #tpu.memory_space<hbm>>
        %dma_wait3A_1295 = arith.constant 0 : i32
        %dma_wait3A_1296 = arith.constant 0 : i32
        %dma_wait3A_1297 = tpu.memref_slice %arg6[%dma_wait3A_1286, %dma_wait3A_1295, %dma_wait3A_1296] : memref<4x256x64xf32, #tpu.memory_space<vmem>> -> memref<1x256x64xf32, #tpu.memory_space<vmem>>
        %dma_wait3A_1298 = tpu.memref_squeeze %dma_wait3A_1297 : memref<1x256x64xf32, #tpu.memory_space<vmem>> -> memref<256x64xf32, #tpu.memory_space<vmem>>
        %dma_wait3A_1299 = arith.constant 0 : i32
        %dma_wait3A_1300 = arith.constant 0 : i32
        %dma_wait3A_1301 = tpu.memref_slice %arg4[%dma_wait3A_1285, %dma_wait3A_1299, %dma_wait3A_1300] : memref<1664x256x64xf32, #tpu.memory_space<hbm>> -> memref<1x256x64xf32, #tpu.memory_space<hbm>>
        %dma_wait3A_1302 = tpu.memref_squeeze %dma_wait3A_1301 : memref<1x256x64xf32, #tpu.memory_space<hbm>> -> memref<256x64xf32, #tpu.memory_space<hbm>>
        tpu.wait_dma2 semaphore(%arg12 : memref<!tpu.dma_semaphore, #tpu.memory_space<semaphore_mem>>) src(%dma_wait3A_1302 : memref<256x64xf32, #tpu.memory_space<hbm>>) dst(%dma_wait3A_1298 : memref<256x64xf32, #tpu.memory_space<vmem>>)
      } else {
      }
      %add3A_1278 = arith.constant 2 : i32
      %add3A_1279 = arith.addi %add3A_1236, %add3A_1278 : i32
      %lt3A_1280 = arith.constant 52 : i32
      %lt3A_1281 = arith.cmpi slt, %add3A_1279, %lt3A_1280 : i32
      %convert_element_type3A_1282 = arith.extui %lt3A_1281 : i1 to i32
      %cond3A_1283 = arith.constant 0 : i32
      %cond3A_1284 = arith.cmpi ne, %convert_element_type3A_1282, %cond3A_1283 : i32
      scf.if %cond3A_1284 {
        %add3A_1285 = arith.constant 2 : i32
        %add3A_1286 = arith.addi %add3A_1236, %add3A_1285 : i32
        %mul3A_1287 = arith.constant 2 : i32
        %mul3A_1288 = arith.muli %add3A_1286, %mul3A_1287 : i32
        %add3A_1289 = arith.constant 0 : i32
        %add3A_1290 = arith.addi %mul3A_1288, %add3A_1289 : i32
        %mul3A_1291 = arith.constant 128 : i32
        %mul3A_1292 = arith.muli %add3A_1290, %mul3A_1291 : i32
        %add3A_1293 = arith.addi %mul3A_4, %mul3A_1292 : i32
        %add3A_1294 = arith.constant 0 : i32
        %add3A_1295 = arith.addi %add3A_1293, %add3A_1294 : i32
        %add3A_1296 = vector.broadcast %add3A_1295 : i32 to vector<16xi32>
        %add3A_1297 = arith.addi %add3A_1296, %iota3A : vector<16xi32>
        %get3A_1298 = arith.index_cast %add3A_1290 : i32 to index
        %get3A_1299 = arith.constant 0 : index
        %get3A_1300 = tpu.vector_load %arg5[%get3A_1298, %get3A_1299] {strides = array<i32>} : memref<104x128xi32, #tpu.memory_space<vmem>>, vector<1x16xi32>,
        %get3A_1301 = vector.shape_cast %get3A_1300 : vector<1x16xi32> to vector<16xi32>
        %shift_right_arithmetic3A_1302 = arith.constant 15 : i32
        %shift_right_arithmetic3A_1303 = vector.broadcast %shift_right_arithmetic3A_1302 : i32 to vector<16xi32>
        %shift_right_arithmetic3A_1304 = arith.shrsi %add3A_1297, %shift_right_arithmetic3A_1303 : vector<16xi32>
        %mul3A_1305 = arith.constant 200000 : i32
        %mul3A_1306 = vector.broadcast %mul3A_1305 : i32 to vector<16xi32>
        %mul3A_1307 = arith.muli %shift_right_arithmetic3A_1304, %mul3A_1306 : vector<16xi32>
        %mul3A_1308 = arith.constant 2 : i32
        %mul3A_1309 = vector.broadcast %mul3A_1308 : i32 to vector<16xi32>
        %mul3A_1310 = arith.muli %mul3A_1309, %get3A_1301 : vector<16xi32>
        %add3A_1311 = arith.addi %mul3A_1307, %mul3A_1310 : vector<16xi32>
        %and3A_1312 = arith.constant 1 : i32
        %and3A_1313 = vector.broadcast %and3A_1312 : i32 to vector<16xi32>
        %and3A_1314 = arith.andi %add3A_1297, %and3A_1313 : vector<16xi32>
        %add3A_1315 = arith.addi %add3A_1311, %and3A_1314 : vector<16xi32>
        %swap3A_1316 = arith.index_cast %add3A_1290 : i32 to index
        %swap3A_1317 = arith.constant 0 : index
        %swap3A_1318 = tpu.vector_load %arg5[%swap3A_1316, %swap3A_1317] {strides = array<i32>} : memref<104x128xi32, #tpu.memory_space<vmem>>, vector<1x16xi32>,
        %swap3A_1319 = vector.shape_cast %swap3A_1318 : vector<1x16xi32> to vector<16xi32>
        %swap3A_1320 = vector.shape_cast %add3A_1315 : vector<16xi32> to vector<1x16xi32>
        tpu.vector_store %arg5[%swap3A_1316, %swap3A_1317], %swap3A_1320 {strides = array<i32>} : memref<104x128xi32, #tpu.memory_space<vmem>>, vector<1x16xi32>,
        %mul3A_1321 = arith.constant 128 : i32
        %mul3A_1322 = arith.muli %add3A_1290, %mul3A_1321 : i32
        %add3A_1323 = arith.addi %mul3A_4, %mul3A_1322 : i32
        %add3A_1324 = arith.constant 16 : i32
        %add3A_1325 = arith.addi %add3A_1323, %add3A_1324 : i32
        %add3A_1326 = vector.broadcast %add3A_1325 : i32 to vector<16xi32>
        %add3A_1327 = arith.addi %add3A_1326, %iota3A : vector<16xi32>
        %get3A_1328 = arith.index_cast %add3A_1290 : i32 to index
        %get3A_1329 = arith.constant 16 : index
        %get3A_1330 = tpu.vector_load %arg5[%get3A_1328, %get3A_1329] {strides = array<i32>} : memref<104x128xi32, #tpu.memory_space<vmem>>, vector<1x16xi32>,
        %get3A_1331 = vector.shape_cast %get3A_1330 : vector<1x16xi32> to vector<16xi32>
        %shift_right_arithmetic3A_1332 = arith.constant 15 : i32
        %shift_right_arithmetic3A_1333 = vector.broadcast %shift_right_arithmetic3A_1332 : i32 to vector<16xi32>
        %shift_right_arithmetic3A_1334 = arith.shrsi %add3A_1327, %shift_right_arithmetic3A_1333 : vector<16xi32>
        %mul3A_1335 = arith.constant 200000 : i32
        %mul3A_1336 = vector.broadcast %mul3A_1335 : i32 to vector<16xi32>
        %mul3A_1337 = arith.muli %shift_right_arithmetic3A_1334, %mul3A_1336 : vector<16xi32>
        %mul3A_1338 = arith.constant 2 : i32
        %mul3A_1339 = vector.broadcast %mul3A_1338 : i32 to vector<16xi32>
        %mul3A_1340 = arith.muli %mul3A_1339, %get3A_1331 : vector<16xi32>
        %add3A_1341 = arith.addi %mul3A_1337, %mul3A_1340 : vector<16xi32>
        %and3A_1342 = arith.constant 1 : i32
        %and3A_1343 = vector.broadcast %and3A_1342 : i32 to vector<16xi32>
        %and3A_1344 = arith.andi %add3A_1327, %and3A_1343 : vector<16xi32>
        %add3A_1345 = arith.addi %add3A_1341, %and3A_1344 : vector<16xi32>
        %swap3A_1346 = arith.index_cast %add3A_1290 : i32 to index
        %swap3A_1347 = arith.constant 16 : index
        %swap3A_1348 = tpu.vector_load %arg5[%swap3A_1346, %swap3A_1347] {strides = array<i32>} : memref<104x128xi32, #tpu.memory_space<vmem>>, vector<1x16xi32>,
        %swap3A_1349 = vector.shape_cast %swap3A_1348 : vector<1x16xi32> to vector<16xi32>
        %swap3A_1350 = vector.shape_cast %add3A_1345 : vector<16xi32> to vector<1x16xi32>
        tpu.vector_store %arg5[%swap3A_1346, %swap3A_1347], %swap3A_1350 {strides = array<i32>} : memref<104x128xi32, #tpu.memory_space<vmem>>, vector<1x16xi32>,
        %mul3A_1351 = arith.constant 128 : i32
        %mul3A_1352 = arith.muli %add3A_1290, %mul3A_1351 : i32
        %add3A_1353 = arith.addi %mul3A_4, %mul3A_1352 : i32
        %add3A_1354 = arith.constant 32 : i32
        %add3A_1355 = arith.addi %add3A_1353, %add3A_1354 : i32
        %add3A_1356 = vector.broadcast %add3A_1355 : i32 to vector<16xi32>
        %add3A_1357 = arith.addi %add3A_1356, %iota3A : vector<16xi32>
        %get3A_1358 = arith.index_cast %add3A_1290 : i32 to index
        %get3A_1359 = arith.constant 32 : index
        %get3A_1360 = tpu.vector_load %arg5[%get3A_1358, %get3A_1359] {strides = array<i32>} : memref<104x128xi32, #tpu.memory_space<vmem>>, vector<1x16xi32>,
        %get3A_1361 = vector.shape_cast %get3A_1360 : vector<1x16xi32> to vector<16xi32>
        %shift_right_arithmetic3A_1362 = arith.constant 15 : i32
        %shift_right_arithmetic3A_1363 = vector.broadcast %shift_right_arithmetic3A_1362 : i32 to vector<16xi32>
        %shift_right_arithmetic3A_1364 = arith.shrsi %add3A_1357, %shift_right_arithmetic3A_1363 : vector<16xi32>
        %mul3A_1365 = arith.constant 200000 : i32
        %mul3A_1366 = vector.broadcast %mul3A_1365 : i32 to vector<16xi32>
        %mul3A_1367 = arith.muli %shift_right_arithmetic3A_1364, %mul3A_1366 : vector<16xi32>
        %mul3A_1368 = arith.constant 2 : i32
        %mul3A_1369 = vector.broadcast %mul3A_1368 : i32 to vector<16xi32>
        %mul3A_1370 = arith.muli %mul3A_1369, %get3A_1361 : vector<16xi32>
        %add3A_1371 = arith.addi %mul3A_1367, %mul3A_1370 : vector<16xi32>
        %and3A_1372 = arith.constant 1 : i32
        %and3A_1373 = vector.broadcast %and3A_1372 : i32 to vector<16xi32>
        %and3A_1374 = arith.andi %add3A_1357, %and3A_1373 : vector<16xi32>
        %add3A_1375 = arith.addi %add3A_1371, %and3A_1374 : vector<16xi32>
        %swap3A_1376 = arith.index_cast %add3A_1290 : i32 to index
        %swap3A_1377 = arith.constant 32 : index
        %swap3A_1378 = tpu.vector_load %arg5[%swap3A_1376, %swap3A_1377] {strides = array<i32>} : memref<104x128xi32, #tpu.memory_space<vmem>>, vector<1x16xi32>,
        %swap3A_1379 = vector.shape_cast %swap3A_1378 : vector<1x16xi32> to vector<16xi32>
        %swap3A_1380 = vector.shape_cast %add3A_1375 : vector<16xi32> to vector<1x16xi32>
        tpu.vector_store %arg5[%swap3A_1376, %swap3A_1377], %swap3A_1380 {strides = array<i32>} : memref<104x128xi32, #tpu.memory_space<vmem>>, vector<1x16xi32>,
        %mul3A_1381 = arith.constant 128 : i32
        %mul3A_1382 = arith.muli %add3A_1290, %mul3A_1381 : i32
        %add3A_1383 = arith.addi %mul3A_4, %mul3A_1382 : i32
        %add3A_1384 = arith.constant 48 : i32
        %add3A_1385 = arith.addi %add3A_1383, %add3A_1384 : i32
        %add3A_1386 = vector.broadcast %add3A_1385 : i32 to vector<16xi32>
        %add3A_1387 = arith.addi %add3A_1386, %iota3A : vector<16xi32>
        %get3A_1388 = arith.index_cast %add3A_1290 : i32 to index
        %get3A_1389 = arith.constant 48 : index
        %get3A_1390 = tpu.vector_load %arg5[%get3A_1388, %get3A_1389] {strides = array<i32>} : memref<104x128xi32, #tpu.memory_space<vmem>>, vector<1x16xi32>,
        %get3A_1391 = vector.shape_cast %get3A_1390 : vector<1x16xi32> to vector<16xi32>
        %shift_right_arithmetic3A_1392 = arith.constant 15 : i32
        %shift_right_arithmetic3A_1393 = vector.broadcast %shift_right_arithmetic3A_1392 : i32 to vector<16xi32>
        %shift_right_arithmetic3A_1394 = arith.shrsi %add3A_1387, %shift_right_arithmetic3A_1393 : vector<16xi32>
        %mul3A_1395 = arith.constant 200000 : i32
        %mul3A_1396 = vector.broadcast %mul3A_1395 : i32 to vector<16xi32>
        %mul3A_1397 = arith.muli %shift_right_arithmetic3A_1394, %mul3A_1396 : vector<16xi32>
        %mul3A_1398 = arith.constant 2 : i32
        %mul3A_1399 = vector.broadcast %mul3A_1398 : i32 to vector<16xi32>
        %mul3A_1400 = arith.muli %mul3A_1399, %get3A_1391 : vector<16xi32>
        %add3A_1401 = arith.addi %mul3A_1397, %mul3A_1400 : vector<16xi32>
        %and3A_1402 = arith.constant 1 : i32
        %and3A_1403 = vector.broadcast %and3A_1402 : i32 to vector<16xi32>
        %and3A_1404 = arith.andi %add3A_1387, %and3A_1403 : vector<16xi32>
        %add3A_1405 = arith.addi %add3A_1401, %and3A_1404 : vector<16xi32>
        %swap3A_1406 = arith.index_cast %add3A_1290 : i32 to index
        %swap3A_1407 = arith.constant 48 : index
        %swap3A_1408 = tpu.vector_load %arg5[%swap3A_1406, %swap3A_1407] {strides = array<i32>} : memref<104x128xi32, #tpu.memory_space<vmem>>, vector<1x16xi32>,
        %swap3A_1409 = vector.shape_cast %swap3A_1408 : vector<1x16xi32> to vector<16xi32>
        %swap3A_1410 = vector.shape_cast %add3A_1405 : vector<16xi32> to vector<1x16xi32>
        tpu.vector_store %arg5[%swap3A_1406, %swap3A_1407], %swap3A_1410 {strides = array<i32>} : memref<104x128xi32, #tpu.memory_space<vmem>>, vector<1x16xi32>,
        %mul3A_1411 = arith.constant 128 : i32
        %mul3A_1412 = arith.muli %add3A_1290, %mul3A_1411 : i32
        %add3A_1413 = arith.addi %mul3A_4, %mul3A_1412 : i32
        %add3A_1414 = arith.constant 64 : i32
        %add3A_1415 = arith.addi %add3A_1413, %add3A_1414 : i32
        %add3A_1416 = vector.broadcast %add3A_1415 : i32 to vector<16xi32>
        %add3A_1417 = arith.addi %add3A_1416, %iota3A : vector<16xi32>
        %get3A_1418 = arith.index_cast %add3A_1290 : i32 to index
        %get3A_1419 = arith.constant 64 : index
        %get3A_1420 = tpu.vector_load %arg5[%get3A_1418, %get3A_1419] {strides = array<i32>} : memref<104x128xi32, #tpu.memory_space<vmem>>, vector<1x16xi32>,
        %get3A_1421 = vector.shape_cast %get3A_1420 : vector<1x16xi32> to vector<16xi32>
        %shift_right_arithmetic3A_1422 = arith.constant 15 : i32
        %shift_right_arithmetic3A_1423 = vector.broadcast %shift_right_arithmetic3A_1422 : i32 to vector<16xi32>
        %shift_right_arithmetic3A_1424 = arith.shrsi %add3A_1417, %shift_right_arithmetic3A_1423 : vector<16xi32>
        %mul3A_1425 = arith.constant 200000 : i32
        %mul3A_1426 = vector.broadcast %mul3A_1425 : i32 to vector<16xi32>
        %mul3A_1427 = arith.muli %shift_right_arithmetic3A_1424, %mul3A_1426 : vector<16xi32>
        %mul3A_1428 = arith.constant 2 : i32
        %mul3A_1429 = vector.broadcast %mul3A_1428 : i32 to vector<16xi32>
        %mul3A_1430 = arith.muli %mul3A_1429, %get3A_1421 : vector<16xi32>
        %add3A_1431 = arith.addi %mul3A_1427, %mul3A_1430 : vector<16xi32>
        %and3A_1432 = arith.constant 1 : i32
        %and3A_1433 = vector.broadcast %and3A_1432 : i32 to vector<16xi32>
        %and3A_1434 = arith.andi %add3A_1417, %and3A_1433 : vector<16xi32>
        %add3A_1435 = arith.addi %add3A_1431, %and3A_1434 : vector<16xi32>
        %swap3A_1436 = arith.index_cast %add3A_1290 : i32 to index
        %swap3A_1437 = arith.constant 64 : index
        %swap3A_1438 = tpu.vector_load %arg5[%swap3A_1436, %swap3A_1437] {strides = array<i32>} : memref<104x128xi32, #tpu.memory_space<vmem>>, vector<1x16xi32>,
        %swap3A_1439 = vector.shape_cast %swap3A_1438 : vector<1x16xi32> to vector<16xi32>
        %swap3A_1440 = vector.shape_cast %add3A_1435 : vector<16xi32> to vector<1x16xi32>
        tpu.vector_store %arg5[%swap3A_1436, %swap3A_1437], %swap3A_1440 {strides = array<i32>} : memref<104x128xi32, #tpu.memory_space<vmem>>, vector<1x16xi32>,
        %mul3A_1441 = arith.constant 128 : i32
        %mul3A_1442 = arith.muli %add3A_1290, %mul3A_1441 : i32
        %add3A_1443 = arith.addi %mul3A_4, %mul3A_1442 : i32
        %add3A_1444 = arith.constant 80 : i32
        %add3A_1445 = arith.addi %add3A_1443, %add3A_1444 : i32
        %add3A_1446 = vector.broadcast %add3A_1445 : i32 to vector<16xi32>
        %add3A_1447 = arith.addi %add3A_1446, %iota3A : vector<16xi32>
        %get3A_1448 = arith.index_cast %add3A_1290 : i32 to index
        %get3A_1449 = arith.constant 80 : index
        %get3A_1450 = tpu.vector_load %arg5[%get3A_1448, %get3A_1449] {strides = array<i32>} : memref<104x128xi32, #tpu.memory_space<vmem>>, vector<1x16xi32>,
        %get3A_1451 = vector.shape_cast %get3A_1450 : vector<1x16xi32> to vector<16xi32>
        %shift_right_arithmetic3A_1452 = arith.constant 15 : i32
        %shift_right_arithmetic3A_1453 = vector.broadcast %shift_right_arithmetic3A_1452 : i32 to vector<16xi32>
        %shift_right_arithmetic3A_1454 = arith.shrsi %add3A_1447, %shift_right_arithmetic3A_1453 : vector<16xi32>
        %mul3A_1455 = arith.constant 200000 : i32
        %mul3A_1456 = vector.broadcast %mul3A_1455 : i32 to vector<16xi32>
        %mul3A_1457 = arith.muli %shift_right_arithmetic3A_1454, %mul3A_1456 : vector<16xi32>
        %mul3A_1458 = arith.constant 2 : i32
        %mul3A_1459 = vector.broadcast %mul3A_1458 : i32 to vector<16xi32>
        %mul3A_1460 = arith.muli %mul3A_1459, %get3A_1451 : vector<16xi32>
        %add3A_1461 = arith.addi %mul3A_1457, %mul3A_1460 : vector<16xi32>
        %and3A_1462 = arith.constant 1 : i32
        %and3A_1463 = vector.broadcast %and3A_1462 : i32 to vector<16xi32>
        %and3A_1464 = arith.andi %add3A_1447, %and3A_1463 : vector<16xi32>
        %add3A_1465 = arith.addi %add3A_1461, %and3A_1464 : vector<16xi32>
        %swap3A_1466 = arith.index_cast %add3A_1290 : i32 to index
        %swap3A_1467 = arith.constant 80 : index
        %swap3A_1468 = tpu.vector_load %arg5[%swap3A_1466, %swap3A_1467] {strides = array<i32>} : memref<104x128xi32, #tpu.memory_space<vmem>>, vector<1x16xi32>,
        %swap3A_1469 = vector.shape_cast %swap3A_1468 : vector<1x16xi32> to vector<16xi32>
        %swap3A_1470 = vector.shape_cast %add3A_1465 : vector<16xi32> to vector<1x16xi32>
        tpu.vector_store %arg5[%swap3A_1466, %swap3A_1467], %swap3A_1470 {strides = array<i32>} : memref<104x128xi32, #tpu.memory_space<vmem>>, vector<1x16xi32>,
        %mul3A_1471 = arith.constant 128 : i32
        %mul3A_1472 = arith.muli %add3A_1290, %mul3A_1471 : i32
        %add3A_1473 = arith.addi %mul3A_4, %mul3A_1472 : i32
        %add3A_1474 = arith.constant 96 : i32
        %add3A_1475 = arith.addi %add3A_1473, %add3A_1474 : i32
        %add3A_1476 = vector.broadcast %add3A_1475 : i32 to vector<16xi32>
        %add3A_1477 = arith.addi %add3A_1476, %iota3A : vector<16xi32>
        %get3A_1478 = arith.index_cast %add3A_1290 : i32 to index
        %get3A_1479 = arith.constant 96 : index
        %get3A_1480 = tpu.vector_load %arg5[%get3A_1478, %get3A_1479] {strides = array<i32>} : memref<104x128xi32, #tpu.memory_space<vmem>>, vector<1x16xi32>,
        %get3A_1481 = vector.shape_cast %get3A_1480 : vector<1x16xi32> to vector<16xi32>
        %shift_right_arithmetic3A_1482 = arith.constant 15 : i32
        %shift_right_arithmetic3A_1483 = vector.broadcast %shift_right_arithmetic3A_1482 : i32 to vector<16xi32>
        %shift_right_arithmetic3A_1484 = arith.shrsi %add3A_1477, %shift_right_arithmetic3A_1483 : vector<16xi32>
        %mul3A_1485 = arith.constant 200000 : i32
        %mul3A_1486 = vector.broadcast %mul3A_1485 : i32 to vector<16xi32>
        %mul3A_1487 = arith.muli %shift_right_arithmetic3A_1484, %mul3A_1486 : vector<16xi32>
        %mul3A_1488 = arith.constant 2 : i32
        %mul3A_1489 = vector.broadcast %mul3A_1488 : i32 to vector<16xi32>
        %mul3A_1490 = arith.muli %mul3A_1489, %get3A_1481 : vector<16xi32>
        %add3A_1491 = arith.addi %mul3A_1487, %mul3A_1490 : vector<16xi32>
        %and3A_1492 = arith.constant 1 : i32
        %and3A_1493 = vector.broadcast %and3A_1492 : i32 to vector<16xi32>
        %and3A_1494 = arith.andi %add3A_1477, %and3A_1493 : vector<16xi32>
        %add3A_1495 = arith.addi %add3A_1491, %and3A_1494 : vector<16xi32>
        %swap3A_1496 = arith.index_cast %add3A_1290 : i32 to index
        %swap3A_1497 = arith.constant 96 : index
        %swap3A_1498 = tpu.vector_load %arg5[%swap3A_1496, %swap3A_1497] {strides = array<i32>} : memref<104x128xi32, #tpu.memory_space<vmem>>, vector<1x16xi32>,
        %swap3A_1499 = vector.shape_cast %swap3A_1498 : vector<1x16xi32> to vector<16xi32>
        %swap3A_1500 = vector.shape_cast %add3A_1495 : vector<16xi32> to vector<1x16xi32>
        tpu.vector_store %arg5[%swap3A_1496, %swap3A_1497], %swap3A_1500 {strides = array<i32>} : memref<104x128xi32, #tpu.memory_space<vmem>>, vector<1x16xi32>,
        %mul3A_1501 = arith.constant 128 : i32
        %mul3A_1502 = arith.muli %add3A_1290, %mul3A_1501 : i32
        %add3A_1503 = arith.addi %mul3A_4, %mul3A_1502 : i32
        %add3A_1504 = arith.constant 112 : i32
        %add3A_1505 = arith.addi %add3A_1503, %add3A_1504 : i32
        %add3A_1506 = vector.broadcast %add3A_1505 : i32 to vector<16xi32>
        %add3A_1507 = arith.addi %add3A_1506, %iota3A : vector<16xi32>
        %get3A_1508 = arith.index_cast %add3A_1290 : i32 to index
        %get3A_1509 = arith.constant 112 : index
        %get3A_1510 = tpu.vector_load %arg5[%get3A_1508, %get3A_1509] {strides = array<i32>} : memref<104x128xi32, #tpu.memory_space<vmem>>, vector<1x16xi32>,
        %get3A_1511 = vector.shape_cast %get3A_1510 : vector<1x16xi32> to vector<16xi32>
        %shift_right_arithmetic3A_1512 = arith.constant 15 : i32
        %shift_right_arithmetic3A_1513 = vector.broadcast %shift_right_arithmetic3A_1512 : i32 to vector<16xi32>
        %shift_right_arithmetic3A_1514 = arith.shrsi %add3A_1507, %shift_right_arithmetic3A_1513 : vector<16xi32>
        %mul3A_1515 = arith.constant 200000 : i32
        %mul3A_1516 = vector.broadcast %mul3A_1515 : i32 to vector<16xi32>
        %mul3A_1517 = arith.muli %shift_right_arithmetic3A_1514, %mul3A_1516 : vector<16xi32>
        %mul3A_1518 = arith.constant 2 : i32
        %mul3A_1519 = vector.broadcast %mul3A_1518 : i32 to vector<16xi32>
        %mul3A_1520 = arith.muli %mul3A_1519, %get3A_1511 : vector<16xi32>
        %add3A_1521 = arith.addi %mul3A_1517, %mul3A_1520 : vector<16xi32>
        %and3A_1522 = arith.constant 1 : i32
        %and3A_1523 = vector.broadcast %and3A_1522 : i32 to vector<16xi32>
        %and3A_1524 = arith.andi %add3A_1507, %and3A_1523 : vector<16xi32>
        %add3A_1525 = arith.addi %add3A_1521, %and3A_1524 : vector<16xi32>
        %swap3A_1526 = arith.index_cast %add3A_1290 : i32 to index
        %swap3A_1527 = arith.constant 112 : index
        %swap3A_1528 = tpu.vector_load %arg5[%swap3A_1526, %swap3A_1527] {strides = array<i32>} : memref<104x128xi32, #tpu.memory_space<vmem>>, vector<1x16xi32>,
        %swap3A_1529 = vector.shape_cast %swap3A_1528 : vector<1x16xi32> to vector<16xi32>
        %swap3A_1530 = vector.shape_cast %add3A_1525 : vector<16xi32> to vector<1x16xi32>
        tpu.vector_store %arg5[%swap3A_1526, %swap3A_1527], %swap3A_1530 {strides = array<i32>} : memref<104x128xi32, #tpu.memory_space<vmem>>, vector<1x16xi32>,
        %dma_start3A_1531 = arith.constant 1 : i32
        %dma_start3A_1532 = arith.constant 0 : i32
        %dma_start3A_1533 = arith.constant 0 : i32
        %dma_start3A_1534 = tpu.memref_slice %arg6[%dma_start3A_1531, %dma_start3A_1532, %dma_start3A_1533] : memref<4x256x64xf32, #tpu.memory_space<vmem>> -> memref<1x128x64xf32, #tpu.memory_space<vmem>>
        %dma_start3A_1535 = tpu.memref_squeeze %dma_start3A_1534 : memref<1x128x64xf32, #tpu.memory_space<vmem>> -> memref<128x64xf32, #tpu.memory_space<vmem>>
        %dma_start3A_1536 = arith.constant 0 : i32
        %dma_start3A_1537 = tpu.memref_slice %arg5[%add3A_1290, %dma_start3A_1536] : memref<104x128xi32, #tpu.memory_space<vmem>> -> memref<1x128xi32, #tpu.memory_space<vmem>>
        %dma_start3A_1538 = tpu.memref_squeeze %dma_start3A_1537 : memref<1x128xi32, #tpu.memory_space<vmem>> -> memref<128xi32, #tpu.memory_space<vmem>>
        %dma_start3A_1539 = arith.constant 0 : i32
        %dma_start3A_1540 = arith.constant 0 : i32
        %dma_start3A_1541 = tpu.memref_slice %arg3[%dma_start3A_1539, %dma_start3A_1540] : memref<2600000x64xf32, #tpu.memory_space<hbm>> -> memref<2600000x64xf32, #tpu.memory_space<hbm>>
        tpu.enqueue_indirect_dma source(%dma_start3A_1541 : memref<2600000x64xf32, #tpu.memory_space<hbm>>) target(%dma_start3A_1535 : memref<128x64xf32, #tpu.memory_space<vmem>>) offsets(%dma_start3A_1538 : memref<128xi32, #tpu.memory_space<vmem>>) semaphore(%arg8 : memref<!tpu.dma_semaphore, #tpu.memory_space<semaphore_mem>>)
        %mul3A_1542 = arith.constant 2 : i32
        %mul3A_1543 = arith.muli %add3A_1286, %mul3A_1542 : i32
        %add3A_1544 = arith.constant 1 : i32
        %add3A_1545 = arith.addi %mul3A_1543, %add3A_1544 : i32
        %mul3A_1546 = arith.constant 128 : i32
        %mul3A_1547 = arith.muli %add3A_1545, %mul3A_1546 : i32
        %add3A_1548 = arith.addi %mul3A_4, %mul3A_1547 : i32
        %add3A_1549 = arith.constant 0 : i32
        %add3A_1550 = arith.addi %add3A_1548, %add3A_1549 : i32
        %add3A_1551 = vector.broadcast %add3A_1550 : i32 to vector<16xi32>
        %add3A_1552 = arith.addi %add3A_1551, %iota3A : vector<16xi32>
        %get3A_1553 = arith.index_cast %add3A_1545 : i32 to index
        %get3A_1554 = arith.constant 0 : index
        %get3A_1555 = tpu.vector_load %arg5[%get3A_1553, %get3A_1554] {strides = array<i32>} : memref<104x128xi32, #tpu.memory_space<vmem>>, vector<1x16xi32>,
        %get3A_1556 = vector.shape_cast %get3A_1555 : vector<1x16xi32> to vector<16xi32>
        %shift_right_arithmetic3A_1557 = arith.constant 15 : i32
        %shift_right_arithmetic3A_1558 = vector.broadcast %shift_right_arithmetic3A_1557 : i32 to vector<16xi32>
        %shift_right_arithmetic3A_1559 = arith.shrsi %add3A_1552, %shift_right_arithmetic3A_1558 : vector<16xi32>
        %mul3A_1560 = arith.constant 200000 : i32
        %mul3A_1561 = vector.broadcast %mul3A_1560 : i32 to vector<16xi32>
        %mul3A_1562 = arith.muli %shift_right_arithmetic3A_1559, %mul3A_1561 : vector<16xi32>
        %mul3A_1563 = arith.constant 2 : i32
        %mul3A_1564 = vector.broadcast %mul3A_1563 : i32 to vector<16xi32>
        %mul3A_1565 = arith.muli %mul3A_1564, %get3A_1556 : vector<16xi32>
        %add3A_1566 = arith.addi %mul3A_1562, %mul3A_1565 : vector<16xi32>
        %and3A_1567 = arith.constant 1 : i32
        %and3A_1568 = vector.broadcast %and3A_1567 : i32 to vector<16xi32>
        %and3A_1569 = arith.andi %add3A_1552, %and3A_1568 : vector<16xi32>
        %add3A_1570 = arith.addi %add3A_1566, %and3A_1569 : vector<16xi32>
        %swap3A_1571 = arith.index_cast %add3A_1545 : i32 to index
        %swap3A_1572 = arith.constant 0 : index
        %swap3A_1573 = tpu.vector_load %arg5[%swap3A_1571, %swap3A_1572] {strides = array<i32>} : memref<104x128xi32, #tpu.memory_space<vmem>>, vector<1x16xi32>,
        %swap3A_1574 = vector.shape_cast %swap3A_1573 : vector<1x16xi32> to vector<16xi32>
        %swap3A_1575 = vector.shape_cast %add3A_1570 : vector<16xi32> to vector<1x16xi32>
        tpu.vector_store %arg5[%swap3A_1571, %swap3A_1572], %swap3A_1575 {strides = array<i32>} : memref<104x128xi32, #tpu.memory_space<vmem>>, vector<1x16xi32>,
        %mul3A_1576 = arith.constant 128 : i32
        %mul3A_1577 = arith.muli %add3A_1545, %mul3A_1576 : i32
        %add3A_1578 = arith.addi %mul3A_4, %mul3A_1577 : i32
        %add3A_1579 = arith.constant 16 : i32
        %add3A_1580 = arith.addi %add3A_1578, %add3A_1579 : i32
        %add3A_1581 = vector.broadcast %add3A_1580 : i32 to vector<16xi32>
        %add3A_1582 = arith.addi %add3A_1581, %iota3A : vector<16xi32>
        %get3A_1583 = arith.index_cast %add3A_1545 : i32 to index
        %get3A_1584 = arith.constant 16 : index
        %get3A_1585 = tpu.vector_load %arg5[%get3A_1583, %get3A_1584] {strides = array<i32>} : memref<104x128xi32, #tpu.memory_space<vmem>>, vector<1x16xi32>,
        %get3A_1586 = vector.shape_cast %get3A_1585 : vector<1x16xi32> to vector<16xi32>
        %shift_right_arithmetic3A_1587 = arith.constant 15 : i32
        %shift_right_arithmetic3A_1588 = vector.broadcast %shift_right_arithmetic3A_1587 : i32 to vector<16xi32>
        %shift_right_arithmetic3A_1589 = arith.shrsi %add3A_1582, %shift_right_arithmetic3A_1588 : vector<16xi32>
        %mul3A_1590 = arith.constant 200000 : i32
        %mul3A_1591 = vector.broadcast %mul3A_1590 : i32 to vector<16xi32>
        %mul3A_1592 = arith.muli %shift_right_arithmetic3A_1589, %mul3A_1591 : vector<16xi32>
        %mul3A_1593 = arith.constant 2 : i32
        %mul3A_1594 = vector.broadcast %mul3A_1593 : i32 to vector<16xi32>
        %mul3A_1595 = arith.muli %mul3A_1594, %get3A_1586 : vector<16xi32>
        %add3A_1596 = arith.addi %mul3A_1592, %mul3A_1595 : vector<16xi32>
        %and3A_1597 = arith.constant 1 : i32
        %and3A_1598 = vector.broadcast %and3A_1597 : i32 to vector<16xi32>
        %and3A_1599 = arith.andi %add3A_1582, %and3A_1598 : vector<16xi32>
        %add3A_1600 = arith.addi %add3A_1596, %and3A_1599 : vector<16xi32>
        %swap3A_1601 = arith.index_cast %add3A_1545 : i32 to index
        %swap3A_1602 = arith.constant 16 : index
        %swap3A_1603 = tpu.vector_load %arg5[%swap3A_1601, %swap3A_1602] {strides = array<i32>} : memref<104x128xi32, #tpu.memory_space<vmem>>, vector<1x16xi32>,
        %swap3A_1604 = vector.shape_cast %swap3A_1603 : vector<1x16xi32> to vector<16xi32>
        %swap3A_1605 = vector.shape_cast %add3A_1600 : vector<16xi32> to vector<1x16xi32>
        tpu.vector_store %arg5[%swap3A_1601, %swap3A_1602], %swap3A_1605 {strides = array<i32>} : memref<104x128xi32, #tpu.memory_space<vmem>>, vector<1x16xi32>,
        %mul3A_1606 = arith.constant 128 : i32
        %mul3A_1607 = arith.muli %add3A_1545, %mul3A_1606 : i32
        %add3A_1608 = arith.addi %mul3A_4, %mul3A_1607 : i32
        %add3A_1609 = arith.constant 32 : i32
        %add3A_1610 = arith.addi %add3A_1608, %add3A_1609 : i32
        %add3A_1611 = vector.broadcast %add3A_1610 : i32 to vector<16xi32>
        %add3A_1612 = arith.addi %add3A_1611, %iota3A : vector<16xi32>
        %get3A_1613 = arith.index_cast %add3A_1545 : i32 to index
        %get3A_1614 = arith.constant 32 : index
        %get3A_1615 = tpu.vector_load %arg5[%get3A_1613, %get3A_1614] {strides = array<i32>} : memref<104x128xi32, #tpu.memory_space<vmem>>, vector<1x16xi32>,
        %get3A_1616 = vector.shape_cast %get3A_1615 : vector<1x16xi32> to vector<16xi32>
        %shift_right_arithmetic3A_1617 = arith.constant 15 : i32
        %shift_right_arithmetic3A_1618 = vector.broadcast %shift_right_arithmetic3A_1617 : i32 to vector<16xi32>
        %shift_right_arithmetic3A_1619 = arith.shrsi %add3A_1612, %shift_right_arithmetic3A_1618 : vector<16xi32>
        %mul3A_1620 = arith.constant 200000 : i32
        %mul3A_1621 = vector.broadcast %mul3A_1620 : i32 to vector<16xi32>
        %mul3A_1622 = arith.muli %shift_right_arithmetic3A_1619, %mul3A_1621 : vector<16xi32>
        %mul3A_1623 = arith.constant 2 : i32
        %mul3A_1624 = vector.broadcast %mul3A_1623 : i32 to vector<16xi32>
        %mul3A_1625 = arith.muli %mul3A_1624, %get3A_1616 : vector<16xi32>
        %add3A_1626 = arith.addi %mul3A_1622, %mul3A_1625 : vector<16xi32>
        %and3A_1627 = arith.constant 1 : i32
        %and3A_1628 = vector.broadcast %and3A_1627 : i32 to vector<16xi32>
        %and3A_1629 = arith.andi %add3A_1612, %and3A_1628 : vector<16xi32>
        %add3A_1630 = arith.addi %add3A_1626, %and3A_1629 : vector<16xi32>
        %swap3A_1631 = arith.index_cast %add3A_1545 : i32 to index
        %swap3A_1632 = arith.constant 32 : index
        %swap3A_1633 = tpu.vector_load %arg5[%swap3A_1631, %swap3A_1632] {strides = array<i32>} : memref<104x128xi32, #tpu.memory_space<vmem>>, vector<1x16xi32>,
        %swap3A_1634 = vector.shape_cast %swap3A_1633 : vector<1x16xi32> to vector<16xi32>
        %swap3A_1635 = vector.shape_cast %add3A_1630 : vector<16xi32> to vector<1x16xi32>
        tpu.vector_store %arg5[%swap3A_1631, %swap3A_1632], %swap3A_1635 {strides = array<i32>} : memref<104x128xi32, #tpu.memory_space<vmem>>, vector<1x16xi32>,
        %mul3A_1636 = arith.constant 128 : i32
        %mul3A_1637 = arith.muli %add3A_1545, %mul3A_1636 : i32
        %add3A_1638 = arith.addi %mul3A_4, %mul3A_1637 : i32
        %add3A_1639 = arith.constant 48 : i32
        %add3A_1640 = arith.addi %add3A_1638, %add3A_1639 : i32
        %add3A_1641 = vector.broadcast %add3A_1640 : i32 to vector<16xi32>
        %add3A_1642 = arith.addi %add3A_1641, %iota3A : vector<16xi32>
        %get3A_1643 = arith.index_cast %add3A_1545 : i32 to index
        %get3A_1644 = arith.constant 48 : index
        %get3A_1645 = tpu.vector_load %arg5[%get3A_1643, %get3A_1644] {strides = array<i32>} : memref<104x128xi32, #tpu.memory_space<vmem>>, vector<1x16xi32>,
        %get3A_1646 = vector.shape_cast %get3A_1645 : vector<1x16xi32> to vector<16xi32>
        %shift_right_arithmetic3A_1647 = arith.constant 15 : i32
        %shift_right_arithmetic3A_1648 = vector.broadcast %shift_right_arithmetic3A_1647 : i32 to vector<16xi32>
        %shift_right_arithmetic3A_1649 = arith.shrsi %add3A_1642, %shift_right_arithmetic3A_1648 : vector<16xi32>
        %mul3A_1650 = arith.constant 200000 : i32
        %mul3A_1651 = vector.broadcast %mul3A_1650 : i32 to vector<16xi32>
        %mul3A_1652 = arith.muli %shift_right_arithmetic3A_1649, %mul3A_1651 : vector<16xi32>
        %mul3A_1653 = arith.constant 2 : i32
        %mul3A_1654 = vector.broadcast %mul3A_1653 : i32 to vector<16xi32>
        %mul3A_1655 = arith.muli %mul3A_1654, %get3A_1646 : vector<16xi32>
        %add3A_1656 = arith.addi %mul3A_1652, %mul3A_1655 : vector<16xi32>
        %and3A_1657 = arith.constant 1 : i32
        %and3A_1658 = vector.broadcast %and3A_1657 : i32 to vector<16xi32>
        %and3A_1659 = arith.andi %add3A_1642, %and3A_1658 : vector<16xi32>
        %add3A_1660 = arith.addi %add3A_1656, %and3A_1659 : vector<16xi32>
        %swap3A_1661 = arith.index_cast %add3A_1545 : i32 to index
        %swap3A_1662 = arith.constant 48 : index
        %swap3A_1663 = tpu.vector_load %arg5[%swap3A_1661, %swap3A_1662] {strides = array<i32>} : memref<104x128xi32, #tpu.memory_space<vmem>>, vector<1x16xi32>,
        %swap3A_1664 = vector.shape_cast %swap3A_1663 : vector<1x16xi32> to vector<16xi32>
        %swap3A_1665 = vector.shape_cast %add3A_1660 : vector<16xi32> to vector<1x16xi32>
        tpu.vector_store %arg5[%swap3A_1661, %swap3A_1662], %swap3A_1665 {strides = array<i32>} : memref<104x128xi32, #tpu.memory_space<vmem>>, vector<1x16xi32>,
        %mul3A_1666 = arith.constant 128 : i32
        %mul3A_1667 = arith.muli %add3A_1545, %mul3A_1666 : i32
        %add3A_1668 = arith.addi %mul3A_4, %mul3A_1667 : i32
        %add3A_1669 = arith.constant 64 : i32
        %add3A_1670 = arith.addi %add3A_1668, %add3A_1669 : i32
        %add3A_1671 = vector.broadcast %add3A_1670 : i32 to vector<16xi32>
        %add3A_1672 = arith.addi %add3A_1671, %iota3A : vector<16xi32>
        %get3A_1673 = arith.index_cast %add3A_1545 : i32 to index
        %get3A_1674 = arith.constant 64 : index
        %get3A_1675 = tpu.vector_load %arg5[%get3A_1673, %get3A_1674] {strides = array<i32>} : memref<104x128xi32, #tpu.memory_space<vmem>>, vector<1x16xi32>,
        %get3A_1676 = vector.shape_cast %get3A_1675 : vector<1x16xi32> to vector<16xi32>
        %shift_right_arithmetic3A_1677 = arith.constant 15 : i32
        %shift_right_arithmetic3A_1678 = vector.broadcast %shift_right_arithmetic3A_1677 : i32 to vector<16xi32>
        %shift_right_arithmetic3A_1679 = arith.shrsi %add3A_1672, %shift_right_arithmetic3A_1678 : vector<16xi32>
        %mul3A_1680 = arith.constant 200000 : i32
        %mul3A_1681 = vector.broadcast %mul3A_1680 : i32 to vector<16xi32>
        %mul3A_1682 = arith.muli %shift_right_arithmetic3A_1679, %mul3A_1681 : vector<16xi32>
        %mul3A_1683 = arith.constant 2 : i32
        %mul3A_1684 = vector.broadcast %mul3A_1683 : i32 to vector<16xi32>
        %mul3A_1685 = arith.muli %mul3A_1684, %get3A_1676 : vector<16xi32>
        %add3A_1686 = arith.addi %mul3A_1682, %mul3A_1685 : vector<16xi32>
        %and3A_1687 = arith.constant 1 : i32
        %and3A_1688 = vector.broadcast %and3A_1687 : i32 to vector<16xi32>
        %and3A_1689 = arith.andi %add3A_1672, %and3A_1688 : vector<16xi32>
        %add3A_1690 = arith.addi %add3A_1686, %and3A_1689 : vector<16xi32>
        %swap3A_1691 = arith.index_cast %add3A_1545 : i32 to index
        %swap3A_1692 = arith.constant 64 : index
        %swap3A_1693 = tpu.vector_load %arg5[%swap3A_1691, %swap3A_1692] {strides = array<i32>} : memref<104x128xi32, #tpu.memory_space<vmem>>, vector<1x16xi32>,
        %swap3A_1694 = vector.shape_cast %swap3A_1693 : vector<1x16xi32> to vector<16xi32>
        %swap3A_1695 = vector.shape_cast %add3A_1690 : vector<16xi32> to vector<1x16xi32>
        tpu.vector_store %arg5[%swap3A_1691, %swap3A_1692], %swap3A_1695 {strides = array<i32>} : memref<104x128xi32, #tpu.memory_space<vmem>>, vector<1x16xi32>,
        %mul3A_1696 = arith.constant 128 : i32
        %mul3A_1697 = arith.muli %add3A_1545, %mul3A_1696 : i32
        %add3A_1698 = arith.addi %mul3A_4, %mul3A_1697 : i32
        %add3A_1699 = arith.constant 80 : i32
        %add3A_1700 = arith.addi %add3A_1698, %add3A_1699 : i32
        %add3A_1701 = vector.broadcast %add3A_1700 : i32 to vector<16xi32>
        %add3A_1702 = arith.addi %add3A_1701, %iota3A : vector<16xi32>
        %get3A_1703 = arith.index_cast %add3A_1545 : i32 to index
        %get3A_1704 = arith.constant 80 : index
        %get3A_1705 = tpu.vector_load %arg5[%get3A_1703, %get3A_1704] {strides = array<i32>} : memref<104x128xi32, #tpu.memory_space<vmem>>, vector<1x16xi32>,
        %get3A_1706 = vector.shape_cast %get3A_1705 : vector<1x16xi32> to vector<16xi32>
        %shift_right_arithmetic3A_1707 = arith.constant 15 : i32
        %shift_right_arithmetic3A_1708 = vector.broadcast %shift_right_arithmetic3A_1707 : i32 to vector<16xi32>
        %shift_right_arithmetic3A_1709 = arith.shrsi %add3A_1702, %shift_right_arithmetic3A_1708 : vector<16xi32>
        %mul3A_1710 = arith.constant 200000 : i32
        %mul3A_1711 = vector.broadcast %mul3A_1710 : i32 to vector<16xi32>
        %mul3A_1712 = arith.muli %shift_right_arithmetic3A_1709, %mul3A_1711 : vector<16xi32>
        %mul3A_1713 = arith.constant 2 : i32
        %mul3A_1714 = vector.broadcast %mul3A_1713 : i32 to vector<16xi32>
        %mul3A_1715 = arith.muli %mul3A_1714, %get3A_1706 : vector<16xi32>
        %add3A_1716 = arith.addi %mul3A_1712, %mul3A_1715 : vector<16xi32>
        %and3A_1717 = arith.constant 1 : i32
        %and3A_1718 = vector.broadcast %and3A_1717 : i32 to vector<16xi32>
        %and3A_1719 = arith.andi %add3A_1702, %and3A_1718 : vector<16xi32>
        %add3A_1720 = arith.addi %add3A_1716, %and3A_1719 : vector<16xi32>
        %swap3A_1721 = arith.index_cast %add3A_1545 : i32 to index
        %swap3A_1722 = arith.constant 80 : index
        %swap3A_1723 = tpu.vector_load %arg5[%swap3A_1721, %swap3A_1722] {strides = array<i32>} : memref<104x128xi32, #tpu.memory_space<vmem>>, vector<1x16xi32>,
        %swap3A_1724 = vector.shape_cast %swap3A_1723 : vector<1x16xi32> to vector<16xi32>
        %swap3A_1725 = vector.shape_cast %add3A_1720 : vector<16xi32> to vector<1x16xi32>
        tpu.vector_store %arg5[%swap3A_1721, %swap3A_1722], %swap3A_1725 {strides = array<i32>} : memref<104x128xi32, #tpu.memory_space<vmem>>, vector<1x16xi32>,
        %mul3A_1726 = arith.constant 128 : i32
        %mul3A_1727 = arith.muli %add3A_1545, %mul3A_1726 : i32
        %add3A_1728 = arith.addi %mul3A_4, %mul3A_1727 : i32
        %add3A_1729 = arith.constant 96 : i32
        %add3A_1730 = arith.addi %add3A_1728, %add3A_1729 : i32
        %add3A_1731 = vector.broadcast %add3A_1730 : i32 to vector<16xi32>
        %add3A_1732 = arith.addi %add3A_1731, %iota3A : vector<16xi32>
        %get3A_1733 = arith.index_cast %add3A_1545 : i32 to index
        %get3A_1734 = arith.constant 96 : index
        %get3A_1735 = tpu.vector_load %arg5[%get3A_1733, %get3A_1734] {strides = array<i32>} : memref<104x128xi32, #tpu.memory_space<vmem>>, vector<1x16xi32>,
        %get3A_1736 = vector.shape_cast %get3A_1735 : vector<1x16xi32> to vector<16xi32>
        %shift_right_arithmetic3A_1737 = arith.constant 15 : i32
        %shift_right_arithmetic3A_1738 = vector.broadcast %shift_right_arithmetic3A_1737 : i32 to vector<16xi32>
        %shift_right_arithmetic3A_1739 = arith.shrsi %add3A_1732, %shift_right_arithmetic3A_1738 : vector<16xi32>
        %mul3A_1740 = arith.constant 200000 : i32
        %mul3A_1741 = vector.broadcast %mul3A_1740 : i32 to vector<16xi32>
        %mul3A_1742 = arith.muli %shift_right_arithmetic3A_1739, %mul3A_1741 : vector<16xi32>
        %mul3A_1743 = arith.constant 2 : i32
        %mul3A_1744 = vector.broadcast %mul3A_1743 : i32 to vector<16xi32>
        %mul3A_1745 = arith.muli %mul3A_1744, %get3A_1736 : vector<16xi32>
        %add3A_1746 = arith.addi %mul3A_1742, %mul3A_1745 : vector<16xi32>
        %and3A_1747 = arith.constant 1 : i32
        %and3A_1748 = vector.broadcast %and3A_1747 : i32 to vector<16xi32>
        %and3A_1749 = arith.andi %add3A_1732, %and3A_1748 : vector<16xi32>
        %add3A_1750 = arith.addi %add3A_1746, %and3A_1749 : vector<16xi32>
        %swap3A_1751 = arith.index_cast %add3A_1545 : i32 to index
        %swap3A_1752 = arith.constant 96 : index
        %swap3A_1753 = tpu.vector_load %arg5[%swap3A_1751, %swap3A_1752] {strides = array<i32>} : memref<104x128xi32, #tpu.memory_space<vmem>>, vector<1x16xi32>,
        %swap3A_1754 = vector.shape_cast %swap3A_1753 : vector<1x16xi32> to vector<16xi32>
        %swap3A_1755 = vector.shape_cast %add3A_1750 : vector<16xi32> to vector<1x16xi32>
        tpu.vector_store %arg5[%swap3A_1751, %swap3A_1752], %swap3A_1755 {strides = array<i32>} : memref<104x128xi32, #tpu.memory_space<vmem>>, vector<1x16xi32>,
        %mul3A_1756 = arith.constant 128 : i32
        %mul3A_1757 = arith.muli %add3A_1545, %mul3A_1756 : i32
        %add3A_1758 = arith.addi %mul3A_4, %mul3A_1757 : i32
        %add3A_1759 = arith.constant 112 : i32
        %add3A_1760 = arith.addi %add3A_1758, %add3A_1759 : i32
        %add3A_1761 = vector.broadcast %add3A_1760 : i32 to vector<16xi32>
        %add3A_1762 = arith.addi %add3A_1761, %iota3A : vector<16xi32>
        %get3A_1763 = arith.index_cast %add3A_1545 : i32 to index
        %get3A_1764 = arith.constant 112 : index
        %get3A_1765 = tpu.vector_load %arg5[%get3A_1763, %get3A_1764] {strides = array<i32>} : memref<104x128xi32, #tpu.memory_space<vmem>>, vector<1x16xi32>,
        %get3A_1766 = vector.shape_cast %get3A_1765 : vector<1x16xi32> to vector<16xi32>
        %shift_right_arithmetic3A_1767 = arith.constant 15 : i32
        %shift_right_arithmetic3A_1768 = vector.broadcast %shift_right_arithmetic3A_1767 : i32 to vector<16xi32>
        %shift_right_arithmetic3A_1769 = arith.shrsi %add3A_1762, %shift_right_arithmetic3A_1768 : vector<16xi32>
        %mul3A_1770 = arith.constant 200000 : i32
        %mul3A_1771 = vector.broadcast %mul3A_1770 : i32 to vector<16xi32>
        %mul3A_1772 = arith.muli %shift_right_arithmetic3A_1769, %mul3A_1771 : vector<16xi32>
        %mul3A_1773 = arith.constant 2 : i32
        %mul3A_1774 = vector.broadcast %mul3A_1773 : i32 to vector<16xi32>
        %mul3A_1775 = arith.muli %mul3A_1774, %get3A_1766 : vector<16xi32>
        %add3A_1776 = arith.addi %mul3A_1772, %mul3A_1775 : vector<16xi32>
        %and3A_1777 = arith.constant 1 : i32
        %and3A_1778 = vector.broadcast %and3A_1777 : i32 to vector<16xi32>
        %and3A_1779 = arith.andi %add3A_1762, %and3A_1778 : vector<16xi32>
        %add3A_1780 = arith.addi %add3A_1776, %and3A_1779 : vector<16xi32>
        %swap3A_1781 = arith.index_cast %add3A_1545 : i32 to index
        %swap3A_1782 = arith.constant 112 : index
        %swap3A_1783 = tpu.vector_load %arg5[%swap3A_1781, %swap3A_1782] {strides = array<i32>} : memref<104x128xi32, #tpu.memory_space<vmem>>, vector<1x16xi32>,
        %swap3A_1784 = vector.shape_cast %swap3A_1783 : vector<1x16xi32> to vector<16xi32>
        %swap3A_1785 = vector.shape_cast %add3A_1780 : vector<16xi32> to vector<1x16xi32>
        tpu.vector_store %arg5[%swap3A_1781, %swap3A_1782], %swap3A_1785 {strides = array<i32>} : memref<104x128xi32, #tpu.memory_space<vmem>>, vector<1x16xi32>,
        %dma_start3A_1786 = arith.constant 1 : i32
        %dma_start3A_1787 = arith.constant 128 : i32
        %dma_start3A_1788 = arith.constant 0 : i32
        %dma_start3A_1789 = tpu.memref_slice %arg6[%dma_start3A_1786, %dma_start3A_1787, %dma_start3A_1788] : memref<4x256x64xf32, #tpu.memory_space<vmem>> -> memref<1x128x64xf32, #tpu.memory_space<vmem>>
        %dma_start3A_1790 = tpu.memref_squeeze %dma_start3A_1789 : memref<1x128x64xf32, #tpu.memory_space<vmem>> -> memref<128x64xf32, #tpu.memory_space<vmem>>
        %dma_start3A_1791 = arith.constant 0 : i32
        %dma_start3A_1792 = tpu.memref_slice %arg5[%add3A_1545, %dma_start3A_1791] : memref<104x128xi32, #tpu.memory_space<vmem>> -> memref<1x128xi32, #tpu.memory_space<vmem>>
        %dma_start3A_1793 = tpu.memref_squeeze %dma_start3A_1792 : memref<1x128xi32, #tpu.memory_space<vmem>> -> memref<128xi32, #tpu.memory_space<vmem>>
        %dma_start3A_1794 = arith.constant 0 : i32
        %dma_start3A_1795 = arith.constant 0 : i32
        %dma_start3A_1796 = tpu.memref_slice %arg3[%dma_start3A_1794, %dma_start3A_1795] : memref<2600000x64xf32, #tpu.memory_space<hbm>> -> memref<2600000x64xf32, #tpu.memory_space<hbm>>
        tpu.enqueue_indirect_dma source(%dma_start3A_1796 : memref<2600000x64xf32, #tpu.memory_space<hbm>>) target(%dma_start3A_1790 : memref<128x64xf32, #tpu.memory_space<vmem>>) offsets(%dma_start3A_1793 : memref<128xi32, #tpu.memory_space<vmem>>) semaphore(%arg8 : memref<!tpu.dma_semaphore, #tpu.memory_space<semaphore_mem>>)
      } else {
      }
    }
    %scan3A_1044 = arith.constant 13 : i32
    %dma_wait3A = arith.constant 0 : i32
    %dma_wait3A_1045 = arith.constant 2 : i32
    %dma_wait3A_1046 = arith.constant 0 : i32
    %dma_wait3A_1047 = arith.constant 0 : i32
    %dma_wait3A_1048 = tpu.memref_slice %arg6[%dma_wait3A_1045, %dma_wait3A_1046, %dma_wait3A_1047] : memref<4x256x64xf32, #tpu.memory_space<vmem>> -> memref<1x256x64xf32, #tpu.memory_space<vmem>>
    %dma_wait3A_1049 = tpu.memref_squeeze %dma_wait3A_1048 : memref<1x256x64xf32, #tpu.memory_space<vmem>> -> memref<256x64xf32, #tpu.memory_space<vmem>>
    %dma_wait3A_1050 = arith.constant 0 : i32
    %dma_wait3A_1051 = arith.constant 0 : i32
    %dma_wait3A_1052 = tpu.memref_slice %arg4[%dma_wait3A, %dma_wait3A_1050, %dma_wait3A_1051] : memref<1664x256x64xf32, #tpu.memory_space<hbm>> -> memref<1x256x64xf32, #tpu.memory_space<hbm>>
    %dma_wait3A_1053 = tpu.memref_squeeze %dma_wait3A_1052 : memref<1x256x64xf32, #tpu.memory_space<hbm>> -> memref<256x64xf32, #tpu.memory_space<hbm>>
    %dma_wait3A_1054 = arith.constant 0 : i32
    %dma_wait3A_1055 = arith.constant 0 : i32
    %dma_wait3A_1056 = tpu.memref_slice %arg6[%dma_wait3A_1045, %dma_wait3A_1054, %dma_wait3A_1055] : memref<4x256x64xf32, #tpu.memory_space<vmem>> -> memref<1x256x64xf32, #tpu.memory_space<vmem>>
    %dma_wait3A_1057 = tpu.memref_squeeze %dma_wait3A_1056 : memref<1x256x64xf32, #tpu.memory_space<vmem>> -> memref<256x64xf32, #tpu.memory_space<vmem>>
    %dma_wait3A_1058 = arith.constant 0 : i32
    %dma_wait3A_1059 = arith.constant 0 : i32
    %dma_wait3A_1060 = tpu.memref_slice %arg4[%dma_wait3A, %dma_wait3A_1058, %dma_wait3A_1059] : memref<1664x256x64xf32, #tpu.memory_space<hbm>> -> memref<1x256x64xf32, #tpu.memory_space<hbm>>
    %dma_wait3A_1061 = tpu.memref_squeeze %dma_wait3A_1060 : memref<1x256x64xf32, #tpu.memory_space<hbm>> -> memref<256x64xf32, #tpu.memory_space<hbm>>
    tpu.wait_dma2 semaphore(%arg13 : memref<!tpu.dma_semaphore, #tpu.memory_space<semaphore_mem>>) src(%dma_wait3A_1061 : memref<256x64xf32, #tpu.memory_space<hbm>>) dst(%dma_wait3A_1057 : memref<256x64xf32, #tpu.memory_space<vmem>>)
    %dma_wait3A_1062 = arith.constant 0 : i32
    %dma_wait3A_1063 = arith.constant 3 : i32
    %dma_wait3A_1064 = arith.constant 0 : i32
    %dma_wait3A_1065 = arith.constant 0 : i32
    %dma_wait3A_1066 = tpu.memref_slice %arg6[%dma_wait3A_1063, %dma_wait3A_1064, %dma_wait3A_1065] : memref<4x256x64xf32, #tpu.memory_space<vmem>> -> memref<1x256x64xf32, #tpu.memory_space<vmem>>
    %dma_wait3A_1067 = tpu.memref_squeeze %dma_wait3A_1066 : memref<1x256x64xf32, #tpu.memory_space<vmem>> -> memref<256x64xf32, #tpu.memory_space<vmem>>
    %dma_wait3A_1068 = arith.constant 0 : i32
    %dma_wait3A_1069 = arith.constant 0 : i32
    %dma_wait3A_1070 = tpu.memref_slice %arg4[%dma_wait3A_1062, %dma_wait3A_1068, %dma_wait3A_1069] : memref<1664x256x64xf32, #tpu.memory_space<hbm>> -> memref<1x256x64xf32, #tpu.memory_space<hbm>>
    %dma_wait3A_1071 = tpu.memref_squeeze %dma_wait3A_1070 : memref<1x256x64xf32, #tpu.memory_space<hbm>> -> memref<256x64xf32, #tpu.memory_space<hbm>>
    %dma_wait3A_1072 = arith.constant 0 : i32
    %dma_wait3A_1073 = arith.constant 0 : i32
    %dma_wait3A_1074 = tpu.memref_slice %arg6[%dma_wait3A_1063, %dma_wait3A_1072, %dma_wait3A_1073] : memref<4x256x64xf32, #tpu.memory_space<vmem>> -> memref<1x256x64xf32, #tpu.memory_space<vmem>>
    %dma_wait3A_1075 = tpu.memref_squeeze %dma_wait3A_1074 : memref<1x256x64xf32, #tpu.memory_space<vmem>> -> memref<256x64xf32, #tpu.memory_space<vmem>>
    %dma_wait3A_1076 = arith.constant 0 : i32
    %dma_wait3A_1077 = arith.constant 0 : i32
    %dma_wait3A_1078 = tpu.memref_slice %arg4[%dma_wait3A_1062, %dma_wait3A_1076, %dma_wait3A_1077] : memref<1664x256x64xf32, #tpu.memory_space<hbm>> -> memref<1x256x64xf32, #tpu.memory_space<hbm>>
    %dma_wait3A_1079 = tpu.memref_squeeze %dma_wait3A_1078 : memref<1x256x64xf32, #tpu.memory_space<hbm>> -> memref<256x64xf32, #tpu.memory_space<hbm>>
    tpu.wait_dma2 semaphore(%arg14 : memref<!tpu.dma_semaphore, #tpu.memory_space<semaphore_mem>>) src(%dma_wait3A_1079 : memref<256x64xf32, #tpu.memory_space<hbm>>) dst(%dma_wait3A_1075 : memref<256x64xf32, #tpu.memory_space<vmem>>)
    return
  }
}

module attributes {stable_mosaic.version = 14 : i64} {
  func.func @_tc_body(%arg0: i32, %arg1: i32, %arg2: memref<2x64x8192xf32, #tpu.memory_space<vmem>>, %arg3: memref<1x8192x128xf32, #tpu.memory_space<vmem>>) attributes {dimension_semantics = [#tpu.dimension_semantics<arbitrary>, #tpu.dimension_semantics<arbitrary>], iteration_bounds = array<i64: 13, 13>, scalar_prefetch = 0 : i64, scratch_operands = 0 : i64, tpu.core_type = #tpu.core_type<tc>, window_params = [{transform_indices = @transform_0, window_bounds = array<i64: 2, 64, 8192>}, {transform_indices = @transform_1, window_bounds = array<i64: 1, 8192, 128>}]} {
    %get3A = arith.constant 0 : index
    %get3A_0 = arith.constant 0 : index
    %get3A_1 = arith.constant 0 : index
    %get3A_2 = vector.load %arg2[%get3A, %get3A_0, %get3A_1] : memref<2x64x8192xf32, #tpu.memory_space<vmem>>, vector<2x64x8192xf32>
    %reshape3A = vector.shape_cast %get3A_2 : vector<2x64x8192xf32> to vector<128x8192xf32>
    %transpose3A = tpu.transpose %reshape3A, [1, 0] : vector<128x8192xf32> -> vector<8192x128xf32>
    %swap3A = arith.constant 0 : index
    %swap3A_3 = arith.constant 0 : index
    %swap3A_4 = arith.constant 0 : index
    %swap3A_5 = vector.load %arg3[%swap3A, %swap3A_3, %swap3A_4] : memref<1x8192x128xf32, #tpu.memory_space<vmem>>, vector<1x8192x128xf32>
    %swap3A_6 = vector.shape_cast %swap3A_5 : vector<1x8192x128xf32> to vector<8192x128xf32>
    %swap3A_7 = vector.shape_cast %transpose3A : vector<8192x128xf32> to vector<1x8192x128xf32>
    tpu.vector_store %arg3[%swap3A, %swap3A_3, %swap3A_4], %swap3A_7 {strides = array<i32>} : memref<1x8192x128xf32, #tpu.memory_space<vmem>>, vector<1x8192x128xf32>,
    return
  }
  func.func @transform_0(%arg0: i32, %arg1: i32) -> (i32, i32, i32) {
    %c0_i32 = arith.constant 0 : i32
    %c0_i32_0 = arith.constant 0 : i32
    return %arg0, %c0_i32, %arg1 : i32, i32, i32
  }
  func.func @transform_1(%arg0: i32, %arg1: i32) -> (i32, i32, i32) {
    %c0_i32 = arith.constant 0 : i32
    %c0_i32_0 = arith.constant 0 : i32
    return %arg0, %arg1, %c0_i32 : i32, i32, i32
  }
}

module attributes {stable_mosaic.version = 14 : i64} {
  func.func @_tc_out_body(%arg0: i32, %arg1: i32, %arg2: memref<1x2048x128xf32, #tpu.memory_space<vmem>>, %arg3: memref<1x128x2048xf32, #tpu.memory_space<vmem>>) attributes {dimension_semantics = [#tpu.dimension_semantics<arbitrary>, #tpu.dimension_semantics<arbitrary>], iteration_bounds = array<i64: 13, 8>, scalar_prefetch = 0 : i64, scratch_operands = 0 : i64, tpu.core_type = #tpu.core_type<tc>, window_params = [{transform_indices = @transform_0, window_bounds = array<i64: 1, 2048, 128>}, {transform_indices = @transform_1, window_bounds = array<i64: 1, 128, 2048>}]} {
    %get3A = arith.constant 0 : index
    %get3A_0 = arith.constant 0 : index
    %get3A_1 = arith.constant 0 : index
    %get3A_2 = vector.load %arg2[%get3A, %get3A_0, %get3A_1] : memref<1x2048x128xf32, #tpu.memory_space<vmem>>, vector<1x2048x128xf32>
    %get3A_3 = vector.shape_cast %get3A_2 : vector<1x2048x128xf32> to vector<2048x128xf32>
    %transpose3A = tpu.transpose %get3A_3, [1, 0] : vector<2048x128xf32> -> vector<128x2048xf32>
    %swap3A = arith.constant 0 : index
    %swap3A_4 = arith.constant 0 : index
    %swap3A_5 = arith.constant 0 : index
    %swap3A_6 = vector.load %arg3[%swap3A, %swap3A_4, %swap3A_5] : memref<1x128x2048xf32, #tpu.memory_space<vmem>>, vector<1x128x2048xf32>
    %swap3A_7 = vector.shape_cast %swap3A_6 : vector<1x128x2048xf32> to vector<128x2048xf32>
    %swap3A_8 = vector.shape_cast %transpose3A : vector<128x2048xf32> to vector<1x128x2048xf32>
    tpu.vector_store %arg3[%swap3A, %swap3A_4, %swap3A_5], %swap3A_8 {strides = array<i32>} : memref<1x128x2048xf32, #tpu.memory_space<vmem>>, vector<1x128x2048xf32>,
    return
  }
  func.func @transform_0(%arg0: i32, %arg1: i32) -> (i32, i32, i32) {
    %c0_i32 = arith.constant 0 : i32
    %c0_i32_0 = arith.constant 0 : i32
    return %arg0, %arg1, %c0_i32 : i32, i32, i32
  }
  func.func @transform_1(%arg0: i32, %arg1: i32) -> (i32, i32, i32) {
    %c0_i32 = arith.constant 0 : i32
    %c0_i32_0 = arith.constant 0 : i32
    return %arg0, %c0_i32, %arg1 : i32, i32, i32
  }
}

</mosaic_0001>

<sc_bundles>
// kernel: kernel.5.cloned.1.call-start
scs
__scs_entry_jumppad:
0x0: {  	(pc) =	sbr.rel $0x88, $3  }
0x1: {  	(tag) =	ssettag $0x0;
	lr =	simm.s32 $0x1  }
0x2: {  	[smem:$0x3F9F] =	sst lr;
	_ =	strace $0xD0000000  }
0x3: {  	_ = 	snop  }
0x4: {  	_ = 	snop  }
0x5: {  	_ = 	snop  }
0x6: {  	_ = 	snop  }
0x7: {  	_ = 	snop  }
__scs_overlays_trampoline_lowered:
0x8: {  	[smem:$0x3FAE] =	sst s0  }
0x9: {  	[smem:$0x3FAF] =	sst s1  }
0xa: {  	[smem:$0x3FB0] =	sst s2  }
0xb: {  	[smem:$0x3FB1] =	sst s3  }
0xc: {  	[smem:$0x3FB2] =	sst s4  }
0xd: {  	[smem:$0x3FB3] =	sst s5  }
0xe: {  	[smem:$0x3FB4] =	sst s6  }
0xf: {  	[smem:$0x3FB5] =	sst s7  }
0x10: {  	[smem:$0x3FB6] =	sst s8  }
0x11: {  	[smem:$0x3FB7] =	sst s9;
	s0 =	simm.s32 @!p0 $0x0  }
0x12: {  	s1 =	sld [smem:$0x3F9D];
	s0 =	simm.s32 @p0 $0x1  }
0x13: {  	[smem:$0x3FB8] =	sst s0;
	s0 =	simm.s32 @!p1 $0x0  }
0x14: {  	s2 =	sld [smem:$0x3F9C];
	s0 =	simm.s32 @p1 $0x1  }
0x15: {  	[smem:$0x3FB9] =	sst s0;
	s0 =	simm.s32 @!p2 $0x0  }
0x16: {  	s3 =	sld [smem:$0x3FDB];
	s0 =	simm.s32 @p2 $0x1  }
0x17: {  	s4 =	simm.s32 $0x1BF5;
	[smem:$0x3FBB] =	sst s0  }
0x18: {  	s0 =	sld [smem:$0x3F9E];
	_ =	swait.ge [sflag:s4], $0x0  }
0x19: {  	s7 =	sld [smem:$0x3F9F]  }
0x1a: {  	s8 =	sadd.s32 $0xFFFFE003, lr  }
0x1b: {  	s9 =	sadd.s32 $0xFFFFFEF7, lr;
	s5 =	simm.s32 $0xFFFFFFFF;
	p2 =	slt.u32 s8, $0xFFFFF086  }
0x1c: {  	p1 =	slt.u32 s9, $0xF7A;
	s5 =	simm.s32 @!p2 $0x0  }
0x1d: {  	s5 =	simm.s32 @p1 $0x1;
	p0 =	seq.s32 s7, s2  }
0x1e: {  	s7 =	smul.u32 @!p0 $0xF7A, s2;
	p2 =	seq.s32 @!p0 s5, $0x0  }
0x1f: {  	s9 =	smul.u32 $0xF7A, s1;
	s8 =	simm.s32 @!p0 $0x1BF5;
	p2 =	por !p2, p0  }
0x20: {  	[sflag:s8] =	ssyncset.s32 @!p0 $0xFFFFF086;
	s6 =	sadd.s32 @!p0 s3, s7;
	s7 =	simm.s32 @!p0 $0x108  }
0x21: {  	s3 =	sadd.s32 s3, s9;
	s6 =	sadd.s32 @!p0 $0x88, s6;
	s7 =	simm.s32 @p2 $0x1082  }
0x22: {  	[simem:s7], [sflag:s8] =	dma.local @!p0 [hbm:s6], $0xF7A  }
0x23: {  	s9 =	sor.u32 $0xD0000000, s2;
	s6 =	simm.s32 $0x108;
	_ =	swait.ge @!p0 [sflag:s8], $0x0  }
0x24: {  	s3 =	sadd.s32 $0x88, s3;
	s6 =	simm.s32 @!p1 $0x1082;
	[sflag:s4] =	ssyncset.s32 $0xFFFFF086  }
0x25: {  	[simem:s6], [sflag:s4] =	dma.local [hbm:s3], $0xF7A  }
0x26: {  	[smem:$0x3F9F] =	sst s1;
	(tag) =	ssettag s2;
	_ =	strace s9  }
0x27: {  	s1 =	sld [smem:$0x3FAF]  }
0x28: {  	s2 =	sld [smem:$0x3FB0]  }
0x29: {  	s4 =	sld [smem:$0x3FB2]  }
0x2a: {  	p0 =	seq.s32 s5, $0x0;
	s5 =	sld [smem:$0x3FB3]  }
0x2b: {  	s6 =	sld [smem:$0x3FB4]  }
0x2c: {  	s7 =	sld [smem:$0x3FB5]  }
0x2d: {  	s3 =	simm.s32 $0x108;
	s8 =	sld [smem:$0x3FB6]  }
0x2e: {  	s3 =	simm.s32 @!p0 $0x1082;
	s9 =	sld [smem:$0x3FB7]  }
0x2f: {  	lr =	sadd.s32 s0, s3;
	s0 =	sld [smem:$0x3FAE]  }
0x30: {  	s3 =	sld [smem:$0x3FB1]  }
0x31: {  	[smem:$0x3FBA] =	sst s10  }
0x32: {  	s10 =	sld [smem:$0x3FB8];
	_ =	sdelay $0x3  }
0x33: {  	p0 =	seq.s32 s10, $0x1;
	s10 =	sld [smem:$0x3FBA];
	_ =	sdelay $0x3  }
0x34: {  	[smem:$0x3FBA] =	sst s10  }
0x35: {  	s10 =	sld [smem:$0x3FB9];
	_ =	sdelay $0x3  }
0x36: {  	p1 =	seq.s32 s10, $0x1;
	s10 =	sld [smem:$0x3FBA];
	_ =	sdelay $0x3  }
0x37: {  	[smem:$0x3FBA] =	sst s10  }
0x38: {  	s10 =	sld [smem:$0x3FBB]  }
0x39: {  	_ = 	snop;
	(pc) =	sbr.ind lr, $3  }
0x3a: {  	_ = 	snop  }
0x3b: {  	_ = 	snop  }
0x3c: {  	p2 =	seq.s32 s10, $0x1;
	s10 =	sld [smem:$0x3FBA]  }
0x3d: {  	_ =	shalt  }
0x3e: {  	_ =	shalt  }
0x3f: {  	_ =	shalt  }
0x40: {  	_ =	shalt  }
0x41: {  	_ =	shalt  }
0x42: {  	_ =	shalt  }
0x43: {  	_ =	shalt  }
0x44: {  	_ =	shalt  }
0x45: {  	_ =	shalt  }
0x46: {  	_ =	shalt  }
0x47: {  	_ =	shalt  }
0x48: {  	_ =	shalt  }
0x49: {  	_ =	shalt  }
0x4a: {  	_ =	shalt  }
0x4b: {  	_ =	shalt  }
0x4c: {  	_ =	shalt  }
0x4d: {  	_ =	shalt  }
0x4e: {  	_ =	shalt  }
0x4f: {  	_ =	shalt  }
0x50: {  	_ =	shalt  }
0x51: {  	_ =	shalt  }
0x52: {  	_ =	shalt  }
0x53: {  	_ =	shalt  }
0x54: {  	_ =	shalt  }
0x55: {  	_ =	shalt  }
0x56: {  	_ =	shalt  }
0x57: {  	_ =	shalt  }
0x58: {  	_ =	shalt  }
0x59: {  	_ =	shalt  }
0x5a: {  	_ =	shalt  }
0x5b: {  	_ =	shalt  }
0x5c: {  	_ =	shalt  }
0x5d: {  	_ =	shalt  }
0x5e: {  	_ =	shalt  }
0x5f: {  	_ =	shalt  }
0x60: {  	_ =	shalt  }
0x61: {  	_ =	shalt  }
0x62: {  	_ =	shalt  }
0x63: {  	_ =	shalt  }
0x64: {  	_ =	shalt  }
0x65: {  	_ =	shalt  }
0x66: {  	_ =	shalt  }
0x67: {  	_ =	shalt  }
0x68: {  	_ =	shalt  }
0x69: {  	_ =	shalt  }
0x6a: {  	_ =	shalt  }
0x6b: {  	_ =	shalt  }
0x6c: {  	_ =	shalt  }
0x6d: {  	_ =	shalt  }
0x6e: {  	_ =	shalt  }
0x6f: {  	_ =	shalt  }
0x70: {  	_ =	shalt  }
0x71: {  	_ =	shalt  }
0x72: {  	_ =	shalt  }
0x73: {  	_ =	shalt  }
0x74: {  	_ =	shalt  }
0x75: {  	_ =	shalt  }
0x76: {  	_ =	shalt  }
0x77: {  	_ =	shalt  }
0x78: {  	_ =	shalt  }
0x79: {  	_ =	shalt  }
0x7a: {  	_ =	shalt  }
0x7b: {  	_ =	shalt  }
0x7c: {  	_ =	shalt  }
0x7d: {  	_ =	shalt  }
0x7e: {  	_ =	shalt  }
0x7f: {  	_ =	shalt  }
0x80: {  	_ =	shalt  }
0x81: {  	_ =	shalt  }
0x82: {  	_ =	shalt  }
0x83: {  	_ =	shalt  }
0x84: {  	_ =	shalt  }
0x85: {  	_ =	shalt  }
0x86: {  	_ =	shalt  }
0x87: {  	_ =	shalt  }
.Lfunc_end0:
.L_simem_size_0:
called_computation_lowered:
.L_overlay_start_0:
0x88: {  	s2 =	sld [smem:$0x3FD9]  }
0x89: {  	s3 =	sld [smem:$0x3FFE];
	_ =	sdelay $0x1  }
0x8a: {  	s1 =	srdreg.scid  }
0x8b: {  	s0 =	sand.u32 $0x1, s1  }
0x8c: {  	s16 =	sshll.u32 s0, $0xA;
	s2 =	sadd.s32 s3, s2  }
0x8d: {  	s2 =	sadd.s32 s2, s16  }
0x8e: {  	[smem:$0x3FC6] =	sst s2  }
0x8f: {  	_ = 	snop  }
0x90: {  	(tm) =	ssettm $0x1  }
0x91: {  	s17 =	sld [smem:$0x3FFB];
	_ =	sdelay $0x3  }
0x92: {  	_ =	strace s17  }
0x93: {  	s2 =	sld [smem:$0x3FFC];
	_ =	sdelay $0x3  }
0x94: {  	_ =	strace s2  }
0x95: {  	s2 =	sld [smem:$0x3FFD];
	_ =	sdelay $0x3  }
0x96: {  	_ =	strace s2  }
0x97: {  	_ =	strace $0x8FFFFFFF  }
0x98: {  	s18 =	sld [smem:$0x3FDB];
	_ =	sdelay $0x1  }
0x99: {  	s19 =	simm.s32 $_scs_section_size  }
0x9a: {  	s4 =	simm.s32 $_size__tile_overlayer_lowered;
	s5 =	simm.s32 $_tile_overlayer_lowered  }
0x9b: {  	s22 =	simm.s32 $0x1BFF;
	s21 =	sshll.u32 s5, $0x1;
	s2 =	sadd.s32 s19, s18  }
0x9c: {  	s6 =	simm.s32 $0x0;
	s20 =	sshll.u32 s4, $0x1;
	s4 =	sadd.s32 s21, s2  }
0x9d: {  	[timem:s6], [sflag:s22] =	dma.local [hbm:s4], s20  }
0x9e: {  	_ =	swait.ge [sflag:s22], s20  }
0x9f: {  	s3 =	ssub.s32 $0x0, s20;
	[sflag:s22] =	ssyncset.done $0x0  }
0xa0: {  	[sflag:s22] =	ssyncadd.s32 s3;
	_ =	sdelay $0x1  }
0xa1: {  	s23 =	simm.s32 $0x1B8B  }
0xa2: {  	_ =	swait.ge [sflag:s23], $0x1  }
0xa3: {  	[sflag:s23] =	ssyncset.done $0x0  }
0xa4: {  	s25 =	simm.s32 $0x1B8E;
	s24 =	sld [smem:$0x3FFE];
	[sflag:s23] =	ssyncadd.s32 $0xFFFFFFFF  }
0xa5: {  	s26 =	simm.s32 $execute0_lowered;
	[smem:$0x3FD2] =	sst s25  }
0xa6: {  	s4 =	sshll.u32 s26, $0x1;
	_ =	strace $0x80000046;
	[dreg:$0x1] =	wrdreg $0xFFFFFFFF  }
0xa7: {  	s28 =	simm.s32 $_size_execute0_lowered;
	s2 =	sadd.s32 s2, s4;
	[dreg:$0x0] =	wrdreg $0x0  }
0xa8: {  	s4 =	sshll.u32 s28, $0x1;
	[dreg:$0x2] =	wrdreg s2  }
0xa9: {  	[dreg:$0x3] =	wrdreg s4  }
0xaa: {  	[dreg:$0x4] =	wrdreg $0xC0  }
0xab: {  	_ =	task [dreg:s6], $0x5FFFF  }
0xac: {  	[dreg:$0x1] =	wrdreg $0xFFFFFFFF  }
0xad: {  	[dreg:$0x0] =	wrdreg $0x60  }
0xae: {  	[dreg:$0x2] =	wrdreg s24  }
0xaf: {  	[dreg:$0x3] =	wrdreg $0x9  }
0xb0: {  	_ =	task.clear_ibuf [dreg:s6], $0x4FFFF;
	_ =	strace $0x90000046  }
0xb1: {  	s29 =	simm.s32 $0x9;
	_ =	strace $0x80000048  }
0xb2: {  	_ =	swait.ge [sflag:s29], $0x1  }
0xb3: {  	[sflag:s29] =	ssyncadd.s32 $0xFFFFFFFF  }
0xb4: {  	_ =	strace $0x90000048  }
0xb5: {  	_ =	sfence  }
0xb6: {  	s30 =	sld [smem:$0x0];
	_ =	sdelay $0x2  }
0xb7: {  	s31 =	sshll.u32 s1, $0xD;
	s1 =	sshrl.u32 s1, $0x2  }
0xb8: {  	s3 =	sand.u32 $0x4000, s31;
	s1 =	sadd.s32 s1, s30  }
0xb9: {  	s0 =	sor.u32 s3, s0;
	s1 =	sshll.u32 s1, $0x11  }
0xba: {  	s0 =	sor.u32 s1, s0  }
0xbb: {  	s0 =	sadd.s32 $0x8F2B, s0  }
0xbc: {  	[sflag:s0] =	ssyncadd.remote.s32 $0x1  }
0xbd: {  	_ =	sfence.sel $0xFFFF  }
0xbe: {  	[dreg:$0x0] =	wrdreg $0xFFFFFFFF;
	(pc) =	sbr.abs _section_cstart, $3  }
0xbf: {  	[dreg:$0x1] =	wrdreg $0xFFFFFFFF  }
0xc0: {  	_ =	task.clear_ibuf [dreg:s6], $0x2FFFF;
	_ =	strace $0x9FFFFFFF  }
0xc1: {  	(tm) =	ssettm $0x7FFFFFFF  }
tec
execute0_lowered:
.L_overlay_start_1:
0x0: {  	(tag) =	ssettag $0x1  }
0x1: {  	s0 =	srdreg.scid  }
0x2: {  	s11 =	stileid.u32;
	s4 =	rddreg [dreg:$0x0]  }
0x3: {  	s2 =	simm.s32 $0x0;
	s12 =	simm.s32 $0x3400;
	s13 =	simm.s32 $0x5400  }
0x4: {  	s15 =	simm.s32 $0x7400;
	s17 =	simm.s32 $0x9400;
	s18 =	simm.s32 $0x1  }
0x5: {  	s19 =	simm.s32 $0xB400;
	s20 =	simm.s32 $0xD400;
	s21 =	simm.s32 $0x2  }
0x6: {  	s22 =	simm.s32 $0xF400;
	s28 =	simm.s32 $0x6;
	s6 =	smul.u32 $0x6800, s11  }
0x7: {  	s29 =	simm.s32 $0x7;
	s30 =	simm.s32 $0x8;
	s8 =	smul.u32 $0x68, s11  }
0x8: {  	s31 =	simm.s32 $0x0;
	s0 =	sand.u32 $0x1, s0;
	s24 =	smul.u32 $0x34000, s11  }
0x9: {  	s1 =	sshll.u32 s11, $0x1;
	[smem:$0x7FF] =	sst s2;
	s10 =	smul.u32 $0x34, s0  }
0xa: {  	s3 =	sadd.s32 $0xD400, s4;
	s11 =	simm.s32 $0x80;
	s23 =	smul.u32 $0x3400, s0  }
0xb: {  	s1 =	sor.u32 s0, s1;
	s7 =	ssub.s32 $0x2, s0;
	s0 =	smul.u32 $0x1A000, s0  }
0xc: {  	_ =	strace $0x80000047;
	s5 =	smul.u32 $0x3400, s1;
	s9 =	sshrl.u32 s7, $0x1  }
0xd: {  	s7 =	ssub.s32 s7, s9;
	s8 =	sadd.s32 s10, s8;
	s10 =	simm.s32 $0x9  }
0xe: {  	s1 =	sshrl.u32 s5, $0x3;
	s7 =	smax.u32 s7, $0x1;
	s25 =	sshll.u32 s8, $0xB;
	v0 =	vmov s5  }
0xf: {  	s1 =	sadd.s32 s1, s4;
	s4 =	sadd.s32 $0x13E3600, s4;
	[dreg:$0x3] =	wrdreg s7;
	v0 =	vshrl.u32 v0, $0xF  }
.Ltmp0:
0x10: {  	s1 =	sadd.s32 $0x400, s1;
	s26 =	sadd.s32 s24, s4;
	v0 =	vmul.u32 $0x30D40, v0;
	(pc) =	sbr.rel .LBB2_1-.Ltmp0, $4  }
0x11: {  	s4 =	sadd.s32 s25, s4;
	s24 =	simm.s32 $0x3;
	s25 =	simm.s32 $0x5  }
0x12: {  	[dreg:$0x2] =	wrdreg s1;
	s1 =	sadd.s32 s23, s6;
	s14 =	sadd.s32 s0, s26;
	v2 =	vbroadcast v0, $0x0;
	v0 =	vlaneseq.u32  }
0x13: {  	s0 =	sadd.s32 $0x1000, s4;
	s23 =	simm.s32 $0x11400;
	s1 =	sadd.s32 $0x580, s1;
	v1 =	vand.u32 $0x1, v0  }
0x14: {  	s26 =	simm.s32 $0x4;
	[dreg:$0x4] =	wrdreg s1;
	s1 =	sadd.s32 $0x1800, s4;
	v2 =	vor.u32 v1, v2  }
.LBB2_6:
0x15: {  	_ =	swait.ge [sflag:s29], $0x4000  }
0x16: {  	[sflag:s29] =	ssyncset.done $0x0  }
0x17: {  	[sflag:s29] =	ssyncadd.s32 $0xFFFFC000  }
0x18: {  	_ =	swait.ge [sflag:s30], $0x4000  }
0x19: {  	s31 =	sadd.s32 $0x1, s31;
	s4 =	rddreg [dreg:$0x3]  }
0x1a: {  	p0 =	sne.s32 s31, s4  }
.Ltmp1:
0x1b: {  	_ = 	snop;
	(pc) =	sbr.rel @!p0 .LBB2_7-.Ltmp1, $3  }
0x1c: {  	_ =	sdelay $0x1  }
0x1d: {  	[sflag:s30] =	ssyncset.done $0x0  }
0x1e: {  	[sflag:s30] =	ssyncadd.s32 $0xFFFFC000  }
.LBB2_1:
0x1f: {  	s4 =	rddreg [dreg:$0x2]  }
0x20: {  	[tilespmem:s2], [sflag:$0x9] =	stream.linear.gather [hbm4b:s4+s2], $0x3400, $0x38;
	[tilespmem:$0x13400] =	vst v63  }
0x21: {  	_ =	swait.ge [sflag:s10], $0x3400  }
0x22: {  	[sflag:s10] =	ssyncset.done $0x0  }
0x23: {  	[sflag:s10] =	ssyncadd.s32 $0xFFFFCC00  }
0x24: {  	v3 =	vld [tilespmem:$0x0]  }
0x25: {  	v4 =	vld [tilespmem:$0x10]  }
0x26: {  	v5 =	vld [tilespmem:$0x20]  }
0x27: {  	v6 =	vld [tilespmem:$0x30]  }
0x28: {  	v7 =	vld [tilespmem:$0x40]  }
0x29: {  	v8 =	vld [tilespmem:$0x50];
	v3 =	vshll.u32 v3, $0x1  }
0x2a: {  	v9 =	vld [tilespmem:$0x60];
	v4 =	vshll.u32 v4, $0x1;
	v3 =	vadd.s32 v2, v3  }
0x2b: {  	v19 =	vld [tilespmem:$0x70];
	v18 =	vshll.u32 v5, $0x1;
	[tilespmem:$0x0] =	vst v3;
	v3 =	vadd.s32 v2, v4  }
0x2c: {  	v20 =	vshll.u32 v6, $0x1;
	[tilespmem:$0x10] =	vst v3;
	v3 =	vadd.s32 v2, v18  }
0x2d: {  	v21 =	vshll.u32 v7, $0x1;
	[tilespmem:$0x20] =	vst v3;
	v3 =	vadd.s32 v2, v20  }
0x2e: {  	v22 =	vshll.u32 v8, $0x1;
	[tilespmem:$0x30] =	vst v3;
	v3 =	vadd.s32 v2, v21  }
0x2f: {  	v23 =	vshll.u32 v9, $0x1;
	[tilespmem:$0x40] =	vst v3;
	v3 =	vadd.s32 v2, v22  }
0x30: {  	v24 =	vshll.u32 v19, $0x1;
	[tilespmem:$0x50] =	vst v3;
	v3 =	vadd.s32 v2, v23  }
0x31: {  	[tilespmem:$0x60] =	vst v3;
	v3 =	vadd.s32 v2, v24  }
0x32: {  	[tilespmem:$0x70] =	vst v3  }
0x33: {  	[tilespmem:s12], [sflag:$0x1] =	stream.indirect.gather [hbm4b:s3+s11], $0x40, s2, s11, $0xb8;
	[tilespmem:$0x13400] =	vst v63  }
0x34: {  	v3 =	vld [tilespmem:$0x80]  }
0x35: {  	v25 =	vld [tilespmem:$0x90]  }
0x36: {  	v26 =	vld [tilespmem:$0xA0]  }
0x37: {  	v27 =	vld [tilespmem:$0xB0]  }
0x38: {  	v28 =	vld [tilespmem:$0xC0]  }
0x39: {  	v29 =	vld [tilespmem:$0xD0];
	v3 =	vshll.u32 v3, $0x1  }
0x3a: {  	v30 =	vld [tilespmem:$0xE0];
	v4 =	vshll.u32 v25, $0x1;
	v3 =	vadd.s32 v2, v3  }
0x3b: {  	v32 =	vld [tilespmem:$0xF0];
	v31 =	vshll.u32 v26, $0x1;
	[tilespmem:$0x80] =	vst v3;
	v3 =	vadd.s32 v2, v4  }
0x3c: {  	v33 =	vshll.u32 v27, $0x1;
	[tilespmem:$0x90] =	vst v3;
	v3 =	vadd.s32 v2, v31  }
0x3d: {  	v34 =	vshll.u32 v28, $0x1;
	[tilespmem:$0xA0] =	vst v3;
	v3 =	vadd.s32 v2, v33  }
0x3e: {  	v35 =	vshll.u32 v29, $0x1;
	[tilespmem:$0xB0] =	vst v3;
	v3 =	vadd.s32 v2, v34  }
0x3f: {  	v36 =	vshll.u32 v30, $0x1;
	[tilespmem:$0xC0] =	vst v3;
	v3 =	vadd.s32 v2, v35  }
0x40: {  	v37 =	vshll.u32 v32, $0x1;
	[tilespmem:$0xD0] =	vst v3;
	v3 =	vadd.s32 v2, v36  }
0x41: {  	[tilespmem:$0xE0] =	vst v3;
	v3 =	vadd.s32 v2, v37  }
0x42: {  	[tilespmem:$0xF0] =	vst v3  }
0x43: {  	[tilespmem:s13], [sflag:$0x1] =	stream.indirect.gather [hbm4b:s3+s11], $0x40, s11, s11, $0xb8;
	[tilespmem:$0x13400] =	vst v63  }
0x44: {  	v3 =	vld [tilespmem:$0x100]  }
0x45: {  	v38 =	vld [tilespmem:$0x110]  }
0x46: {  	v39 =	vld [tilespmem:$0x120]  }
0x47: {  	v40 =	vld [tilespmem:$0x130]  }
0x48: {  	v41 =	vld [tilespmem:$0x140]  }
0x49: {  	v42 =	vld [tilespmem:$0x150];
	v3 =	vshll.u32 v3, $0x1  }
0x4a: {  	v43 =	vld [tilespmem:$0x160];
	v4 =	vshll.u32 v38, $0x1;
	v3 =	vadd.s32 v2, v3  }
0x4b: {  	v45 =	vld [tilespmem:$0x170];
	v44 =	vshll.u32 v39, $0x1;
	[tilespmem:$0x100] =	vst v3;
	v3 =	vadd.s32 v2, v4  }
0x4c: {  	v46 =	vshll.u32 v40, $0x1;
	[tilespmem:$0x110] =	vst v3;
	v3 =	vadd.s32 v2, v44  }
0x4d: {  	v47 =	vshll.u32 v41, $0x1;
	[tilespmem:$0x120] =	vst v3;
	v3 =	vadd.s32 v2, v46  }
0x4e: {  	v48 =	vshll.u32 v42, $0x1;
	[tilespmem:$0x130] =	vst v3;
	v3 =	vadd.s32 v2, v47  }
0x4f: {  	v49 =	vshll.u32 v43, $0x1;
	[tilespmem:$0x140] =	vst v3;
	v3 =	vadd.s32 v2, v48  }
0x50: {  	v50 =	vshll.u32 v45, $0x1;
	[tilespmem:$0x150] =	vst v3;
	v3 =	vadd.s32 v2, v49  }
0x51: {  	[tilespmem:$0x160] =	vst v3;
	v3 =	vadd.s32 v2, v50  }
0x52: {  	s9 =	simm.s32 $0x100;
	[tilespmem:$0x170] =	vst v3  }
0x53: {  	[tilespmem:s15], [sflag:$0x2] =	stream.indirect.gather [hbm4b:s3+s11], $0x40, s9, s11, $0xb8;
	[tilespmem:$0x13400] =	vst v63  }
0x54: {  	v3 =	vld [tilespmem:$0x180]  }
0x55: {  	v51 =	vld [tilespmem:$0x190]  }
0x56: {  	v52 =	vld [tilespmem:$0x1A0]  }
0x57: {  	v53 =	vld [tilespmem:$0x1B0]  }
0x58: {  	v54 =	vld [tilespmem:$0x1C0]  }
0x59: {  	v55 =	vld [tilespmem:$0x1D0];
	v3 =	vshll.u32 v3, $0x1  }
0x5a: {  	v56 =	vld [tilespmem:$0x1E0];
	v4 =	vshll.u32 v51, $0x1;
	v3 =	vadd.s32 v2, v3  }
0x5b: {  	v58 =	vld [tilespmem:$0x1F0];
	v57 =	vshll.u32 v52, $0x1;
	[tilespmem:$0x180] =	vst v3;
	v3 =	vadd.s32 v2, v4  }
0x5c: {  	v59 =	vshll.u32 v53, $0x1;
	[tilespmem:$0x190] =	vst v3;
	v3 =	vadd.s32 v2, v57  }
0x5d: {  	v60 =	vshll.u32 v54, $0x1;
	[tilespmem:$0x1A0] =	vst v3;
	v3 =	vadd.s32 v2, v59  }
0x5e: {  	v61 =	vshll.u32 v55, $0x1;
	[tilespmem:$0x1B0] =	vst v3;
	v3 =	vadd.s32 v2, v60  }
0x5f: {  	v62 =	vshll.u32 v56, $0x1;
	[tilespmem:$0x1C0] =	vst v3;
	v3 =	vadd.s32 v2, v61  }
0x60: {  	v63 =	vshll.u32 v58, $0x1;
	[tilespmem:$0x1D0] =	vst v3;
	v3 =	vadd.s32 v2, v62  }
0x61: {  	s16 =	simm.s32 $0x180;
	s8 =	smov.u32 s0;
	s7 =	smov.u32 s14;
	[tilespmem:$0x1E0] =	vst v3;
	v3 =	vadd.s32 v2, v63  }
0x62: {  	s4 =	simm.s32 $0x0;
	s6 =	rddreg [dreg:$0x4];
	s9 =	smov.u32 s1;
	[tilespmem:$0x1F0] =	vst v3  }
0x63: {  	[tilespmem:s17], [sflag:$0x2] =	stream.indirect.gather [hbm4b:s3+s11], $0x40, s16, s11, $0xb8;
	[tilespmem:$0x13400] =	vst v63  }
.LBB2_2:
0x64: {  	_ =	swait.ge [sflag:s18], $0x4000  }
0x65: {  	p0 =	seq.s32 s4, $0x0;
	[sflag:s18] =	ssyncset.done $0x0  }
0x66: {  	s5 =	simm.s32 @!p0 $0x7;
	[sflag:s18] =	ssyncadd.s32 $0xFFFFC000  }
0x67: {  	[hbm4b:s7+s2] =	stream.linear.scatter [tilespmem:s12], [sflag:$0x5], $0x4000, $0x38;
	[tilespmem:$0x13400] =	vst v63  }
0x68: {  	_ =	swait.ge @!p0 [sflag:s5], $0x4000  }
0x69: {  	[sflag:s5] =	ssyncset.done @!p0 $0x0  }
0x6a: {  	s16 =	sadd.s32 $0xFFFFFC80, s6;
	[sflag:s5] =	ssyncadd.s32 @!p0 $0xFFFFC000;
	s5 =	sshra.s32 s4, $0x2  }
0x6b: {  	v3 =	vmov s16;
	v4 =	vld [tilespmem:s5+$0x200]  }
0x6c: {  	v3 =	vshra.s32 v3, $0xF;
	v5 =	vld [tilespmem:s5+$0x210]  }
0x6d: {  	v3 =	vmul.u32 $0x30D40, v3;
	v6 =	vld [tilespmem:s5+$0x220]  }
0x6e: {  	v7 =	vld [tilespmem:s5+$0x230]  }
0x6f: {  	v3 =	vbroadcast v3, $0x0;
	v8 =	vld [tilespmem:s5+$0x240]  }
0x70: {  	v9 =	vld [tilespmem:s5+$0x250];
	v4 =	vshll.u32 v4, $0x1  }
0x71: {  	v10 =	vld [tilespmem:s5+$0x260];
	v5 =	vshll.u32 v5, $0x1;
	v4 =	vadd.s32 v3, v4  }
0x72: {  	v11 =	vld [tilespmem:s5+$0x270];
	v6 =	vshll.u32 v6, $0x1;
	v5 =	vadd.s32 v3, v5;
	v4 =	vor.u32 v1, v4  }
0x73: {  	v30 =	vshll.u32 v7, $0x1;
	v29 =	vadd.s32 v3, v6;
	v28 =	vor.u32 v1, v5;
	[tilespmem:s5+$0x200] =	vst v4  }
0x74: {  	v33 =	vshll.u32 v8, $0x1;
	v32 =	vadd.s32 v3, v30;
	v31 =	vor.u32 v1, v29;
	[tilespmem:s5+$0x210] =	vst v28  }
0x75: {  	v36 =	vshll.u32 v9, $0x1;
	v35 =	vadd.s32 v3, v33;
	v34 =	vor.u32 v1, v32;
	[tilespmem:s5+$0x220] =	vst v31  }
0x76: {  	v39 =	vshll.u32 v10, $0x1;
	v38 =	vadd.s32 v3, v36;
	v37 =	vor.u32 v1, v35;
	[tilespmem:s5+$0x230] =	vst v34  }
0x77: {  	v42 =	vshll.u32 v11, $0x1;
	v41 =	vadd.s32 v3, v39;
	v40 =	vor.u32 v1, v38;
	[tilespmem:s5+$0x240] =	vst v37  }
0x78: {  	v3 =	vadd.s32 v3, v42;
	v43 =	vor.u32 v1, v41;
	[tilespmem:s5+$0x250] =	vst v40  }
0x79: {  	v3 =	vor.u32 v1, v3;
	[tilespmem:s5+$0x260] =	vst v43  }
0x7a: {  	s16 =	sadd.s32 $0x200, s5;
	[tilespmem:s5+$0x270] =	vst v3  }
0x7b: {  	[tilespmem:s19], [sflag:$0x3] =	stream.indirect.gather [hbm4b:s3+s11], $0x40, s16, s11, $0xb8;
	[tilespmem:$0x13400] =	vst v63  }
0x7c: {  	s16 =	sadd.s32 $0xFFFFFD00, s6  }
0x7d: {  	v3 =	vmov s16;
	v44 =	vld [tilespmem:s5+$0x280]  }
0x7e: {  	v46 =	vld [tilespmem:s5+$0x290];
	v45 =	vshra.s32 v3, $0xF  }
0x7f: {  	v47 =	vld [tilespmem:s5+$0x2A0];
	v3 =	vshrl.u32 v3, $0xF;
	v5 =	vmul.u32 $0x30D40, v45  }
0x80: {  	v48 =	vld [tilespmem:s5+$0x2B0];
	v3 =	vmul.u32 $0x30D40, v3  }
0x81: {  	v49 =	vld [tilespmem:s5+$0x2C0];
	v5 =	vbroadcast v5, $0x0  }
0x82: {  	v50 =	vld [tilespmem:s5+$0x2D0];
	v3 =	vbroadcast v3, $0x0;
	v4 =	vshll.u32 v44, $0x1  }
0x83: {  	v52 =	vld [tilespmem:s5+$0x2E0];
	v51 =	vshll.u32 v46, $0x1;
	v4 =	vadd.s32 v5, v4  }
0x84: {  	v53 =	vld [tilespmem:s5+$0x2F0];
	v7 =	vshll.u32 v47, $0x1;
	v5 =	vadd.s32 v3, v51;
	v4 =	vor.u32 v1, v4  }
0x85: {  	v56 =	vshll.u32 v48, $0x1;
	v55 =	vadd.s32 v3, v7;
	v54 =	vor.u32 v1, v5;
	[tilespmem:s5+$0x280] =	vst v4  }
0x86: {  	v59 =	vshll.u32 v49, $0x1;
	v58 =	vadd.s32 v3, v56;
	v57 =	vor.u32 v1, v55;
	[tilespmem:s5+$0x290] =	vst v54  }
0x87: {  	v62 =	vshll.u32 v50, $0x1;
	v61 =	vadd.s32 v3, v59;
	v60 =	vor.u32 v1, v58;
	[tilespmem:s5+$0x2A0] =	vst v57  }
0x88: {  	v6 =	vshll.u32 v52, $0x1;
	v9 =	vadd.s32 v3, v62;
	v63 =	vor.u32 v1, v61;
	[tilespmem:s5+$0x2B0] =	vst v60  }
0x89: {  	v13 =	vshll.u32 v53, $0x1;
	v12 =	vadd.s32 v3, v6;
	v10 =	vor.u32 v1, v9;
	[tilespmem:s5+$0x2C0] =	vst v63  }
0x8a: {  	v3 =	vadd.s32 v3, v13;
	v14 =	vor.u32 v1, v12;
	[tilespmem:s5+$0x2D0] =	vst v10  }
0x8b: {  	v3 =	vor.u32 v1, v3;
	[tilespmem:s5+$0x2E0] =	vst v14  }
0x8c: {  	s16 =	sadd.s32 $0x280, s5;
	[tilespmem:s5+$0x2F0] =	vst v3  }
0x8d: {  	[tilespmem:s20], [sflag:$0x3] =	stream.indirect.gather [hbm4b:s3+s11], $0x40, s16, s11, $0xb8;
	[tilespmem:$0x13400] =	vst v63  }
0x8e: {  	_ =	swait.ge [sflag:s21], $0x4000  }
0x8f: {  	[sflag:s21] =	ssyncset.done $0x0  }
0x90: {  	s16 =	sadd.s32 $0xFFFFF000, s9;
	[sflag:s21] =	ssyncadd.s32 $0xFFFFC000  }
0x91: {  	[hbm4b:s16+s2] =	stream.linear.scatter [tilespmem:s15], [sflag:$0x6], $0x4000, $0x38;
	[tilespmem:$0x13400] =	vst v63  }
0x92: {  	s16 =	simm.s32 @!p0 $0x8  }
0x93: {  	_ =	swait.ge @!p0 [sflag:s16], $0x4000  }
0x94: {  	[sflag:s16] =	ssyncset.done @!p0 $0x0  }
0x95: {  	[sflag:s16] =	ssyncadd.s32 @!p0 $0xFFFFC000;
	s16 =	sadd.s32 $0xFFFFFD80, s6  }
0x96: {  	v3 =	vmov s16;
	v15 =	vld [tilespmem:s5+$0x300]  }
0x97: {  	v16 =	vld [tilespmem:s5+$0x310];
	v3 =	vshra.s32 v3, $0xF  }
0x98: {  	v17 =	vld [tilespmem:s5+$0x320];
	v3 =	vmul.u32 $0x30D40, v3  }
0x99: {  	v18 =	vld [tilespmem:s5+$0x330]  }
0x9a: {  	v19 =	vld [tilespmem:s5+$0x340];
	v3 =	vbroadcast v3, $0x0  }
0x9b: {  	v20 =	vld [tilespmem:s5+$0x350];
	v4 =	vshll.u32 v15, $0x1  }
0x9c: {  	v21 =	vld [tilespmem:s5+$0x360];
	v5 =	vshll.u32 v16, $0x1;
	v4 =	vadd.s32 v3, v4  }
0x9d: {  	v22 =	vld [tilespmem:s5+$0x370];
	v6 =	vshll.u32 v17, $0x1;
	v5 =	vadd.s32 v3, v5;
	v4 =	vor.u32 v1, v4  }
0x9e: {  	v25 =	vshll.u32 v18, $0x1;
	v24 =	vadd.s32 v3, v6;
	v23 =	vor.u32 v1, v5;
	[tilespmem:s5+$0x300] =	vst v4  }
0x9f: {  	v28 =	vshll.u32 v19, $0x1;
	v27 =	vadd.s32 v3, v25;
	v26 =	vor.u32 v1, v24;
	[tilespmem:s5+$0x310] =	vst v23  }
0xa0: {  	v31 =	vshll.u32 v20, $0x1;
	v30 =	vadd.s32 v3, v28;
	v29 =	vor.u32 v1, v27;
	[tilespmem:s5+$0x320] =	vst v26  }
0xa1: {  	v34 =	vshll.u32 v21, $0x1;
	v33 =	vadd.s32 v3, v31;
	v32 =	vor.u32 v1, v30;
	[tilespmem:s5+$0x330] =	vst v29  }
0xa2: {  	v37 =	vshll.u32 v22, $0x1;
	v36 =	vadd.s32 v3, v34;
	v35 =	vor.u32 v1, v33;
	[tilespmem:s5+$0x340] =	vst v32  }
0xa3: {  	v3 =	vadd.s32 v3, v37;
	v38 =	vor.u32 v1, v36;
	[tilespmem:s5+$0x350] =	vst v35  }
0xa4: {  	v3 =	vor.u32 v1, v3;
	[tilespmem:s5+$0x360] =	vst v38  }
0xa5: {  	s16 =	sadd.s32 $0x300, s5;
	[tilespmem:s5+$0x370] =	vst v3  }
0xa6: {  	[tilespmem:s22], [sflag:$0x4] =	stream.indirect.gather [hbm4b:s3+s11], $0x40, s16, s11, $0xb8;
	[tilespmem:$0x13400] =	vst v63  }
0xa7: {  	s16 =	sadd.s32 $0xFFFFFE00, s6  }
0xa8: {  	v3 =	vmov s16;
	v39 =	vld [tilespmem:s5+$0x380]  }
0xa9: {  	v41 =	vld [tilespmem:s5+$0x390];
	v40 =	vshra.s32 v3, $0xF  }
0xaa: {  	v42 =	vld [tilespmem:s5+$0x3A0];
	v3 =	vshrl.u32 v3, $0xF;
	v5 =	vmul.u32 $0x30D40, v40  }
0xab: {  	v43 =	vld [tilespmem:s5+$0x3B0];
	v3 =	vmul.u32 $0x30D40, v3  }
0xac: {  	v44 =	vld [tilespmem:s5+$0x3C0];
	v5 =	vbroadcast v5, $0x0  }
0xad: {  	v45 =	vld [tilespmem:s5+$0x3D0];
	v3 =	vbroadcast v3, $0x0;
	v4 =	vshll.u32 v39, $0x1  }
0xae: {  	v47 =	vld [tilespmem:s5+$0x3E0];
	v46 =	vshll.u32 v41, $0x1;
	v4 =	vadd.s32 v5, v4  }
0xaf: {  	v48 =	vld [tilespmem:s5+$0x3F0];
	v7 =	vshll.u32 v42, $0x1;
	v5 =	vadd.s32 v3, v46;
	v4 =	vor.u32 v1, v4  }
0xb0: {  	v51 =	vshll.u32 v43, $0x1;
	v50 =	vadd.s32 v3, v7;
	v49 =	vor.u32 v1, v5;
	[tilespmem:s5+$0x380] =	vst v4  }
0xb1: {  	v54 =	vshll.u32 v44, $0x1;
	v53 =	vadd.s32 v3, v51;
	v52 =	vor.u32 v1, v50;
	[tilespmem:s5+$0x390] =	vst v49  }
0xb2: {  	v57 =	vshll.u32 v45, $0x1;
	v56 =	vadd.s32 v3, v54;
	v55 =	vor.u32 v1, v53;
	[tilespmem:s5+$0x3A0] =	vst v52  }
0xb3: {  	v6 =	vshll.u32 v47, $0x1;
	v59 =	vadd.s32 v3, v57;
	v58 =	vor.u32 v1, v56;
	[tilespmem:s5+$0x3B0] =	vst v55  }
0xb4: {  	v62 =	vshll.u32 v48, $0x1;
	v61 =	vadd.s32 v3, v6;
	v60 =	vor.u32 v1, v59;
	[tilespmem:s5+$0x3C0] =	vst v58  }
0xb5: {  	v3 =	vadd.s32 v3, v62;
	v63 =	vor.u32 v1, v61;
	[tilespmem:s5+$0x3D0] =	vst v60  }
0xb6: {  	v3 =	vor.u32 v1, v3;
	[tilespmem:s5+$0x3E0] =	vst v63  }
0xb7: {  	s16 =	sadd.s32 $0x380, s5;
	[tilespmem:s5+$0x3F0] =	vst v3  }
0xb8: {  	[tilespmem:s23], [sflag:$0x4] =	stream.indirect.gather [hbm4b:s3+s11], $0x40, s16, s11, $0xb8;
	[tilespmem:$0x13400] =	vst v63  }
0xb9: {  	_ =	swait.ge [sflag:s24], $0x4000  }
0xba: {  	p0 =	seq.s32 s4, $0xC000;
	[sflag:s24] =	ssyncset.done $0x0  }
.Ltmp2:
0xbb: {  	[sflag:s24] =	ssyncadd.s32 $0xFFFFC000;
	(pc) =	sbr.rel @p0 .LBB2_4-.Ltmp2, $4  }
0xbc: {  	[hbm4b:s8+s2] =	stream.linear.scatter [tilespmem:s19], [sflag:$0x7], $0x4000, $0x38;
	[tilespmem:$0x13400] =	vst v63  }
0xbd: {  	_ =	swait.ge [sflag:s25], $0x4000  }
0xbe: {  	[sflag:s25] =	ssyncset.done $0x0  }
0xbf: {  	[sflag:s25] =	ssyncadd.s32 $0xFFFFC000  }
0xc0: {  	s16 =	sadd.s32 $0xFFFFFE80, s6  }
0xc1: {  	v4 =	vld [tilespmem:s5+$0x400];
	v3 =	vmov s16  }
0xc2: {  	v5 =	vld [tilespmem:s5+$0x410];
	v3 =	vshra.s32 v3, $0xF  }
0xc3: {  	v6 =	vld [tilespmem:s5+$0x420];
	v3 =	vmul.u32 $0x30D40, v3  }
0xc4: {  	v7 =	vld [tilespmem:s5+$0x430]  }
0xc5: {  	v8 =	vld [tilespmem:s5+$0x440];
	v3 =	vbroadcast v3, $0x0  }
0xc6: {  	v9 =	vld [tilespmem:s5+$0x450];
	v4 =	vshll.u32 v4, $0x1  }
0xc7: {  	v10 =	vld [tilespmem:s5+$0x460];
	v5 =	vshll.u32 v5, $0x1;
	v4 =	vadd.s32 v3, v4  }
0xc8: {  	v11 =	vld [tilespmem:s5+$0x470];
	v6 =	vshll.u32 v6, $0x1;
	v5 =	vadd.s32 v3, v5;
	v4 =	vor.u32 v1, v4  }
0xc9: {  	v32 =	vshll.u32 v7, $0x1;
	v31 =	vadd.s32 v3, v6;
	v30 =	vor.u32 v1, v5;
	[tilespmem:s5+$0x400] =	vst v4  }
0xca: {  	v35 =	vshll.u32 v8, $0x1;
	v34 =	vadd.s32 v3, v32;
	v33 =	vor.u32 v1, v31;
	[tilespmem:s5+$0x410] =	vst v30  }
0xcb: {  	v38 =	vshll.u32 v9, $0x1;
	v37 =	vadd.s32 v3, v35;
	v36 =	vor.u32 v1, v34;
	[tilespmem:s5+$0x420] =	vst v33  }
0xcc: {  	v41 =	vshll.u32 v10, $0x1;
	v40 =	vadd.s32 v3, v38;
	v39 =	vor.u32 v1, v37;
	[tilespmem:s5+$0x430] =	vst v36  }
0xcd: {  	v44 =	vshll.u32 v11, $0x1;
	v43 =	vadd.s32 v3, v41;
	v42 =	vor.u32 v1, v40;
	[tilespmem:s5+$0x440] =	vst v39  }
0xce: {  	v3 =	vadd.s32 v3, v44;
	v45 =	vor.u32 v1, v43;
	[tilespmem:s5+$0x450] =	vst v42  }
0xcf: {  	v3 =	vor.u32 v1, v3;
	[tilespmem:s5+$0x460] =	vst v45  }
0xd0: {  	s16 =	sadd.s32 $0x400, s5;
	[tilespmem:s5+$0x470] =	vst v3  }
0xd1: {  	[tilespmem:s12], [sflag:$0x1] =	stream.indirect.gather [hbm4b:s3+s11], $0x40, s16, s11, $0xb8;
	[tilespmem:$0x13400] =	vst v63  }
0xd2: {  	s16 =	sadd.s32 $0xFFFFFF00, s6  }
0xd3: {  	v3 =	vld [tilespmem:s5+$0x480];
	v46 =	vmov s16  }
0xd4: {  	v48 =	vld [tilespmem:s5+$0x490];
	v47 =	vshra.s32 v46, $0xF  }
0xd5: {  	v49 =	vld [tilespmem:s5+$0x4A0];
	v5 =	vmul.u32 $0x30D40, v47  }
0xd6: {  	v50 =	vld [tilespmem:s5+$0x4B0]  }
0xd7: {  	v51 =	vld [tilespmem:s5+$0x4C0];
	v4 =	vshrl.u32 v46, $0xF;
	v5 =	vbroadcast v5, $0x0  }
0xd8: {  	v52 =	vld [tilespmem:s5+$0x4D0];
	v53 =	vor.u32 s16, v0;
	v4 =	vmul.u32 $0x30D40, v4;
	v3 =	vshll.u32 v3, $0x1  }
0xd9: {  	v54 =	vld [tilespmem:s5+$0x4E0];
	v10 =	vand.u32 $0x1, v53;
	v6 =	vshll.u32 v48, $0x1;
	v3 =	vadd.s32 v5, v3  }
0xda: {  	v12 =	vld [tilespmem:s5+$0x4F0];
	v7 =	vshll.u32 v49, $0x1;
	v6 =	vadd.s32 v4, v6;
	v3 =	vor.u32 v1, v3  }
0xdb: {  	v56 =	vshll.u32 v50, $0x1;
	v55 =	vadd.s32 v4, v7;
	[tilespmem:s5+$0x480] =	vst v3;
	v3 =	vor.u32 v10, v6  }
0xdc: {  	v58 =	vshll.u32 v51, $0x1;
	v57 =	vadd.s32 v4, v56;
	[tilespmem:s5+$0x490] =	vst v3;
	v3 =	vor.u32 v10, v55  }
0xdd: {  	v59 =	vadd.s32 v4, v58;
	v5 =	vshll.u32 v52, $0x1;
	[tilespmem:s5+$0x4A0] =	vst v3;
	v3 =	vor.u32 v10, v57  }
0xde: {  	v60 =	vshll.u32 v54, $0x1;
	v5 =	vadd.s32 v4, v5;
	[tilespmem:s5+$0x4B0] =	vst v3;
	v3 =	vor.u32 v10, v59  }
0xdf: {  	v62 =	vshll.u32 v12, $0x1;
	v61 =	vadd.s32 v4, v60;
	[tilespmem:s5+$0x4C0] =	vst v3;
	v3 =	vor.u32 v10, v5  }
0xe0: {  	v63 =	vor.u32 v10, v61;
	[tilespmem:s5+$0x4D0] =	vst v3;
	v3 =	vadd.s32 v4, v62  }
0xe1: {  	[tilespmem:s5+$0x4E0] =	vst v63;
	v3 =	vor.u32 v10, v3  }
0xe2: {  	s16 =	sadd.s32 $0x480, s5;
	[tilespmem:s5+$0x4F0] =	vst v3  }
0xe3: {  	[tilespmem:s13], [sflag:$0x1] =	stream.indirect.gather [hbm4b:s3+s11], $0x40, s16, s11, $0xb8;
	[tilespmem:$0x13400] =	vst v63  }
.LBB2_4:
0xe4: {  	_ =	swait.ge [sflag:s26], $0x4000  }
0xe5: {  	[sflag:s26] =	ssyncset.done $0x0  }
.Ltmp3:
0xe6: {  	[sflag:s26] =	ssyncadd.s32 $0xFFFFC000;
	(pc) =	sbr.rel @p0 .LBB2_6-.Ltmp3, $4  }
0xe7: {  	[hbm4b:s9+s2] =	stream.linear.scatter [tilespmem:s22], [sflag:$0x8], $0x4000, $0x38;
	[tilespmem:$0x13400] =	vst v63  }
0xe8: {  	_ =	swait.ge [sflag:s28], $0x4000  }
0xe9: {  	[sflag:s28] =	ssyncset.done $0x0  }
0xea: {  	[sflag:s28] =	ssyncadd.s32 $0xFFFFC000  }
0xeb: {  	s16 =	sadd.s32 $0xFFFFFF80, s6  }
0xec: {  	v4 =	vld [tilespmem:s5+$0x500];
	v3 =	vmov s16  }
0xed: {  	v5 =	vld [tilespmem:s5+$0x510];
	v3 =	vshra.s32 v3, $0xF  }
0xee: {  	v6 =	vld [tilespmem:s5+$0x520];
	v3 =	vmul.u32 $0x30D40, v3  }
0xef: {  	v7 =	vld [tilespmem:s5+$0x530]  }
0xf0: {  	v8 =	vld [tilespmem:s5+$0x540];
	v3 =	vbroadcast v3, $0x0  }
0xf1: {  	v9 =	vld [tilespmem:s5+$0x550];
	v4 =	vshll.u32 v4, $0x1  }
0xf2: {  	v10 =	vld [tilespmem:s5+$0x560];
	v5 =	vshll.u32 v5, $0x1;
	v4 =	vadd.s32 v3, v4  }
0xf3: {  	v11 =	vld [tilespmem:s5+$0x570];
	v6 =	vshll.u32 v6, $0x1;
	v5 =	vadd.s32 v3, v5;
	v4 =	vor.u32 v1, v4  }
0xf4: {  	v32 =	vshll.u32 v7, $0x1;
	v31 =	vadd.s32 v3, v6;
	v30 =	vor.u32 v1, v5;
	[tilespmem:s5+$0x500] =	vst v4  }
0xf5: {  	v35 =	vshll.u32 v8, $0x1;
	v34 =	vadd.s32 v3, v32;
	v33 =	vor.u32 v1, v31;
	[tilespmem:s5+$0x510] =	vst v30  }
0xf6: {  	v38 =	vshll.u32 v9, $0x1;
	v37 =	vadd.s32 v3, v35;
	v36 =	vor.u32 v1, v34;
	[tilespmem:s5+$0x520] =	vst v33  }
0xf7: {  	v41 =	vshll.u32 v10, $0x1;
	v40 =	vadd.s32 v3, v38;
	v39 =	vor.u32 v1, v37;
	[tilespmem:s5+$0x530] =	vst v36  }
0xf8: {  	v44 =	vshll.u32 v11, $0x1;
	v43 =	vadd.s32 v3, v41;
	v42 =	vor.u32 v1, v40;
	[tilespmem:s5+$0x540] =	vst v39  }
0xf9: {  	v3 =	vadd.s32 v3, v44;
	v45 =	vor.u32 v1, v43;
	[tilespmem:s5+$0x550] =	vst v42  }
0xfa: {  	v3 =	vor.u32 v1, v3;
	[tilespmem:s5+$0x560] =	vst v45  }
0xfb: {  	s16 =	sadd.s32 $0x500, s5;
	[tilespmem:s5+$0x570] =	vst v3  }
0xfc: {  	[tilespmem:s15], [sflag:$0x2] =	stream.indirect.gather [hbm4b:s3+s11], $0x40, s16, s11, $0xb8;
	[tilespmem:$0x13400] =	vst v63  }
0xfd: {  	v46 =	vmov s6;
	v3 =	vld [tilespmem:s5+$0x580]  }
0xfe: {  	v47 =	vshra.s32 v46, $0xF;
	v48 =	vld [tilespmem:s5+$0x590]  }
0xff: {  	v5 =	vmul.u32 $0x30D40, v47;
	v49 =	vld [tilespmem:s5+$0x5A0]  }
0x100: {  	v50 =	vld [tilespmem:s5+$0x5B0]  }
0x101: {  	v4 =	vshrl.u32 v46, $0xF;
	v5 =	vbroadcast v5, $0x0;
	v51 =	vld [tilespmem:s5+$0x5C0]  }
0x102: {  	v53 =	vor.u32 s6, v0;
	v4 =	vmul.u32 $0x30D40, v4;
	v52 =	vld [tilespmem:s5+$0x5D0];
	v3 =	vshll.u32 v3, $0x1  }
0x103: {  	v10 =	vand.u32 $0x1, v53;
	v54 =	vld [tilespmem:s5+$0x5E0];
	v6 =	vshll.u32 v48, $0x1;
	v3 =	vadd.s32 v5, v3  }
0x104: {  	v12 =	vld [tilespmem:s5+$0x5F0];
	v7 =	vshll.u32 v49, $0x1;
	v6 =	vadd.s32 v4, v6;
	v3 =	vor.u32 v1, v3  }
0x105: {  	v56 =	vshll.u32 v50, $0x1;
	v55 =	vadd.s32 v4, v7;
	[tilespmem:s5+$0x580] =	vst v3;
	v3 =	vor.u32 v10, v6  }
0x106: {  	v58 =	vshll.u32 v51, $0x1;
	v57 =	vadd.s32 v4, v56;
	[tilespmem:s5+$0x590] =	vst v3;
	v3 =	vor.u32 v10, v55  }
0x107: {  	v59 =	vadd.s32 v4, v58;
	v5 =	vshll.u32 v52, $0x1;
	[tilespmem:s5+$0x5A0] =	vst v3;
	v3 =	vor.u32 v10, v57  }
0x108: {  	v60 =	vshll.u32 v54, $0x1;
	v5 =	vadd.s32 v4, v5;
	[tilespmem:s5+$0x5B0] =	vst v3;
	v3 =	vor.u32 v10, v59  }
.Ltmp4:
0x109: {  	v62 =	vshll.u32 v12, $0x1;
	v61 =	vadd.s32 v4, v60;
	[tilespmem:s5+$0x5C0] =	vst v3;
	v3 =	vor.u32 v10, v5;
	(pc) =	sbr.rel .LBB2_2-.Ltmp4, $4  }
0x10a: {  	v63 =	vor.u32 v10, v61;
	[tilespmem:s5+$0x5D0] =	vst v3;
	v3 =	vadd.s32 v4, v62  }
0x10b: {  	s4 =	sadd.s32 $0x1000, s4;
	s6 =	sadd.s32 $0x400, s6;
	s7 =	sadd.s32 $0x2000, s7;
	[tilespmem:s5+$0x5E0] =	vst v63;
	v3 =	vor.u32 v10, v3  }
0x10c: {  	s8 =	sadd.s32 $0x2000, s8;
	s9 =	sadd.s32 $0x2000, s9;
	s16 =	sadd.s32 $0x580, s5;
	[tilespmem:s5+$0x5F0] =	vst v3  }
0x10d: {  	[tilespmem:s17], [sflag:$0x2] =	stream.indirect.gather [hbm4b:s3+s11], $0x40, s16, s11, $0xb8;
	[tilespmem:$0x13400] =	vst v63  }
.LBB2_7:
0x10e: {  	_ =	sfence.sel $0x180000  }
0x10f: {  	[bflag:$0x0] =	sbarrier.arrive $0xFFFF  }
0x110: {  	_ =	strace $0x90000047  }
0x111: {  	s0 =	stileid.u32;
	[bflag:$0x2] =	sbarrier.arrive $0xFFFF  }
0x112: {  	p0 =	sne.s32 s0, $0x0;
	s0 =	rddreg [dreg:$0x1]  }
0x113: {  	s0 =	sadd.s32 @!p0 $0x100000, s0  }
0x114: {  	[sflag:s0] =	ssyncadd.tile.s32 @!p0 $0x1;
	_ =	shalt  }
.Lfunc_end2:
_tile_overlayer_lowered:
.L_overlay_start_2:
0x115: {  	(tag) =	ssettag $0x2  }
0x116: {  	s0 =	rddreg [dreg:$0x0];
	s2 =	stileid.u32  }
0x117: {  	s1 =	rddreg [dreg:$0x1];
	p0 =	sne.s32 s2, $0x0  }
0x118: {  	s3 =	rddreg [dreg:$0x2];
	[bflag:$0x3] =	sbarrier.arrive $0xFFFF;
	s2 =	simm.s32 @!p0 $0x1C09  }
0x119: {  	[timem:s3], [sflag:s2] =	dma.local @!p0 [hbm:s0], s1  }
0x11a: {  	s0 =	simm.s32 @!p0 $0x9  }
0x11b: {  	_ =	swait.ge @!p0 [sflag:s0], s1  }
0x11c: {  	s1 =	ssub.s32 @!p0 $0x0, s1;
	[sflag:s0] =	ssyncset.done @!p0 $0x0  }
0x11d: {  	[sflag:s0] =	ssyncadd.s32 @!p0 s1  }
0x11e: {  	[bflag:$0x3] =	sbarrier.arrive $0xFFFF  }
0x11f: {  	_ =	shalt  }

</sc_bundles>
